<compile_context>
chip_gen: v7x
topology: tpu7x:2x2x1
jax: 0.10.2.dev20260603
libtpu: 0.0.44.dev20260713+nightly
codegen_flags: <defaults>
</compile_context>

<pallas_src>
import functools

import jax
import jax.numpy as jnp
from jax import lax
from jax.experimental import pallas as pl
from jax.experimental.pallas import tpu as pltpu
from jax.experimental.pallas import tpu_sc as plsc

N = 10000
E = 320000
IN_DIM = 128
H = 8
D = 16
ALPHA = 0.2

NC = 2
NS = 16
L = 16
NW = NC * NS

TW = IN_DIM + L
NPAD = 10240
PADROW = N

B = 112
NB = 90
IR = 6
EPT = NB * B
EPAD = EPT * NW

RPS = NPAD // NS
RPT = NPAD // NW
CB = 64


def _splat(vec, lane):
    idx = jnp.full((L, 1), lane, dtype=jnp.int32)
    return lax.gather(
        vec, idx,
        lax.GatherDimensionNumbers(
            offset_dims=(), collapsed_slice_dims=(0,), start_index_map=(0,)),
        (1,),
        mode=lax.GatherScatterMode.PROMISE_IN_BOUNDS)


def _project(xpad, c1, c2):
    BN = 1024

    def body(x_ref, c1_ref, c2_ref, t1_ref, t2_ref):
        xb = x_ref[...]
        t1_ref[...] = jnp.dot(xb, c1_ref[...], preferred_element_type=jnp.float32)
        t2_ref[...] = jnp.dot(xb, c2_ref[...], preferred_element_type=jnp.float32)

    return pl.pallas_call(
        body,
        grid=(NPAD // BN,),
        in_specs=[
            pl.BlockSpec((BN, IN_DIM), lambda i: (i, 0)),
            pl.BlockSpec((IN_DIM, TW), lambda i: (0, 0)),
            pl.BlockSpec((IN_DIM, L), lambda i: (0, 0)),
        ],
        out_specs=[
            pl.BlockSpec((BN, TW), lambda i: (i, 0)),
            pl.BlockSpec((BN, L), lambda i: (i, 0)),
        ],
        out_shape=[
            jax.ShapeDtypeStruct((NPAD, TW), jnp.float32),
            jax.ShapeDtypeStruct((NPAD, L), jnp.float32),
        ],
    )(xpad, c1, c2)


def _edge_mesh():
    return plsc.VectorSubcoreMesh(
        core_axis_name="c", subcore_axis_name="s", num_cores=NC, num_subcores=NS)


@functools.partial(
    pl.kernel,
    out_type=jax.ShapeDtypeStruct((NC, NPAD, TW), jnp.float32),
    mesh=_edge_mesh(),
    compiler_params=pltpu.CompilerParams(use_tc_tiling_on_sc=False),
    scratch_types=[
        pltpu.VMEM((IR, B), jnp.int32),
        pltpu.VMEM((IR, B), jnp.int32),
        pltpu.VMEM((2, B, TW), jnp.float32),
        pltpu.VMEM((2, B, L), jnp.float32),
        pltpu.VMEM_SHARED((NPAD, TW), jnp.float32),
        pltpu.SemaphoreType.DMA,
        pltpu.SemaphoreType.DMA,
        pltpu.SemaphoreType.DMA,
        pltpu.SemaphoreType.DMA,
        pltpu.SemaphoreType.DMA,
        pltpu.SemaphoreType.DMA,
    ],
)
def _edge_kernel(t1_hbm, t2_hbm, src_hbm, dst_hbm, zeros_hbm, out_hbm,
                 srcv, dstv, g1, g2, acc, s1a, s1b, s2a, s2b, s3a, s3b):
    cid = lax.axis_index("c")
    sid = lax.axis_index("s")
    wid = cid * NS + sid
    sem1 = [s1a, s1b]
    sem2 = [s2a, s2b]
    sem3 = [s3a, s3b]

    pltpu.sync_copy(zeros_hbm, acc.at[pl.ds(sid * RPS, RPS)])
    plsc.subcore_barrier()

    def outer(jo, carry):
        pltpu.sync_copy(src_hbm.at[wid, pl.ds(jo * IR, IR)], srcv)
        pltpu.sync_copy(dst_hbm.at[wid, pl.ds(jo * IR, IR)], dstv)

        h1 = [pltpu.async_copy(t1_hbm.at[srcv.at[0]], g1.at[0], sem1[0]), None]
        h2 = [pltpu.async_copy(t2_hbm.at[dstv.at[0]], g2.at[0], sem2[0]), None]
        h3 = [None, None]
        for b in range(IR):
            p = b % 2
            q = 1 - p
            if b + 1 < IR:
                if h3[q] is not None:
                    h3[q].wait()
                h1[q] = pltpu.async_copy(t1_hbm.at[srcv.at[b + 1]], g1.at[q], sem1[q])
                h2[q] = pltpu.async_copy(t2_hbm.at[dstv.at[b + 1]], g2.at[q], sem2[q])
            h1[p].wait()
            h2[p].wait()

            def edge(e):
                s = g1[p, e, pl.ds(IN_DIM, L)] + g2[p, e, :]
                av = jnp.minimum(jnp.exp(jnp.maximum(s, s * ALPHA)), 10.0)
                for h in range(H):
                    g1[p, e, pl.ds(h * D, D)] = g1[p, e, pl.ds(h * D, D)] * _splat(av, h)
                g1[p, e, pl.ds(IN_DIM, L)] = av

            plsc.parallel_loop(0, B, unroll=4)(edge)
            h3[p] = pltpu.async_copy(g1.at[p], acc.at[dstv.at[b]], sem3[p], add=True)
        h3[0].wait()
        h3[1].wait()
        return carry

    lax.fori_loop(0, NB // IR, outer, 0)

    plsc.subcore_barrier()
    pltpu.sync_copy(acc.at[pl.ds(sid * RPS, RPS)],
                    out_hbm.at[cid, pl.ds(sid * RPS, RPS)])


@functools.partial(
    pl.kernel,
    out_type=jax.ShapeDtypeStruct((NPAD, IN_DIM), jnp.float32),
    mesh=_edge_mesh(),
    compiler_params=pltpu.CompilerParams(use_tc_tiling_on_sc=False),
    scratch_types=[
        pltpu.VMEM((CB, TW), jnp.float32),
        pltpu.VMEM((CB, TW), jnp.float32),
        pltpu.VMEM((CB, IN_DIM), jnp.float32),
    ],
)
def _finalize_kernel(part_hbm, out_hbm, p0, p1, o):
    cid = lax.axis_index("c")
    sid = lax.axis_index("s")
    wid = cid * NS + sid
    base = wid * RPT

    def chunk(k, carry):
        row0 = base + k * CB
        pltpu.sync_copy(part_hbm.at[0, pl.ds(row0, CB)], p0)
        pltpu.sync_copy(part_hbm.at[1, pl.ds(row0, CB)], p1)

        def row(r):
            z = p0[r, pl.ds(IN_DIM, L)] + p1[r, pl.ds(IN_DIM, L)]
            for h in range(H):
                agg = p0[r, pl.ds(h * D, D)] + p1[r, pl.ds(h * D, D)]
                o[r, pl.ds(h * D, D)] = agg / _splat(z, h)

        plsc.parallel_loop(0, CB, unroll=4)(row)
        pltpu.sync_copy(o, out_hbm.at[pl.ds(row0, CB)])
        return carry

    lax.fori_loop(0, RPT // CB, chunk, 0)


def kernel(inputs, edge_index, W, attn_l, attn_r):
    al = attn_l.reshape(H, D)
    ar = attn_r.reshape(H, D)
    sel = jnp.eye(H, L, dtype=jnp.float32)
    Al = (al[:, :, None] * sel[:, None, :]).reshape(H * D, L)
    Ar = (ar[:, :, None] * sel[:, None, :]).reshape(H * D, L)
    WT = W.T
    c1 = jnp.concatenate([WT, WT @ Al], axis=1)
    c2 = WT @ Ar

    xpad = jnp.pad(inputs, ((0, NPAD - N), (0, 0)))
    t1, t2 = _project(xpad, c1, c2)

    ei = jnp.pad(edge_index, ((0, 0), (0, EPAD - E)), constant_values=PADROW)
    src = ei[0].reshape(NW, NB, B)
    dst = ei[1].reshape(NW, NB, B)
    zeros = jnp.zeros((RPS, TW), jnp.float32)

    partials = _edge_kernel(t1, t2, src, dst, zeros)
    out = _finalize_kernel(partials)
    return out[:N].reshape(N, H, D)

# --- scband reference (transcript-rebuilt; emitter-appended) ---
"""Pipeline reference for scband-graph-attention-23527830847950 (READ-ONLY COPY).

The authoritative reference and input builder live on the scoring server;
editing this copy changes nothing except your own understanding.
"""

import jax, jax.numpy as jnp
import numpy as np

N = 10000
E = 320000
IN_DIM = 128
H = 8
D = 16
ALPHA = 0.2


def setup_inputs(seed: int = 0) -> dict:
    key = jax.random.key(seed)
    k1, k2, k3, k4, k5 = jax.random.split(key, 5)
    x = jax.random.normal(k1, (N, IN_DIM), dtype=jnp.float32)
    edge_index = jax.random.randint(k2, (2, E), 0, N).astype(jnp.int32)
    # Learned parameters (xavier-like scale)
    W = jax.random.normal(k3, (H * D, IN_DIM), dtype=jnp.float32) * (1.414 * (2.0 / (IN_DIM + H * D)) ** 0.5)
    attn_l = jax.random.normal(k4, (H, D, 1), dtype=jnp.float32) * (1.414 * (2.0 / (D + 1)) ** 0.5)
    attn_r = jax.random.normal(k5, (H, D, 1), dtype=jnp.float32) * (1.414 * (2.0 / (D + 1)) ** 0.5)
    return {"inputs": x, "edge_index": edge_index, "W": W, "attn_l": attn_l, "attn_r": attn_r}


def reference(inputs, edge_index, W, attn_l, attn_r):
    n = inputs.shape[0]
    h = inputs  # feat_drop=0 -> no dropout
    # fc: h @ W.T -> (N, H*D) -> (N, H, D)
    ft = (h @ W.T).reshape(n, H, D)
    head_ft = jnp.transpose(ft, (1, 0, 2))  # (H, N, D)
    # bmm with attn vectors -> per-node scalar per head
    a1 = jnp.transpose(jnp.einsum('hnd,hdo->hno', head_ft, attn_l), (1, 0, 2))  # (N, H, 1)
    a2 = jnp.transpose(jnp.einsum('hnd,hdo->hno', head_ft, attn_r), (1, 0, 2))  # (N, H, 1)
    src = edge_index[0]
    dst = edge_index[1]
    # edge attention: leaky_relu(a1[src] + a2[dst]); exp; clamp(-10, 10)
    e = jax.nn.leaky_relu(a1[src] + a2[dst], negative_slope=ALPHA)  # (E, H, 1)
    a = jnp.clip(jnp.exp(e), -10.0, 10.0)
    # message passing: src ft scaled by edge attention, summed at dst; plus sum of a for normalization
    msg = ft[src] * a  # (E, H, D)
    ft_agg = jax.ops.segment_sum(msg, dst, num_segments=n)  # (N, H, D)
    z = jax.ops.segment_sum(a, dst, num_segments=n)  # (N, H, 1)
    ret = ft_agg / z
    return ret

if __name__ == "__main__":
    import jax
    _d = setup_inputs()
    print(jax.jit(kernel)(*tuple(_d.values())))

</pallas_src>

<mosaic_0001>
#map = affine_map<(d0, d1) -> (0, 0)>
#map1 = affine_map<(d0, d1) -> (0, 0, 0)>
module attributes {stable_mosaic.version = 14 : i64} {
  func.func @_edge_kernel(%arg0: i32, %arg1: i32, %arg2: memref<10240x144xf32, #tpu.memory_space<hbm>>, %arg3: memref<10240x16xf32, #tpu.memory_space<hbm>>, %arg4: memref<32x90x112xi32, #tpu.memory_space<hbm>>, %arg5: memref<32x90x112xi32, #tpu.memory_space<hbm>>, %arg6: memref<640x144xf32, #tpu.memory_space<hbm>>, %arg7: memref<2x10240x144xf32, #tpu.memory_space<hbm>>, %arg8: memref<6x112xi32, #tpu.memory_space<vmem>>, %arg9: memref<6x112xi32, #tpu.memory_space<vmem>>, %arg10: memref<2x112x144xf32, #tpu.memory_space<vmem>>, %arg11: memref<2x112x16xf32, #tpu.memory_space<vmem>>, %arg12: memref<10240x144xf32, #tpu.memory_space<vmem_shared>>, %arg13: memref<!tpu.dma_semaphore, #tpu.memory_space<semaphore_mem>>, %arg14: memref<!tpu.dma_semaphore, #tpu.memory_space<semaphore_mem>>, %arg15: memref<!tpu.dma_semaphore, #tpu.memory_space<semaphore_mem>>, %arg16: memref<!tpu.dma_semaphore, #tpu.memory_space<semaphore_mem>>, %arg17: memref<!tpu.dma_semaphore, #tpu.memory_space<semaphore_mem>>, %arg18: memref<!tpu.dma_semaphore, #tpu.memory_space<semaphore_mem>>) attributes {dimension_semantics = [#tpu.dimension_semantics<core_parallel>, #tpu.dimension_semantics<subcore_parallel>], iteration_bounds = array<i64: 2, 16>, scalar_prefetch = 0 : i64, scratch_operands = 11 : i64, tpu.core_type = #tpu.core_type<sc_vector_subcore>, window_params = [{transform_indices = #map}, {transform_indices = #map}, {transform_indices = #map1}, {transform_indices = #map1}, {transform_indices = #map}, {transform_indices = #map1}]} {
    %mul3A = arith.constant 16 : i32
    %mul3A_0 = arith.muli %arg0, %mul3A : i32
    %add3A = arith.addi %mul3A_0, %arg1 : i32
    %mul3A_1 = arith.constant 640 : i32
    %mul3A_2 = arith.muli %arg1, %mul3A_1 : i32
    "tpu.region"() ({
      %run_scoped3A = tpu.sem_alloc : memref<!tpu.dma_semaphore, #tpu.memory_space<semaphore_mem>>
      %dma_start3A = arith.constant 0 : i32
      %dma_start3A_13 = tpu.memref_slice %arg12[%mul3A_2, %dma_start3A] : memref<10240x144xf32, #tpu.memory_space<vmem_shared>> -> memref<640x144xf32, #tpu.memory_space<vmem_shared>>
      tpu.enqueue_dma source(%arg6 : memref<640x144xf32, #tpu.memory_space<hbm>>) target(%dma_start3A_13 : memref<640x144xf32, #tpu.memory_space<vmem_shared>>) target_semaphore(%run_scoped3A : memref<!tpu.dma_semaphore, #tpu.memory_space<semaphore_mem>>)
      %dma_wait3A = arith.constant 0 : i32
      %dma_wait3A_14 = tpu.memref_slice %arg12[%mul3A_2, %dma_wait3A] : memref<10240x144xf32, #tpu.memory_space<vmem_shared>> -> memref<640x144xf32, #tpu.memory_space<vmem_shared>>
      tpu.wait_dma2 semaphore(%run_scoped3A : memref<!tpu.dma_semaphore, #tpu.memory_space<semaphore_mem>>) src(%arg6 : memref<640x144xf32, #tpu.memory_space<hbm>>) dst(%dma_wait3A_14 : memref<640x144xf32, #tpu.memory_space<vmem_shared>>)
      tpu.yield
    }) : () -> ()
    %barrier3A = arith.constant 0 : index
    tpu.barrier barrier_id(%barrier3A)
    %scan3A = arith.constant 0 : i32
    %scan3A_3 = arith.constant 0 : i32
    %scan3A_4 = arith.constant 15 : i32
    %scan3A_5 = arith.addi %scan3A_3, %scan3A_4 : i32
    %scan3A_6 = arith.constant 1 : i32
    scf.for %scan3A_13 = %scan3A_3 to %scan3A_5 step %scan3A_6  : i32 {
      %mul3A_14 = arith.constant 6 : i32
      %mul3A_15 = arith.muli %scan3A_13, %mul3A_14 : i32
      "tpu.region"() ({
        %run_scoped3A = tpu.sem_alloc : memref<!tpu.dma_semaphore, #tpu.memory_space<semaphore_mem>>
        %dma_start3A_465 = arith.constant 0 : i32
        %dma_start3A_466 = tpu.memref_slice %arg4[%add3A, %mul3A_15, %dma_start3A_465] : memref<32x90x112xi32, #tpu.memory_space<hbm>> -> memref<1x6x112xi32, #tpu.memory_space<hbm>>
        %dma_start3A_467 = tpu.memref_squeeze %dma_start3A_466 : memref<1x6x112xi32, #tpu.memory_space<hbm>> -> memref<6x112xi32, #tpu.memory_space<hbm>>
        %dma_start3A_468 = arith.constant 0 : i32
        %dma_start3A_469 = tpu.memref_slice %arg4[%add3A, %mul3A_15, %dma_start3A_468] : memref<32x90x112xi32, #tpu.memory_space<hbm>> -> memref<1x6x112xi32, #tpu.memory_space<hbm>>
        %dma_start3A_470 = tpu.memref_squeeze %dma_start3A_469 : memref<1x6x112xi32, #tpu.memory_space<hbm>> -> memref<6x112xi32, #tpu.memory_space<hbm>>
        tpu.enqueue_dma source(%dma_start3A_470 : memref<6x112xi32, #tpu.memory_space<hbm>>) target(%arg8 : memref<6x112xi32, #tpu.memory_space<vmem>>) target_semaphore(%run_scoped3A : memref<!tpu.dma_semaphore, #tpu.memory_space<semaphore_mem>>)
        %dma_wait3A_471 = arith.constant 0 : i32
        %dma_wait3A_472 = tpu.memref_slice %arg4[%add3A, %mul3A_15, %dma_wait3A_471] : memref<32x90x112xi32, #tpu.memory_space<hbm>> -> memref<1x6x112xi32, #tpu.memory_space<hbm>>
        %dma_wait3A_473 = tpu.memref_squeeze %dma_wait3A_472 : memref<1x6x112xi32, #tpu.memory_space<hbm>> -> memref<6x112xi32, #tpu.memory_space<hbm>>
        %dma_wait3A_474 = arith.constant 0 : i32
        %dma_wait3A_475 = tpu.memref_slice %arg4[%add3A, %mul3A_15, %dma_wait3A_474] : memref<32x90x112xi32, #tpu.memory_space<hbm>> -> memref<1x6x112xi32, #tpu.memory_space<hbm>>
        %dma_wait3A_476 = tpu.memref_squeeze %dma_wait3A_475 : memref<1x6x112xi32, #tpu.memory_space<hbm>> -> memref<6x112xi32, #tpu.memory_space<hbm>>
        tpu.wait_dma2 semaphore(%run_scoped3A : memref<!tpu.dma_semaphore, #tpu.memory_space<semaphore_mem>>) src(%dma_wait3A_476 : memref<6x112xi32, #tpu.memory_space<hbm>>) dst(%arg8 : memref<6x112xi32, #tpu.memory_space<vmem>>)
        tpu.yield
      }) : () -> ()
      %mul3A_16 = arith.constant 6 : i32
      %mul3A_17 = arith.muli %scan3A_13, %mul3A_16 : i32
      "tpu.region"() ({
        %run_scoped3A = tpu.sem_alloc : memref<!tpu.dma_semaphore, #tpu.memory_space<semaphore_mem>>
        %dma_start3A_465 = arith.constant 0 : i32
        %dma_start3A_466 = tpu.memref_slice %arg5[%add3A, %mul3A_17, %dma_start3A_465] : memref<32x90x112xi32, #tpu.memory_space<hbm>> -> memref<1x6x112xi32, #tpu.memory_space<hbm>>
        %dma_start3A_467 = tpu.memref_squeeze %dma_start3A_466 : memref<1x6x112xi32, #tpu.memory_space<hbm>> -> memref<6x112xi32, #tpu.memory_space<hbm>>
        %dma_start3A_468 = arith.constant 0 : i32
        %dma_start3A_469 = tpu.memref_slice %arg5[%add3A, %mul3A_17, %dma_start3A_468] : memref<32x90x112xi32, #tpu.memory_space<hbm>> -> memref<1x6x112xi32, #tpu.memory_space<hbm>>
        %dma_start3A_470 = tpu.memref_squeeze %dma_start3A_469 : memref<1x6x112xi32, #tpu.memory_space<hbm>> -> memref<6x112xi32, #tpu.memory_space<hbm>>
        tpu.enqueue_dma source(%dma_start3A_470 : memref<6x112xi32, #tpu.memory_space<hbm>>) target(%arg9 : memref<6x112xi32, #tpu.memory_space<vmem>>) target_semaphore(%run_scoped3A : memref<!tpu.dma_semaphore, #tpu.memory_space<semaphore_mem>>)
        %dma_wait3A_471 = arith.constant 0 : i32
        %dma_wait3A_472 = tpu.memref_slice %arg5[%add3A, %mul3A_17, %dma_wait3A_471] : memref<32x90x112xi32, #tpu.memory_space<hbm>> -> memref<1x6x112xi32, #tpu.memory_space<hbm>>
        %dma_wait3A_473 = tpu.memref_squeeze %dma_wait3A_472 : memref<1x6x112xi32, #tpu.memory_space<hbm>> -> memref<6x112xi32, #tpu.memory_space<hbm>>
        %dma_wait3A_474 = arith.constant 0 : i32
        %dma_wait3A_475 = tpu.memref_slice %arg5[%add3A, %mul3A_17, %dma_wait3A_474] : memref<32x90x112xi32, #tpu.memory_space<hbm>> -> memref<1x6x112xi32, #tpu.memory_space<hbm>>
        %dma_wait3A_476 = tpu.memref_squeeze %dma_wait3A_475 : memref<1x6x112xi32, #tpu.memory_space<hbm>> -> memref<6x112xi32, #tpu.memory_space<hbm>>
        tpu.wait_dma2 semaphore(%run_scoped3A : memref<!tpu.dma_semaphore, #tpu.memory_space<semaphore_mem>>) src(%dma_wait3A_476 : memref<6x112xi32, #tpu.memory_space<hbm>>) dst(%arg9 : memref<6x112xi32, #tpu.memory_space<vmem>>)
        tpu.yield
      }) : () -> ()
      %dma_start3A = arith.constant 0 : i32
      %dma_start3A_18 = arith.constant 0 : i32
      %dma_start3A_19 = arith.constant 0 : i32
      %dma_start3A_20 = arith.constant 0 : i32
      %dma_start3A_21 = tpu.memref_slice %arg10[%dma_start3A_18, %dma_start3A_19, %dma_start3A_20] : memref<2x112x144xf32, #tpu.memory_space<vmem>> -> memref<1x112x144xf32, #tpu.memory_space<vmem>>
      %dma_start3A_22 = tpu.memref_squeeze %dma_start3A_21 : memref<1x112x144xf32, #tpu.memory_space<vmem>> -> memref<112x144xf32, #tpu.memory_space<vmem>>
      %dma_start3A_23 = arith.constant 0 : i32
      %dma_start3A_24 = tpu.memref_slice %arg8[%dma_start3A, %dma_start3A_23] : memref<6x112xi32, #tpu.memory_space<vmem>> -> memref<1x112xi32, #tpu.memory_space<vmem>>
      %dma_start3A_25 = tpu.memref_squeeze %dma_start3A_24 : memref<1x112xi32, #tpu.memory_space<vmem>> -> memref<112xi32, #tpu.memory_space<vmem>>
      %dma_start3A_26 = arith.constant 0 : i32
      %dma_start3A_27 = arith.constant 0 : i32
      %dma_start3A_28 = tpu.memref_slice %arg2[%dma_start3A_26, %dma_start3A_27] : memref<10240x144xf32, #tpu.memory_space<hbm>> -> memref<10240x144xf32, #tpu.memory_space<hbm>>
      tpu.enqueue_indirect_dma source(%dma_start3A_28 : memref<10240x144xf32, #tpu.memory_space<hbm>>) target(%dma_start3A_22 : memref<112x144xf32, #tpu.memory_space<vmem>>) offsets(%dma_start3A_25 : memref<112xi32, #tpu.memory_space<vmem>>) semaphore(%arg13 : memref<!tpu.dma_semaphore, #tpu.memory_space<semaphore_mem>>)
      %dma_start3A_29 = arith.constant 0 : i32
      %dma_start3A_30 = arith.constant 0 : i32
      %dma_start3A_31 = arith.constant 0 : i32
      %dma_start3A_32 = arith.constant 0 : i32
      %dma_start3A_33 = tpu.memref_slice %arg11[%dma_start3A_30, %dma_start3A_31, %dma_start3A_32] : memref<2x112x16xf32, #tpu.memory_space<vmem>> -> memref<1x112x16xf32, #tpu.memory_space<vmem>>
      %dma_start3A_34 = tpu.memref_squeeze %dma_start3A_33 : memref<1x112x16xf32, #tpu.memory_space<vmem>> -> memref<112x16xf32, #tpu.memory_space<vmem>>
      %dma_start3A_35 = arith.constant 0 : i32
      %dma_start3A_36 = tpu.memref_slice %arg9[%dma_start3A_29, %dma_start3A_35] : memref<6x112xi32, #tpu.memory_space<vmem>> -> memref<1x112xi32, #tpu.memory_space<vmem>>
      %dma_start3A_37 = tpu.memref_squeeze %dma_start3A_36 : memref<1x112xi32, #tpu.memory_space<vmem>> -> memref<112xi32, #tpu.memory_space<vmem>>
      %dma_start3A_38 = arith.constant 0 : i32
      %dma_start3A_39 = arith.constant 0 : i32
      %dma_start3A_40 = tpu.memref_slice %arg3[%dma_start3A_38, %dma_start3A_39] : memref<10240x16xf32, #tpu.memory_space<hbm>> -> memref<10240x16xf32, #tpu.memory_space<hbm>>
      tpu.enqueue_indirect_dma source(%dma_start3A_40 : memref<10240x16xf32, #tpu.memory_space<hbm>>) target(%dma_start3A_34 : memref<112x16xf32, #tpu.memory_space<vmem>>) offsets(%dma_start3A_37 : memref<112xi32, #tpu.memory_space<vmem>>) semaphore(%arg15 : memref<!tpu.dma_semaphore, #tpu.memory_space<semaphore_mem>>)
      %dma_start3A_41 = arith.constant 1 : i32
      %dma_start3A_42 = arith.constant 1 : i32
      %dma_start3A_43 = arith.constant 0 : i32
      %dma_start3A_44 = arith.constant 0 : i32
      %dma_start3A_45 = tpu.memref_slice %arg10[%dma_start3A_42, %dma_start3A_43, %dma_start3A_44] : memref<2x112x144xf32, #tpu.memory_space<vmem>> -> memref<1x112x144xf32, #tpu.memory_space<vmem>>
      %dma_start3A_46 = tpu.memref_squeeze %dma_start3A_45 : memref<1x112x144xf32, #tpu.memory_space<vmem>> -> memref<112x144xf32, #tpu.memory_space<vmem>>
      %dma_start3A_47 = arith.constant 0 : i32
      %dma_start3A_48 = tpu.memref_slice %arg8[%dma_start3A_41, %dma_start3A_47] : memref<6x112xi32, #tpu.memory_space<vmem>> -> memref<1x112xi32, #tpu.memory_space<vmem>>
      %dma_start3A_49 = tpu.memref_squeeze %dma_start3A_48 : memref<1x112xi32, #tpu.memory_space<vmem>> -> memref<112xi32, #tpu.memory_space<vmem>>
      %dma_start3A_50 = arith.constant 0 : i32
      %dma_start3A_51 = arith.constant 0 : i32
      %dma_start3A_52 = tpu.memref_slice %arg2[%dma_start3A_50, %dma_start3A_51] : memref<10240x144xf32, #tpu.memory_space<hbm>> -> memref<10240x144xf32, #tpu.memory_space<hbm>>
      tpu.enqueue_indirect_dma source(%dma_start3A_52 : memref<10240x144xf32, #tpu.memory_space<hbm>>) target(%dma_start3A_46 : memref<112x144xf32, #tpu.memory_space<vmem>>) offsets(%dma_start3A_49 : memref<112xi32, #tpu.memory_space<vmem>>) semaphore(%arg14 : memref<!tpu.dma_semaphore, #tpu.memory_space<semaphore_mem>>)
      %dma_start3A_53 = arith.constant 1 : i32
      %dma_start3A_54 = arith.constant 1 : i32
      %dma_start3A_55 = arith.constant 0 : i32
      %dma_start3A_56 = arith.constant 0 : i32
      %dma_start3A_57 = tpu.memref_slice %arg11[%dma_start3A_54, %dma_start3A_55, %dma_start3A_56] : memref<2x112x16xf32, #tpu.memory_space<vmem>> -> memref<1x112x16xf32, #tpu.memory_space<vmem>>
      %dma_start3A_58 = tpu.memref_squeeze %dma_start3A_57 : memref<1x112x16xf32, #tpu.memory_space<vmem>> -> memref<112x16xf32, #tpu.memory_space<vmem>>
      %dma_start3A_59 = arith.constant 0 : i32
      %dma_start3A_60 = tpu.memref_slice %arg9[%dma_start3A_53, %dma_start3A_59] : memref<6x112xi32, #tpu.memory_space<vmem>> -> memref<1x112xi32, #tpu.memory_space<vmem>>
      %dma_start3A_61 = tpu.memref_squeeze %dma_start3A_60 : memref<1x112xi32, #tpu.memory_space<vmem>> -> memref<112xi32, #tpu.memory_space<vmem>>
      %dma_start3A_62 = arith.constant 0 : i32
      %dma_start3A_63 = arith.constant 0 : i32
      %dma_start3A_64 = tpu.memref_slice %arg3[%dma_start3A_62, %dma_start3A_63] : memref<10240x16xf32, #tpu.memory_space<hbm>> -> memref<10240x16xf32, #tpu.memory_space<hbm>>
      tpu.enqueue_indirect_dma source(%dma_start3A_64 : memref<10240x16xf32, #tpu.memory_space<hbm>>) target(%dma_start3A_58 : memref<112x16xf32, #tpu.memory_space<vmem>>) offsets(%dma_start3A_61 : memref<112xi32, #tpu.memory_space<vmem>>) semaphore(%arg16 : memref<!tpu.dma_semaphore, #tpu.memory_space<semaphore_mem>>)
      %dma_wait3A = arith.constant 0 : i32
      %dma_wait3A_65 = arith.constant 0 : i32
      %dma_wait3A_66 = arith.constant 0 : i32
      %dma_wait3A_67 = arith.constant 0 : i32
      %dma_wait3A_68 = tpu.memref_slice %arg10[%dma_wait3A_65, %dma_wait3A_66, %dma_wait3A_67] : memref<2x112x144xf32, #tpu.memory_space<vmem>> -> memref<1x112x144xf32, #tpu.memory_space<vmem>>
      %dma_wait3A_69 = tpu.memref_squeeze %dma_wait3A_68 : memref<1x112x144xf32, #tpu.memory_space<vmem>> -> memref<112x144xf32, #tpu.memory_space<vmem>>
      %dma_wait3A_70 = arith.constant 0 : i32
      %dma_wait3A_71 = tpu.memref_slice %arg8[%dma_wait3A, %dma_wait3A_70] : memref<6x112xi32, #tpu.memory_space<vmem>> -> memref<1x112xi32, #tpu.memory_space<vmem>>
      %dma_wait3A_72 = tpu.memref_squeeze %dma_wait3A_71 : memref<1x112xi32, #tpu.memory_space<vmem>> -> memref<112xi32, #tpu.memory_space<vmem>>
      %dma_wait3A_73 = arith.constant 0 : i32
      %dma_wait3A_74 = arith.constant 0 : i32
      %dma_wait3A_75 = tpu.memref_slice %arg2[%dma_wait3A_73, %dma_wait3A_74] : memref<10240x144xf32, #tpu.memory_space<hbm>> -> memref<10240x144xf32, #tpu.memory_space<hbm>>
      tpu.wait_indirect_dma semaphore(%arg13 : memref<!tpu.dma_semaphore, #tpu.memory_space<semaphore_mem>>) src(%dma_wait3A_75 : memref<10240x144xf32, #tpu.memory_space<hbm>>) dst(%dma_wait3A_69 : memref<112x144xf32, #tpu.memory_space<vmem>>)
      %dma_wait3A_76 = arith.constant 0 : i32
      %dma_wait3A_77 = arith.constant 0 : i32
      %dma_wait3A_78 = arith.constant 0 : i32
      %dma_wait3A_79 = arith.constant 0 : i32
      %dma_wait3A_80 = tpu.memref_slice %arg11[%dma_wait3A_77, %dma_wait3A_78, %dma_wait3A_79] : memref<2x112x16xf32, #tpu.memory_space<vmem>> -> memref<1x112x16xf32, #tpu.memory_space<vmem>>
      %dma_wait3A_81 = tpu.memref_squeeze %dma_wait3A_80 : memref<1x112x16xf32, #tpu.memory_space<vmem>> -> memref<112x16xf32, #tpu.memory_space<vmem>>
      %dma_wait3A_82 = arith.constant 0 : i32
      %dma_wait3A_83 = tpu.memref_slice %arg9[%dma_wait3A_76, %dma_wait3A_82] : memref<6x112xi32, #tpu.memory_space<vmem>> -> memref<1x112xi32, #tpu.memory_space<vmem>>
      %dma_wait3A_84 = tpu.memref_squeeze %dma_wait3A_83 : memref<1x112xi32, #tpu.memory_space<vmem>> -> memref<112xi32, #tpu.memory_space<vmem>>
      %dma_wait3A_85 = arith.constant 0 : i32
      %dma_wait3A_86 = arith.constant 0 : i32
      %dma_wait3A_87 = tpu.memref_slice %arg3[%dma_wait3A_85, %dma_wait3A_86] : memref<10240x16xf32, #tpu.memory_space<hbm>> -> memref<10240x16xf32, #tpu.memory_space<hbm>>
      tpu.wait_indirect_dma semaphore(%arg15 : memref<!tpu.dma_semaphore, #tpu.memory_space<semaphore_mem>>) src(%dma_wait3A_87 : memref<10240x16xf32, #tpu.memory_space<hbm>>) dst(%dma_wait3A_81 : memref<112x16xf32, #tpu.memory_space<vmem>>)
      %parallel_loop3A = arith.constant 0 : i32
      %parallel_loop3A_88 = arith.constant 112 : i32
      %parallel_loop3A_89 = arith.constant 1 : i32
      scf.for %parallel_loop3A_465 = %parallel_loop3A to %parallel_loop3A_88 step %parallel_loop3A_89  : i32 {
        %parallel_loop3A_466 = arith.constant 0 : i32
        %parallel_loop3A_467 = arith.index_cast %parallel_loop3A_466 : i32 to index
        %parallel_loop3A_468 = arith.index_cast %parallel_loop3A_465 : i32 to index
        %parallel_loop3A_469 = arith.constant 128 : index
        %parallel_loop3A_470 = tpu.vector_load %arg10[%parallel_loop3A_467, %parallel_loop3A_468, %parallel_loop3A_469] {strides = array<i32>} : memref<2x112x144xf32, #tpu.memory_space<vmem>>, vector<1x1x16xf32>,
        %parallel_loop3A_471 = vector.shape_cast %parallel_loop3A_470 : vector<1x1x16xf32> to vector<16xf32>
        %parallel_loop3A_472 = arith.constant 0 : i32
        %parallel_loop3A_473 = arith.index_cast %parallel_loop3A_472 : i32 to index
        %parallel_loop3A_474 = arith.index_cast %parallel_loop3A_465 : i32 to index
        %parallel_loop3A_475 = arith.constant 0 : index
        %parallel_loop3A_476 = tpu.vector_load %arg11[%parallel_loop3A_473, %parallel_loop3A_474, %parallel_loop3A_475] {strides = array<i32>} : memref<2x112x16xf32, #tpu.memory_space<vmem>>, vector<1x1x16xf32>,
        %parallel_loop3A_477 = vector.shape_cast %parallel_loop3A_476 : vector<1x1x16xf32> to vector<16xf32>
        %parallel_loop3A_478 = arith.addf %parallel_loop3A_471, %parallel_loop3A_477 : vector<16xf32>
        %parallel_loop3A_479 = arith.constant 2.000000e-01 : f32
        %parallel_loop3A_480 = vector.broadcast %parallel_loop3A_479 : f32 to vector<16xf32>
        %parallel_loop3A_481 = arith.mulf %parallel_loop3A_478, %parallel_loop3A_480 : vector<16xf32>
        %parallel_loop3A_482 = arith.maximumf %parallel_loop3A_478, %parallel_loop3A_481 : vector<16xf32>
        %parallel_loop3A_483 = math.exp %parallel_loop3A_482 : vector<16xf32>
        %parallel_loop3A_484 = arith.constant 1.000000e+01 : f32
        %parallel_loop3A_485 = vector.broadcast %parallel_loop3A_484 : f32 to vector<16xf32>
        %parallel_loop3A_486 = arith.minimumf %parallel_loop3A_483, %parallel_loop3A_485 : vector<16xf32>
        %parallel_loop3A_487 = arith.constant 0 : i32
        %parallel_loop3A_488 = arith.index_cast %parallel_loop3A_487 : i32 to index
        %parallel_loop3A_489 = arith.index_cast %parallel_loop3A_465 : i32 to index
        %parallel_loop3A_490 = arith.constant 0 : index
        %parallel_loop3A_491 = tpu.vector_load %arg10[%parallel_loop3A_488, %parallel_loop3A_489, %parallel_loop3A_490] {strides = array<i32>} : memref<2x112x144xf32, #tpu.memory_space<vmem>>, vector<1x1x16xf32>,
        %parallel_loop3A_492 = vector.shape_cast %parallel_loop3A_491 : vector<1x1x16xf32> to vector<16xf32>
        %parallel_loop3A_493 = arith.constant 0 : i32
        %parallel_loop3A_494 = vector.broadcast %parallel_loop3A_493 : i32 to vector<16x1xi32>
        %parallel_loop3A_495 = vector.shape_cast %parallel_loop3A_494 : vector<16x1xi32> to vector<16xi32>
        %parallel_loop3A_496 = tpu.dynamic_gather %parallel_loop3A_486[%parallel_loop3A_495] in [0] : vector<16xf32>, vector<16xi32> -> vector<16xf32>
        %parallel_loop3A_497 = arith.mulf %parallel_loop3A_492, %parallel_loop3A_496 : vector<16xf32>
        %parallel_loop3A_498 = arith.constant 0 : i32
        %parallel_loop3A_499 = arith.index_cast %parallel_loop3A_498 : i32 to index
        %parallel_loop3A_500 = arith.index_cast %parallel_loop3A_465 : i32 to index
        %parallel_loop3A_501 = arith.constant 0 : index
        %parallel_loop3A_502 = tpu.vector_load %arg10[%parallel_loop3A_499, %parallel_loop3A_500, %parallel_loop3A_501] {strides = array<i32>} : memref<2x112x144xf32, #tpu.memory_space<vmem>>, vector<1x1x16xf32>,
        %parallel_loop3A_503 = vector.shape_cast %parallel_loop3A_502 : vector<1x1x16xf32> to vector<16xf32>
        %parallel_loop3A_504 = vector.shape_cast %parallel_loop3A_497 : vector<16xf32> to vector<1x1x16xf32>
        tpu.vector_store %arg10[%parallel_loop3A_499, %parallel_loop3A_500, %parallel_loop3A_501], %parallel_loop3A_504 {strides = array<i32>} : memref<2x112x144xf32, #tpu.memory_space<vmem>>, vector<1x1x16xf32>,
        %parallel_loop3A_505 = arith.constant 0 : i32
        %parallel_loop3A_506 = arith.index_cast %parallel_loop3A_505 : i32 to index
        %parallel_loop3A_507 = arith.index_cast %parallel_loop3A_465 : i32 to index
        %parallel_loop3A_508 = arith.constant 16 : index
        %parallel_loop3A_509 = tpu.vector_load %arg10[%parallel_loop3A_506, %parallel_loop3A_507, %parallel_loop3A_508] {strides = array<i32>} : memref<2x112x144xf32, #tpu.memory_space<vmem>>, vector<1x1x16xf32>,
        %parallel_loop3A_510 = vector.shape_cast %parallel_loop3A_509 : vector<1x1x16xf32> to vector<16xf32>
        %parallel_loop3A_511 = arith.constant 1 : i32
        %parallel_loop3A_512 = vector.broadcast %parallel_loop3A_511 : i32 to vector<16x1xi32>
        %parallel_loop3A_513 = vector.shape_cast %parallel_loop3A_512 : vector<16x1xi32> to vector<16xi32>
        %parallel_loop3A_514 = tpu.dynamic_gather %parallel_loop3A_486[%parallel_loop3A_513] in [0] : vector<16xf32>, vector<16xi32> -> vector<16xf32>
        %parallel_loop3A_515 = arith.mulf %parallel_loop3A_510, %parallel_loop3A_514 : vector<16xf32>
        %parallel_loop3A_516 = arith.constant 0 : i32
        %parallel_loop3A_517 = arith.index_cast %parallel_loop3A_516 : i32 to index
        %parallel_loop3A_518 = arith.index_cast %parallel_loop3A_465 : i32 to index
        %parallel_loop3A_519 = arith.constant 16 : index
        %parallel_loop3A_520 = tpu.vector_load %arg10[%parallel_loop3A_517, %parallel_loop3A_518, %parallel_loop3A_519] {strides = array<i32>} : memref<2x112x144xf32, #tpu.memory_space<vmem>>, vector<1x1x16xf32>,
        %parallel_loop3A_521 = vector.shape_cast %parallel_loop3A_520 : vector<1x1x16xf32> to vector<16xf32>
        %parallel_loop3A_522 = vector.shape_cast %parallel_loop3A_515 : vector<16xf32> to vector<1x1x16xf32>
        tpu.vector_store %arg10[%parallel_loop3A_517, %parallel_loop3A_518, %parallel_loop3A_519], %parallel_loop3A_522 {strides = array<i32>} : memref<2x112x144xf32, #tpu.memory_space<vmem>>, vector<1x1x16xf32>,
        %parallel_loop3A_523 = arith.constant 0 : i32
        %parallel_loop3A_524 = arith.index_cast %parallel_loop3A_523 : i32 to index
        %parallel_loop3A_525 = arith.index_cast %parallel_loop3A_465 : i32 to index
        %parallel_loop3A_526 = arith.constant 32 : index
        %parallel_loop3A_527 = tpu.vector_load %arg10[%parallel_loop3A_524, %parallel_loop3A_525, %parallel_loop3A_526] {strides = array<i32>} : memref<2x112x144xf32, #tpu.memory_space<vmem>>, vector<1x1x16xf32>,
        %parallel_loop3A_528 = vector.shape_cast %parallel_loop3A_527 : vector<1x1x16xf32> to vector<16xf32>
        %parallel_loop3A_529 = arith.constant 2 : i32
        %parallel_loop3A_530 = vector.broadcast %parallel_loop3A_529 : i32 to vector<16x1xi32>
        %parallel_loop3A_531 = vector.shape_cast %parallel_loop3A_530 : vector<16x1xi32> to vector<16xi32>
        %parallel_loop3A_532 = tpu.dynamic_gather %parallel_loop3A_486[%parallel_loop3A_531] in [0] : vector<16xf32>, vector<16xi32> -> vector<16xf32>
        %parallel_loop3A_533 = arith.mulf %parallel_loop3A_528, %parallel_loop3A_532 : vector<16xf32>
        %parallel_loop3A_534 = arith.constant 0 : i32
        %parallel_loop3A_535 = arith.index_cast %parallel_loop3A_534 : i32 to index
        %parallel_loop3A_536 = arith.index_cast %parallel_loop3A_465 : i32 to index
        %parallel_loop3A_537 = arith.constant 32 : index
        %parallel_loop3A_538 = tpu.vector_load %arg10[%parallel_loop3A_535, %parallel_loop3A_536, %parallel_loop3A_537] {strides = array<i32>} : memref<2x112x144xf32, #tpu.memory_space<vmem>>, vector<1x1x16xf32>,
        %parallel_loop3A_539 = vector.shape_cast %parallel_loop3A_538 : vector<1x1x16xf32> to vector<16xf32>
        %parallel_loop3A_540 = vector.shape_cast %parallel_loop3A_533 : vector<16xf32> to vector<1x1x16xf32>
        tpu.vector_store %arg10[%parallel_loop3A_535, %parallel_loop3A_536, %parallel_loop3A_537], %parallel_loop3A_540 {strides = array<i32>} : memref<2x112x144xf32, #tpu.memory_space<vmem>>, vector<1x1x16xf32>,
        %parallel_loop3A_541 = arith.constant 0 : i32
        %parallel_loop3A_542 = arith.index_cast %parallel_loop3A_541 : i32 to index
        %parallel_loop3A_543 = arith.index_cast %parallel_loop3A_465 : i32 to index
        %parallel_loop3A_544 = arith.constant 48 : index
        %parallel_loop3A_545 = tpu.vector_load %arg10[%parallel_loop3A_542, %parallel_loop3A_543, %parallel_loop3A_544] {strides = array<i32>} : memref<2x112x144xf32, #tpu.memory_space<vmem>>, vector<1x1x16xf32>,
        %parallel_loop3A_546 = vector.shape_cast %parallel_loop3A_545 : vector<1x1x16xf32> to vector<16xf32>
        %parallel_loop3A_547 = arith.constant 3 : i32
        %parallel_loop3A_548 = vector.broadcast %parallel_loop3A_547 : i32 to vector<16x1xi32>
        %parallel_loop3A_549 = vector.shape_cast %parallel_loop3A_548 : vector<16x1xi32> to vector<16xi32>
        %parallel_loop3A_550 = tpu.dynamic_gather %parallel_loop3A_486[%parallel_loop3A_549] in [0] : vector<16xf32>, vector<16xi32> -> vector<16xf32>
        %parallel_loop3A_551 = arith.mulf %parallel_loop3A_546, %parallel_loop3A_550 : vector<16xf32>
        %parallel_loop3A_552 = arith.constant 0 : i32
        %parallel_loop3A_553 = arith.index_cast %parallel_loop3A_552 : i32 to index
        %parallel_loop3A_554 = arith.index_cast %parallel_loop3A_465 : i32 to index
        %parallel_loop3A_555 = arith.constant 48 : index
        %parallel_loop3A_556 = tpu.vector_load %arg10[%parallel_loop3A_553, %parallel_loop3A_554, %parallel_loop3A_555] {strides = array<i32>} : memref<2x112x144xf32, #tpu.memory_space<vmem>>, vector<1x1x16xf32>,
        %parallel_loop3A_557 = vector.shape_cast %parallel_loop3A_556 : vector<1x1x16xf32> to vector<16xf32>
        %parallel_loop3A_558 = vector.shape_cast %parallel_loop3A_551 : vector<16xf32> to vector<1x1x16xf32>
        tpu.vector_store %arg10[%parallel_loop3A_553, %parallel_loop3A_554, %parallel_loop3A_555], %parallel_loop3A_558 {strides = array<i32>} : memref<2x112x144xf32, #tpu.memory_space<vmem>>, vector<1x1x16xf32>,
        %parallel_loop3A_559 = arith.constant 0 : i32
        %parallel_loop3A_560 = arith.index_cast %parallel_loop3A_559 : i32 to index
        %parallel_loop3A_561 = arith.index_cast %parallel_loop3A_465 : i32 to index
        %parallel_loop3A_562 = arith.constant 64 : index
        %parallel_loop3A_563 = tpu.vector_load %arg10[%parallel_loop3A_560, %parallel_loop3A_561, %parallel_loop3A_562] {strides = array<i32>} : memref<2x112x144xf32, #tpu.memory_space<vmem>>, vector<1x1x16xf32>,
        %parallel_loop3A_564 = vector.shape_cast %parallel_loop3A_563 : vector<1x1x16xf32> to vector<16xf32>
        %parallel_loop3A_565 = arith.constant 4 : i32
        %parallel_loop3A_566 = vector.broadcast %parallel_loop3A_565 : i32 to vector<16x1xi32>
        %parallel_loop3A_567 = vector.shape_cast %parallel_loop3A_566 : vector<16x1xi32> to vector<16xi32>
        %parallel_loop3A_568 = tpu.dynamic_gather %parallel_loop3A_486[%parallel_loop3A_567] in [0] : vector<16xf32>, vector<16xi32> -> vector<16xf32>
        %parallel_loop3A_569 = arith.mulf %parallel_loop3A_564, %parallel_loop3A_568 : vector<16xf32>
        %parallel_loop3A_570 = arith.constant 0 : i32
        %parallel_loop3A_571 = arith.index_cast %parallel_loop3A_570 : i32 to index
        %parallel_loop3A_572 = arith.index_cast %parallel_loop3A_465 : i32 to index
        %parallel_loop3A_573 = arith.constant 64 : index
        %parallel_loop3A_574 = tpu.vector_load %arg10[%parallel_loop3A_571, %parallel_loop3A_572, %parallel_loop3A_573] {strides = array<i32>} : memref<2x112x144xf32, #tpu.memory_space<vmem>>, vector<1x1x16xf32>,
        %parallel_loop3A_575 = vector.shape_cast %parallel_loop3A_574 : vector<1x1x16xf32> to vector<16xf32>
        %parallel_loop3A_576 = vector.shape_cast %parallel_loop3A_569 : vector<16xf32> to vector<1x1x16xf32>
        tpu.vector_store %arg10[%parallel_loop3A_571, %parallel_loop3A_572, %parallel_loop3A_573], %parallel_loop3A_576 {strides = array<i32>} : memref<2x112x144xf32, #tpu.memory_space<vmem>>, vector<1x1x16xf32>,
        %parallel_loop3A_577 = arith.constant 0 : i32
        %parallel_loop3A_578 = arith.index_cast %parallel_loop3A_577 : i32 to index
        %parallel_loop3A_579 = arith.index_cast %parallel_loop3A_465 : i32 to index
        %parallel_loop3A_580 = arith.constant 80 : index
        %parallel_loop3A_581 = tpu.vector_load %arg10[%parallel_loop3A_578, %parallel_loop3A_579, %parallel_loop3A_580] {strides = array<i32>} : memref<2x112x144xf32, #tpu.memory_space<vmem>>, vector<1x1x16xf32>,
        %parallel_loop3A_582 = vector.shape_cast %parallel_loop3A_581 : vector<1x1x16xf32> to vector<16xf32>
        %parallel_loop3A_583 = arith.constant 5 : i32
        %parallel_loop3A_584 = vector.broadcast %parallel_loop3A_583 : i32 to vector<16x1xi32>
        %parallel_loop3A_585 = vector.shape_cast %parallel_loop3A_584 : vector<16x1xi32> to vector<16xi32>
        %parallel_loop3A_586 = tpu.dynamic_gather %parallel_loop3A_486[%parallel_loop3A_585] in [0] : vector<16xf32>, vector<16xi32> -> vector<16xf32>
        %parallel_loop3A_587 = arith.mulf %parallel_loop3A_582, %parallel_loop3A_586 : vector<16xf32>
        %parallel_loop3A_588 = arith.constant 0 : i32
        %parallel_loop3A_589 = arith.index_cast %parallel_loop3A_588 : i32 to index
        %parallel_loop3A_590 = arith.index_cast %parallel_loop3A_465 : i32 to index
        %parallel_loop3A_591 = arith.constant 80 : index
        %parallel_loop3A_592 = tpu.vector_load %arg10[%parallel_loop3A_589, %parallel_loop3A_590, %parallel_loop3A_591] {strides = array<i32>} : memref<2x112x144xf32, #tpu.memory_space<vmem>>, vector<1x1x16xf32>,
        %parallel_loop3A_593 = vector.shape_cast %parallel_loop3A_592 : vector<1x1x16xf32> to vector<16xf32>
        %parallel_loop3A_594 = vector.shape_cast %parallel_loop3A_587 : vector<16xf32> to vector<1x1x16xf32>
        tpu.vector_store %arg10[%parallel_loop3A_589, %parallel_loop3A_590, %parallel_loop3A_591], %parallel_loop3A_594 {strides = array<i32>} : memref<2x112x144xf32, #tpu.memory_space<vmem>>, vector<1x1x16xf32>,
        %parallel_loop3A_595 = arith.constant 0 : i32
        %parallel_loop3A_596 = arith.index_cast %parallel_loop3A_595 : i32 to index
        %parallel_loop3A_597 = arith.index_cast %parallel_loop3A_465 : i32 to index
        %parallel_loop3A_598 = arith.constant 96 : index
        %parallel_loop3A_599 = tpu.vector_load %arg10[%parallel_loop3A_596, %parallel_loop3A_597, %parallel_loop3A_598] {strides = array<i32>} : memref<2x112x144xf32, #tpu.memory_space<vmem>>, vector<1x1x16xf32>,
        %parallel_loop3A_600 = vector.shape_cast %parallel_loop3A_599 : vector<1x1x16xf32> to vector<16xf32>
        %parallel_loop3A_601 = arith.constant 6 : i32
        %parallel_loop3A_602 = vector.broadcast %parallel_loop3A_601 : i32 to vector<16x1xi32>
        %parallel_loop3A_603 = vector.shape_cast %parallel_loop3A_602 : vector<16x1xi32> to vector<16xi32>
        %parallel_loop3A_604 = tpu.dynamic_gather %parallel_loop3A_486[%parallel_loop3A_603] in [0] : vector<16xf32>, vector<16xi32> -> vector<16xf32>
        %parallel_loop3A_605 = arith.mulf %parallel_loop3A_600, %parallel_loop3A_604 : vector<16xf32>
        %parallel_loop3A_606 = arith.constant 0 : i32
        %parallel_loop3A_607 = arith.index_cast %parallel_loop3A_606 : i32 to index
        %parallel_loop3A_608 = arith.index_cast %parallel_loop3A_465 : i32 to index
        %parallel_loop3A_609 = arith.constant 96 : index
        %parallel_loop3A_610 = tpu.vector_load %arg10[%parallel_loop3A_607, %parallel_loop3A_608, %parallel_loop3A_609] {strides = array<i32>} : memref<2x112x144xf32, #tpu.memory_space<vmem>>, vector<1x1x16xf32>,
        %parallel_loop3A_611 = vector.shape_cast %parallel_loop3A_610 : vector<1x1x16xf32> to vector<16xf32>
        %parallel_loop3A_612 = vector.shape_cast %parallel_loop3A_605 : vector<16xf32> to vector<1x1x16xf32>
        tpu.vector_store %arg10[%parallel_loop3A_607, %parallel_loop3A_608, %parallel_loop3A_609], %parallel_loop3A_612 {strides = array<i32>} : memref<2x112x144xf32, #tpu.memory_space<vmem>>, vector<1x1x16xf32>,
        %parallel_loop3A_613 = arith.constant 0 : i32
        %parallel_loop3A_614 = arith.index_cast %parallel_loop3A_613 : i32 to index
        %parallel_loop3A_615 = arith.index_cast %parallel_loop3A_465 : i32 to index
        %parallel_loop3A_616 = arith.constant 112 : index
        %parallel_loop3A_617 = tpu.vector_load %arg10[%parallel_loop3A_614, %parallel_loop3A_615, %parallel_loop3A_616] {strides = array<i32>} : memref<2x112x144xf32, #tpu.memory_space<vmem>>, vector<1x1x16xf32>,
        %parallel_loop3A_618 = vector.shape_cast %parallel_loop3A_617 : vector<1x1x16xf32> to vector<16xf32>
        %parallel_loop3A_619 = arith.constant 7 : i32
        %parallel_loop3A_620 = vector.broadcast %parallel_loop3A_619 : i32 to vector<16x1xi32>
        %parallel_loop3A_621 = vector.shape_cast %parallel_loop3A_620 : vector<16x1xi32> to vector<16xi32>
        %parallel_loop3A_622 = tpu.dynamic_gather %parallel_loop3A_486[%parallel_loop3A_621] in [0] : vector<16xf32>, vector<16xi32> -> vector<16xf32>
        %parallel_loop3A_623 = arith.mulf %parallel_loop3A_618, %parallel_loop3A_622 : vector<16xf32>
        %parallel_loop3A_624 = arith.constant 0 : i32
        %parallel_loop3A_625 = arith.index_cast %parallel_loop3A_624 : i32 to index
        %parallel_loop3A_626 = arith.index_cast %parallel_loop3A_465 : i32 to index
        %parallel_loop3A_627 = arith.constant 112 : index
        %parallel_loop3A_628 = tpu.vector_load %arg10[%parallel_loop3A_625, %parallel_loop3A_626, %parallel_loop3A_627] {strides = array<i32>} : memref<2x112x144xf32, #tpu.memory_space<vmem>>, vector<1x1x16xf32>,
        %parallel_loop3A_629 = vector.shape_cast %parallel_loop3A_628 : vector<1x1x16xf32> to vector<16xf32>
        %parallel_loop3A_630 = vector.shape_cast %parallel_loop3A_623 : vector<16xf32> to vector<1x1x16xf32>
        tpu.vector_store %arg10[%parallel_loop3A_625, %parallel_loop3A_626, %parallel_loop3A_627], %parallel_loop3A_630 {strides = array<i32>} : memref<2x112x144xf32, #tpu.memory_space<vmem>>, vector<1x1x16xf32>,
        %parallel_loop3A_631 = arith.constant 0 : i32
        %parallel_loop3A_632 = arith.index_cast %parallel_loop3A_631 : i32 to index
        %parallel_loop3A_633 = arith.index_cast %parallel_loop3A_465 : i32 to index
        %parallel_loop3A_634 = arith.constant 128 : index
        %parallel_loop3A_635 = tpu.vector_load %arg10[%parallel_loop3A_632, %parallel_loop3A_633, %parallel_loop3A_634] {strides = array<i32>} : memref<2x112x144xf32, #tpu.memory_space<vmem>>, vector<1x1x16xf32>,
        %parallel_loop3A_636 = vector.shape_cast %parallel_loop3A_635 : vector<1x1x16xf32> to vector<16xf32>
        %parallel_loop3A_637 = vector.shape_cast %parallel_loop3A_486 : vector<16xf32> to vector<1x1x16xf32>
        tpu.vector_store %arg10[%parallel_loop3A_632, %parallel_loop3A_633, %parallel_loop3A_634], %parallel_loop3A_637 {strides = array<i32>} : memref<2x112x144xf32, #tpu.memory_space<vmem>>, vector<1x1x16xf32>,
      } {sc.loop_unroll_factor = 4 : i64, sc.parallel_access}
      %dma_start3A_90 = arith.constant 0 : i32
      %dma_start3A_91 = arith.constant 0 : i32
      %dma_start3A_92 = arith.constant 0 : i32
      %dma_start3A_93 = arith.constant 0 : i32
      %dma_start3A_94 = tpu.memref_slice %arg10[%dma_start3A_90, %dma_start3A_92, %dma_start3A_93] : memref<2x112x144xf32, #tpu.memory_space<vmem>> -> memref<1x112x144xf32, #tpu.memory_space<vmem>>
      %dma_start3A_95 = tpu.memref_squeeze %dma_start3A_94 : memref<1x112x144xf32, #tpu.memory_space<vmem>> -> memref<112x144xf32, #tpu.memory_space<vmem>>
      %dma_start3A_96 = arith.constant 0 : i32
      %dma_start3A_97 = tpu.memref_slice %arg9[%dma_start3A_91, %dma_start3A_96] : memref<6x112xi32, #tpu.memory_space<vmem>> -> memref<1x112xi32, #tpu.memory_space<vmem>>
      %dma_start3A_98 = tpu.memref_squeeze %dma_start3A_97 : memref<1x112xi32, #tpu.memory_space<vmem>> -> memref<112xi32, #tpu.memory_space<vmem>>
      %dma_start3A_99 = arith.constant 0 : i32
      %dma_start3A_100 = arith.constant 0 : i32
      %dma_start3A_101 = tpu.memref_slice %arg12[%dma_start3A_99, %dma_start3A_100] : memref<10240x144xf32, #tpu.memory_space<vmem_shared>> -> memref<10240x144xf32, #tpu.memory_space<vmem_shared>>
      tpu.enqueue_indirect_dma source(%dma_start3A_95 : memref<112x144xf32, #tpu.memory_space<vmem>>) target(%dma_start3A_101 : memref<10240x144xf32, #tpu.memory_space<vmem_shared>>) offsets(%dma_start3A_98 : memref<112xi32, #tpu.memory_space<vmem>>) semaphore(%arg17 : memref<!tpu.dma_semaphore, #tpu.memory_space<semaphore_mem>>) {add = true}
      %dma_wait3A_102 = arith.constant 0 : i32
      %dma_wait3A_103 = arith.constant 0 : i32
      %dma_wait3A_104 = arith.constant 0 : i32
      %dma_wait3A_105 = arith.constant 0 : i32
      %dma_wait3A_106 = tpu.memref_slice %arg10[%dma_wait3A_102, %dma_wait3A_104, %dma_wait3A_105] : memref<2x112x144xf32, #tpu.memory_space<vmem>> -> memref<1x112x144xf32, #tpu.memory_space<vmem>>
      %dma_wait3A_107 = tpu.memref_squeeze %dma_wait3A_106 : memref<1x112x144xf32, #tpu.memory_space<vmem>> -> memref<112x144xf32, #tpu.memory_space<vmem>>
      %dma_wait3A_108 = arith.constant 0 : i32
      %dma_wait3A_109 = tpu.memref_slice %arg9[%dma_wait3A_103, %dma_wait3A_108] : memref<6x112xi32, #tpu.memory_space<vmem>> -> memref<1x112xi32, #tpu.memory_space<vmem>>
      %dma_wait3A_110 = tpu.memref_squeeze %dma_wait3A_109 : memref<1x112xi32, #tpu.memory_space<vmem>> -> memref<112xi32, #tpu.memory_space<vmem>>
      %dma_wait3A_111 = arith.constant 0 : i32
      %dma_wait3A_112 = arith.constant 0 : i32
      %dma_wait3A_113 = tpu.memref_slice %arg12[%dma_wait3A_111, %dma_wait3A_112] : memref<10240x144xf32, #tpu.memory_space<vmem_shared>> -> memref<10240x144xf32, #tpu.memory_space<vmem_shared>>
      tpu.wait_indirect_dma semaphore(%arg17 : memref<!tpu.dma_semaphore, #tpu.memory_space<semaphore_mem>>) src(%dma_wait3A_107 : memref<112x144xf32, #tpu.memory_space<vmem>>) dst(%dma_wait3A_113 : memref<10240x144xf32, #tpu.memory_space<vmem_shared>>)
      %dma_start3A_114 = arith.constant 2 : i32
      %dma_start3A_115 = arith.constant 0 : i32
      %dma_start3A_116 = arith.constant 0 : i32
      %dma_start3A_117 = arith.constant 0 : i32
      %dma_start3A_118 = tpu.memref_slice %arg10[%dma_start3A_115, %dma_start3A_116, %dma_start3A_117] : memref<2x112x144xf32, #tpu.memory_space<vmem>> -> memref<1x112x144xf32, #tpu.memory_space<vmem>>
      %dma_start3A_119 = tpu.memref_squeeze %dma_start3A_118 : memref<1x112x144xf32, #tpu.memory_space<vmem>> -> memref<112x144xf32, #tpu.memory_space<vmem>>
      %dma_start3A_120 = arith.constant 0 : i32
      %dma_start3A_121 = tpu.memref_slice %arg8[%dma_start3A_114, %dma_start3A_120] : memref<6x112xi32, #tpu.memory_space<vmem>> -> memref<1x112xi32, #tpu.memory_space<vmem>>
      %dma_start3A_122 = tpu.memref_squeeze %dma_start3A_121 : memref<1x112xi32, #tpu.memory_space<vmem>> -> memref<112xi32, #tpu.memory_space<vmem>>
      %dma_start3A_123 = arith.constant 0 : i32
      %dma_start3A_124 = arith.constant 0 : i32
      %dma_start3A_125 = tpu.memref_slice %arg2[%dma_start3A_123, %dma_start3A_124] : memref<10240x144xf32, #tpu.memory_space<hbm>> -> memref<10240x144xf32, #tpu.memory_space<hbm>>
      tpu.enqueue_indirect_dma source(%dma_start3A_125 : memref<10240x144xf32, #tpu.memory_space<hbm>>) target(%dma_start3A_119 : memref<112x144xf32, #tpu.memory_space<vmem>>) offsets(%dma_start3A_122 : memref<112xi32, #tpu.memory_space<vmem>>) semaphore(%arg13 : memref<!tpu.dma_semaphore, #tpu.memory_space<semaphore_mem>>)
      %dma_start3A_126 = arith.constant 2 : i32
      %dma_start3A_127 = arith.constant 0 : i32
      %dma_start3A_128 = arith.constant 0 : i32
      %dma_start3A_129 = arith.constant 0 : i32
      %dma_start3A_130 = tpu.memref_slice %arg11[%dma_start3A_127, %dma_start3A_128, %dma_start3A_129] : memref<2x112x16xf32, #tpu.memory_space<vmem>> -> memref<1x112x16xf32, #tpu.memory_space<vmem>>
      %dma_start3A_131 = tpu.memref_squeeze %dma_start3A_130 : memref<1x112x16xf32, #tpu.memory_space<vmem>> -> memref<112x16xf32, #tpu.memory_space<vmem>>
      %dma_start3A_132 = arith.constant 0 : i32
      %dma_start3A_133 = tpu.memref_slice %arg9[%dma_start3A_126, %dma_start3A_132] : memref<6x112xi32, #tpu.memory_space<vmem>> -> memref<1x112xi32, #tpu.memory_space<vmem>>
      %dma_start3A_134 = tpu.memref_squeeze %dma_start3A_133 : memref<1x112xi32, #tpu.memory_space<vmem>> -> memref<112xi32, #tpu.memory_space<vmem>>
      %dma_start3A_135 = arith.constant 0 : i32
      %dma_start3A_136 = arith.constant 0 : i32
      %dma_start3A_137 = tpu.memref_slice %arg3[%dma_start3A_135, %dma_start3A_136] : memref<10240x16xf32, #tpu.memory_space<hbm>> -> memref<10240x16xf32, #tpu.memory_space<hbm>>
      tpu.enqueue_indirect_dma source(%dma_start3A_137 : memref<10240x16xf32, #tpu.memory_space<hbm>>) target(%dma_start3A_131 : memref<112x16xf32, #tpu.memory_space<vmem>>) offsets(%dma_start3A_134 : memref<112xi32, #tpu.memory_space<vmem>>) semaphore(%arg15 : memref<!tpu.dma_semaphore, #tpu.memory_space<semaphore_mem>>)
      %dma_wait3A_138 = arith.constant 1 : i32
      %dma_wait3A_139 = arith.constant 1 : i32
      %dma_wait3A_140 = arith.constant 0 : i32
      %dma_wait3A_141 = arith.constant 0 : i32
      %dma_wait3A_142 = tpu.memref_slice %arg10[%dma_wait3A_139, %dma_wait3A_140, %dma_wait3A_141] : memref<2x112x144xf32, #tpu.memory_space<vmem>> -> memref<1x112x144xf32, #tpu.memory_space<vmem>>
      %dma_wait3A_143 = tpu.memref_squeeze %dma_wait3A_142 : memref<1x112x144xf32, #tpu.memory_space<vmem>> -> memref<112x144xf32, #tpu.memory_space<vmem>>
      %dma_wait3A_144 = arith.constant 0 : i32
      %dma_wait3A_145 = tpu.memref_slice %arg8[%dma_wait3A_138, %dma_wait3A_144] : memref<6x112xi32, #tpu.memory_space<vmem>> -> memref<1x112xi32, #tpu.memory_space<vmem>>
      %dma_wait3A_146 = tpu.memref_squeeze %dma_wait3A_145 : memref<1x112xi32, #tpu.memory_space<vmem>> -> memref<112xi32, #tpu.memory_space<vmem>>
      %dma_wait3A_147 = arith.constant 0 : i32
      %dma_wait3A_148 = arith.constant 0 : i32
      %dma_wait3A_149 = tpu.memref_slice %arg2[%dma_wait3A_147, %dma_wait3A_148] : memref<10240x144xf32, #tpu.memory_space<hbm>> -> memref<10240x144xf32, #tpu.memory_space<hbm>>
      tpu.wait_indirect_dma semaphore(%arg14 : memref<!tpu.dma_semaphore, #tpu.memory_space<semaphore_mem>>) src(%dma_wait3A_149 : memref<10240x144xf32, #tpu.memory_space<hbm>>) dst(%dma_wait3A_143 : memref<112x144xf32, #tpu.memory_space<vmem>>)
      %dma_wait3A_150 = arith.constant 1 : i32
      %dma_wait3A_151 = arith.constant 1 : i32
      %dma_wait3A_152 = arith.constant 0 : i32
      %dma_wait3A_153 = arith.constant 0 : i32
      %dma_wait3A_154 = tpu.memref_slice %arg11[%dma_wait3A_151, %dma_wait3A_152, %dma_wait3A_153] : memref<2x112x16xf32, #tpu.memory_space<vmem>> -> memref<1x112x16xf32, #tpu.memory_space<vmem>>
      %dma_wait3A_155 = tpu.memref_squeeze %dma_wait3A_154 : memref<1x112x16xf32, #tpu.memory_space<vmem>> -> memref<112x16xf32, #tpu.memory_space<vmem>>
      %dma_wait3A_156 = arith.constant 0 : i32
      %dma_wait3A_157 = tpu.memref_slice %arg9[%dma_wait3A_150, %dma_wait3A_156] : memref<6x112xi32, #tpu.memory_space<vmem>> -> memref<1x112xi32, #tpu.memory_space<vmem>>
      %dma_wait3A_158 = tpu.memref_squeeze %dma_wait3A_157 : memref<1x112xi32, #tpu.memory_space<vmem>> -> memref<112xi32, #tpu.memory_space<vmem>>
      %dma_wait3A_159 = arith.constant 0 : i32
      %dma_wait3A_160 = arith.constant 0 : i32
      %dma_wait3A_161 = tpu.memref_slice %arg3[%dma_wait3A_159, %dma_wait3A_160] : memref<10240x16xf32, #tpu.memory_space<hbm>> -> memref<10240x16xf32, #tpu.memory_space<hbm>>
      tpu.wait_indirect_dma semaphore(%arg16 : memref<!tpu.dma_semaphore, #tpu.memory_space<semaphore_mem>>) src(%dma_wait3A_161 : memref<10240x16xf32, #tpu.memory_space<hbm>>) dst(%dma_wait3A_155 : memref<112x16xf32, #tpu.memory_space<vmem>>)
      %parallel_loop3A_162 = arith.constant 0 : i32
      %parallel_loop3A_163 = arith.constant 112 : i32
      %parallel_loop3A_164 = arith.constant 1 : i32
      scf.for %parallel_loop3A_465 = %parallel_loop3A_162 to %parallel_loop3A_163 step %parallel_loop3A_164  : i32 {
        %parallel_loop3A_466 = arith.constant 1 : i32
        %parallel_loop3A_467 = arith.index_cast %parallel_loop3A_466 : i32 to index
        %parallel_loop3A_468 = arith.index_cast %parallel_loop3A_465 : i32 to index
        %parallel_loop3A_469 = arith.constant 128 : index
        %parallel_loop3A_470 = tpu.vector_load %arg10[%parallel_loop3A_467, %parallel_loop3A_468, %parallel_loop3A_469] {strides = array<i32>} : memref<2x112x144xf32, #tpu.memory_space<vmem>>, vector<1x1x16xf32>,
        %parallel_loop3A_471 = vector.shape_cast %parallel_loop3A_470 : vector<1x1x16xf32> to vector<16xf32>
        %parallel_loop3A_472 = arith.constant 1 : i32
        %parallel_loop3A_473 = arith.index_cast %parallel_loop3A_472 : i32 to index
        %parallel_loop3A_474 = arith.index_cast %parallel_loop3A_465 : i32 to index
        %parallel_loop3A_475 = arith.constant 0 : index
        %parallel_loop3A_476 = tpu.vector_load %arg11[%parallel_loop3A_473, %parallel_loop3A_474, %parallel_loop3A_475] {strides = array<i32>} : memref<2x112x16xf32, #tpu.memory_space<vmem>>, vector<1x1x16xf32>,
        %parallel_loop3A_477 = vector.shape_cast %parallel_loop3A_476 : vector<1x1x16xf32> to vector<16xf32>
        %parallel_loop3A_478 = arith.addf %parallel_loop3A_471, %parallel_loop3A_477 : vector<16xf32>
        %parallel_loop3A_479 = arith.constant 2.000000e-01 : f32
        %parallel_loop3A_480 = vector.broadcast %parallel_loop3A_479 : f32 to vector<16xf32>
        %parallel_loop3A_481 = arith.mulf %parallel_loop3A_478, %parallel_loop3A_480 : vector<16xf32>
        %parallel_loop3A_482 = arith.maximumf %parallel_loop3A_478, %parallel_loop3A_481 : vector<16xf32>
        %parallel_loop3A_483 = math.exp %parallel_loop3A_482 : vector<16xf32>
        %parallel_loop3A_484 = arith.constant 1.000000e+01 : f32
        %parallel_loop3A_485 = vector.broadcast %parallel_loop3A_484 : f32 to vector<16xf32>
        %parallel_loop3A_486 = arith.minimumf %parallel_loop3A_483, %parallel_loop3A_485 : vector<16xf32>
        %parallel_loop3A_487 = arith.constant 1 : i32
        %parallel_loop3A_488 = arith.index_cast %parallel_loop3A_487 : i32 to index
        %parallel_loop3A_489 = arith.index_cast %parallel_loop3A_465 : i32 to index
        %parallel_loop3A_490 = arith.constant 0 : index
        %parallel_loop3A_491 = tpu.vector_load %arg10[%parallel_loop3A_488, %parallel_loop3A_489, %parallel_loop3A_490] {strides = array<i32>} : memref<2x112x144xf32, #tpu.memory_space<vmem>>, vector<1x1x16xf32>,
        %parallel_loop3A_492 = vector.shape_cast %parallel_loop3A_491 : vector<1x1x16xf32> to vector<16xf32>
        %parallel_loop3A_493 = arith.constant 0 : i32
        %parallel_loop3A_494 = vector.broadcast %parallel_loop3A_493 : i32 to vector<16x1xi32>
        %parallel_loop3A_495 = vector.shape_cast %parallel_loop3A_494 : vector<16x1xi32> to vector<16xi32>
        %parallel_loop3A_496 = tpu.dynamic_gather %parallel_loop3A_486[%parallel_loop3A_495] in [0] : vector<16xf32>, vector<16xi32> -> vector<16xf32>
        %parallel_loop3A_497 = arith.mulf %parallel_loop3A_492, %parallel_loop3A_496 : vector<16xf32>
        %parallel_loop3A_498 = arith.constant 1 : i32
        %parallel_loop3A_499 = arith.index_cast %parallel_loop3A_498 : i32 to index
        %parallel_loop3A_500 = arith.index_cast %parallel_loop3A_465 : i32 to index
        %parallel_loop3A_501 = arith.constant 0 : index
        %parallel_loop3A_502 = tpu.vector_load %arg10[%parallel_loop3A_499, %parallel_loop3A_500, %parallel_loop3A_501] {strides = array<i32>} : memref<2x112x144xf32, #tpu.memory_space<vmem>>, vector<1x1x16xf32>,
        %parallel_loop3A_503 = vector.shape_cast %parallel_loop3A_502 : vector<1x1x16xf32> to vector<16xf32>
        %parallel_loop3A_504 = vector.shape_cast %parallel_loop3A_497 : vector<16xf32> to vector<1x1x16xf32>
        tpu.vector_store %arg10[%parallel_loop3A_499, %parallel_loop3A_500, %parallel_loop3A_501], %parallel_loop3A_504 {strides = array<i32>} : memref<2x112x144xf32, #tpu.memory_space<vmem>>, vector<1x1x16xf32>,
        %parallel_loop3A_505 = arith.constant 1 : i32
        %parallel_loop3A_506 = arith.index_cast %parallel_loop3A_505 : i32 to index
        %parallel_loop3A_507 = arith.index_cast %parallel_loop3A_465 : i32 to index
        %parallel_loop3A_508 = arith.constant 16 : index
        %parallel_loop3A_509 = tpu.vector_load %arg10[%parallel_loop3A_506, %parallel_loop3A_507, %parallel_loop3A_508] {strides = array<i32>} : memref<2x112x144xf32, #tpu.memory_space<vmem>>, vector<1x1x16xf32>,
        %parallel_loop3A_510 = vector.shape_cast %parallel_loop3A_509 : vector<1x1x16xf32> to vector<16xf32>
        %parallel_loop3A_511 = arith.constant 1 : i32
        %parallel_loop3A_512 = vector.broadcast %parallel_loop3A_511 : i32 to vector<16x1xi32>
        %parallel_loop3A_513 = vector.shape_cast %parallel_loop3A_512 : vector<16x1xi32> to vector<16xi32>
        %parallel_loop3A_514 = tpu.dynamic_gather %parallel_loop3A_486[%parallel_loop3A_513] in [0] : vector<16xf32>, vector<16xi32> -> vector<16xf32>
        %parallel_loop3A_515 = arith.mulf %parallel_loop3A_510, %parallel_loop3A_514 : vector<16xf32>
        %parallel_loop3A_516 = arith.constant 1 : i32
        %parallel_loop3A_517 = arith.index_cast %parallel_loop3A_516 : i32 to index
        %parallel_loop3A_518 = arith.index_cast %parallel_loop3A_465 : i32 to index
        %parallel_loop3A_519 = arith.constant 16 : index
        %parallel_loop3A_520 = tpu.vector_load %arg10[%parallel_loop3A_517, %parallel_loop3A_518, %parallel_loop3A_519] {strides = array<i32>} : memref<2x112x144xf32, #tpu.memory_space<vmem>>, vector<1x1x16xf32>,
        %parallel_loop3A_521 = vector.shape_cast %parallel_loop3A_520 : vector<1x1x16xf32> to vector<16xf32>
        %parallel_loop3A_522 = vector.shape_cast %parallel_loop3A_515 : vector<16xf32> to vector<1x1x16xf32>
        tpu.vector_store %arg10[%parallel_loop3A_517, %parallel_loop3A_518, %parallel_loop3A_519], %parallel_loop3A_522 {strides = array<i32>} : memref<2x112x144xf32, #tpu.memory_space<vmem>>, vector<1x1x16xf32>,
        %parallel_loop3A_523 = arith.constant 1 : i32
        %parallel_loop3A_524 = arith.index_cast %parallel_loop3A_523 : i32 to index
        %parallel_loop3A_525 = arith.index_cast %parallel_loop3A_465 : i32 to index
        %parallel_loop3A_526 = arith.constant 32 : index
        %parallel_loop3A_527 = tpu.vector_load %arg10[%parallel_loop3A_524, %parallel_loop3A_525, %parallel_loop3A_526] {strides = array<i32>} : memref<2x112x144xf32, #tpu.memory_space<vmem>>, vector<1x1x16xf32>,
        %parallel_loop3A_528 = vector.shape_cast %parallel_loop3A_527 : vector<1x1x16xf32> to vector<16xf32>
        %parallel_loop3A_529 = arith.constant 2 : i32
        %parallel_loop3A_530 = vector.broadcast %parallel_loop3A_529 : i32 to vector<16x1xi32>
        %parallel_loop3A_531 = vector.shape_cast %parallel_loop3A_530 : vector<16x1xi32> to vector<16xi32>
        %parallel_loop3A_532 = tpu.dynamic_gather %parallel_loop3A_486[%parallel_loop3A_531] in [0] : vector<16xf32>, vector<16xi32> -> vector<16xf32>
        %parallel_loop3A_533 = arith.mulf %parallel_loop3A_528, %parallel_loop3A_532 : vector<16xf32>
        %parallel_loop3A_534 = arith.constant 1 : i32
        %parallel_loop3A_535 = arith.index_cast %parallel_loop3A_534 : i32 to index
        %parallel_loop3A_536 = arith.index_cast %parallel_loop3A_465 : i32 to index
        %parallel_loop3A_537 = arith.constant 32 : index
        %parallel_loop3A_538 = tpu.vector_load %arg10[%parallel_loop3A_535, %parallel_loop3A_536, %parallel_loop3A_537] {strides = array<i32>} : memref<2x112x144xf32, #tpu.memory_space<vmem>>, vector<1x1x16xf32>,
        %parallel_loop3A_539 = vector.shape_cast %parallel_loop3A_538 : vector<1x1x16xf32> to vector<16xf32>
        %parallel_loop3A_540 = vector.shape_cast %parallel_loop3A_533 : vector<16xf32> to vector<1x1x16xf32>
        tpu.vector_store %arg10[%parallel_loop3A_535, %parallel_loop3A_536, %parallel_loop3A_537], %parallel_loop3A_540 {strides = array<i32>} : memref<2x112x144xf32, #tpu.memory_space<vmem>>, vector<1x1x16xf32>,
        %parallel_loop3A_541 = arith.constant 1 : i32
        %parallel_loop3A_542 = arith.index_cast %parallel_loop3A_541 : i32 to index
        %parallel_loop3A_543 = arith.index_cast %parallel_loop3A_465 : i32 to index
        %parallel_loop3A_544 = arith.constant 48 : index
        %parallel_loop3A_545 = tpu.vector_load %arg10[%parallel_loop3A_542, %parallel_loop3A_543, %parallel_loop3A_544] {strides = array<i32>} : memref<2x112x144xf32, #tpu.memory_space<vmem>>, vector<1x1x16xf32>,
        %parallel_loop3A_546 = vector.shape_cast %parallel_loop3A_545 : vector<1x1x16xf32> to vector<16xf32>
        %parallel_loop3A_547 = arith.constant 3 : i32
        %parallel_loop3A_548 = vector.broadcast %parallel_loop3A_547 : i32 to vector<16x1xi32>
        %parallel_loop3A_549 = vector.shape_cast %parallel_loop3A_548 : vector<16x1xi32> to vector<16xi32>
        %parallel_loop3A_550 = tpu.dynamic_gather %parallel_loop3A_486[%parallel_loop3A_549] in [0] : vector<16xf32>, vector<16xi32> -> vector<16xf32>
        %parallel_loop3A_551 = arith.mulf %parallel_loop3A_546, %parallel_loop3A_550 : vector<16xf32>
        %parallel_loop3A_552 = arith.constant 1 : i32
        %parallel_loop3A_553 = arith.index_cast %parallel_loop3A_552 : i32 to index
        %parallel_loop3A_554 = arith.index_cast %parallel_loop3A_465 : i32 to index
        %parallel_loop3A_555 = arith.constant 48 : index
        %parallel_loop3A_556 = tpu.vector_load %arg10[%parallel_loop3A_553, %parallel_loop3A_554, %parallel_loop3A_555] {strides = array<i32>} : memref<2x112x144xf32, #tpu.memory_space<vmem>>, vector<1x1x16xf32>,
        %parallel_loop3A_557 = vector.shape_cast %parallel_loop3A_556 : vector<1x1x16xf32> to vector<16xf32>
        %parallel_loop3A_558 = vector.shape_cast %parallel_loop3A_551 : vector<16xf32> to vector<1x1x16xf32>
        tpu.vector_store %arg10[%parallel_loop3A_553, %parallel_loop3A_554, %parallel_loop3A_555], %parallel_loop3A_558 {strides = array<i32>} : memref<2x112x144xf32, #tpu.memory_space<vmem>>, vector<1x1x16xf32>,
        %parallel_loop3A_559 = arith.constant 1 : i32
        %parallel_loop3A_560 = arith.index_cast %parallel_loop3A_559 : i32 to index
        %parallel_loop3A_561 = arith.index_cast %parallel_loop3A_465 : i32 to index
        %parallel_loop3A_562 = arith.constant 64 : index
        %parallel_loop3A_563 = tpu.vector_load %arg10[%parallel_loop3A_560, %parallel_loop3A_561, %parallel_loop3A_562] {strides = array<i32>} : memref<2x112x144xf32, #tpu.memory_space<vmem>>, vector<1x1x16xf32>,
        %parallel_loop3A_564 = vector.shape_cast %parallel_loop3A_563 : vector<1x1x16xf32> to vector<16xf32>
        %parallel_loop3A_565 = arith.constant 4 : i32
        %parallel_loop3A_566 = vector.broadcast %parallel_loop3A_565 : i32 to vector<16x1xi32>
        %parallel_loop3A_567 = vector.shape_cast %parallel_loop3A_566 : vector<16x1xi32> to vector<16xi32>
        %parallel_loop3A_568 = tpu.dynamic_gather %parallel_loop3A_486[%parallel_loop3A_567] in [0] : vector<16xf32>, vector<16xi32> -> vector<16xf32>
        %parallel_loop3A_569 = arith.mulf %parallel_loop3A_564, %parallel_loop3A_568 : vector<16xf32>
        %parallel_loop3A_570 = arith.constant 1 : i32
        %parallel_loop3A_571 = arith.index_cast %parallel_loop3A_570 : i32 to index
        %parallel_loop3A_572 = arith.index_cast %parallel_loop3A_465 : i32 to index
        %parallel_loop3A_573 = arith.constant 64 : index
        %parallel_loop3A_574 = tpu.vector_load %arg10[%parallel_loop3A_571, %parallel_loop3A_572, %parallel_loop3A_573] {strides = array<i32>} : memref<2x112x144xf32, #tpu.memory_space<vmem>>, vector<1x1x16xf32>,
        %parallel_loop3A_575 = vector.shape_cast %parallel_loop3A_574 : vector<1x1x16xf32> to vector<16xf32>
        %parallel_loop3A_576 = vector.shape_cast %parallel_loop3A_569 : vector<16xf32> to vector<1x1x16xf32>
        tpu.vector_store %arg10[%parallel_loop3A_571, %parallel_loop3A_572, %parallel_loop3A_573], %parallel_loop3A_576 {strides = array<i32>} : memref<2x112x144xf32, #tpu.memory_space<vmem>>, vector<1x1x16xf32>,
        %parallel_loop3A_577 = arith.constant 1 : i32
        %parallel_loop3A_578 = arith.index_cast %parallel_loop3A_577 : i32 to index
        %parallel_loop3A_579 = arith.index_cast %parallel_loop3A_465 : i32 to index
        %parallel_loop3A_580 = arith.constant 80 : index
        %parallel_loop3A_581 = tpu.vector_load %arg10[%parallel_loop3A_578, %parallel_loop3A_579, %parallel_loop3A_580] {strides = array<i32>} : memref<2x112x144xf32, #tpu.memory_space<vmem>>, vector<1x1x16xf32>,
        %parallel_loop3A_582 = vector.shape_cast %parallel_loop3A_581 : vector<1x1x16xf32> to vector<16xf32>
        %parallel_loop3A_583 = arith.constant 5 : i32
        %parallel_loop3A_584 = vector.broadcast %parallel_loop3A_583 : i32 to vector<16x1xi32>
        %parallel_loop3A_585 = vector.shape_cast %parallel_loop3A_584 : vector<16x1xi32> to vector<16xi32>
        %parallel_loop3A_586 = tpu.dynamic_gather %parallel_loop3A_486[%parallel_loop3A_585] in [0] : vector<16xf32>, vector<16xi32> -> vector<16xf32>
        %parallel_loop3A_587 = arith.mulf %parallel_loop3A_582, %parallel_loop3A_586 : vector<16xf32>
        %parallel_loop3A_588 = arith.constant 1 : i32
        %parallel_loop3A_589 = arith.index_cast %parallel_loop3A_588 : i32 to index
        %parallel_loop3A_590 = arith.index_cast %parallel_loop3A_465 : i32 to index
        %parallel_loop3A_591 = arith.constant 80 : index
        %parallel_loop3A_592 = tpu.vector_load %arg10[%parallel_loop3A_589, %parallel_loop3A_590, %parallel_loop3A_591] {strides = array<i32>} : memref<2x112x144xf32, #tpu.memory_space<vmem>>, vector<1x1x16xf32>,
        %parallel_loop3A_593 = vector.shape_cast %parallel_loop3A_592 : vector<1x1x16xf32> to vector<16xf32>
        %parallel_loop3A_594 = vector.shape_cast %parallel_loop3A_587 : vector<16xf32> to vector<1x1x16xf32>
        tpu.vector_store %arg10[%parallel_loop3A_589, %parallel_loop3A_590, %parallel_loop3A_591], %parallel_loop3A_594 {strides = array<i32>} : memref<2x112x144xf32, #tpu.memory_space<vmem>>, vector<1x1x16xf32>,
        %parallel_loop3A_595 = arith.constant 1 : i32
        %parallel_loop3A_596 = arith.index_cast %parallel_loop3A_595 : i32 to index
        %parallel_loop3A_597 = arith.index_cast %parallel_loop3A_465 : i32 to index
        %parallel_loop3A_598 = arith.constant 96 : index
        %parallel_loop3A_599 = tpu.vector_load %arg10[%parallel_loop3A_596, %parallel_loop3A_597, %parallel_loop3A_598] {strides = array<i32>} : memref<2x112x144xf32, #tpu.memory_space<vmem>>, vector<1x1x16xf32>,
        %parallel_loop3A_600 = vector.shape_cast %parallel_loop3A_599 : vector<1x1x16xf32> to vector<16xf32>
        %parallel_loop3A_601 = arith.constant 6 : i32
        %parallel_loop3A_602 = vector.broadcast %parallel_loop3A_601 : i32 to vector<16x1xi32>
        %parallel_loop3A_603 = vector.shape_cast %parallel_loop3A_602 : vector<16x1xi32> to vector<16xi32>
        %parallel_loop3A_604 = tpu.dynamic_gather %parallel_loop3A_486[%parallel_loop3A_603] in [0] : vector<16xf32>, vector<16xi32> -> vector<16xf32>
        %parallel_loop3A_605 = arith.mulf %parallel_loop3A_600, %parallel_loop3A_604 : vector<16xf32>
        %parallel_loop3A_606 = arith.constant 1 : i32
        %parallel_loop3A_607 = arith.index_cast %parallel_loop3A_606 : i32 to index
        %parallel_loop3A_608 = arith.index_cast %parallel_loop3A_465 : i32 to index
        %parallel_loop3A_609 = arith.constant 96 : index
        %parallel_loop3A_610 = tpu.vector_load %arg10[%parallel_loop3A_607, %parallel_loop3A_608, %parallel_loop3A_609] {strides = array<i32>} : memref<2x112x144xf32, #tpu.memory_space<vmem>>, vector<1x1x16xf32>,
        %parallel_loop3A_611 = vector.shape_cast %parallel_loop3A_610 : vector<1x1x16xf32> to vector<16xf32>
        %parallel_loop3A_612 = vector.shape_cast %parallel_loop3A_605 : vector<16xf32> to vector<1x1x16xf32>
        tpu.vector_store %arg10[%parallel_loop3A_607, %parallel_loop3A_608, %parallel_loop3A_609], %parallel_loop3A_612 {strides = array<i32>} : memref<2x112x144xf32, #tpu.memory_space<vmem>>, vector<1x1x16xf32>,
        %parallel_loop3A_613 = arith.constant 1 : i32
        %parallel_loop3A_614 = arith.index_cast %parallel_loop3A_613 : i32 to index
        %parallel_loop3A_615 = arith.index_cast %parallel_loop3A_465 : i32 to index
        %parallel_loop3A_616 = arith.constant 112 : index
        %parallel_loop3A_617 = tpu.vector_load %arg10[%parallel_loop3A_614, %parallel_loop3A_615, %parallel_loop3A_616] {strides = array<i32>} : memref<2x112x144xf32, #tpu.memory_space<vmem>>, vector<1x1x16xf32>,
        %parallel_loop3A_618 = vector.shape_cast %parallel_loop3A_617 : vector<1x1x16xf32> to vector<16xf32>
        %parallel_loop3A_619 = arith.constant 7 : i32
        %parallel_loop3A_620 = vector.broadcast %parallel_loop3A_619 : i32 to vector<16x1xi32>
        %parallel_loop3A_621 = vector.shape_cast %parallel_loop3A_620 : vector<16x1xi32> to vector<16xi32>
        %parallel_loop3A_622 = tpu.dynamic_gather %parallel_loop3A_486[%parallel_loop3A_621] in [0] : vector<16xf32>, vector<16xi32> -> vector<16xf32>
        %parallel_loop3A_623 = arith.mulf %parallel_loop3A_618, %parallel_loop3A_622 : vector<16xf32>
        %parallel_loop3A_624 = arith.constant 1 : i32
        %parallel_loop3A_625 = arith.index_cast %parallel_loop3A_624 : i32 to index
        %parallel_loop3A_626 = arith.index_cast %parallel_loop3A_465 : i32 to index
        %parallel_loop3A_627 = arith.constant 112 : index
        %parallel_loop3A_628 = tpu.vector_load %arg10[%parallel_loop3A_625, %parallel_loop3A_626, %parallel_loop3A_627] {strides = array<i32>} : memref<2x112x144xf32, #tpu.memory_space<vmem>>, vector<1x1x16xf32>,
        %parallel_loop3A_629 = vector.shape_cast %parallel_loop3A_628 : vector<1x1x16xf32> to vector<16xf32>
        %parallel_loop3A_630 = vector.shape_cast %parallel_loop3A_623 : vector<16xf32> to vector<1x1x16xf32>
        tpu.vector_store %arg10[%parallel_loop3A_625, %parallel_loop3A_626, %parallel_loop3A_627], %parallel_loop3A_630 {strides = array<i32>} : memref<2x112x144xf32, #tpu.memory_space<vmem>>, vector<1x1x16xf32>,
        %parallel_loop3A_631 = arith.constant 1 : i32
        %parallel_loop3A_632 = arith.index_cast %parallel_loop3A_631 : i32 to index
        %parallel_loop3A_633 = arith.index_cast %parallel_loop3A_465 : i32 to index
        %parallel_loop3A_634 = arith.constant 128 : index
        %parallel_loop3A_635 = tpu.vector_load %arg10[%parallel_loop3A_632, %parallel_loop3A_633, %parallel_loop3A_634] {strides = array<i32>} : memref<2x112x144xf32, #tpu.memory_space<vmem>>, vector<1x1x16xf32>,
        %parallel_loop3A_636 = vector.shape_cast %parallel_loop3A_635 : vector<1x1x16xf32> to vector<16xf32>
        %parallel_loop3A_637 = vector.shape_cast %parallel_loop3A_486 : vector<16xf32> to vector<1x1x16xf32>
        tpu.vector_store %arg10[%parallel_loop3A_632, %parallel_loop3A_633, %parallel_loop3A_634], %parallel_loop3A_637 {strides = array<i32>} : memref<2x112x144xf32, #tpu.memory_space<vmem>>, vector<1x1x16xf32>,
      } {sc.loop_unroll_factor = 4 : i64, sc.parallel_access}
      %dma_start3A_165 = arith.constant 1 : i32
      %dma_start3A_166 = arith.constant 1 : i32
      %dma_start3A_167 = arith.constant 0 : i32
      %dma_start3A_168 = arith.constant 0 : i32
      %dma_start3A_169 = tpu.memref_slice %arg10[%dma_start3A_165, %dma_start3A_167, %dma_start3A_168] : memref<2x112x144xf32, #tpu.memory_space<vmem>> -> memref<1x112x144xf32, #tpu.memory_space<vmem>>
      %dma_start3A_170 = tpu.memref_squeeze %dma_start3A_169 : memref<1x112x144xf32, #tpu.memory_space<vmem>> -> memref<112x144xf32, #tpu.memory_space<vmem>>
      %dma_start3A_171 = arith.constant 0 : i32
      %dma_start3A_172 = tpu.memref_slice %arg9[%dma_start3A_166, %dma_start3A_171] : memref<6x112xi32, #tpu.memory_space<vmem>> -> memref<1x112xi32, #tpu.memory_space<vmem>>
      %dma_start3A_173 = tpu.memref_squeeze %dma_start3A_172 : memref<1x112xi32, #tpu.memory_space<vmem>> -> memref<112xi32, #tpu.memory_space<vmem>>
      %dma_start3A_174 = arith.constant 0 : i32
      %dma_start3A_175 = arith.constant 0 : i32
      %dma_start3A_176 = tpu.memref_slice %arg12[%dma_start3A_174, %dma_start3A_175] : memref<10240x144xf32, #tpu.memory_space<vmem_shared>> -> memref<10240x144xf32, #tpu.memory_space<vmem_shared>>
      tpu.enqueue_indirect_dma source(%dma_start3A_170 : memref<112x144xf32, #tpu.memory_space<vmem>>) target(%dma_start3A_176 : memref<10240x144xf32, #tpu.memory_space<vmem_shared>>) offsets(%dma_start3A_173 : memref<112xi32, #tpu.memory_space<vmem>>) semaphore(%arg18 : memref<!tpu.dma_semaphore, #tpu.memory_space<semaphore_mem>>) {add = true}
      %dma_wait3A_177 = arith.constant 1 : i32
      %dma_wait3A_178 = arith.constant 1 : i32
      %dma_wait3A_179 = arith.constant 0 : i32
      %dma_wait3A_180 = arith.constant 0 : i32
      %dma_wait3A_181 = tpu.memref_slice %arg10[%dma_wait3A_177, %dma_wait3A_179, %dma_wait3A_180] : memref<2x112x144xf32, #tpu.memory_space<vmem>> -> memref<1x112x144xf32, #tpu.memory_space<vmem>>
      %dma_wait3A_182 = tpu.memref_squeeze %dma_wait3A_181 : memref<1x112x144xf32, #tpu.memory_space<vmem>> -> memref<112x144xf32, #tpu.memory_space<vmem>>
      %dma_wait3A_183 = arith.constant 0 : i32
      %dma_wait3A_184 = tpu.memref_slice %arg9[%dma_wait3A_178, %dma_wait3A_183] : memref<6x112xi32, #tpu.memory_space<vmem>> -> memref<1x112xi32, #tpu.memory_space<vmem>>
      %dma_wait3A_185 = tpu.memref_squeeze %dma_wait3A_184 : memref<1x112xi32, #tpu.memory_space<vmem>> -> memref<112xi32, #tpu.memory_space<vmem>>
      %dma_wait3A_186 = arith.constant 0 : i32
      %dma_wait3A_187 = arith.constant 0 : i32
      %dma_wait3A_188 = tpu.memref_slice %arg12[%dma_wait3A_186, %dma_wait3A_187] : memref<10240x144xf32, #tpu.memory_space<vmem_shared>> -> memref<10240x144xf32, #tpu.memory_space<vmem_shared>>
      tpu.wait_indirect_dma semaphore(%arg18 : memref<!tpu.dma_semaphore, #tpu.memory_space<semaphore_mem>>) src(%dma_wait3A_182 : memref<112x144xf32, #tpu.memory_space<vmem>>) dst(%dma_wait3A_188 : memref<10240x144xf32, #tpu.memory_space<vmem_shared>>)
      %dma_start3A_189 = arith.constant 3 : i32
      %dma_start3A_190 = arith.constant 1 : i32
      %dma_start3A_191 = arith.constant 0 : i32
      %dma_start3A_192 = arith.constant 0 : i32
      %dma_start3A_193 = tpu.memref_slice %arg10[%dma_start3A_190, %dma_start3A_191, %dma_start3A_192] : memref<2x112x144xf32, #tpu.memory_space<vmem>> -> memref<1x112x144xf32, #tpu.memory_space<vmem>>
      %dma_start3A_194 = tpu.memref_squeeze %dma_start3A_193 : memref<1x112x144xf32, #tpu.memory_space<vmem>> -> memref<112x144xf32, #tpu.memory_space<vmem>>
      %dma_start3A_195 = arith.constant 0 : i32
      %dma_start3A_196 = tpu.memref_slice %arg8[%dma_start3A_189, %dma_start3A_195] : memref<6x112xi32, #tpu.memory_space<vmem>> -> memref<1x112xi32, #tpu.memory_space<vmem>>
      %dma_start3A_197 = tpu.memref_squeeze %dma_start3A_196 : memref<1x112xi32, #tpu.memory_space<vmem>> -> memref<112xi32, #tpu.memory_space<vmem>>
      %dma_start3A_198 = arith.constant 0 : i32
      %dma_start3A_199 = arith.constant 0 : i32
      %dma_start3A_200 = tpu.memref_slice %arg2[%dma_start3A_198, %dma_start3A_199] : memref<10240x144xf32, #tpu.memory_space<hbm>> -> memref<10240x144xf32, #tpu.memory_space<hbm>>
      tpu.enqueue_indirect_dma source(%dma_start3A_200 : memref<10240x144xf32, #tpu.memory_space<hbm>>) target(%dma_start3A_194 : memref<112x144xf32, #tpu.memory_space<vmem>>) offsets(%dma_start3A_197 : memref<112xi32, #tpu.memory_space<vmem>>) semaphore(%arg14 : memref<!tpu.dma_semaphore, #tpu.memory_space<semaphore_mem>>)
      %dma_start3A_201 = arith.constant 3 : i32
      %dma_start3A_202 = arith.constant 1 : i32
      %dma_start3A_203 = arith.constant 0 : i32
      %dma_start3A_204 = arith.constant 0 : i32
      %dma_start3A_205 = tpu.memref_slice %arg11[%dma_start3A_202, %dma_start3A_203, %dma_start3A_204] : memref<2x112x16xf32, #tpu.memory_space<vmem>> -> memref<1x112x16xf32, #tpu.memory_space<vmem>>
      %dma_start3A_206 = tpu.memref_squeeze %dma_start3A_205 : memref<1x112x16xf32, #tpu.memory_space<vmem>> -> memref<112x16xf32, #tpu.memory_space<vmem>>
      %dma_start3A_207 = arith.constant 0 : i32
      %dma_start3A_208 = tpu.memref_slice %arg9[%dma_start3A_201, %dma_start3A_207] : memref<6x112xi32, #tpu.memory_space<vmem>> -> memref<1x112xi32, #tpu.memory_space<vmem>>
      %dma_start3A_209 = tpu.memref_squeeze %dma_start3A_208 : memref<1x112xi32, #tpu.memory_space<vmem>> -> memref<112xi32, #tpu.memory_space<vmem>>
      %dma_start3A_210 = arith.constant 0 : i32
      %dma_start3A_211 = arith.constant 0 : i32
      %dma_start3A_212 = tpu.memref_slice %arg3[%dma_start3A_210, %dma_start3A_211] : memref<10240x16xf32, #tpu.memory_space<hbm>> -> memref<10240x16xf32, #tpu.memory_space<hbm>>
      tpu.enqueue_indirect_dma source(%dma_start3A_212 : memref<10240x16xf32, #tpu.memory_space<hbm>>) target(%dma_start3A_206 : memref<112x16xf32, #tpu.memory_space<vmem>>) offsets(%dma_start3A_209 : memref<112xi32, #tpu.memory_space<vmem>>) semaphore(%arg16 : memref<!tpu.dma_semaphore, #tpu.memory_space<semaphore_mem>>)
      %dma_wait3A_213 = arith.constant 2 : i32
      %dma_wait3A_214 = arith.constant 0 : i32
      %dma_wait3A_215 = arith.constant 0 : i32
      %dma_wait3A_216 = arith.constant 0 : i32
      %dma_wait3A_217 = tpu.memref_slice %arg10[%dma_wait3A_214, %dma_wait3A_215, %dma_wait3A_216] : memref<2x112x144xf32, #tpu.memory_space<vmem>> -> memref<1x112x144xf32, #tpu.memory_space<vmem>>
      %dma_wait3A_218 = tpu.memref_squeeze %dma_wait3A_217 : memref<1x112x144xf32, #tpu.memory_space<vmem>> -> memref<112x144xf32, #tpu.memory_space<vmem>>
      %dma_wait3A_219 = arith.constant 0 : i32
      %dma_wait3A_220 = tpu.memref_slice %arg8[%dma_wait3A_213, %dma_wait3A_219] : memref<6x112xi32, #tpu.memory_space<vmem>> -> memref<1x112xi32, #tpu.memory_space<vmem>>
      %dma_wait3A_221 = tpu.memref_squeeze %dma_wait3A_220 : memref<1x112xi32, #tpu.memory_space<vmem>> -> memref<112xi32, #tpu.memory_space<vmem>>
      %dma_wait3A_222 = arith.constant 0 : i32
      %dma_wait3A_223 = arith.constant 0 : i32
      %dma_wait3A_224 = tpu.memref_slice %arg2[%dma_wait3A_222, %dma_wait3A_223] : memref<10240x144xf32, #tpu.memory_space<hbm>> -> memref<10240x144xf32, #tpu.memory_space<hbm>>
      tpu.wait_indirect_dma semaphore(%arg13 : memref<!tpu.dma_semaphore, #tpu.memory_space<semaphore_mem>>) src(%dma_wait3A_224 : memref<10240x144xf32, #tpu.memory_space<hbm>>) dst(%dma_wait3A_218 : memref<112x144xf32, #tpu.memory_space<vmem>>)
      %dma_wait3A_225 = arith.constant 2 : i32
      %dma_wait3A_226 = arith.constant 0 : i32
      %dma_wait3A_227 = arith.constant 0 : i32
      %dma_wait3A_228 = arith.constant 0 : i32
      %dma_wait3A_229 = tpu.memref_slice %arg11[%dma_wait3A_226, %dma_wait3A_227, %dma_wait3A_228] : memref<2x112x16xf32, #tpu.memory_space<vmem>> -> memref<1x112x16xf32, #tpu.memory_space<vmem>>
      %dma_wait3A_230 = tpu.memref_squeeze %dma_wait3A_229 : memref<1x112x16xf32, #tpu.memory_space<vmem>> -> memref<112x16xf32, #tpu.memory_space<vmem>>
      %dma_wait3A_231 = arith.constant 0 : i32
      %dma_wait3A_232 = tpu.memref_slice %arg9[%dma_wait3A_225, %dma_wait3A_231] : memref<6x112xi32, #tpu.memory_space<vmem>> -> memref<1x112xi32, #tpu.memory_space<vmem>>
      %dma_wait3A_233 = tpu.memref_squeeze %dma_wait3A_232 : memref<1x112xi32, #tpu.memory_space<vmem>> -> memref<112xi32, #tpu.memory_space<vmem>>
      %dma_wait3A_234 = arith.constant 0 : i32
      %dma_wait3A_235 = arith.constant 0 : i32
      %dma_wait3A_236 = tpu.memref_slice %arg3[%dma_wait3A_234, %dma_wait3A_235] : memref<10240x16xf32, #tpu.memory_space<hbm>> -> memref<10240x16xf32, #tpu.memory_space<hbm>>
      tpu.wait_indirect_dma semaphore(%arg15 : memref<!tpu.dma_semaphore, #tpu.memory_space<semaphore_mem>>) src(%dma_wait3A_236 : memref<10240x16xf32, #tpu.memory_space<hbm>>) dst(%dma_wait3A_230 : memref<112x16xf32, #tpu.memory_space<vmem>>)
      %parallel_loop3A_237 = arith.constant 0 : i32
      %parallel_loop3A_238 = arith.constant 112 : i32
      %parallel_loop3A_239 = arith.constant 1 : i32
      scf.for %parallel_loop3A_465 = %parallel_loop3A_237 to %parallel_loop3A_238 step %parallel_loop3A_239  : i32 {
        %parallel_loop3A_466 = arith.constant 0 : i32
        %parallel_loop3A_467 = arith.index_cast %parallel_loop3A_466 : i32 to index
        %parallel_loop3A_468 = arith.index_cast %parallel_loop3A_465 : i32 to index
        %parallel_loop3A_469 = arith.constant 128 : index
        %parallel_loop3A_470 = tpu.vector_load %arg10[%parallel_loop3A_467, %parallel_loop3A_468, %parallel_loop3A_469] {strides = array<i32>} : memref<2x112x144xf32, #tpu.memory_space<vmem>>, vector<1x1x16xf32>,
        %parallel_loop3A_471 = vector.shape_cast %parallel_loop3A_470 : vector<1x1x16xf32> to vector<16xf32>
        %parallel_loop3A_472 = arith.constant 0 : i32
        %parallel_loop3A_473 = arith.index_cast %parallel_loop3A_472 : i32 to index
        %parallel_loop3A_474 = arith.index_cast %parallel_loop3A_465 : i32 to index
        %parallel_loop3A_475 = arith.constant 0 : index
        %parallel_loop3A_476 = tpu.vector_load %arg11[%parallel_loop3A_473, %parallel_loop3A_474, %parallel_loop3A_475] {strides = array<i32>} : memref<2x112x16xf32, #tpu.memory_space<vmem>>, vector<1x1x16xf32>,
        %parallel_loop3A_477 = vector.shape_cast %parallel_loop3A_476 : vector<1x1x16xf32> to vector<16xf32>
        %parallel_loop3A_478 = arith.addf %parallel_loop3A_471, %parallel_loop3A_477 : vector<16xf32>
        %parallel_loop3A_479 = arith.constant 2.000000e-01 : f32
        %parallel_loop3A_480 = vector.broadcast %parallel_loop3A_479 : f32 to vector<16xf32>
        %parallel_loop3A_481 = arith.mulf %parallel_loop3A_478, %parallel_loop3A_480 : vector<16xf32>
        %parallel_loop3A_482 = arith.maximumf %parallel_loop3A_478, %parallel_loop3A_481 : vector<16xf32>
        %parallel_loop3A_483 = math.exp %parallel_loop3A_482 : vector<16xf32>
        %parallel_loop3A_484 = arith.constant 1.000000e+01 : f32
        %parallel_loop3A_485 = vector.broadcast %parallel_loop3A_484 : f32 to vector<16xf32>
        %parallel_loop3A_486 = arith.minimumf %parallel_loop3A_483, %parallel_loop3A_485 : vector<16xf32>
        %parallel_loop3A_487 = arith.constant 0 : i32
        %parallel_loop3A_488 = arith.index_cast %parallel_loop3A_487 : i32 to index
        %parallel_loop3A_489 = arith.index_cast %parallel_loop3A_465 : i32 to index
        %parallel_loop3A_490 = arith.constant 0 : index
        %parallel_loop3A_491 = tpu.vector_load %arg10[%parallel_loop3A_488, %parallel_loop3A_489, %parallel_loop3A_490] {strides = array<i32>} : memref<2x112x144xf32, #tpu.memory_space<vmem>>, vector<1x1x16xf32>,
        %parallel_loop3A_492 = vector.shape_cast %parallel_loop3A_491 : vector<1x1x16xf32> to vector<16xf32>
        %parallel_loop3A_493 = arith.constant 0 : i32
        %parallel_loop3A_494 = vector.broadcast %parallel_loop3A_493 : i32 to vector<16x1xi32>
        %parallel_loop3A_495 = vector.shape_cast %parallel_loop3A_494 : vector<16x1xi32> to vector<16xi32>
        %parallel_loop3A_496 = tpu.dynamic_gather %parallel_loop3A_486[%parallel_loop3A_495] in [0] : vector<16xf32>, vector<16xi32> -> vector<16xf32>
        %parallel_loop3A_497 = arith.mulf %parallel_loop3A_492, %parallel_loop3A_496 : vector<16xf32>
        %parallel_loop3A_498 = arith.constant 0 : i32
        %parallel_loop3A_499 = arith.index_cast %parallel_loop3A_498 : i32 to index
        %parallel_loop3A_500 = arith.index_cast %parallel_loop3A_465 : i32 to index
        %parallel_loop3A_501 = arith.constant 0 : index
        %parallel_loop3A_502 = tpu.vector_load %arg10[%parallel_loop3A_499, %parallel_loop3A_500, %parallel_loop3A_501] {strides = array<i32>} : memref<2x112x144xf32, #tpu.memory_space<vmem>>, vector<1x1x16xf32>,
        %parallel_loop3A_503 = vector.shape_cast %parallel_loop3A_502 : vector<1x1x16xf32> to vector<16xf32>
        %parallel_loop3A_504 = vector.shape_cast %parallel_loop3A_497 : vector<16xf32> to vector<1x1x16xf32>
        tpu.vector_store %arg10[%parallel_loop3A_499, %parallel_loop3A_500, %parallel_loop3A_501], %parallel_loop3A_504 {strides = array<i32>} : memref<2x112x144xf32, #tpu.memory_space<vmem>>, vector<1x1x16xf32>,
        %parallel_loop3A_505 = arith.constant 0 : i32
        %parallel_loop3A_506 = arith.index_cast %parallel_loop3A_505 : i32 to index
        %parallel_loop3A_507 = arith.index_cast %parallel_loop3A_465 : i32 to index
        %parallel_loop3A_508 = arith.constant 16 : index
        %parallel_loop3A_509 = tpu.vector_load %arg10[%parallel_loop3A_506, %parallel_loop3A_507, %parallel_loop3A_508] {strides = array<i32>} : memref<2x112x144xf32, #tpu.memory_space<vmem>>, vector<1x1x16xf32>,
        %parallel_loop3A_510 = vector.shape_cast %parallel_loop3A_509 : vector<1x1x16xf32> to vector<16xf32>
        %parallel_loop3A_511 = arith.constant 1 : i32
        %parallel_loop3A_512 = vector.broadcast %parallel_loop3A_511 : i32 to vector<16x1xi32>
        %parallel_loop3A_513 = vector.shape_cast %parallel_loop3A_512 : vector<16x1xi32> to vector<16xi32>
        %parallel_loop3A_514 = tpu.dynamic_gather %parallel_loop3A_486[%parallel_loop3A_513] in [0] : vector<16xf32>, vector<16xi32> -> vector<16xf32>
        %parallel_loop3A_515 = arith.mulf %parallel_loop3A_510, %parallel_loop3A_514 : vector<16xf32>
        %parallel_loop3A_516 = arith.constant 0 : i32
        %parallel_loop3A_517 = arith.index_cast %parallel_loop3A_516 : i32 to index
        %parallel_loop3A_518 = arith.index_cast %parallel_loop3A_465 : i32 to index
        %parallel_loop3A_519 = arith.constant 16 : index
        %parallel_loop3A_520 = tpu.vector_load %arg10[%parallel_loop3A_517, %parallel_loop3A_518, %parallel_loop3A_519] {strides = array<i32>} : memref<2x112x144xf32, #tpu.memory_space<vmem>>, vector<1x1x16xf32>,
        %parallel_loop3A_521 = vector.shape_cast %parallel_loop3A_520 : vector<1x1x16xf32> to vector<16xf32>
        %parallel_loop3A_522 = vector.shape_cast %parallel_loop3A_515 : vector<16xf32> to vector<1x1x16xf32>
        tpu.vector_store %arg10[%parallel_loop3A_517, %parallel_loop3A_518, %parallel_loop3A_519], %parallel_loop3A_522 {strides = array<i32>} : memref<2x112x144xf32, #tpu.memory_space<vmem>>, vector<1x1x16xf32>,
        %parallel_loop3A_523 = arith.constant 0 : i32
        %parallel_loop3A_524 = arith.index_cast %parallel_loop3A_523 : i32 to index
        %parallel_loop3A_525 = arith.index_cast %parallel_loop3A_465 : i32 to index
        %parallel_loop3A_526 = arith.constant 32 : index
        %parallel_loop3A_527 = tpu.vector_load %arg10[%parallel_loop3A_524, %parallel_loop3A_525, %parallel_loop3A_526] {strides = array<i32>} : memref<2x112x144xf32, #tpu.memory_space<vmem>>, vector<1x1x16xf32>,
        %parallel_loop3A_528 = vector.shape_cast %parallel_loop3A_527 : vector<1x1x16xf32> to vector<16xf32>
        %parallel_loop3A_529 = arith.constant 2 : i32
        %parallel_loop3A_530 = vector.broadcast %parallel_loop3A_529 : i32 to vector<16x1xi32>
        %parallel_loop3A_531 = vector.shape_cast %parallel_loop3A_530 : vector<16x1xi32> to vector<16xi32>
        %parallel_loop3A_532 = tpu.dynamic_gather %parallel_loop3A_486[%parallel_loop3A_531] in [0] : vector<16xf32>, vector<16xi32> -> vector<16xf32>
        %parallel_loop3A_533 = arith.mulf %parallel_loop3A_528, %parallel_loop3A_532 : vector<16xf32>
        %parallel_loop3A_534 = arith.constant 0 : i32
        %parallel_loop3A_535 = arith.index_cast %parallel_loop3A_534 : i32 to index
        %parallel_loop3A_536 = arith.index_cast %parallel_loop3A_465 : i32 to index
        %parallel_loop3A_537 = arith.constant 32 : index
        %parallel_loop3A_538 = tpu.vector_load %arg10[%parallel_loop3A_535, %parallel_loop3A_536, %parallel_loop3A_537] {strides = array<i32>} : memref<2x112x144xf32, #tpu.memory_space<vmem>>, vector<1x1x16xf32>,
        %parallel_loop3A_539 = vector.shape_cast %parallel_loop3A_538 : vector<1x1x16xf32> to vector<16xf32>
        %parallel_loop3A_540 = vector.shape_cast %parallel_loop3A_533 : vector<16xf32> to vector<1x1x16xf32>
        tpu.vector_store %arg10[%parallel_loop3A_535, %parallel_loop3A_536, %parallel_loop3A_537], %parallel_loop3A_540 {strides = array<i32>} : memref<2x112x144xf32, #tpu.memory_space<vmem>>, vector<1x1x16xf32>,
        %parallel_loop3A_541 = arith.constant 0 : i32
        %parallel_loop3A_542 = arith.index_cast %parallel_loop3A_541 : i32 to index
        %parallel_loop3A_543 = arith.index_cast %parallel_loop3A_465 : i32 to index
        %parallel_loop3A_544 = arith.constant 48 : index
        %parallel_loop3A_545 = tpu.vector_load %arg10[%parallel_loop3A_542, %parallel_loop3A_543, %parallel_loop3A_544] {strides = array<i32>} : memref<2x112x144xf32, #tpu.memory_space<vmem>>, vector<1x1x16xf32>,
        %parallel_loop3A_546 = vector.shape_cast %parallel_loop3A_545 : vector<1x1x16xf32> to vector<16xf32>
        %parallel_loop3A_547 = arith.constant 3 : i32
        %parallel_loop3A_548 = vector.broadcast %parallel_loop3A_547 : i32 to vector<16x1xi32>
        %parallel_loop3A_549 = vector.shape_cast %parallel_loop3A_548 : vector<16x1xi32> to vector<16xi32>
        %parallel_loop3A_550 = tpu.dynamic_gather %parallel_loop3A_486[%parallel_loop3A_549] in [0] : vector<16xf32>, vector<16xi32> -> vector<16xf32>
        %parallel_loop3A_551 = arith.mulf %parallel_loop3A_546, %parallel_loop3A_550 : vector<16xf32>
        %parallel_loop3A_552 = arith.constant 0 : i32
        %parallel_loop3A_553 = arith.index_cast %parallel_loop3A_552 : i32 to index
        %parallel_loop3A_554 = arith.index_cast %parallel_loop3A_465 : i32 to index
        %parallel_loop3A_555 = arith.constant 48 : index
        %parallel_loop3A_556 = tpu.vector_load %arg10[%parallel_loop3A_553, %parallel_loop3A_554, %parallel_loop3A_555] {strides = array<i32>} : memref<2x112x144xf32, #tpu.memory_space<vmem>>, vector<1x1x16xf32>,
        %parallel_loop3A_557 = vector.shape_cast %parallel_loop3A_556 : vector<1x1x16xf32> to vector<16xf32>
        %parallel_loop3A_558 = vector.shape_cast %parallel_loop3A_551 : vector<16xf32> to vector<1x1x16xf32>
        tpu.vector_store %arg10[%parallel_loop3A_553, %parallel_loop3A_554, %parallel_loop3A_555], %parallel_loop3A_558 {strides = array<i32>} : memref<2x112x144xf32, #tpu.memory_space<vmem>>, vector<1x1x16xf32>,
        %parallel_loop3A_559 = arith.constant 0 : i32
        %parallel_loop3A_560 = arith.index_cast %parallel_loop3A_559 : i32 to index
        %parallel_loop3A_561 = arith.index_cast %parallel_loop3A_465 : i32 to index
        %parallel_loop3A_562 = arith.constant 64 : index
        %parallel_loop3A_563 = tpu.vector_load %arg10[%parallel_loop3A_560, %parallel_loop3A_561, %parallel_loop3A_562] {strides = array<i32>} : memref<2x112x144xf32, #tpu.memory_space<vmem>>, vector<1x1x16xf32>,
        %parallel_loop3A_564 = vector.shape_cast %parallel_loop3A_563 : vector<1x1x16xf32> to vector<16xf32>
        %parallel_loop3A_565 = arith.constant 4 : i32
        %parallel_loop3A_566 = vector.broadcast %parallel_loop3A_565 : i32 to vector<16x1xi32>
        %parallel_loop3A_567 = vector.shape_cast %parallel_loop3A_566 : vector<16x1xi32> to vector<16xi32>
        %parallel_loop3A_568 = tpu.dynamic_gather %parallel_loop3A_486[%parallel_loop3A_567] in [0] : vector<16xf32>, vector<16xi32> -> vector<16xf32>
        %parallel_loop3A_569 = arith.mulf %parallel_loop3A_564, %parallel_loop3A_568 : vector<16xf32>
        %parallel_loop3A_570 = arith.constant 0 : i32
        %parallel_loop3A_571 = arith.index_cast %parallel_loop3A_570 : i32 to index
        %parallel_loop3A_572 = arith.index_cast %parallel_loop3A_465 : i32 to index
        %parallel_loop3A_573 = arith.constant 64 : index
        %parallel_loop3A_574 = tpu.vector_load %arg10[%parallel_loop3A_571, %parallel_loop3A_572, %parallel_loop3A_573] {strides = array<i32>} : memref<2x112x144xf32, #tpu.memory_space<vmem>>, vector<1x1x16xf32>,
        %parallel_loop3A_575 = vector.shape_cast %parallel_loop3A_574 : vector<1x1x16xf32> to vector<16xf32>
        %parallel_loop3A_576 = vector.shape_cast %parallel_loop3A_569 : vector<16xf32> to vector<1x1x16xf32>
        tpu.vector_store %arg10[%parallel_loop3A_571, %parallel_loop3A_572, %parallel_loop3A_573], %parallel_loop3A_576 {strides = array<i32>} : memref<2x112x144xf32, #tpu.memory_space<vmem>>, vector<1x1x16xf32>,
        %parallel_loop3A_577 = arith.constant 0 : i32
        %parallel_loop3A_578 = arith.index_cast %parallel_loop3A_577 : i32 to index
        %parallel_loop3A_579 = arith.index_cast %parallel_loop3A_465 : i32 to index
        %parallel_loop3A_580 = arith.constant 80 : index
        %parallel_loop3A_581 = tpu.vector_load %arg10[%parallel_loop3A_578, %parallel_loop3A_579, %parallel_loop3A_580] {strides = array<i32>} : memref<2x112x144xf32, #tpu.memory_space<vmem>>, vector<1x1x16xf32>,
        %parallel_loop3A_582 = vector.shape_cast %parallel_loop3A_581 : vector<1x1x16xf32> to vector<16xf32>
        %parallel_loop3A_583 = arith.constant 5 : i32
        %parallel_loop3A_584 = vector.broadcast %parallel_loop3A_583 : i32 to vector<16x1xi32>
        %parallel_loop3A_585 = vector.shape_cast %parallel_loop3A_584 : vector<16x1xi32> to vector<16xi32>
        %parallel_loop3A_586 = tpu.dynamic_gather %parallel_loop3A_486[%parallel_loop3A_585] in [0] : vector<16xf32>, vector<16xi32> -> vector<16xf32>
        %parallel_loop3A_587 = arith.mulf %parallel_loop3A_582, %parallel_loop3A_586 : vector<16xf32>
        %parallel_loop3A_588 = arith.constant 0 : i32
        %parallel_loop3A_589 = arith.index_cast %parallel_loop3A_588 : i32 to index
        %parallel_loop3A_590 = arith.index_cast %parallel_loop3A_465 : i32 to index
        %parallel_loop3A_591 = arith.constant 80 : index
        %parallel_loop3A_592 = tpu.vector_load %arg10[%parallel_loop3A_589, %parallel_loop3A_590, %parallel_loop3A_591] {strides = array<i32>} : memref<2x112x144xf32, #tpu.memory_space<vmem>>, vector<1x1x16xf32>,
        %parallel_loop3A_593 = vector.shape_cast %parallel_loop3A_592 : vector<1x1x16xf32> to vector<16xf32>
        %parallel_loop3A_594 = vector.shape_cast %parallel_loop3A_587 : vector<16xf32> to vector<1x1x16xf32>
        tpu.vector_store %arg10[%parallel_loop3A_589, %parallel_loop3A_590, %parallel_loop3A_591], %parallel_loop3A_594 {strides = array<i32>} : memref<2x112x144xf32, #tpu.memory_space<vmem>>, vector<1x1x16xf32>,
        %parallel_loop3A_595 = arith.constant 0 : i32
        %parallel_loop3A_596 = arith.index_cast %parallel_loop3A_595 : i32 to index
        %parallel_loop3A_597 = arith.index_cast %parallel_loop3A_465 : i32 to index
        %parallel_loop3A_598 = arith.constant 96 : index
        %parallel_loop3A_599 = tpu.vector_load %arg10[%parallel_loop3A_596, %parallel_loop3A_597, %parallel_loop3A_598] {strides = array<i32>} : memref<2x112x144xf32, #tpu.memory_space<vmem>>, vector<1x1x16xf32>,
        %parallel_loop3A_600 = vector.shape_cast %parallel_loop3A_599 : vector<1x1x16xf32> to vector<16xf32>
        %parallel_loop3A_601 = arith.constant 6 : i32
        %parallel_loop3A_602 = vector.broadcast %parallel_loop3A_601 : i32 to vector<16x1xi32>
        %parallel_loop3A_603 = vector.shape_cast %parallel_loop3A_602 : vector<16x1xi32> to vector<16xi32>
        %parallel_loop3A_604 = tpu.dynamic_gather %parallel_loop3A_486[%parallel_loop3A_603] in [0] : vector<16xf32>, vector<16xi32> -> vector<16xf32>
        %parallel_loop3A_605 = arith.mulf %parallel_loop3A_600, %parallel_loop3A_604 : vector<16xf32>
        %parallel_loop3A_606 = arith.constant 0 : i32
        %parallel_loop3A_607 = arith.index_cast %parallel_loop3A_606 : i32 to index
        %parallel_loop3A_608 = arith.index_cast %parallel_loop3A_465 : i32 to index
        %parallel_loop3A_609 = arith.constant 96 : index
        %parallel_loop3A_610 = tpu.vector_load %arg10[%parallel_loop3A_607, %parallel_loop3A_608, %parallel_loop3A_609] {strides = array<i32>} : memref<2x112x144xf32, #tpu.memory_space<vmem>>, vector<1x1x16xf32>,
        %parallel_loop3A_611 = vector.shape_cast %parallel_loop3A_610 : vector<1x1x16xf32> to vector<16xf32>
        %parallel_loop3A_612 = vector.shape_cast %parallel_loop3A_605 : vector<16xf32> to vector<1x1x16xf32>
        tpu.vector_store %arg10[%parallel_loop3A_607, %parallel_loop3A_608, %parallel_loop3A_609], %parallel_loop3A_612 {strides = array<i32>} : memref<2x112x144xf32, #tpu.memory_space<vmem>>, vector<1x1x16xf32>,
        %parallel_loop3A_613 = arith.constant 0 : i32
        %parallel_loop3A_614 = arith.index_cast %parallel_loop3A_613 : i32 to index
        %parallel_loop3A_615 = arith.index_cast %parallel_loop3A_465 : i32 to index
        %parallel_loop3A_616 = arith.constant 112 : index
        %parallel_loop3A_617 = tpu.vector_load %arg10[%parallel_loop3A_614, %parallel_loop3A_615, %parallel_loop3A_616] {strides = array<i32>} : memref<2x112x144xf32, #tpu.memory_space<vmem>>, vector<1x1x16xf32>,
        %parallel_loop3A_618 = vector.shape_cast %parallel_loop3A_617 : vector<1x1x16xf32> to vector<16xf32>
        %parallel_loop3A_619 = arith.constant 7 : i32
        %parallel_loop3A_620 = vector.broadcast %parallel_loop3A_619 : i32 to vector<16x1xi32>
        %parallel_loop3A_621 = vector.shape_cast %parallel_loop3A_620 : vector<16x1xi32> to vector<16xi32>
        %parallel_loop3A_622 = tpu.dynamic_gather %parallel_loop3A_486[%parallel_loop3A_621] in [0] : vector<16xf32>, vector<16xi32> -> vector<16xf32>
        %parallel_loop3A_623 = arith.mulf %parallel_loop3A_618, %parallel_loop3A_622 : vector<16xf32>
        %parallel_loop3A_624 = arith.constant 0 : i32
        %parallel_loop3A_625 = arith.index_cast %parallel_loop3A_624 : i32 to index
        %parallel_loop3A_626 = arith.index_cast %parallel_loop3A_465 : i32 to index
        %parallel_loop3A_627 = arith.constant 112 : index
        %parallel_loop3A_628 = tpu.vector_load %arg10[%parallel_loop3A_625, %parallel_loop3A_626, %parallel_loop3A_627] {strides = array<i32>} : memref<2x112x144xf32, #tpu.memory_space<vmem>>, vector<1x1x16xf32>,
        %parallel_loop3A_629 = vector.shape_cast %parallel_loop3A_628 : vector<1x1x16xf32> to vector<16xf32>
        %parallel_loop3A_630 = vector.shape_cast %parallel_loop3A_623 : vector<16xf32> to vector<1x1x16xf32>
        tpu.vector_store %arg10[%parallel_loop3A_625, %parallel_loop3A_626, %parallel_loop3A_627], %parallel_loop3A_630 {strides = array<i32>} : memref<2x112x144xf32, #tpu.memory_space<vmem>>, vector<1x1x16xf32>,
        %parallel_loop3A_631 = arith.constant 0 : i32
        %parallel_loop3A_632 = arith.index_cast %parallel_loop3A_631 : i32 to index
        %parallel_loop3A_633 = arith.index_cast %parallel_loop3A_465 : i32 to index
        %parallel_loop3A_634 = arith.constant 128 : index
        %parallel_loop3A_635 = tpu.vector_load %arg10[%parallel_loop3A_632, %parallel_loop3A_633, %parallel_loop3A_634] {strides = array<i32>} : memref<2x112x144xf32, #tpu.memory_space<vmem>>, vector<1x1x16xf32>,
        %parallel_loop3A_636 = vector.shape_cast %parallel_loop3A_635 : vector<1x1x16xf32> to vector<16xf32>
        %parallel_loop3A_637 = vector.shape_cast %parallel_loop3A_486 : vector<16xf32> to vector<1x1x16xf32>
        tpu.vector_store %arg10[%parallel_loop3A_632, %parallel_loop3A_633, %parallel_loop3A_634], %parallel_loop3A_637 {strides = array<i32>} : memref<2x112x144xf32, #tpu.memory_space<vmem>>, vector<1x1x16xf32>,
      } {sc.loop_unroll_factor = 4 : i64, sc.parallel_access}
      %dma_start3A_240 = arith.constant 0 : i32
      %dma_start3A_241 = arith.constant 2 : i32
      %dma_start3A_242 = arith.constant 0 : i32
      %dma_start3A_243 = arith.constant 0 : i32
      %dma_start3A_244 = tpu.memref_slice %arg10[%dma_start3A_240, %dma_start3A_242, %dma_start3A_243] : memref<2x112x144xf32, #tpu.memory_space<vmem>> -> memref<1x112x144xf32, #tpu.memory_space<vmem>>
      %dma_start3A_245 = tpu.memref_squeeze %dma_start3A_244 : memref<1x112x144xf32, #tpu.memory_space<vmem>> -> memref<112x144xf32, #tpu.memory_space<vmem>>
      %dma_start3A_246 = arith.constant 0 : i32
      %dma_start3A_247 = tpu.memref_slice %arg9[%dma_start3A_241, %dma_start3A_246] : memref<6x112xi32, #tpu.memory_space<vmem>> -> memref<1x112xi32, #tpu.memory_space<vmem>>
      %dma_start3A_248 = tpu.memref_squeeze %dma_start3A_247 : memref<1x112xi32, #tpu.memory_space<vmem>> -> memref<112xi32, #tpu.memory_space<vmem>>
      %dma_start3A_249 = arith.constant 0 : i32
      %dma_start3A_250 = arith.constant 0 : i32
      %dma_start3A_251 = tpu.memref_slice %arg12[%dma_start3A_249, %dma_start3A_250] : memref<10240x144xf32, #tpu.memory_space<vmem_shared>> -> memref<10240x144xf32, #tpu.memory_space<vmem_shared>>
      tpu.enqueue_indirect_dma source(%dma_start3A_245 : memref<112x144xf32, #tpu.memory_space<vmem>>) target(%dma_start3A_251 : memref<10240x144xf32, #tpu.memory_space<vmem_shared>>) offsets(%dma_start3A_248 : memref<112xi32, #tpu.memory_space<vmem>>) semaphore(%arg17 : memref<!tpu.dma_semaphore, #tpu.memory_space<semaphore_mem>>) {add = true}
      %dma_wait3A_252 = arith.constant 0 : i32
      %dma_wait3A_253 = arith.constant 2 : i32
      %dma_wait3A_254 = arith.constant 0 : i32
      %dma_wait3A_255 = arith.constant 0 : i32
      %dma_wait3A_256 = tpu.memref_slice %arg10[%dma_wait3A_252, %dma_wait3A_254, %dma_wait3A_255] : memref<2x112x144xf32, #tpu.memory_space<vmem>> -> memref<1x112x144xf32, #tpu.memory_space<vmem>>
      %dma_wait3A_257 = tpu.memref_squeeze %dma_wait3A_256 : memref<1x112x144xf32, #tpu.memory_space<vmem>> -> memref<112x144xf32, #tpu.memory_space<vmem>>
      %dma_wait3A_258 = arith.constant 0 : i32
      %dma_wait3A_259 = tpu.memref_slice %arg9[%dma_wait3A_253, %dma_wait3A_258] : memref<6x112xi32, #tpu.memory_space<vmem>> -> memref<1x112xi32, #tpu.memory_space<vmem>>
      %dma_wait3A_260 = tpu.memref_squeeze %dma_wait3A_259 : memref<1x112xi32, #tpu.memory_space<vmem>> -> memref<112xi32, #tpu.memory_space<vmem>>
      %dma_wait3A_261 = arith.constant 0 : i32
      %dma_wait3A_262 = arith.constant 0 : i32
      %dma_wait3A_263 = tpu.memref_slice %arg12[%dma_wait3A_261, %dma_wait3A_262] : memref<10240x144xf32, #tpu.memory_space<vmem_shared>> -> memref<10240x144xf32, #tpu.memory_space<vmem_shared>>
      tpu.wait_indirect_dma semaphore(%arg17 : memref<!tpu.dma_semaphore, #tpu.memory_space<semaphore_mem>>) src(%dma_wait3A_257 : memref<112x144xf32, #tpu.memory_space<vmem>>) dst(%dma_wait3A_263 : memref<10240x144xf32, #tpu.memory_space<vmem_shared>>)
      %dma_start3A_264 = arith.constant 4 : i32
      %dma_start3A_265 = arith.constant 0 : i32
      %dma_start3A_266 = arith.constant 0 : i32
      %dma_start3A_267 = arith.constant 0 : i32
      %dma_start3A_268 = tpu.memref_slice %arg10[%dma_start3A_265, %dma_start3A_266, %dma_start3A_267] : memref<2x112x144xf32, #tpu.memory_space<vmem>> -> memref<1x112x144xf32, #tpu.memory_space<vmem>>
      %dma_start3A_269 = tpu.memref_squeeze %dma_start3A_268 : memref<1x112x144xf32, #tpu.memory_space<vmem>> -> memref<112x144xf32, #tpu.memory_space<vmem>>
      %dma_start3A_270 = arith.constant 0 : i32
      %dma_start3A_271 = tpu.memref_slice %arg8[%dma_start3A_264, %dma_start3A_270] : memref<6x112xi32, #tpu.memory_space<vmem>> -> memref<1x112xi32, #tpu.memory_space<vmem>>
      %dma_start3A_272 = tpu.memref_squeeze %dma_start3A_271 : memref<1x112xi32, #tpu.memory_space<vmem>> -> memref<112xi32, #tpu.memory_space<vmem>>
      %dma_start3A_273 = arith.constant 0 : i32
      %dma_start3A_274 = arith.constant 0 : i32
      %dma_start3A_275 = tpu.memref_slice %arg2[%dma_start3A_273, %dma_start3A_274] : memref<10240x144xf32, #tpu.memory_space<hbm>> -> memref<10240x144xf32, #tpu.memory_space<hbm>>
      tpu.enqueue_indirect_dma source(%dma_start3A_275 : memref<10240x144xf32, #tpu.memory_space<hbm>>) target(%dma_start3A_269 : memref<112x144xf32, #tpu.memory_space<vmem>>) offsets(%dma_start3A_272 : memref<112xi32, #tpu.memory_space<vmem>>) semaphore(%arg13 : memref<!tpu.dma_semaphore, #tpu.memory_space<semaphore_mem>>)
      %dma_start3A_276 = arith.constant 4 : i32
      %dma_start3A_277 = arith.constant 0 : i32
      %dma_start3A_278 = arith.constant 0 : i32
      %dma_start3A_279 = arith.constant 0 : i32
      %dma_start3A_280 = tpu.memref_slice %arg11[%dma_start3A_277, %dma_start3A_278, %dma_start3A_279] : memref<2x112x16xf32, #tpu.memory_space<vmem>> -> memref<1x112x16xf32, #tpu.memory_space<vmem>>
      %dma_start3A_281 = tpu.memref_squeeze %dma_start3A_280 : memref<1x112x16xf32, #tpu.memory_space<vmem>> -> memref<112x16xf32, #tpu.memory_space<vmem>>
      %dma_start3A_282 = arith.constant 0 : i32
      %dma_start3A_283 = tpu.memref_slice %arg9[%dma_start3A_276, %dma_start3A_282] : memref<6x112xi32, #tpu.memory_space<vmem>> -> memref<1x112xi32, #tpu.memory_space<vmem>>
      %dma_start3A_284 = tpu.memref_squeeze %dma_start3A_283 : memref<1x112xi32, #tpu.memory_space<vmem>> -> memref<112xi32, #tpu.memory_space<vmem>>
      %dma_start3A_285 = arith.constant 0 : i32
      %dma_start3A_286 = arith.constant 0 : i32
      %dma_start3A_287 = tpu.memref_slice %arg3[%dma_start3A_285, %dma_start3A_286] : memref<10240x16xf32, #tpu.memory_space<hbm>> -> memref<10240x16xf32, #tpu.memory_space<hbm>>
      tpu.enqueue_indirect_dma source(%dma_start3A_287 : memref<10240x16xf32, #tpu.memory_space<hbm>>) target(%dma_start3A_281 : memref<112x16xf32, #tpu.memory_space<vmem>>) offsets(%dma_start3A_284 : memref<112xi32, #tpu.memory_space<vmem>>) semaphore(%arg15 : memref<!tpu.dma_semaphore, #tpu.memory_space<semaphore_mem>>)
      %dma_wait3A_288 = arith.constant 3 : i32
      %dma_wait3A_289 = arith.constant 1 : i32
      %dma_wait3A_290 = arith.constant 0 : i32
      %dma_wait3A_291 = arith.constant 0 : i32
      %dma_wait3A_292 = tpu.memref_slice %arg10[%dma_wait3A_289, %dma_wait3A_290, %dma_wait3A_291] : memref<2x112x144xf32, #tpu.memory_space<vmem>> -> memref<1x112x144xf32, #tpu.memory_space<vmem>>
      %dma_wait3A_293 = tpu.memref_squeeze %dma_wait3A_292 : memref<1x112x144xf32, #tpu.memory_space<vmem>> -> memref<112x144xf32, #tpu.memory_space<vmem>>
      %dma_wait3A_294 = arith.constant 0 : i32
      %dma_wait3A_295 = tpu.memref_slice %arg8[%dma_wait3A_288, %dma_wait3A_294] : memref<6x112xi32, #tpu.memory_space<vmem>> -> memref<1x112xi32, #tpu.memory_space<vmem>>
      %dma_wait3A_296 = tpu.memref_squeeze %dma_wait3A_295 : memref<1x112xi32, #tpu.memory_space<vmem>> -> memref<112xi32, #tpu.memory_space<vmem>>
      %dma_wait3A_297 = arith.constant 0 : i32
      %dma_wait3A_298 = arith.constant 0 : i32
      %dma_wait3A_299 = tpu.memref_slice %arg2[%dma_wait3A_297, %dma_wait3A_298] : memref<10240x144xf32, #tpu.memory_space<hbm>> -> memref<10240x144xf32, #tpu.memory_space<hbm>>
      tpu.wait_indirect_dma semaphore(%arg14 : memref<!tpu.dma_semaphore, #tpu.memory_space<semaphore_mem>>) src(%dma_wait3A_299 : memref<10240x144xf32, #tpu.memory_space<hbm>>) dst(%dma_wait3A_293 : memref<112x144xf32, #tpu.memory_space<vmem>>)
      %dma_wait3A_300 = arith.constant 3 : i32
      %dma_wait3A_301 = arith.constant 1 : i32
      %dma_wait3A_302 = arith.constant 0 : i32
      %dma_wait3A_303 = arith.constant 0 : i32
      %dma_wait3A_304 = tpu.memref_slice %arg11[%dma_wait3A_301, %dma_wait3A_302, %dma_wait3A_303] : memref<2x112x16xf32, #tpu.memory_space<vmem>> -> memref<1x112x16xf32, #tpu.memory_space<vmem>>
      %dma_wait3A_305 = tpu.memref_squeeze %dma_wait3A_304 : memref<1x112x16xf32, #tpu.memory_space<vmem>> -> memref<112x16xf32, #tpu.memory_space<vmem>>
      %dma_wait3A_306 = arith.constant 0 : i32
      %dma_wait3A_307 = tpu.memref_slice %arg9[%dma_wait3A_300, %dma_wait3A_306] : memref<6x112xi32, #tpu.memory_space<vmem>> -> memref<1x112xi32, #tpu.memory_space<vmem>>
      %dma_wait3A_308 = tpu.memref_squeeze %dma_wait3A_307 : memref<1x112xi32, #tpu.memory_space<vmem>> -> memref<112xi32, #tpu.memory_space<vmem>>
      %dma_wait3A_309 = arith.constant 0 : i32
      %dma_wait3A_310 = arith.constant 0 : i32
      %dma_wait3A_311 = tpu.memref_slice %arg3[%dma_wait3A_309, %dma_wait3A_310] : memref<10240x16xf32, #tpu.memory_space<hbm>> -> memref<10240x16xf32, #tpu.memory_space<hbm>>
      tpu.wait_indirect_dma semaphore(%arg16 : memref<!tpu.dma_semaphore, #tpu.memory_space<semaphore_mem>>) src(%dma_wait3A_311 : memref<10240x16xf32, #tpu.memory_space<hbm>>) dst(%dma_wait3A_305 : memref<112x16xf32, #tpu.memory_space<vmem>>)
      %parallel_loop3A_312 = arith.constant 0 : i32
      %parallel_loop3A_313 = arith.constant 112 : i32
      %parallel_loop3A_314 = arith.constant 1 : i32
      scf.for %parallel_loop3A_465 = %parallel_loop3A_312 to %parallel_loop3A_313 step %parallel_loop3A_314  : i32 {
        %parallel_loop3A_466 = arith.constant 1 : i32
        %parallel_loop3A_467 = arith.index_cast %parallel_loop3A_466 : i32 to index
        %parallel_loop3A_468 = arith.index_cast %parallel_loop3A_465 : i32 to index
        %parallel_loop3A_469 = arith.constant 128 : index
        %parallel_loop3A_470 = tpu.vector_load %arg10[%parallel_loop3A_467, %parallel_loop3A_468, %parallel_loop3A_469] {strides = array<i32>} : memref<2x112x144xf32, #tpu.memory_space<vmem>>, vector<1x1x16xf32>,
        %parallel_loop3A_471 = vector.shape_cast %parallel_loop3A_470 : vector<1x1x16xf32> to vector<16xf32>
        %parallel_loop3A_472 = arith.constant 1 : i32
        %parallel_loop3A_473 = arith.index_cast %parallel_loop3A_472 : i32 to index
        %parallel_loop3A_474 = arith.index_cast %parallel_loop3A_465 : i32 to index
        %parallel_loop3A_475 = arith.constant 0 : index
        %parallel_loop3A_476 = tpu.vector_load %arg11[%parallel_loop3A_473, %parallel_loop3A_474, %parallel_loop3A_475] {strides = array<i32>} : memref<2x112x16xf32, #tpu.memory_space<vmem>>, vector<1x1x16xf32>,
        %parallel_loop3A_477 = vector.shape_cast %parallel_loop3A_476 : vector<1x1x16xf32> to vector<16xf32>
        %parallel_loop3A_478 = arith.addf %parallel_loop3A_471, %parallel_loop3A_477 : vector<16xf32>
        %parallel_loop3A_479 = arith.constant 2.000000e-01 : f32
        %parallel_loop3A_480 = vector.broadcast %parallel_loop3A_479 : f32 to vector<16xf32>
        %parallel_loop3A_481 = arith.mulf %parallel_loop3A_478, %parallel_loop3A_480 : vector<16xf32>
        %parallel_loop3A_482 = arith.maximumf %parallel_loop3A_478, %parallel_loop3A_481 : vector<16xf32>
        %parallel_loop3A_483 = math.exp %parallel_loop3A_482 : vector<16xf32>
        %parallel_loop3A_484 = arith.constant 1.000000e+01 : f32
        %parallel_loop3A_485 = vector.broadcast %parallel_loop3A_484 : f32 to vector<16xf32>
        %parallel_loop3A_486 = arith.minimumf %parallel_loop3A_483, %parallel_loop3A_485 : vector<16xf32>
        %parallel_loop3A_487 = arith.constant 1 : i32
        %parallel_loop3A_488 = arith.index_cast %parallel_loop3A_487 : i32 to index
        %parallel_loop3A_489 = arith.index_cast %parallel_loop3A_465 : i32 to index
        %parallel_loop3A_490 = arith.constant 0 : index
        %parallel_loop3A_491 = tpu.vector_load %arg10[%parallel_loop3A_488, %parallel_loop3A_489, %parallel_loop3A_490] {strides = array<i32>} : memref<2x112x144xf32, #tpu.memory_space<vmem>>, vector<1x1x16xf32>,
        %parallel_loop3A_492 = vector.shape_cast %parallel_loop3A_491 : vector<1x1x16xf32> to vector<16xf32>
        %parallel_loop3A_493 = arith.constant 0 : i32
        %parallel_loop3A_494 = vector.broadcast %parallel_loop3A_493 : i32 to vector<16x1xi32>
        %parallel_loop3A_495 = vector.shape_cast %parallel_loop3A_494 : vector<16x1xi32> to vector<16xi32>
        %parallel_loop3A_496 = tpu.dynamic_gather %parallel_loop3A_486[%parallel_loop3A_495] in [0] : vector<16xf32>, vector<16xi32> -> vector<16xf32>
        %parallel_loop3A_497 = arith.mulf %parallel_loop3A_492, %parallel_loop3A_496 : vector<16xf32>
        %parallel_loop3A_498 = arith.constant 1 : i32
        %parallel_loop3A_499 = arith.index_cast %parallel_loop3A_498 : i32 to index
        %parallel_loop3A_500 = arith.index_cast %parallel_loop3A_465 : i32 to index
        %parallel_loop3A_501 = arith.constant 0 : index
        %parallel_loop3A_502 = tpu.vector_load %arg10[%parallel_loop3A_499, %parallel_loop3A_500, %parallel_loop3A_501] {strides = array<i32>} : memref<2x112x144xf32, #tpu.memory_space<vmem>>, vector<1x1x16xf32>,
        %parallel_loop3A_503 = vector.shape_cast %parallel_loop3A_502 : vector<1x1x16xf32> to vector<16xf32>
        %parallel_loop3A_504 = vector.shape_cast %parallel_loop3A_497 : vector<16xf32> to vector<1x1x16xf32>
        tpu.vector_store %arg10[%parallel_loop3A_499, %parallel_loop3A_500, %parallel_loop3A_501], %parallel_loop3A_504 {strides = array<i32>} : memref<2x112x144xf32, #tpu.memory_space<vmem>>, vector<1x1x16xf32>,
        %parallel_loop3A_505 = arith.constant 1 : i32
        %parallel_loop3A_506 = arith.index_cast %parallel_loop3A_505 : i32 to index
        %parallel_loop3A_507 = arith.index_cast %parallel_loop3A_465 : i32 to index
        %parallel_loop3A_508 = arith.constant 16 : index
        %parallel_loop3A_509 = tpu.vector_load %arg10[%parallel_loop3A_506, %parallel_loop3A_507, %parallel_loop3A_508] {strides = array<i32>} : memref<2x112x144xf32, #tpu.memory_space<vmem>>, vector<1x1x16xf32>,
        %parallel_loop3A_510 = vector.shape_cast %parallel_loop3A_509 : vector<1x1x16xf32> to vector<16xf32>
        %parallel_loop3A_511 = arith.constant 1 : i32
        %parallel_loop3A_512 = vector.broadcast %parallel_loop3A_511 : i32 to vector<16x1xi32>
        %parallel_loop3A_513 = vector.shape_cast %parallel_loop3A_512 : vector<16x1xi32> to vector<16xi32>
        %parallel_loop3A_514 = tpu.dynamic_gather %parallel_loop3A_486[%parallel_loop3A_513] in [0] : vector<16xf32>, vector<16xi32> -> vector<16xf32>
        %parallel_loop3A_515 = arith.mulf %parallel_loop3A_510, %parallel_loop3A_514 : vector<16xf32>
        %parallel_loop3A_516 = arith.constant 1 : i32
        %parallel_loop3A_517 = arith.index_cast %parallel_loop3A_516 : i32 to index
        %parallel_loop3A_518 = arith.index_cast %parallel_loop3A_465 : i32 to index
        %parallel_loop3A_519 = arith.constant 16 : index
        %parallel_loop3A_520 = tpu.vector_load %arg10[%parallel_loop3A_517, %parallel_loop3A_518, %parallel_loop3A_519] {strides = array<i32>} : memref<2x112x144xf32, #tpu.memory_space<vmem>>, vector<1x1x16xf32>,
        %parallel_loop3A_521 = vector.shape_cast %parallel_loop3A_520 : vector<1x1x16xf32> to vector<16xf32>
        %parallel_loop3A_522 = vector.shape_cast %parallel_loop3A_515 : vector<16xf32> to vector<1x1x16xf32>
        tpu.vector_store %arg10[%parallel_loop3A_517, %parallel_loop3A_518, %parallel_loop3A_519], %parallel_loop3A_522 {strides = array<i32>} : memref<2x112x144xf32, #tpu.memory_space<vmem>>, vector<1x1x16xf32>,
        %parallel_loop3A_523 = arith.constant 1 : i32
        %parallel_loop3A_524 = arith.index_cast %parallel_loop3A_523 : i32 to index
        %parallel_loop3A_525 = arith.index_cast %parallel_loop3A_465 : i32 to index
        %parallel_loop3A_526 = arith.constant 32 : index
        %parallel_loop3A_527 = tpu.vector_load %arg10[%parallel_loop3A_524, %parallel_loop3A_525, %parallel_loop3A_526] {strides = array<i32>} : memref<2x112x144xf32, #tpu.memory_space<vmem>>, vector<1x1x16xf32>,
        %parallel_loop3A_528 = vector.shape_cast %parallel_loop3A_527 : vector<1x1x16xf32> to vector<16xf32>
        %parallel_loop3A_529 = arith.constant 2 : i32
        %parallel_loop3A_530 = vector.broadcast %parallel_loop3A_529 : i32 to vector<16x1xi32>
        %parallel_loop3A_531 = vector.shape_cast %parallel_loop3A_530 : vector<16x1xi32> to vector<16xi32>
        %parallel_loop3A_532 = tpu.dynamic_gather %parallel_loop3A_486[%parallel_loop3A_531] in [0] : vector<16xf32>, vector<16xi32> -> vector<16xf32>
        %parallel_loop3A_533 = arith.mulf %parallel_loop3A_528, %parallel_loop3A_532 : vector<16xf32>
        %parallel_loop3A_534 = arith.constant 1 : i32
        %parallel_loop3A_535 = arith.index_cast %parallel_loop3A_534 : i32 to index
        %parallel_loop3A_536 = arith.index_cast %parallel_loop3A_465 : i32 to index
        %parallel_loop3A_537 = arith.constant 32 : index
        %parallel_loop3A_538 = tpu.vector_load %arg10[%parallel_loop3A_535, %parallel_loop3A_536, %parallel_loop3A_537] {strides = array<i32>} : memref<2x112x144xf32, #tpu.memory_space<vmem>>, vector<1x1x16xf32>,
        %parallel_loop3A_539 = vector.shape_cast %parallel_loop3A_538 : vector<1x1x16xf32> to vector<16xf32>
        %parallel_loop3A_540 = vector.shape_cast %parallel_loop3A_533 : vector<16xf32> to vector<1x1x16xf32>
        tpu.vector_store %arg10[%parallel_loop3A_535, %parallel_loop3A_536, %parallel_loop3A_537], %parallel_loop3A_540 {strides = array<i32>} : memref<2x112x144xf32, #tpu.memory_space<vmem>>, vector<1x1x16xf32>,
        %parallel_loop3A_541 = arith.constant 1 : i32
        %parallel_loop3A_542 = arith.index_cast %parallel_loop3A_541 : i32 to index
        %parallel_loop3A_543 = arith.index_cast %parallel_loop3A_465 : i32 to index
        %parallel_loop3A_544 = arith.constant 48 : index
        %parallel_loop3A_545 = tpu.vector_load %arg10[%parallel_loop3A_542, %parallel_loop3A_543, %parallel_loop3A_544] {strides = array<i32>} : memref<2x112x144xf32, #tpu.memory_space<vmem>>, vector<1x1x16xf32>,
        %parallel_loop3A_546 = vector.shape_cast %parallel_loop3A_545 : vector<1x1x16xf32> to vector<16xf32>
        %parallel_loop3A_547 = arith.constant 3 : i32
        %parallel_loop3A_548 = vector.broadcast %parallel_loop3A_547 : i32 to vector<16x1xi32>
        %parallel_loop3A_549 = vector.shape_cast %parallel_loop3A_548 : vector<16x1xi32> to vector<16xi32>
        %parallel_loop3A_550 = tpu.dynamic_gather %parallel_loop3A_486[%parallel_loop3A_549] in [0] : vector<16xf32>, vector<16xi32> -> vector<16xf32>
        %parallel_loop3A_551 = arith.mulf %parallel_loop3A_546, %parallel_loop3A_550 : vector<16xf32>
        %parallel_loop3A_552 = arith.constant 1 : i32
        %parallel_loop3A_553 = arith.index_cast %parallel_loop3A_552 : i32 to index
        %parallel_loop3A_554 = arith.index_cast %parallel_loop3A_465 : i32 to index
        %parallel_loop3A_555 = arith.constant 48 : index
        %parallel_loop3A_556 = tpu.vector_load %arg10[%parallel_loop3A_553, %parallel_loop3A_554, %parallel_loop3A_555] {strides = array<i32>} : memref<2x112x144xf32, #tpu.memory_space<vmem>>, vector<1x1x16xf32>,
        %parallel_loop3A_557 = vector.shape_cast %parallel_loop3A_556 : vector<1x1x16xf32> to vector<16xf32>
        %parallel_loop3A_558 = vector.shape_cast %parallel_loop3A_551 : vector<16xf32> to vector<1x1x16xf32>
        tpu.vector_store %arg10[%parallel_loop3A_553, %parallel_loop3A_554, %parallel_loop3A_555], %parallel_loop3A_558 {strides = array<i32>} : memref<2x112x144xf32, #tpu.memory_space<vmem>>, vector<1x1x16xf32>,
        %parallel_loop3A_559 = arith.constant 1 : i32
        %parallel_loop3A_560 = arith.index_cast %parallel_loop3A_559 : i32 to index
        %parallel_loop3A_561 = arith.index_cast %parallel_loop3A_465 : i32 to index
        %parallel_loop3A_562 = arith.constant 64 : index
        %parallel_loop3A_563 = tpu.vector_load %arg10[%parallel_loop3A_560, %parallel_loop3A_561, %parallel_loop3A_562] {strides = array<i32>} : memref<2x112x144xf32, #tpu.memory_space<vmem>>, vector<1x1x16xf32>,
        %parallel_loop3A_564 = vector.shape_cast %parallel_loop3A_563 : vector<1x1x16xf32> to vector<16xf32>
        %parallel_loop3A_565 = arith.constant 4 : i32
        %parallel_loop3A_566 = vector.broadcast %parallel_loop3A_565 : i32 to vector<16x1xi32>
        %parallel_loop3A_567 = vector.shape_cast %parallel_loop3A_566 : vector<16x1xi32> to vector<16xi32>
        %parallel_loop3A_568 = tpu.dynamic_gather %parallel_loop3A_486[%parallel_loop3A_567] in [0] : vector<16xf32>, vector<16xi32> -> vector<16xf32>
        %parallel_loop3A_569 = arith.mulf %parallel_loop3A_564, %parallel_loop3A_568 : vector<16xf32>
        %parallel_loop3A_570 = arith.constant 1 : i32
        %parallel_loop3A_571 = arith.index_cast %parallel_loop3A_570 : i32 to index
        %parallel_loop3A_572 = arith.index_cast %parallel_loop3A_465 : i32 to index
        %parallel_loop3A_573 = arith.constant 64 : index
        %parallel_loop3A_574 = tpu.vector_load %arg10[%parallel_loop3A_571, %parallel_loop3A_572, %parallel_loop3A_573] {strides = array<i32>} : memref<2x112x144xf32, #tpu.memory_space<vmem>>, vector<1x1x16xf32>,
        %parallel_loop3A_575 = vector.shape_cast %parallel_loop3A_574 : vector<1x1x16xf32> to vector<16xf32>
        %parallel_loop3A_576 = vector.shape_cast %parallel_loop3A_569 : vector<16xf32> to vector<1x1x16xf32>
        tpu.vector_store %arg10[%parallel_loop3A_571, %parallel_loop3A_572, %parallel_loop3A_573], %parallel_loop3A_576 {strides = array<i32>} : memref<2x112x144xf32, #tpu.memory_space<vmem>>, vector<1x1x16xf32>,
        %parallel_loop3A_577 = arith.constant 1 : i32
        %parallel_loop3A_578 = arith.index_cast %parallel_loop3A_577 : i32 to index
        %parallel_loop3A_579 = arith.index_cast %parallel_loop3A_465 : i32 to index
        %parallel_loop3A_580 = arith.constant 80 : index
        %parallel_loop3A_581 = tpu.vector_load %arg10[%parallel_loop3A_578, %parallel_loop3A_579, %parallel_loop3A_580] {strides = array<i32>} : memref<2x112x144xf32, #tpu.memory_space<vmem>>, vector<1x1x16xf32>,
        %parallel_loop3A_582 = vector.shape_cast %parallel_loop3A_581 : vector<1x1x16xf32> to vector<16xf32>
        %parallel_loop3A_583 = arith.constant 5 : i32
        %parallel_loop3A_584 = vector.broadcast %parallel_loop3A_583 : i32 to vector<16x1xi32>
        %parallel_loop3A_585 = vector.shape_cast %parallel_loop3A_584 : vector<16x1xi32> to vector<16xi32>
        %parallel_loop3A_586 = tpu.dynamic_gather %parallel_loop3A_486[%parallel_loop3A_585] in [0] : vector<16xf32>, vector<16xi32> -> vector<16xf32>
        %parallel_loop3A_587 = arith.mulf %parallel_loop3A_582, %parallel_loop3A_586 : vector<16xf32>
        %parallel_loop3A_588 = arith.constant 1 : i32
        %parallel_loop3A_589 = arith.index_cast %parallel_loop3A_588 : i32 to index
        %parallel_loop3A_590 = arith.index_cast %parallel_loop3A_465 : i32 to index
        %parallel_loop3A_591 = arith.constant 80 : index
        %parallel_loop3A_592 = tpu.vector_load %arg10[%parallel_loop3A_589, %parallel_loop3A_590, %parallel_loop3A_591] {strides = array<i32>} : memref<2x112x144xf32, #tpu.memory_space<vmem>>, vector<1x1x16xf32>,
        %parallel_loop3A_593 = vector.shape_cast %parallel_loop3A_592 : vector<1x1x16xf32> to vector<16xf32>
        %parallel_loop3A_594 = vector.shape_cast %parallel_loop3A_587 : vector<16xf32> to vector<1x1x16xf32>
        tpu.vector_store %arg10[%parallel_loop3A_589, %parallel_loop3A_590, %parallel_loop3A_591], %parallel_loop3A_594 {strides = array<i32>} : memref<2x112x144xf32, #tpu.memory_space<vmem>>, vector<1x1x16xf32>,
        %parallel_loop3A_595 = arith.constant 1 : i32
        %parallel_loop3A_596 = arith.index_cast %parallel_loop3A_595 : i32 to index
        %parallel_loop3A_597 = arith.index_cast %parallel_loop3A_465 : i32 to index
        %parallel_loop3A_598 = arith.constant 96 : index
        %parallel_loop3A_599 = tpu.vector_load %arg10[%parallel_loop3A_596, %parallel_loop3A_597, %parallel_loop3A_598] {strides = array<i32>} : memref<2x112x144xf32, #tpu.memory_space<vmem>>, vector<1x1x16xf32>,
        %parallel_loop3A_600 = vector.shape_cast %parallel_loop3A_599 : vector<1x1x16xf32> to vector<16xf32>
        %parallel_loop3A_601 = arith.constant 6 : i32
        %parallel_loop3A_602 = vector.broadcast %parallel_loop3A_601 : i32 to vector<16x1xi32>
        %parallel_loop3A_603 = vector.shape_cast %parallel_loop3A_602 : vector<16x1xi32> to vector<16xi32>
        %parallel_loop3A_604 = tpu.dynamic_gather %parallel_loop3A_486[%parallel_loop3A_603] in [0] : vector<16xf32>, vector<16xi32> -> vector<16xf32>
        %parallel_loop3A_605 = arith.mulf %parallel_loop3A_600, %parallel_loop3A_604 : vector<16xf32>
        %parallel_loop3A_606 = arith.constant 1 : i32
        %parallel_loop3A_607 = arith.index_cast %parallel_loop3A_606 : i32 to index
        %parallel_loop3A_608 = arith.index_cast %parallel_loop3A_465 : i32 to index
        %parallel_loop3A_609 = arith.constant 96 : index
        %parallel_loop3A_610 = tpu.vector_load %arg10[%parallel_loop3A_607, %parallel_loop3A_608, %parallel_loop3A_609] {strides = array<i32>} : memref<2x112x144xf32, #tpu.memory_space<vmem>>, vector<1x1x16xf32>,
        %parallel_loop3A_611 = vector.shape_cast %parallel_loop3A_610 : vector<1x1x16xf32> to vector<16xf32>
        %parallel_loop3A_612 = vector.shape_cast %parallel_loop3A_605 : vector<16xf32> to vector<1x1x16xf32>
        tpu.vector_store %arg10[%parallel_loop3A_607, %parallel_loop3A_608, %parallel_loop3A_609], %parallel_loop3A_612 {strides = array<i32>} : memref<2x112x144xf32, #tpu.memory_space<vmem>>, vector<1x1x16xf32>,
        %parallel_loop3A_613 = arith.constant 1 : i32
        %parallel_loop3A_614 = arith.index_cast %parallel_loop3A_613 : i32 to index
        %parallel_loop3A_615 = arith.index_cast %parallel_loop3A_465 : i32 to index
        %parallel_loop3A_616 = arith.constant 112 : index
        %parallel_loop3A_617 = tpu.vector_load %arg10[%parallel_loop3A_614, %parallel_loop3A_615, %parallel_loop3A_616] {strides = array<i32>} : memref<2x112x144xf32, #tpu.memory_space<vmem>>, vector<1x1x16xf32>,
        %parallel_loop3A_618 = vector.shape_cast %parallel_loop3A_617 : vector<1x1x16xf32> to vector<16xf32>
        %parallel_loop3A_619 = arith.constant 7 : i32
        %parallel_loop3A_620 = vector.broadcast %parallel_loop3A_619 : i32 to vector<16x1xi32>
        %parallel_loop3A_621 = vector.shape_cast %parallel_loop3A_620 : vector<16x1xi32> to vector<16xi32>
        %parallel_loop3A_622 = tpu.dynamic_gather %parallel_loop3A_486[%parallel_loop3A_621] in [0] : vector<16xf32>, vector<16xi32> -> vector<16xf32>
        %parallel_loop3A_623 = arith.mulf %parallel_loop3A_618, %parallel_loop3A_622 : vector<16xf32>
        %parallel_loop3A_624 = arith.constant 1 : i32
        %parallel_loop3A_625 = arith.index_cast %parallel_loop3A_624 : i32 to index
        %parallel_loop3A_626 = arith.index_cast %parallel_loop3A_465 : i32 to index
        %parallel_loop3A_627 = arith.constant 112 : index
        %parallel_loop3A_628 = tpu.vector_load %arg10[%parallel_loop3A_625, %parallel_loop3A_626, %parallel_loop3A_627] {strides = array<i32>} : memref<2x112x144xf32, #tpu.memory_space<vmem>>, vector<1x1x16xf32>,
        %parallel_loop3A_629 = vector.shape_cast %parallel_loop3A_628 : vector<1x1x16xf32> to vector<16xf32>
        %parallel_loop3A_630 = vector.shape_cast %parallel_loop3A_623 : vector<16xf32> to vector<1x1x16xf32>
        tpu.vector_store %arg10[%parallel_loop3A_625, %parallel_loop3A_626, %parallel_loop3A_627], %parallel_loop3A_630 {strides = array<i32>} : memref<2x112x144xf32, #tpu.memory_space<vmem>>, vector<1x1x16xf32>,
        %parallel_loop3A_631 = arith.constant 1 : i32
        %parallel_loop3A_632 = arith.index_cast %parallel_loop3A_631 : i32 to index
        %parallel_loop3A_633 = arith.index_cast %parallel_loop3A_465 : i32 to index
        %parallel_loop3A_634 = arith.constant 128 : index
        %parallel_loop3A_635 = tpu.vector_load %arg10[%parallel_loop3A_632, %parallel_loop3A_633, %parallel_loop3A_634] {strides = array<i32>} : memref<2x112x144xf32, #tpu.memory_space<vmem>>, vector<1x1x16xf32>,
        %parallel_loop3A_636 = vector.shape_cast %parallel_loop3A_635 : vector<1x1x16xf32> to vector<16xf32>
        %parallel_loop3A_637 = vector.shape_cast %parallel_loop3A_486 : vector<16xf32> to vector<1x1x16xf32>
        tpu.vector_store %arg10[%parallel_loop3A_632, %parallel_loop3A_633, %parallel_loop3A_634], %parallel_loop3A_637 {strides = array<i32>} : memref<2x112x144xf32, #tpu.memory_space<vmem>>, vector<1x1x16xf32>,
      } {sc.loop_unroll_factor = 4 : i64, sc.parallel_access}
      %dma_start3A_315 = arith.constant 1 : i32
      %dma_start3A_316 = arith.constant 3 : i32
      %dma_start3A_317 = arith.constant 0 : i32
      %dma_start3A_318 = arith.constant 0 : i32
      %dma_start3A_319 = tpu.memref_slice %arg10[%dma_start3A_315, %dma_start3A_317, %dma_start3A_318] : memref<2x112x144xf32, #tpu.memory_space<vmem>> -> memref<1x112x144xf32, #tpu.memory_space<vmem>>
      %dma_start3A_320 = tpu.memref_squeeze %dma_start3A_319 : memref<1x112x144xf32, #tpu.memory_space<vmem>> -> memref<112x144xf32, #tpu.memory_space<vmem>>
      %dma_start3A_321 = arith.constant 0 : i32
      %dma_start3A_322 = tpu.memref_slice %arg9[%dma_start3A_316, %dma_start3A_321] : memref<6x112xi32, #tpu.memory_space<vmem>> -> memref<1x112xi32, #tpu.memory_space<vmem>>
      %dma_start3A_323 = tpu.memref_squeeze %dma_start3A_322 : memref<1x112xi32, #tpu.memory_space<vmem>> -> memref<112xi32, #tpu.memory_space<vmem>>
      %dma_start3A_324 = arith.constant 0 : i32
      %dma_start3A_325 = arith.constant 0 : i32
      %dma_start3A_326 = tpu.memref_slice %arg12[%dma_start3A_324, %dma_start3A_325] : memref<10240x144xf32, #tpu.memory_space<vmem_shared>> -> memref<10240x144xf32, #tpu.memory_space<vmem_shared>>
      tpu.enqueue_indirect_dma source(%dma_start3A_320 : memref<112x144xf32, #tpu.memory_space<vmem>>) target(%dma_start3A_326 : memref<10240x144xf32, #tpu.memory_space<vmem_shared>>) offsets(%dma_start3A_323 : memref<112xi32, #tpu.memory_space<vmem>>) semaphore(%arg18 : memref<!tpu.dma_semaphore, #tpu.memory_space<semaphore_mem>>) {add = true}
      %dma_wait3A_327 = arith.constant 1 : i32
      %dma_wait3A_328 = arith.constant 3 : i32
      %dma_wait3A_329 = arith.constant 0 : i32
      %dma_wait3A_330 = arith.constant 0 : i32
      %dma_wait3A_331 = tpu.memref_slice %arg10[%dma_wait3A_327, %dma_wait3A_329, %dma_wait3A_330] : memref<2x112x144xf32, #tpu.memory_space<vmem>> -> memref<1x112x144xf32, #tpu.memory_space<vmem>>
      %dma_wait3A_332 = tpu.memref_squeeze %dma_wait3A_331 : memref<1x112x144xf32, #tpu.memory_space<vmem>> -> memref<112x144xf32, #tpu.memory_space<vmem>>
      %dma_wait3A_333 = arith.constant 0 : i32
      %dma_wait3A_334 = tpu.memref_slice %arg9[%dma_wait3A_328, %dma_wait3A_333] : memref<6x112xi32, #tpu.memory_space<vmem>> -> memref<1x112xi32, #tpu.memory_space<vmem>>
      %dma_wait3A_335 = tpu.memref_squeeze %dma_wait3A_334 : memref<1x112xi32, #tpu.memory_space<vmem>> -> memref<112xi32, #tpu.memory_space<vmem>>
      %dma_wait3A_336 = arith.constant 0 : i32
      %dma_wait3A_337 = arith.constant 0 : i32
      %dma_wait3A_338 = tpu.memref_slice %arg12[%dma_wait3A_336, %dma_wait3A_337] : memref<10240x144xf32, #tpu.memory_space<vmem_shared>> -> memref<10240x144xf32, #tpu.memory_space<vmem_shared>>
      tpu.wait_indirect_dma semaphore(%arg18 : memref<!tpu.dma_semaphore, #tpu.memory_space<semaphore_mem>>) src(%dma_wait3A_332 : memref<112x144xf32, #tpu.memory_space<vmem>>) dst(%dma_wait3A_338 : memref<10240x144xf32, #tpu.memory_space<vmem_shared>>)
      %dma_start3A_339 = arith.constant 5 : i32
      %dma_start3A_340 = arith.constant 1 : i32
      %dma_start3A_341 = arith.constant 0 : i32
      %dma_start3A_342 = arith.constant 0 : i32
      %dma_start3A_343 = tpu.memref_slice %arg10[%dma_start3A_340, %dma_start3A_341, %dma_start3A_342] : memref<2x112x144xf32, #tpu.memory_space<vmem>> -> memref<1x112x144xf32, #tpu.memory_space<vmem>>
      %dma_start3A_344 = tpu.memref_squeeze %dma_start3A_343 : memref<1x112x144xf32, #tpu.memory_space<vmem>> -> memref<112x144xf32, #tpu.memory_space<vmem>>
      %dma_start3A_345 = arith.constant 0 : i32
      %dma_start3A_346 = tpu.memref_slice %arg8[%dma_start3A_339, %dma_start3A_345] : memref<6x112xi32, #tpu.memory_space<vmem>> -> memref<1x112xi32, #tpu.memory_space<vmem>>
      %dma_start3A_347 = tpu.memref_squeeze %dma_start3A_346 : memref<1x112xi32, #tpu.memory_space<vmem>> -> memref<112xi32, #tpu.memory_space<vmem>>
      %dma_start3A_348 = arith.constant 0 : i32
      %dma_start3A_349 = arith.constant 0 : i32
      %dma_start3A_350 = tpu.memref_slice %arg2[%dma_start3A_348, %dma_start3A_349] : memref<10240x144xf32, #tpu.memory_space<hbm>> -> memref<10240x144xf32, #tpu.memory_space<hbm>>
      tpu.enqueue_indirect_dma source(%dma_start3A_350 : memref<10240x144xf32, #tpu.memory_space<hbm>>) target(%dma_start3A_344 : memref<112x144xf32, #tpu.memory_space<vmem>>) offsets(%dma_start3A_347 : memref<112xi32, #tpu.memory_space<vmem>>) semaphore(%arg14 : memref<!tpu.dma_semaphore, #tpu.memory_space<semaphore_mem>>)
      %dma_start3A_351 = arith.constant 5 : i32
      %dma_start3A_352 = arith.constant 1 : i32
      %dma_start3A_353 = arith.constant 0 : i32
      %dma_start3A_354 = arith.constant 0 : i32
      %dma_start3A_355 = tpu.memref_slice %arg11[%dma_start3A_352, %dma_start3A_353, %dma_start3A_354] : memref<2x112x16xf32, #tpu.memory_space<vmem>> -> memref<1x112x16xf32, #tpu.memory_space<vmem>>
      %dma_start3A_356 = tpu.memref_squeeze %dma_start3A_355 : memref<1x112x16xf32, #tpu.memory_space<vmem>> -> memref<112x16xf32, #tpu.memory_space<vmem>>
      %dma_start3A_357 = arith.constant 0 : i32
      %dma_start3A_358 = tpu.memref_slice %arg9[%dma_start3A_351, %dma_start3A_357] : memref<6x112xi32, #tpu.memory_space<vmem>> -> memref<1x112xi32, #tpu.memory_space<vmem>>
      %dma_start3A_359 = tpu.memref_squeeze %dma_start3A_358 : memref<1x112xi32, #tpu.memory_space<vmem>> -> memref<112xi32, #tpu.memory_space<vmem>>
      %dma_start3A_360 = arith.constant 0 : i32
      %dma_start3A_361 = arith.constant 0 : i32
      %dma_start3A_362 = tpu.memref_slice %arg3[%dma_start3A_360, %dma_start3A_361] : memref<10240x16xf32, #tpu.memory_space<hbm>> -> memref<10240x16xf32, #tpu.memory_space<hbm>>
      tpu.enqueue_indirect_dma source(%dma_start3A_362 : memref<10240x16xf32, #tpu.memory_space<hbm>>) target(%dma_start3A_356 : memref<112x16xf32, #tpu.memory_space<vmem>>) offsets(%dma_start3A_359 : memref<112xi32, #tpu.memory_space<vmem>>) semaphore(%arg16 : memref<!tpu.dma_semaphore, #tpu.memory_space<semaphore_mem>>)
      %dma_wait3A_363 = arith.constant 4 : i32
      %dma_wait3A_364 = arith.constant 0 : i32
      %dma_wait3A_365 = arith.constant 0 : i32
      %dma_wait3A_366 = arith.constant 0 : i32
      %dma_wait3A_367 = tpu.memref_slice %arg10[%dma_wait3A_364, %dma_wait3A_365, %dma_wait3A_366] : memref<2x112x144xf32, #tpu.memory_space<vmem>> -> memref<1x112x144xf32, #tpu.memory_space<vmem>>
      %dma_wait3A_368 = tpu.memref_squeeze %dma_wait3A_367 : memref<1x112x144xf32, #tpu.memory_space<vmem>> -> memref<112x144xf32, #tpu.memory_space<vmem>>
      %dma_wait3A_369 = arith.constant 0 : i32
      %dma_wait3A_370 = tpu.memref_slice %arg8[%dma_wait3A_363, %dma_wait3A_369] : memref<6x112xi32, #tpu.memory_space<vmem>> -> memref<1x112xi32, #tpu.memory_space<vmem>>
      %dma_wait3A_371 = tpu.memref_squeeze %dma_wait3A_370 : memref<1x112xi32, #tpu.memory_space<vmem>> -> memref<112xi32, #tpu.memory_space<vmem>>
      %dma_wait3A_372 = arith.constant 0 : i32
      %dma_wait3A_373 = arith.constant 0 : i32
      %dma_wait3A_374 = tpu.memref_slice %arg2[%dma_wait3A_372, %dma_wait3A_373] : memref<10240x144xf32, #tpu.memory_space<hbm>> -> memref<10240x144xf32, #tpu.memory_space<hbm>>
      tpu.wait_indirect_dma semaphore(%arg13 : memref<!tpu.dma_semaphore, #tpu.memory_space<semaphore_mem>>) src(%dma_wait3A_374 : memref<10240x144xf32, #tpu.memory_space<hbm>>) dst(%dma_wait3A_368 : memref<112x144xf32, #tpu.memory_space<vmem>>)
      %dma_wait3A_375 = arith.constant 4 : i32
      %dma_wait3A_376 = arith.constant 0 : i32
      %dma_wait3A_377 = arith.constant 0 : i32
      %dma_wait3A_378 = arith.constant 0 : i32
      %dma_wait3A_379 = tpu.memref_slice %arg11[%dma_wait3A_376, %dma_wait3A_377, %dma_wait3A_378] : memref<2x112x16xf32, #tpu.memory_space<vmem>> -> memref<1x112x16xf32, #tpu.memory_space<vmem>>
      %dma_wait3A_380 = tpu.memref_squeeze %dma_wait3A_379 : memref<1x112x16xf32, #tpu.memory_space<vmem>> -> memref<112x16xf32, #tpu.memory_space<vmem>>
      %dma_wait3A_381 = arith.constant 0 : i32
      %dma_wait3A_382 = tpu.memref_slice %arg9[%dma_wait3A_375, %dma_wait3A_381] : memref<6x112xi32, #tpu.memory_space<vmem>> -> memref<1x112xi32, #tpu.memory_space<vmem>>
      %dma_wait3A_383 = tpu.memref_squeeze %dma_wait3A_382 : memref<1x112xi32, #tpu.memory_space<vmem>> -> memref<112xi32, #tpu.memory_space<vmem>>
      %dma_wait3A_384 = arith.constant 0 : i32
      %dma_wait3A_385 = arith.constant 0 : i32
      %dma_wait3A_386 = tpu.memref_slice %arg3[%dma_wait3A_384, %dma_wait3A_385] : memref<10240x16xf32, #tpu.memory_space<hbm>> -> memref<10240x16xf32, #tpu.memory_space<hbm>>
      tpu.wait_indirect_dma semaphore(%arg15 : memref<!tpu.dma_semaphore, #tpu.memory_space<semaphore_mem>>) src(%dma_wait3A_386 : memref<10240x16xf32, #tpu.memory_space<hbm>>) dst(%dma_wait3A_380 : memref<112x16xf32, #tpu.memory_space<vmem>>)
      %parallel_loop3A_387 = arith.constant 0 : i32
      %parallel_loop3A_388 = arith.constant 112 : i32
      %parallel_loop3A_389 = arith.constant 1 : i32
      scf.for %parallel_loop3A_465 = %parallel_loop3A_387 to %parallel_loop3A_388 step %parallel_loop3A_389  : i32 {
        %parallel_loop3A_466 = arith.constant 0 : i32
        %parallel_loop3A_467 = arith.index_cast %parallel_loop3A_466 : i32 to index
        %parallel_loop3A_468 = arith.index_cast %parallel_loop3A_465 : i32 to index
        %parallel_loop3A_469 = arith.constant 128 : index
        %parallel_loop3A_470 = tpu.vector_load %arg10[%parallel_loop3A_467, %parallel_loop3A_468, %parallel_loop3A_469] {strides = array<i32>} : memref<2x112x144xf32, #tpu.memory_space<vmem>>, vector<1x1x16xf32>,
        %parallel_loop3A_471 = vector.shape_cast %parallel_loop3A_470 : vector<1x1x16xf32> to vector<16xf32>
        %parallel_loop3A_472 = arith.constant 0 : i32
        %parallel_loop3A_473 = arith.index_cast %parallel_loop3A_472 : i32 to index
        %parallel_loop3A_474 = arith.index_cast %parallel_loop3A_465 : i32 to index
        %parallel_loop3A_475 = arith.constant 0 : index
        %parallel_loop3A_476 = tpu.vector_load %arg11[%parallel_loop3A_473, %parallel_loop3A_474, %parallel_loop3A_475] {strides = array<i32>} : memref<2x112x16xf32, #tpu.memory_space<vmem>>, vector<1x1x16xf32>,
        %parallel_loop3A_477 = vector.shape_cast %parallel_loop3A_476 : vector<1x1x16xf32> to vector<16xf32>
        %parallel_loop3A_478 = arith.addf %parallel_loop3A_471, %parallel_loop3A_477 : vector<16xf32>
        %parallel_loop3A_479 = arith.constant 2.000000e-01 : f32
        %parallel_loop3A_480 = vector.broadcast %parallel_loop3A_479 : f32 to vector<16xf32>
        %parallel_loop3A_481 = arith.mulf %parallel_loop3A_478, %parallel_loop3A_480 : vector<16xf32>
        %parallel_loop3A_482 = arith.maximumf %parallel_loop3A_478, %parallel_loop3A_481 : vector<16xf32>
        %parallel_loop3A_483 = math.exp %parallel_loop3A_482 : vector<16xf32>
        %parallel_loop3A_484 = arith.constant 1.000000e+01 : f32
        %parallel_loop3A_485 = vector.broadcast %parallel_loop3A_484 : f32 to vector<16xf32>
        %parallel_loop3A_486 = arith.minimumf %parallel_loop3A_483, %parallel_loop3A_485 : vector<16xf32>
        %parallel_loop3A_487 = arith.constant 0 : i32
        %parallel_loop3A_488 = arith.index_cast %parallel_loop3A_487 : i32 to index
        %parallel_loop3A_489 = arith.index_cast %parallel_loop3A_465 : i32 to index
        %parallel_loop3A_490 = arith.constant 0 : index
        %parallel_loop3A_491 = tpu.vector_load %arg10[%parallel_loop3A_488, %parallel_loop3A_489, %parallel_loop3A_490] {strides = array<i32>} : memref<2x112x144xf32, #tpu.memory_space<vmem>>, vector<1x1x16xf32>,
        %parallel_loop3A_492 = vector.shape_cast %parallel_loop3A_491 : vector<1x1x16xf32> to vector<16xf32>
        %parallel_loop3A_493 = arith.constant 0 : i32
        %parallel_loop3A_494 = vector.broadcast %parallel_loop3A_493 : i32 to vector<16x1xi32>
        %parallel_loop3A_495 = vector.shape_cast %parallel_loop3A_494 : vector<16x1xi32> to vector<16xi32>
        %parallel_loop3A_496 = tpu.dynamic_gather %parallel_loop3A_486[%parallel_loop3A_495] in [0] : vector<16xf32>, vector<16xi32> -> vector<16xf32>
        %parallel_loop3A_497 = arith.mulf %parallel_loop3A_492, %parallel_loop3A_496 : vector<16xf32>
        %parallel_loop3A_498 = arith.constant 0 : i32
        %parallel_loop3A_499 = arith.index_cast %parallel_loop3A_498 : i32 to index
        %parallel_loop3A_500 = arith.index_cast %parallel_loop3A_465 : i32 to index
        %parallel_loop3A_501 = arith.constant 0 : index
        %parallel_loop3A_502 = tpu.vector_load %arg10[%parallel_loop3A_499, %parallel_loop3A_500, %parallel_loop3A_501] {strides = array<i32>} : memref<2x112x144xf32, #tpu.memory_space<vmem>>, vector<1x1x16xf32>,
        %parallel_loop3A_503 = vector.shape_cast %parallel_loop3A_502 : vector<1x1x16xf32> to vector<16xf32>
        %parallel_loop3A_504 = vector.shape_cast %parallel_loop3A_497 : vector<16xf32> to vector<1x1x16xf32>
        tpu.vector_store %arg10[%parallel_loop3A_499, %parallel_loop3A_500, %parallel_loop3A_501], %parallel_loop3A_504 {strides = array<i32>} : memref<2x112x144xf32, #tpu.memory_space<vmem>>, vector<1x1x16xf32>,
        %parallel_loop3A_505 = arith.constant 0 : i32
        %parallel_loop3A_506 = arith.index_cast %parallel_loop3A_505 : i32 to index
        %parallel_loop3A_507 = arith.index_cast %parallel_loop3A_465 : i32 to index
        %parallel_loop3A_508 = arith.constant 16 : index
        %parallel_loop3A_509 = tpu.vector_load %arg10[%parallel_loop3A_506, %parallel_loop3A_507, %parallel_loop3A_508] {strides = array<i32>} : memref<2x112x144xf32, #tpu.memory_space<vmem>>, vector<1x1x16xf32>,
        %parallel_loop3A_510 = vector.shape_cast %parallel_loop3A_509 : vector<1x1x16xf32> to vector<16xf32>
        %parallel_loop3A_511 = arith.constant 1 : i32
        %parallel_loop3A_512 = vector.broadcast %parallel_loop3A_511 : i32 to vector<16x1xi32>
        %parallel_loop3A_513 = vector.shape_cast %parallel_loop3A_512 : vector<16x1xi32> to vector<16xi32>
        %parallel_loop3A_514 = tpu.dynamic_gather %parallel_loop3A_486[%parallel_loop3A_513] in [0] : vector<16xf32>, vector<16xi32> -> vector<16xf32>
        %parallel_loop3A_515 = arith.mulf %parallel_loop3A_510, %parallel_loop3A_514 : vector<16xf32>
        %parallel_loop3A_516 = arith.constant 0 : i32
        %parallel_loop3A_517 = arith.index_cast %parallel_loop3A_516 : i32 to index
        %parallel_loop3A_518 = arith.index_cast %parallel_loop3A_465 : i32 to index
        %parallel_loop3A_519 = arith.constant 16 : index
        %parallel_loop3A_520 = tpu.vector_load %arg10[%parallel_loop3A_517, %parallel_loop3A_518, %parallel_loop3A_519] {strides = array<i32>} : memref<2x112x144xf32, #tpu.memory_space<vmem>>, vector<1x1x16xf32>,
        %parallel_loop3A_521 = vector.shape_cast %parallel_loop3A_520 : vector<1x1x16xf32> to vector<16xf32>
        %parallel_loop3A_522 = vector.shape_cast %parallel_loop3A_515 : vector<16xf32> to vector<1x1x16xf32>
        tpu.vector_store %arg10[%parallel_loop3A_517, %parallel_loop3A_518, %parallel_loop3A_519], %parallel_loop3A_522 {strides = array<i32>} : memref<2x112x144xf32, #tpu.memory_space<vmem>>, vector<1x1x16xf32>,
        %parallel_loop3A_523 = arith.constant 0 : i32
        %parallel_loop3A_524 = arith.index_cast %parallel_loop3A_523 : i32 to index
        %parallel_loop3A_525 = arith.index_cast %parallel_loop3A_465 : i32 to index
        %parallel_loop3A_526 = arith.constant 32 : index
        %parallel_loop3A_527 = tpu.vector_load %arg10[%parallel_loop3A_524, %parallel_loop3A_525, %parallel_loop3A_526] {strides = array<i32>} : memref<2x112x144xf32, #tpu.memory_space<vmem>>, vector<1x1x16xf32>,
        %parallel_loop3A_528 = vector.shape_cast %parallel_loop3A_527 : vector<1x1x16xf32> to vector<16xf32>
        %parallel_loop3A_529 = arith.constant 2 : i32
        %parallel_loop3A_530 = vector.broadcast %parallel_loop3A_529 : i32 to vector<16x1xi32>
        %parallel_loop3A_531 = vector.shape_cast %parallel_loop3A_530 : vector<16x1xi32> to vector<16xi32>
        %parallel_loop3A_532 = tpu.dynamic_gather %parallel_loop3A_486[%parallel_loop3A_531] in [0] : vector<16xf32>, vector<16xi32> -> vector<16xf32>
        %parallel_loop3A_533 = arith.mulf %parallel_loop3A_528, %parallel_loop3A_532 : vector<16xf32>
        %parallel_loop3A_534 = arith.constant 0 : i32
        %parallel_loop3A_535 = arith.index_cast %parallel_loop3A_534 : i32 to index
        %parallel_loop3A_536 = arith.index_cast %parallel_loop3A_465 : i32 to index
        %parallel_loop3A_537 = arith.constant 32 : index
        %parallel_loop3A_538 = tpu.vector_load %arg10[%parallel_loop3A_535, %parallel_loop3A_536, %parallel_loop3A_537] {strides = array<i32>} : memref<2x112x144xf32, #tpu.memory_space<vmem>>, vector<1x1x16xf32>,
        %parallel_loop3A_539 = vector.shape_cast %parallel_loop3A_538 : vector<1x1x16xf32> to vector<16xf32>
        %parallel_loop3A_540 = vector.shape_cast %parallel_loop3A_533 : vector<16xf32> to vector<1x1x16xf32>
        tpu.vector_store %arg10[%parallel_loop3A_535, %parallel_loop3A_536, %parallel_loop3A_537], %parallel_loop3A_540 {strides = array<i32>} : memref<2x112x144xf32, #tpu.memory_space<vmem>>, vector<1x1x16xf32>,
        %parallel_loop3A_541 = arith.constant 0 : i32
        %parallel_loop3A_542 = arith.index_cast %parallel_loop3A_541 : i32 to index
        %parallel_loop3A_543 = arith.index_cast %parallel_loop3A_465 : i32 to index
        %parallel_loop3A_544 = arith.constant 48 : index
        %parallel_loop3A_545 = tpu.vector_load %arg10[%parallel_loop3A_542, %parallel_loop3A_543, %parallel_loop3A_544] {strides = array<i32>} : memref<2x112x144xf32, #tpu.memory_space<vmem>>, vector<1x1x16xf32>,
        %parallel_loop3A_546 = vector.shape_cast %parallel_loop3A_545 : vector<1x1x16xf32> to vector<16xf32>
        %parallel_loop3A_547 = arith.constant 3 : i32
        %parallel_loop3A_548 = vector.broadcast %parallel_loop3A_547 : i32 to vector<16x1xi32>
        %parallel_loop3A_549 = vector.shape_cast %parallel_loop3A_548 : vector<16x1xi32> to vector<16xi32>
        %parallel_loop3A_550 = tpu.dynamic_gather %parallel_loop3A_486[%parallel_loop3A_549] in [0] : vector<16xf32>, vector<16xi32> -> vector<16xf32>
        %parallel_loop3A_551 = arith.mulf %parallel_loop3A_546, %parallel_loop3A_550 : vector<16xf32>
        %parallel_loop3A_552 = arith.constant 0 : i32
        %parallel_loop3A_553 = arith.index_cast %parallel_loop3A_552 : i32 to index
        %parallel_loop3A_554 = arith.index_cast %parallel_loop3A_465 : i32 to index
        %parallel_loop3A_555 = arith.constant 48 : index
        %parallel_loop3A_556 = tpu.vector_load %arg10[%parallel_loop3A_553, %parallel_loop3A_554, %parallel_loop3A_555] {strides = array<i32>} : memref<2x112x144xf32, #tpu.memory_space<vmem>>, vector<1x1x16xf32>,
        %parallel_loop3A_557 = vector.shape_cast %parallel_loop3A_556 : vector<1x1x16xf32> to vector<16xf32>
        %parallel_loop3A_558 = vector.shape_cast %parallel_loop3A_551 : vector<16xf32> to vector<1x1x16xf32>
        tpu.vector_store %arg10[%parallel_loop3A_553, %parallel_loop3A_554, %parallel_loop3A_555], %parallel_loop3A_558 {strides = array<i32>} : memref<2x112x144xf32, #tpu.memory_space<vmem>>, vector<1x1x16xf32>,
        %parallel_loop3A_559 = arith.constant 0 : i32
        %parallel_loop3A_560 = arith.index_cast %parallel_loop3A_559 : i32 to index
        %parallel_loop3A_561 = arith.index_cast %parallel_loop3A_465 : i32 to index
        %parallel_loop3A_562 = arith.constant 64 : index
        %parallel_loop3A_563 = tpu.vector_load %arg10[%parallel_loop3A_560, %parallel_loop3A_561, %parallel_loop3A_562] {strides = array<i32>} : memref<2x112x144xf32, #tpu.memory_space<vmem>>, vector<1x1x16xf32>,
        %parallel_loop3A_564 = vector.shape_cast %parallel_loop3A_563 : vector<1x1x16xf32> to vector<16xf32>
        %parallel_loop3A_565 = arith.constant 4 : i32
        %parallel_loop3A_566 = vector.broadcast %parallel_loop3A_565 : i32 to vector<16x1xi32>
        %parallel_loop3A_567 = vector.shape_cast %parallel_loop3A_566 : vector<16x1xi32> to vector<16xi32>
        %parallel_loop3A_568 = tpu.dynamic_gather %parallel_loop3A_486[%parallel_loop3A_567] in [0] : vector<16xf32>, vector<16xi32> -> vector<16xf32>
        %parallel_loop3A_569 = arith.mulf %parallel_loop3A_564, %parallel_loop3A_568 : vector<16xf32>
        %parallel_loop3A_570 = arith.constant 0 : i32
        %parallel_loop3A_571 = arith.index_cast %parallel_loop3A_570 : i32 to index
        %parallel_loop3A_572 = arith.index_cast %parallel_loop3A_465 : i32 to index
        %parallel_loop3A_573 = arith.constant 64 : index
        %parallel_loop3A_574 = tpu.vector_load %arg10[%parallel_loop3A_571, %parallel_loop3A_572, %parallel_loop3A_573] {strides = array<i32>} : memref<2x112x144xf32, #tpu.memory_space<vmem>>, vector<1x1x16xf32>,
        %parallel_loop3A_575 = vector.shape_cast %parallel_loop3A_574 : vector<1x1x16xf32> to vector<16xf32>
        %parallel_loop3A_576 = vector.shape_cast %parallel_loop3A_569 : vector<16xf32> to vector<1x1x16xf32>
        tpu.vector_store %arg10[%parallel_loop3A_571, %parallel_loop3A_572, %parallel_loop3A_573], %parallel_loop3A_576 {strides = array<i32>} : memref<2x112x144xf32, #tpu.memory_space<vmem>>, vector<1x1x16xf32>,
        %parallel_loop3A_577 = arith.constant 0 : i32
        %parallel_loop3A_578 = arith.index_cast %parallel_loop3A_577 : i32 to index
        %parallel_loop3A_579 = arith.index_cast %parallel_loop3A_465 : i32 to index
        %parallel_loop3A_580 = arith.constant 80 : index
        %parallel_loop3A_581 = tpu.vector_load %arg10[%parallel_loop3A_578, %parallel_loop3A_579, %parallel_loop3A_580] {strides = array<i32>} : memref<2x112x144xf32, #tpu.memory_space<vmem>>, vector<1x1x16xf32>,
        %parallel_loop3A_582 = vector.shape_cast %parallel_loop3A_581 : vector<1x1x16xf32> to vector<16xf32>
        %parallel_loop3A_583 = arith.constant 5 : i32
        %parallel_loop3A_584 = vector.broadcast %parallel_loop3A_583 : i32 to vector<16x1xi32>
        %parallel_loop3A_585 = vector.shape_cast %parallel_loop3A_584 : vector<16x1xi32> to vector<16xi32>
        %parallel_loop3A_586 = tpu.dynamic_gather %parallel_loop3A_486[%parallel_loop3A_585] in [0] : vector<16xf32>, vector<16xi32> -> vector<16xf32>
        %parallel_loop3A_587 = arith.mulf %parallel_loop3A_582, %parallel_loop3A_586 : vector<16xf32>
        %parallel_loop3A_588 = arith.constant 0 : i32
        %parallel_loop3A_589 = arith.index_cast %parallel_loop3A_588 : i32 to index
        %parallel_loop3A_590 = arith.index_cast %parallel_loop3A_465 : i32 to index
        %parallel_loop3A_591 = arith.constant 80 : index
        %parallel_loop3A_592 = tpu.vector_load %arg10[%parallel_loop3A_589, %parallel_loop3A_590, %parallel_loop3A_591] {strides = array<i32>} : memref<2x112x144xf32, #tpu.memory_space<vmem>>, vector<1x1x16xf32>,
        %parallel_loop3A_593 = vector.shape_cast %parallel_loop3A_592 : vector<1x1x16xf32> to vector<16xf32>
        %parallel_loop3A_594 = vector.shape_cast %parallel_loop3A_587 : vector<16xf32> to vector<1x1x16xf32>
        tpu.vector_store %arg10[%parallel_loop3A_589, %parallel_loop3A_590, %parallel_loop3A_591], %parallel_loop3A_594 {strides = array<i32>} : memref<2x112x144xf32, #tpu.memory_space<vmem>>, vector<1x1x16xf32>,
        %parallel_loop3A_595 = arith.constant 0 : i32
        %parallel_loop3A_596 = arith.index_cast %parallel_loop3A_595 : i32 to index
        %parallel_loop3A_597 = arith.index_cast %parallel_loop3A_465 : i32 to index
        %parallel_loop3A_598 = arith.constant 96 : index
        %parallel_loop3A_599 = tpu.vector_load %arg10[%parallel_loop3A_596, %parallel_loop3A_597, %parallel_loop3A_598] {strides = array<i32>} : memref<2x112x144xf32, #tpu.memory_space<vmem>>, vector<1x1x16xf32>,
        %parallel_loop3A_600 = vector.shape_cast %parallel_loop3A_599 : vector<1x1x16xf32> to vector<16xf32>
        %parallel_loop3A_601 = arith.constant 6 : i32
        %parallel_loop3A_602 = vector.broadcast %parallel_loop3A_601 : i32 to vector<16x1xi32>
        %parallel_loop3A_603 = vector.shape_cast %parallel_loop3A_602 : vector<16x1xi32> to vector<16xi32>
        %parallel_loop3A_604 = tpu.dynamic_gather %parallel_loop3A_486[%parallel_loop3A_603] in [0] : vector<16xf32>, vector<16xi32> -> vector<16xf32>
        %parallel_loop3A_605 = arith.mulf %parallel_loop3A_600, %parallel_loop3A_604 : vector<16xf32>
        %parallel_loop3A_606 = arith.constant 0 : i32
        %parallel_loop3A_607 = arith.index_cast %parallel_loop3A_606 : i32 to index
        %parallel_loop3A_608 = arith.index_cast %parallel_loop3A_465 : i32 to index
        %parallel_loop3A_609 = arith.constant 96 : index
        %parallel_loop3A_610 = tpu.vector_load %arg10[%parallel_loop3A_607, %parallel_loop3A_608, %parallel_loop3A_609] {strides = array<i32>} : memref<2x112x144xf32, #tpu.memory_space<vmem>>, vector<1x1x16xf32>,
        %parallel_loop3A_611 = vector.shape_cast %parallel_loop3A_610 : vector<1x1x16xf32> to vector<16xf32>
        %parallel_loop3A_612 = vector.shape_cast %parallel_loop3A_605 : vector<16xf32> to vector<1x1x16xf32>
        tpu.vector_store %arg10[%parallel_loop3A_607, %parallel_loop3A_608, %parallel_loop3A_609], %parallel_loop3A_612 {strides = array<i32>} : memref<2x112x144xf32, #tpu.memory_space<vmem>>, vector<1x1x16xf32>,
        %parallel_loop3A_613 = arith.constant 0 : i32
        %parallel_loop3A_614 = arith.index_cast %parallel_loop3A_613 : i32 to index
        %parallel_loop3A_615 = arith.index_cast %parallel_loop3A_465 : i32 to index
        %parallel_loop3A_616 = arith.constant 112 : index
        %parallel_loop3A_617 = tpu.vector_load %arg10[%parallel_loop3A_614, %parallel_loop3A_615, %parallel_loop3A_616] {strides = array<i32>} : memref<2x112x144xf32, #tpu.memory_space<vmem>>, vector<1x1x16xf32>,
        %parallel_loop3A_618 = vector.shape_cast %parallel_loop3A_617 : vector<1x1x16xf32> to vector<16xf32>
        %parallel_loop3A_619 = arith.constant 7 : i32
        %parallel_loop3A_620 = vector.broadcast %parallel_loop3A_619 : i32 to vector<16x1xi32>
        %parallel_loop3A_621 = vector.shape_cast %parallel_loop3A_620 : vector<16x1xi32> to vector<16xi32>
        %parallel_loop3A_622 = tpu.dynamic_gather %parallel_loop3A_486[%parallel_loop3A_621] in [0] : vector<16xf32>, vector<16xi32> -> vector<16xf32>
        %parallel_loop3A_623 = arith.mulf %parallel_loop3A_618, %parallel_loop3A_622 : vector<16xf32>
        %parallel_loop3A_624 = arith.constant 0 : i32
        %parallel_loop3A_625 = arith.index_cast %parallel_loop3A_624 : i32 to index
        %parallel_loop3A_626 = arith.index_cast %parallel_loop3A_465 : i32 to index
        %parallel_loop3A_627 = arith.constant 112 : index
        %parallel_loop3A_628 = tpu.vector_load %arg10[%parallel_loop3A_625, %parallel_loop3A_626, %parallel_loop3A_627] {strides = array<i32>} : memref<2x112x144xf32, #tpu.memory_space<vmem>>, vector<1x1x16xf32>,
        %parallel_loop3A_629 = vector.shape_cast %parallel_loop3A_628 : vector<1x1x16xf32> to vector<16xf32>
        %parallel_loop3A_630 = vector.shape_cast %parallel_loop3A_623 : vector<16xf32> to vector<1x1x16xf32>
        tpu.vector_store %arg10[%parallel_loop3A_625, %parallel_loop3A_626, %parallel_loop3A_627], %parallel_loop3A_630 {strides = array<i32>} : memref<2x112x144xf32, #tpu.memory_space<vmem>>, vector<1x1x16xf32>,
        %parallel_loop3A_631 = arith.constant 0 : i32
        %parallel_loop3A_632 = arith.index_cast %parallel_loop3A_631 : i32 to index
        %parallel_loop3A_633 = arith.index_cast %parallel_loop3A_465 : i32 to index
        %parallel_loop3A_634 = arith.constant 128 : index
        %parallel_loop3A_635 = tpu.vector_load %arg10[%parallel_loop3A_632, %parallel_loop3A_633, %parallel_loop3A_634] {strides = array<i32>} : memref<2x112x144xf32, #tpu.memory_space<vmem>>, vector<1x1x16xf32>,
        %parallel_loop3A_636 = vector.shape_cast %parallel_loop3A_635 : vector<1x1x16xf32> to vector<16xf32>
        %parallel_loop3A_637 = vector.shape_cast %parallel_loop3A_486 : vector<16xf32> to vector<1x1x16xf32>
        tpu.vector_store %arg10[%parallel_loop3A_632, %parallel_loop3A_633, %parallel_loop3A_634], %parallel_loop3A_637 {strides = array<i32>} : memref<2x112x144xf32, #tpu.memory_space<vmem>>, vector<1x1x16xf32>,
      } {sc.loop_unroll_factor = 4 : i64, sc.parallel_access}
      %dma_start3A_390 = arith.constant 0 : i32
      %dma_start3A_391 = arith.constant 4 : i32
      %dma_start3A_392 = arith.constant 0 : i32
      %dma_start3A_393 = arith.constant 0 : i32
      %dma_start3A_394 = tpu.memref_slice %arg10[%dma_start3A_390, %dma_start3A_392, %dma_start3A_393] : memref<2x112x144xf32, #tpu.memory_space<vmem>> -> memref<1x112x144xf32, #tpu.memory_space<vmem>>
      %dma_start3A_395 = tpu.memref_squeeze %dma_start3A_394 : memref<1x112x144xf32, #tpu.memory_space<vmem>> -> memref<112x144xf32, #tpu.memory_space<vmem>>
      %dma_start3A_396 = arith.constant 0 : i32
      %dma_start3A_397 = tpu.memref_slice %arg9[%dma_start3A_391, %dma_start3A_396] : memref<6x112xi32, #tpu.memory_space<vmem>> -> memref<1x112xi32, #tpu.memory_space<vmem>>
      %dma_start3A_398 = tpu.memref_squeeze %dma_start3A_397 : memref<1x112xi32, #tpu.memory_space<vmem>> -> memref<112xi32, #tpu.memory_space<vmem>>
      %dma_start3A_399 = arith.constant 0 : i32
      %dma_start3A_400 = arith.constant 0 : i32
      %dma_start3A_401 = tpu.memref_slice %arg12[%dma_start3A_399, %dma_start3A_400] : memref<10240x144xf32, #tpu.memory_space<vmem_shared>> -> memref<10240x144xf32, #tpu.memory_space<vmem_shared>>
      tpu.enqueue_indirect_dma source(%dma_start3A_395 : memref<112x144xf32, #tpu.memory_space<vmem>>) target(%dma_start3A_401 : memref<10240x144xf32, #tpu.memory_space<vmem_shared>>) offsets(%dma_start3A_398 : memref<112xi32, #tpu.memory_space<vmem>>) semaphore(%arg17 : memref<!tpu.dma_semaphore, #tpu.memory_space<semaphore_mem>>) {add = true}
      %dma_wait3A_402 = arith.constant 5 : i32
      %dma_wait3A_403 = arith.constant 1 : i32
      %dma_wait3A_404 = arith.constant 0 : i32
      %dma_wait3A_405 = arith.constant 0 : i32
      %dma_wait3A_406 = tpu.memref_slice %arg10[%dma_wait3A_403, %dma_wait3A_404, %dma_wait3A_405] : memref<2x112x144xf32, #tpu.memory_space<vmem>> -> memref<1x112x144xf32, #tpu.memory_space<vmem>>
      %dma_wait3A_407 = tpu.memref_squeeze %dma_wait3A_406 : memref<1x112x144xf32, #tpu.memory_space<vmem>> -> memref<112x144xf32, #tpu.memory_space<vmem>>
      %dma_wait3A_408 = arith.constant 0 : i32
      %dma_wait3A_409 = tpu.memref_slice %arg8[%dma_wait3A_402, %dma_wait3A_408] : memref<6x112xi32, #tpu.memory_space<vmem>> -> memref<1x112xi32, #tpu.memory_space<vmem>>
      %dma_wait3A_410 = tpu.memref_squeeze %dma_wait3A_409 : memref<1x112xi32, #tpu.memory_space<vmem>> -> memref<112xi32, #tpu.memory_space<vmem>>
      %dma_wait3A_411 = arith.constant 0 : i32
      %dma_wait3A_412 = arith.constant 0 : i32
      %dma_wait3A_413 = tpu.memref_slice %arg2[%dma_wait3A_411, %dma_wait3A_412] : memref<10240x144xf32, #tpu.memory_space<hbm>> -> memref<10240x144xf32, #tpu.memory_space<hbm>>
      tpu.wait_indirect_dma semaphore(%arg14 : memref<!tpu.dma_semaphore, #tpu.memory_space<semaphore_mem>>) src(%dma_wait3A_413 : memref<10240x144xf32, #tpu.memory_space<hbm>>) dst(%dma_wait3A_407 : memref<112x144xf32, #tpu.memory_space<vmem>>)
      %dma_wait3A_414 = arith.constant 5 : i32
      %dma_wait3A_415 = arith.constant 1 : i32
      %dma_wait3A_416 = arith.constant 0 : i32
      %dma_wait3A_417 = arith.constant 0 : i32
      %dma_wait3A_418 = tpu.memref_slice %arg11[%dma_wait3A_415, %dma_wait3A_416, %dma_wait3A_417] : memref<2x112x16xf32, #tpu.memory_space<vmem>> -> memref<1x112x16xf32, #tpu.memory_space<vmem>>
      %dma_wait3A_419 = tpu.memref_squeeze %dma_wait3A_418 : memref<1x112x16xf32, #tpu.memory_space<vmem>> -> memref<112x16xf32, #tpu.memory_space<vmem>>
      %dma_wait3A_420 = arith.constant 0 : i32
      %dma_wait3A_421 = tpu.memref_slice %arg9[%dma_wait3A_414, %dma_wait3A_420] : memref<6x112xi32, #tpu.memory_space<vmem>> -> memref<1x112xi32, #tpu.memory_space<vmem>>
      %dma_wait3A_422 = tpu.memref_squeeze %dma_wait3A_421 : memref<1x112xi32, #tpu.memory_space<vmem>> -> memref<112xi32, #tpu.memory_space<vmem>>
      %dma_wait3A_423 = arith.constant 0 : i32
      %dma_wait3A_424 = arith.constant 0 : i32
      %dma_wait3A_425 = tpu.memref_slice %arg3[%dma_wait3A_423, %dma_wait3A_424] : memref<10240x16xf32, #tpu.memory_space<hbm>> -> memref<10240x16xf32, #tpu.memory_space<hbm>>
      tpu.wait_indirect_dma semaphore(%arg16 : memref<!tpu.dma_semaphore, #tpu.memory_space<semaphore_mem>>) src(%dma_wait3A_425 : memref<10240x16xf32, #tpu.memory_space<hbm>>) dst(%dma_wait3A_419 : memref<112x16xf32, #tpu.memory_space<vmem>>)
      %parallel_loop3A_426 = arith.constant 0 : i32
      %parallel_loop3A_427 = arith.constant 112 : i32
      %parallel_loop3A_428 = arith.constant 1 : i32
      scf.for %parallel_loop3A_465 = %parallel_loop3A_426 to %parallel_loop3A_427 step %parallel_loop3A_428  : i32 {
        %parallel_loop3A_466 = arith.constant 1 : i32
        %parallel_loop3A_467 = arith.index_cast %parallel_loop3A_466 : i32 to index
        %parallel_loop3A_468 = arith.index_cast %parallel_loop3A_465 : i32 to index
        %parallel_loop3A_469 = arith.constant 128 : index
        %parallel_loop3A_470 = tpu.vector_load %arg10[%parallel_loop3A_467, %parallel_loop3A_468, %parallel_loop3A_469] {strides = array<i32>} : memref<2x112x144xf32, #tpu.memory_space<vmem>>, vector<1x1x16xf32>,
        %parallel_loop3A_471 = vector.shape_cast %parallel_loop3A_470 : vector<1x1x16xf32> to vector<16xf32>
        %parallel_loop3A_472 = arith.constant 1 : i32
        %parallel_loop3A_473 = arith.index_cast %parallel_loop3A_472 : i32 to index
        %parallel_loop3A_474 = arith.index_cast %parallel_loop3A_465 : i32 to index
        %parallel_loop3A_475 = arith.constant 0 : index
        %parallel_loop3A_476 = tpu.vector_load %arg11[%parallel_loop3A_473, %parallel_loop3A_474, %parallel_loop3A_475] {strides = array<i32>} : memref<2x112x16xf32, #tpu.memory_space<vmem>>, vector<1x1x16xf32>,
        %parallel_loop3A_477 = vector.shape_cast %parallel_loop3A_476 : vector<1x1x16xf32> to vector<16xf32>
        %parallel_loop3A_478 = arith.addf %parallel_loop3A_471, %parallel_loop3A_477 : vector<16xf32>
        %parallel_loop3A_479 = arith.constant 2.000000e-01 : f32
        %parallel_loop3A_480 = vector.broadcast %parallel_loop3A_479 : f32 to vector<16xf32>
        %parallel_loop3A_481 = arith.mulf %parallel_loop3A_478, %parallel_loop3A_480 : vector<16xf32>
        %parallel_loop3A_482 = arith.maximumf %parallel_loop3A_478, %parallel_loop3A_481 : vector<16xf32>
        %parallel_loop3A_483 = math.exp %parallel_loop3A_482 : vector<16xf32>
        %parallel_loop3A_484 = arith.constant 1.000000e+01 : f32
        %parallel_loop3A_485 = vector.broadcast %parallel_loop3A_484 : f32 to vector<16xf32>
        %parallel_loop3A_486 = arith.minimumf %parallel_loop3A_483, %parallel_loop3A_485 : vector<16xf32>
        %parallel_loop3A_487 = arith.constant 1 : i32
        %parallel_loop3A_488 = arith.index_cast %parallel_loop3A_487 : i32 to index
        %parallel_loop3A_489 = arith.index_cast %parallel_loop3A_465 : i32 to index
        %parallel_loop3A_490 = arith.constant 0 : index
        %parallel_loop3A_491 = tpu.vector_load %arg10[%parallel_loop3A_488, %parallel_loop3A_489, %parallel_loop3A_490] {strides = array<i32>} : memref<2x112x144xf32, #tpu.memory_space<vmem>>, vector<1x1x16xf32>,
        %parallel_loop3A_492 = vector.shape_cast %parallel_loop3A_491 : vector<1x1x16xf32> to vector<16xf32>
        %parallel_loop3A_493 = arith.constant 0 : i32
        %parallel_loop3A_494 = vector.broadcast %parallel_loop3A_493 : i32 to vector<16x1xi32>
        %parallel_loop3A_495 = vector.shape_cast %parallel_loop3A_494 : vector<16x1xi32> to vector<16xi32>
        %parallel_loop3A_496 = tpu.dynamic_gather %parallel_loop3A_486[%parallel_loop3A_495] in [0] : vector<16xf32>, vector<16xi32> -> vector<16xf32>
        %parallel_loop3A_497 = arith.mulf %parallel_loop3A_492, %parallel_loop3A_496 : vector<16xf32>
        %parallel_loop3A_498 = arith.constant 1 : i32
        %parallel_loop3A_499 = arith.index_cast %parallel_loop3A_498 : i32 to index
        %parallel_loop3A_500 = arith.index_cast %parallel_loop3A_465 : i32 to index
        %parallel_loop3A_501 = arith.constant 0 : index
        %parallel_loop3A_502 = tpu.vector_load %arg10[%parallel_loop3A_499, %parallel_loop3A_500, %parallel_loop3A_501] {strides = array<i32>} : memref<2x112x144xf32, #tpu.memory_space<vmem>>, vector<1x1x16xf32>,
        %parallel_loop3A_503 = vector.shape_cast %parallel_loop3A_502 : vector<1x1x16xf32> to vector<16xf32>
        %parallel_loop3A_504 = vector.shape_cast %parallel_loop3A_497 : vector<16xf32> to vector<1x1x16xf32>
        tpu.vector_store %arg10[%parallel_loop3A_499, %parallel_loop3A_500, %parallel_loop3A_501], %parallel_loop3A_504 {strides = array<i32>} : memref<2x112x144xf32, #tpu.memory_space<vmem>>, vector<1x1x16xf32>,
        %parallel_loop3A_505 = arith.constant 1 : i32
        %parallel_loop3A_506 = arith.index_cast %parallel_loop3A_505 : i32 to index
        %parallel_loop3A_507 = arith.index_cast %parallel_loop3A_465 : i32 to index
        %parallel_loop3A_508 = arith.constant 16 : index
        %parallel_loop3A_509 = tpu.vector_load %arg10[%parallel_loop3A_506, %parallel_loop3A_507, %parallel_loop3A_508] {strides = array<i32>} : memref<2x112x144xf32, #tpu.memory_space<vmem>>, vector<1x1x16xf32>,
        %parallel_loop3A_510 = vector.shape_cast %parallel_loop3A_509 : vector<1x1x16xf32> to vector<16xf32>
        %parallel_loop3A_511 = arith.constant 1 : i32
        %parallel_loop3A_512 = vector.broadcast %parallel_loop3A_511 : i32 to vector<16x1xi32>
        %parallel_loop3A_513 = vector.shape_cast %parallel_loop3A_512 : vector<16x1xi32> to vector<16xi32>
        %parallel_loop3A_514 = tpu.dynamic_gather %parallel_loop3A_486[%parallel_loop3A_513] in [0] : vector<16xf32>, vector<16xi32> -> vector<16xf32>
        %parallel_loop3A_515 = arith.mulf %parallel_loop3A_510, %parallel_loop3A_514 : vector<16xf32>
        %parallel_loop3A_516 = arith.constant 1 : i32
        %parallel_loop3A_517 = arith.index_cast %parallel_loop3A_516 : i32 to index
        %parallel_loop3A_518 = arith.index_cast %parallel_loop3A_465 : i32 to index
        %parallel_loop3A_519 = arith.constant 16 : index
        %parallel_loop3A_520 = tpu.vector_load %arg10[%parallel_loop3A_517, %parallel_loop3A_518, %parallel_loop3A_519] {strides = array<i32>} : memref<2x112x144xf32, #tpu.memory_space<vmem>>, vector<1x1x16xf32>,
        %parallel_loop3A_521 = vector.shape_cast %parallel_loop3A_520 : vector<1x1x16xf32> to vector<16xf32>
        %parallel_loop3A_522 = vector.shape_cast %parallel_loop3A_515 : vector<16xf32> to vector<1x1x16xf32>
        tpu.vector_store %arg10[%parallel_loop3A_517, %parallel_loop3A_518, %parallel_loop3A_519], %parallel_loop3A_522 {strides = array<i32>} : memref<2x112x144xf32, #tpu.memory_space<vmem>>, vector<1x1x16xf32>,
        %parallel_loop3A_523 = arith.constant 1 : i32
        %parallel_loop3A_524 = arith.index_cast %parallel_loop3A_523 : i32 to index
        %parallel_loop3A_525 = arith.index_cast %parallel_loop3A_465 : i32 to index
        %parallel_loop3A_526 = arith.constant 32 : index
        %parallel_loop3A_527 = tpu.vector_load %arg10[%parallel_loop3A_524, %parallel_loop3A_525, %parallel_loop3A_526] {strides = array<i32>} : memref<2x112x144xf32, #tpu.memory_space<vmem>>, vector<1x1x16xf32>,
        %parallel_loop3A_528 = vector.shape_cast %parallel_loop3A_527 : vector<1x1x16xf32> to vector<16xf32>
        %parallel_loop3A_529 = arith.constant 2 : i32
        %parallel_loop3A_530 = vector.broadcast %parallel_loop3A_529 : i32 to vector<16x1xi32>
        %parallel_loop3A_531 = vector.shape_cast %parallel_loop3A_530 : vector<16x1xi32> to vector<16xi32>
        %parallel_loop3A_532 = tpu.dynamic_gather %parallel_loop3A_486[%parallel_loop3A_531] in [0] : vector<16xf32>, vector<16xi32> -> vector<16xf32>
        %parallel_loop3A_533 = arith.mulf %parallel_loop3A_528, %parallel_loop3A_532 : vector<16xf32>
        %parallel_loop3A_534 = arith.constant 1 : i32
        %parallel_loop3A_535 = arith.index_cast %parallel_loop3A_534 : i32 to index
        %parallel_loop3A_536 = arith.index_cast %parallel_loop3A_465 : i32 to index
        %parallel_loop3A_537 = arith.constant 32 : index
        %parallel_loop3A_538 = tpu.vector_load %arg10[%parallel_loop3A_535, %parallel_loop3A_536, %parallel_loop3A_537] {strides = array<i32>} : memref<2x112x144xf32, #tpu.memory_space<vmem>>, vector<1x1x16xf32>,
        %parallel_loop3A_539 = vector.shape_cast %parallel_loop3A_538 : vector<1x1x16xf32> to vector<16xf32>
        %parallel_loop3A_540 = vector.shape_cast %parallel_loop3A_533 : vector<16xf32> to vector<1x1x16xf32>
        tpu.vector_store %arg10[%parallel_loop3A_535, %parallel_loop3A_536, %parallel_loop3A_537], %parallel_loop3A_540 {strides = array<i32>} : memref<2x112x144xf32, #tpu.memory_space<vmem>>, vector<1x1x16xf32>,
        %parallel_loop3A_541 = arith.constant 1 : i32
        %parallel_loop3A_542 = arith.index_cast %parallel_loop3A_541 : i32 to index
        %parallel_loop3A_543 = arith.index_cast %parallel_loop3A_465 : i32 to index
        %parallel_loop3A_544 = arith.constant 48 : index
        %parallel_loop3A_545 = tpu.vector_load %arg10[%parallel_loop3A_542, %parallel_loop3A_543, %parallel_loop3A_544] {strides = array<i32>} : memref<2x112x144xf32, #tpu.memory_space<vmem>>, vector<1x1x16xf32>,
        %parallel_loop3A_546 = vector.shape_cast %parallel_loop3A_545 : vector<1x1x16xf32> to vector<16xf32>
        %parallel_loop3A_547 = arith.constant 3 : i32
        %parallel_loop3A_548 = vector.broadcast %parallel_loop3A_547 : i32 to vector<16x1xi32>
        %parallel_loop3A_549 = vector.shape_cast %parallel_loop3A_548 : vector<16x1xi32> to vector<16xi32>
        %parallel_loop3A_550 = tpu.dynamic_gather %parallel_loop3A_486[%parallel_loop3A_549] in [0] : vector<16xf32>, vector<16xi32> -> vector<16xf32>
        %parallel_loop3A_551 = arith.mulf %parallel_loop3A_546, %parallel_loop3A_550 : vector<16xf32>
        %parallel_loop3A_552 = arith.constant 1 : i32
        %parallel_loop3A_553 = arith.index_cast %parallel_loop3A_552 : i32 to index
        %parallel_loop3A_554 = arith.index_cast %parallel_loop3A_465 : i32 to index
        %parallel_loop3A_555 = arith.constant 48 : index
        %parallel_loop3A_556 = tpu.vector_load %arg10[%parallel_loop3A_553, %parallel_loop3A_554, %parallel_loop3A_555] {strides = array<i32>} : memref<2x112x144xf32, #tpu.memory_space<vmem>>, vector<1x1x16xf32>,
        %parallel_loop3A_557 = vector.shape_cast %parallel_loop3A_556 : vector<1x1x16xf32> to vector<16xf32>
        %parallel_loop3A_558 = vector.shape_cast %parallel_loop3A_551 : vector<16xf32> to vector<1x1x16xf32>
        tpu.vector_store %arg10[%parallel_loop3A_553, %parallel_loop3A_554, %parallel_loop3A_555], %parallel_loop3A_558 {strides = array<i32>} : memref<2x112x144xf32, #tpu.memory_space<vmem>>, vector<1x1x16xf32>,
        %parallel_loop3A_559 = arith.constant 1 : i32
        %parallel_loop3A_560 = arith.index_cast %parallel_loop3A_559 : i32 to index
        %parallel_loop3A_561 = arith.index_cast %parallel_loop3A_465 : i32 to index
        %parallel_loop3A_562 = arith.constant 64 : index
        %parallel_loop3A_563 = tpu.vector_load %arg10[%parallel_loop3A_560, %parallel_loop3A_561, %parallel_loop3A_562] {strides = array<i32>} : memref<2x112x144xf32, #tpu.memory_space<vmem>>, vector<1x1x16xf32>,
        %parallel_loop3A_564 = vector.shape_cast %parallel_loop3A_563 : vector<1x1x16xf32> to vector<16xf32>
        %parallel_loop3A_565 = arith.constant 4 : i32
        %parallel_loop3A_566 = vector.broadcast %parallel_loop3A_565 : i32 to vector<16x1xi32>
        %parallel_loop3A_567 = vector.shape_cast %parallel_loop3A_566 : vector<16x1xi32> to vector<16xi32>
        %parallel_loop3A_568 = tpu.dynamic_gather %parallel_loop3A_486[%parallel_loop3A_567] in [0] : vector<16xf32>, vector<16xi32> -> vector<16xf32>
        %parallel_loop3A_569 = arith.mulf %parallel_loop3A_564, %parallel_loop3A_568 : vector<16xf32>
        %parallel_loop3A_570 = arith.constant 1 : i32
        %parallel_loop3A_571 = arith.index_cast %parallel_loop3A_570 : i32 to index
        %parallel_loop3A_572 = arith.index_cast %parallel_loop3A_465 : i32 to index
        %parallel_loop3A_573 = arith.constant 64 : index
        %parallel_loop3A_574 = tpu.vector_load %arg10[%parallel_loop3A_571, %parallel_loop3A_572, %parallel_loop3A_573] {strides = array<i32>} : memref<2x112x144xf32, #tpu.memory_space<vmem>>, vector<1x1x16xf32>,
        %parallel_loop3A_575 = vector.shape_cast %parallel_loop3A_574 : vector<1x1x16xf32> to vector<16xf32>
        %parallel_loop3A_576 = vector.shape_cast %parallel_loop3A_569 : vector<16xf32> to vector<1x1x16xf32>
        tpu.vector_store %arg10[%parallel_loop3A_571, %parallel_loop3A_572, %parallel_loop3A_573], %parallel_loop3A_576 {strides = array<i32>} : memref<2x112x144xf32, #tpu.memory_space<vmem>>, vector<1x1x16xf32>,
        %parallel_loop3A_577 = arith.constant 1 : i32
        %parallel_loop3A_578 = arith.index_cast %parallel_loop3A_577 : i32 to index
        %parallel_loop3A_579 = arith.index_cast %parallel_loop3A_465 : i32 to index
        %parallel_loop3A_580 = arith.constant 80 : index
        %parallel_loop3A_581 = tpu.vector_load %arg10[%parallel_loop3A_578, %parallel_loop3A_579, %parallel_loop3A_580] {strides = array<i32>} : memref<2x112x144xf32, #tpu.memory_space<vmem>>, vector<1x1x16xf32>,
        %parallel_loop3A_582 = vector.shape_cast %parallel_loop3A_581 : vector<1x1x16xf32> to vector<16xf32>
        %parallel_loop3A_583 = arith.constant 5 : i32
        %parallel_loop3A_584 = vector.broadcast %parallel_loop3A_583 : i32 to vector<16x1xi32>
        %parallel_loop3A_585 = vector.shape_cast %parallel_loop3A_584 : vector<16x1xi32> to vector<16xi32>
        %parallel_loop3A_586 = tpu.dynamic_gather %parallel_loop3A_486[%parallel_loop3A_585] in [0] : vector<16xf32>, vector<16xi32> -> vector<16xf32>
        %parallel_loop3A_587 = arith.mulf %parallel_loop3A_582, %parallel_loop3A_586 : vector<16xf32>
        %parallel_loop3A_588 = arith.constant 1 : i32
        %parallel_loop3A_589 = arith.index_cast %parallel_loop3A_588 : i32 to index
        %parallel_loop3A_590 = arith.index_cast %parallel_loop3A_465 : i32 to index
        %parallel_loop3A_591 = arith.constant 80 : index
        %parallel_loop3A_592 = tpu.vector_load %arg10[%parallel_loop3A_589, %parallel_loop3A_590, %parallel_loop3A_591] {strides = array<i32>} : memref<2x112x144xf32, #tpu.memory_space<vmem>>, vector<1x1x16xf32>,
        %parallel_loop3A_593 = vector.shape_cast %parallel_loop3A_592 : vector<1x1x16xf32> to vector<16xf32>
        %parallel_loop3A_594 = vector.shape_cast %parallel_loop3A_587 : vector<16xf32> to vector<1x1x16xf32>
        tpu.vector_store %arg10[%parallel_loop3A_589, %parallel_loop3A_590, %parallel_loop3A_591], %parallel_loop3A_594 {strides = array<i32>} : memref<2x112x144xf32, #tpu.memory_space<vmem>>, vector<1x1x16xf32>,
        %parallel_loop3A_595 = arith.constant 1 : i32
        %parallel_loop3A_596 = arith.index_cast %parallel_loop3A_595 : i32 to index
        %parallel_loop3A_597 = arith.index_cast %parallel_loop3A_465 : i32 to index
        %parallel_loop3A_598 = arith.constant 96 : index
        %parallel_loop3A_599 = tpu.vector_load %arg10[%parallel_loop3A_596, %parallel_loop3A_597, %parallel_loop3A_598] {strides = array<i32>} : memref<2x112x144xf32, #tpu.memory_space<vmem>>, vector<1x1x16xf32>,
        %parallel_loop3A_600 = vector.shape_cast %parallel_loop3A_599 : vector<1x1x16xf32> to vector<16xf32>
        %parallel_loop3A_601 = arith.constant 6 : i32
        %parallel_loop3A_602 = vector.broadcast %parallel_loop3A_601 : i32 to vector<16x1xi32>
        %parallel_loop3A_603 = vector.shape_cast %parallel_loop3A_602 : vector<16x1xi32> to vector<16xi32>
        %parallel_loop3A_604 = tpu.dynamic_gather %parallel_loop3A_486[%parallel_loop3A_603] in [0] : vector<16xf32>, vector<16xi32> -> vector<16xf32>
        %parallel_loop3A_605 = arith.mulf %parallel_loop3A_600, %parallel_loop3A_604 : vector<16xf32>
        %parallel_loop3A_606 = arith.constant 1 : i32
        %parallel_loop3A_607 = arith.index_cast %parallel_loop3A_606 : i32 to index
        %parallel_loop3A_608 = arith.index_cast %parallel_loop3A_465 : i32 to index
        %parallel_loop3A_609 = arith.constant 96 : index
        %parallel_loop3A_610 = tpu.vector_load %arg10[%parallel_loop3A_607, %parallel_loop3A_608, %parallel_loop3A_609] {strides = array<i32>} : memref<2x112x144xf32, #tpu.memory_space<vmem>>, vector<1x1x16xf32>,
        %parallel_loop3A_611 = vector.shape_cast %parallel_loop3A_610 : vector<1x1x16xf32> to vector<16xf32>
        %parallel_loop3A_612 = vector.shape_cast %parallel_loop3A_605 : vector<16xf32> to vector<1x1x16xf32>
        tpu.vector_store %arg10[%parallel_loop3A_607, %parallel_loop3A_608, %parallel_loop3A_609], %parallel_loop3A_612 {strides = array<i32>} : memref<2x112x144xf32, #tpu.memory_space<vmem>>, vector<1x1x16xf32>,
        %parallel_loop3A_613 = arith.constant 1 : i32
        %parallel_loop3A_614 = arith.index_cast %parallel_loop3A_613 : i32 to index
        %parallel_loop3A_615 = arith.index_cast %parallel_loop3A_465 : i32 to index
        %parallel_loop3A_616 = arith.constant 112 : index
        %parallel_loop3A_617 = tpu.vector_load %arg10[%parallel_loop3A_614, %parallel_loop3A_615, %parallel_loop3A_616] {strides = array<i32>} : memref<2x112x144xf32, #tpu.memory_space<vmem>>, vector<1x1x16xf32>,
        %parallel_loop3A_618 = vector.shape_cast %parallel_loop3A_617 : vector<1x1x16xf32> to vector<16xf32>
        %parallel_loop3A_619 = arith.constant 7 : i32
        %parallel_loop3A_620 = vector.broadcast %parallel_loop3A_619 : i32 to vector<16x1xi32>
        %parallel_loop3A_621 = vector.shape_cast %parallel_loop3A_620 : vector<16x1xi32> to vector<16xi32>
        %parallel_loop3A_622 = tpu.dynamic_gather %parallel_loop3A_486[%parallel_loop3A_621] in [0] : vector<16xf32>, vector<16xi32> -> vector<16xf32>
        %parallel_loop3A_623 = arith.mulf %parallel_loop3A_618, %parallel_loop3A_622 : vector<16xf32>
        %parallel_loop3A_624 = arith.constant 1 : i32
        %parallel_loop3A_625 = arith.index_cast %parallel_loop3A_624 : i32 to index
        %parallel_loop3A_626 = arith.index_cast %parallel_loop3A_465 : i32 to index
        %parallel_loop3A_627 = arith.constant 112 : index
        %parallel_loop3A_628 = tpu.vector_load %arg10[%parallel_loop3A_625, %parallel_loop3A_626, %parallel_loop3A_627] {strides = array<i32>} : memref<2x112x144xf32, #tpu.memory_space<vmem>>, vector<1x1x16xf32>,
        %parallel_loop3A_629 = vector.shape_cast %parallel_loop3A_628 : vector<1x1x16xf32> to vector<16xf32>
        %parallel_loop3A_630 = vector.shape_cast %parallel_loop3A_623 : vector<16xf32> to vector<1x1x16xf32>
        tpu.vector_store %arg10[%parallel_loop3A_625, %parallel_loop3A_626, %parallel_loop3A_627], %parallel_loop3A_630 {strides = array<i32>} : memref<2x112x144xf32, #tpu.memory_space<vmem>>, vector<1x1x16xf32>,
        %parallel_loop3A_631 = arith.constant 1 : i32
        %parallel_loop3A_632 = arith.index_cast %parallel_loop3A_631 : i32 to index
        %parallel_loop3A_633 = arith.index_cast %parallel_loop3A_465 : i32 to index
        %parallel_loop3A_634 = arith.constant 128 : index
        %parallel_loop3A_635 = tpu.vector_load %arg10[%parallel_loop3A_632, %parallel_loop3A_633, %parallel_loop3A_634] {strides = array<i32>} : memref<2x112x144xf32, #tpu.memory_space<vmem>>, vector<1x1x16xf32>,
        %parallel_loop3A_636 = vector.shape_cast %parallel_loop3A_635 : vector<1x1x16xf32> to vector<16xf32>
        %parallel_loop3A_637 = vector.shape_cast %parallel_loop3A_486 : vector<16xf32> to vector<1x1x16xf32>
        tpu.vector_store %arg10[%parallel_loop3A_632, %parallel_loop3A_633, %parallel_loop3A_634], %parallel_loop3A_637 {strides = array<i32>} : memref<2x112x144xf32, #tpu.memory_space<vmem>>, vector<1x1x16xf32>,
      } {sc.loop_unroll_factor = 4 : i64, sc.parallel_access}
      %dma_start3A_429 = arith.constant 1 : i32
      %dma_start3A_430 = arith.constant 5 : i32
      %dma_start3A_431 = arith.constant 0 : i32
      %dma_start3A_432 = arith.constant 0 : i32
      %dma_start3A_433 = tpu.memref_slice %arg10[%dma_start3A_429, %dma_start3A_431, %dma_start3A_432] : memref<2x112x144xf32, #tpu.memory_space<vmem>> -> memref<1x112x144xf32, #tpu.memory_space<vmem>>
      %dma_start3A_434 = tpu.memref_squeeze %dma_start3A_433 : memref<1x112x144xf32, #tpu.memory_space<vmem>> -> memref<112x144xf32, #tpu.memory_space<vmem>>
      %dma_start3A_435 = arith.constant 0 : i32
      %dma_start3A_436 = tpu.memref_slice %arg9[%dma_start3A_430, %dma_start3A_435] : memref<6x112xi32, #tpu.memory_space<vmem>> -> memref<1x112xi32, #tpu.memory_space<vmem>>
      %dma_start3A_437 = tpu.memref_squeeze %dma_start3A_436 : memref<1x112xi32, #tpu.memory_space<vmem>> -> memref<112xi32, #tpu.memory_space<vmem>>
      %dma_start3A_438 = arith.constant 0 : i32
      %dma_start3A_439 = arith.constant 0 : i32
      %dma_start3A_440 = tpu.memref_slice %arg12[%dma_start3A_438, %dma_start3A_439] : memref<10240x144xf32, #tpu.memory_space<vmem_shared>> -> memref<10240x144xf32, #tpu.memory_space<vmem_shared>>
      tpu.enqueue_indirect_dma source(%dma_start3A_434 : memref<112x144xf32, #tpu.memory_space<vmem>>) target(%dma_start3A_440 : memref<10240x144xf32, #tpu.memory_space<vmem_shared>>) offsets(%dma_start3A_437 : memref<112xi32, #tpu.memory_space<vmem>>) semaphore(%arg18 : memref<!tpu.dma_semaphore, #tpu.memory_space<semaphore_mem>>) {add = true}
      %dma_wait3A_441 = arith.constant 0 : i32
      %dma_wait3A_442 = arith.constant 4 : i32
      %dma_wait3A_443 = arith.constant 0 : i32
      %dma_wait3A_444 = arith.constant 0 : i32
      %dma_wait3A_445 = tpu.memref_slice %arg10[%dma_wait3A_441, %dma_wait3A_443, %dma_wait3A_444] : memref<2x112x144xf32, #tpu.memory_space<vmem>> -> memref<1x112x144xf32, #tpu.memory_space<vmem>>
      %dma_wait3A_446 = tpu.memref_squeeze %dma_wait3A_445 : memref<1x112x144xf32, #tpu.memory_space<vmem>> -> memref<112x144xf32, #tpu.memory_space<vmem>>
      %dma_wait3A_447 = arith.constant 0 : i32
      %dma_wait3A_448 = tpu.memref_slice %arg9[%dma_wait3A_442, %dma_wait3A_447] : memref<6x112xi32, #tpu.memory_space<vmem>> -> memref<1x112xi32, #tpu.memory_space<vmem>>
      %dma_wait3A_449 = tpu.memref_squeeze %dma_wait3A_448 : memref<1x112xi32, #tpu.memory_space<vmem>> -> memref<112xi32, #tpu.memory_space<vmem>>
      %dma_wait3A_450 = arith.constant 0 : i32
      %dma_wait3A_451 = arith.constant 0 : i32
      %dma_wait3A_452 = tpu.memref_slice %arg12[%dma_wait3A_450, %dma_wait3A_451] : memref<10240x144xf32, #tpu.memory_space<vmem_shared>> -> memref<10240x144xf32, #tpu.memory_space<vmem_shared>>
      tpu.wait_indirect_dma semaphore(%arg17 : memref<!tpu.dma_semaphore, #tpu.memory_space<semaphore_mem>>) src(%dma_wait3A_446 : memref<112x144xf32, #tpu.memory_space<vmem>>) dst(%dma_wait3A_452 : memref<10240x144xf32, #tpu.memory_space<vmem_shared>>)
      %dma_wait3A_453 = arith.constant 1 : i32
      %dma_wait3A_454 = arith.constant 5 : i32
      %dma_wait3A_455 = arith.constant 0 : i32
      %dma_wait3A_456 = arith.constant 0 : i32
      %dma_wait3A_457 = tpu.memref_slice %arg10[%dma_wait3A_453, %dma_wait3A_455, %dma_wait3A_456] : memref<2x112x144xf32, #tpu.memory_space<vmem>> -> memref<1x112x144xf32, #tpu.memory_space<vmem>>
      %dma_wait3A_458 = tpu.memref_squeeze %dma_wait3A_457 : memref<1x112x144xf32, #tpu.memory_space<vmem>> -> memref<112x144xf32, #tpu.memory_space<vmem>>
      %dma_wait3A_459 = arith.constant 0 : i32
      %dma_wait3A_460 = tpu.memref_slice %arg9[%dma_wait3A_454, %dma_wait3A_459] : memref<6x112xi32, #tpu.memory_space<vmem>> -> memref<1x112xi32, #tpu.memory_space<vmem>>
      %dma_wait3A_461 = tpu.memref_squeeze %dma_wait3A_460 : memref<1x112xi32, #tpu.memory_space<vmem>> -> memref<112xi32, #tpu.memory_space<vmem>>
      %dma_wait3A_462 = arith.constant 0 : i32
      %dma_wait3A_463 = arith.constant 0 : i32
      %dma_wait3A_464 = tpu.memref_slice %arg12[%dma_wait3A_462, %dma_wait3A_463] : memref<10240x144xf32, #tpu.memory_space<vmem_shared>> -> memref<10240x144xf32, #tpu.memory_space<vmem_shared>>
      tpu.wait_indirect_dma semaphore(%arg18 : memref<!tpu.dma_semaphore, #tpu.memory_space<semaphore_mem>>) src(%dma_wait3A_458 : memref<112x144xf32, #tpu.memory_space<vmem>>) dst(%dma_wait3A_464 : memref<10240x144xf32, #tpu.memory_space<vmem_shared>>)
    }
    %scan3A_7 = arith.constant 15 : i32
    %barrier3A_8 = arith.constant 0 : index
    tpu.barrier barrier_id(%barrier3A_8)
    %mul3A_9 = arith.constant 640 : i32
    %mul3A_10 = arith.muli %arg1, %mul3A_9 : i32
    %mul3A_11 = arith.constant 640 : i32
    %mul3A_12 = arith.muli %arg1, %mul3A_11 : i32
    "tpu.region"() ({
      %run_scoped3A = tpu.sem_alloc : memref<!tpu.dma_semaphore, #tpu.memory_space<semaphore_mem>>
      %dma_start3A = arith.constant 0 : i32
      %dma_start3A_13 = tpu.memref_slice %arg7[%arg0, %mul3A_12, %dma_start3A] : memref<2x10240x144xf32, #tpu.memory_space<hbm>> -> memref<1x640x144xf32, #tpu.memory_space<hbm>>
      %dma_start3A_14 = tpu.memref_squeeze %dma_start3A_13 : memref<1x640x144xf32, #tpu.memory_space<hbm>> -> memref<640x144xf32, #tpu.memory_space<hbm>>
      %dma_start3A_15 = arith.constant 0 : i32
      %dma_start3A_16 = tpu.memref_slice %arg12[%mul3A_10, %dma_start3A_15] : memref<10240x144xf32, #tpu.memory_space<vmem_shared>> -> memref<640x144xf32, #tpu.memory_space<vmem_shared>>
      tpu.enqueue_dma source(%dma_start3A_16 : memref<640x144xf32, #tpu.memory_space<vmem_shared>>) target(%dma_start3A_14 : memref<640x144xf32, #tpu.memory_space<hbm>>) target_semaphore(%run_scoped3A : memref<!tpu.dma_semaphore, #tpu.memory_space<semaphore_mem>>)
      %dma_wait3A = arith.constant 0 : i32
      %dma_wait3A_17 = tpu.memref_slice %arg7[%arg0, %mul3A_12, %dma_wait3A] : memref<2x10240x144xf32, #tpu.memory_space<hbm>> -> memref<1x640x144xf32, #tpu.memory_space<hbm>>
      %dma_wait3A_18 = tpu.memref_squeeze %dma_wait3A_17 : memref<1x640x144xf32, #tpu.memory_space<hbm>> -> memref<640x144xf32, #tpu.memory_space<hbm>>
      %dma_wait3A_19 = arith.constant 0 : i32
      %dma_wait3A_20 = tpu.memref_slice %arg12[%mul3A_10, %dma_wait3A_19] : memref<10240x144xf32, #tpu.memory_space<vmem_shared>> -> memref<640x144xf32, #tpu.memory_space<vmem_shared>>
      tpu.wait_dma2 semaphore(%run_scoped3A : memref<!tpu.dma_semaphore, #tpu.memory_space<semaphore_mem>>) src(%dma_wait3A_20 : memref<640x144xf32, #tpu.memory_space<vmem_shared>>) dst(%dma_wait3A_18 : memref<640x144xf32, #tpu.memory_space<hbm>>)
      tpu.yield
    }) : () -> ()
    return
  }
}

#map = affine_map<(d0, d1) -> (0, 0, 0)>
#map1 = affine_map<(d0, d1) -> (0, 0)>
module attributes {stable_mosaic.version = 14 : i64} {
  func.func @_finalize_kernel(%arg0: i32, %arg1: i32, %arg2: memref<2x10240x144xf32, #tpu.memory_space<hbm>>, %arg3: memref<10240x128xf32, #tpu.memory_space<hbm>>, %arg4: memref<64x144xf32, #tpu.memory_space<vmem>>, %arg5: memref<64x144xf32, #tpu.memory_space<vmem>>, %arg6: memref<64x128xf32, #tpu.memory_space<vmem>>) attributes {dimension_semantics = [#tpu.dimension_semantics<core_parallel>, #tpu.dimension_semantics<subcore_parallel>], iteration_bounds = array<i64: 2, 16>, scalar_prefetch = 0 : i64, scratch_operands = 3 : i64, tpu.core_type = #tpu.core_type<sc_vector_subcore>, window_params = [{transform_indices = #map}, {transform_indices = #map1}]} {
    %mul3A = arith.constant 16 : i32
    %mul3A_0 = arith.muli %arg0, %mul3A : i32
    %add3A = arith.addi %mul3A_0, %arg1 : i32
    %mul3A_1 = arith.constant 320 : i32
    %mul3A_2 = arith.muli %add3A, %mul3A_1 : i32
    %scan3A = arith.constant 0 : i32
    %scan3A_3 = arith.constant 0 : i32
    %scan3A_4 = arith.constant 5 : i32
    %scan3A_5 = arith.addi %scan3A_3, %scan3A_4 : i32
    %scan3A_6 = arith.constant 1 : i32
    scf.for %scan3A_8 = %scan3A_3 to %scan3A_5 step %scan3A_6  : i32 {
      %mul3A_9 = arith.constant 64 : i32
      %mul3A_10 = arith.muli %scan3A_8, %mul3A_9 : i32
      %add3A_11 = arith.addi %mul3A_2, %mul3A_10 : i32
      %run_scoped3A = arith.constant 0 : i32
      "tpu.region"() ({
        %run_scoped3A_15 = tpu.sem_alloc : memref<!tpu.dma_semaphore, #tpu.memory_space<semaphore_mem>>
        %dma_start3A = arith.constant 0 : i32
        %dma_start3A_16 = tpu.memref_slice %arg2[%run_scoped3A, %add3A_11, %dma_start3A] : memref<2x10240x144xf32, #tpu.memory_space<hbm>> -> memref<1x64x144xf32, #tpu.memory_space<hbm>>
        %dma_start3A_17 = tpu.memref_squeeze %dma_start3A_16 : memref<1x64x144xf32, #tpu.memory_space<hbm>> -> memref<64x144xf32, #tpu.memory_space<hbm>>
        %dma_start3A_18 = arith.constant 0 : i32
        %dma_start3A_19 = tpu.memref_slice %arg2[%run_scoped3A, %add3A_11, %dma_start3A_18] : memref<2x10240x144xf32, #tpu.memory_space<hbm>> -> memref<1x64x144xf32, #tpu.memory_space<hbm>>
        %dma_start3A_20 = tpu.memref_squeeze %dma_start3A_19 : memref<1x64x144xf32, #tpu.memory_space<hbm>> -> memref<64x144xf32, #tpu.memory_space<hbm>>
        tpu.enqueue_dma source(%dma_start3A_20 : memref<64x144xf32, #tpu.memory_space<hbm>>) target(%arg4 : memref<64x144xf32, #tpu.memory_space<vmem>>) target_semaphore(%run_scoped3A_15 : memref<!tpu.dma_semaphore, #tpu.memory_space<semaphore_mem>>)
        %dma_wait3A = arith.constant 0 : i32
        %dma_wait3A_21 = tpu.memref_slice %arg2[%run_scoped3A, %add3A_11, %dma_wait3A] : memref<2x10240x144xf32, #tpu.memory_space<hbm>> -> memref<1x64x144xf32, #tpu.memory_space<hbm>>
        %dma_wait3A_22 = tpu.memref_squeeze %dma_wait3A_21 : memref<1x64x144xf32, #tpu.memory_space<hbm>> -> memref<64x144xf32, #tpu.memory_space<hbm>>
        %dma_wait3A_23 = arith.constant 0 : i32
        %dma_wait3A_24 = tpu.memref_slice %arg2[%run_scoped3A, %add3A_11, %dma_wait3A_23] : memref<2x10240x144xf32, #tpu.memory_space<hbm>> -> memref<1x64x144xf32, #tpu.memory_space<hbm>>
        %dma_wait3A_25 = tpu.memref_squeeze %dma_wait3A_24 : memref<1x64x144xf32, #tpu.memory_space<hbm>> -> memref<64x144xf32, #tpu.memory_space<hbm>>
        tpu.wait_dma2 semaphore(%run_scoped3A_15 : memref<!tpu.dma_semaphore, #tpu.memory_space<semaphore_mem>>) src(%dma_wait3A_25 : memref<64x144xf32, #tpu.memory_space<hbm>>) dst(%arg4 : memref<64x144xf32, #tpu.memory_space<vmem>>)
        tpu.yield
      }) : () -> ()
      %run_scoped3A_12 = arith.constant 1 : i32
      "tpu.region"() ({
        %run_scoped3A_15 = tpu.sem_alloc : memref<!tpu.dma_semaphore, #tpu.memory_space<semaphore_mem>>
        %dma_start3A = arith.constant 0 : i32
        %dma_start3A_16 = tpu.memref_slice %arg2[%run_scoped3A_12, %add3A_11, %dma_start3A] : memref<2x10240x144xf32, #tpu.memory_space<hbm>> -> memref<1x64x144xf32, #tpu.memory_space<hbm>>
        %dma_start3A_17 = tpu.memref_squeeze %dma_start3A_16 : memref<1x64x144xf32, #tpu.memory_space<hbm>> -> memref<64x144xf32, #tpu.memory_space<hbm>>
        %dma_start3A_18 = arith.constant 0 : i32
        %dma_start3A_19 = tpu.memref_slice %arg2[%run_scoped3A_12, %add3A_11, %dma_start3A_18] : memref<2x10240x144xf32, #tpu.memory_space<hbm>> -> memref<1x64x144xf32, #tpu.memory_space<hbm>>
        %dma_start3A_20 = tpu.memref_squeeze %dma_start3A_19 : memref<1x64x144xf32, #tpu.memory_space<hbm>> -> memref<64x144xf32, #tpu.memory_space<hbm>>
        tpu.enqueue_dma source(%dma_start3A_20 : memref<64x144xf32, #tpu.memory_space<hbm>>) target(%arg5 : memref<64x144xf32, #tpu.memory_space<vmem>>) target_semaphore(%run_scoped3A_15 : memref<!tpu.dma_semaphore, #tpu.memory_space<semaphore_mem>>)
        %dma_wait3A = arith.constant 0 : i32
        %dma_wait3A_21 = tpu.memref_slice %arg2[%run_scoped3A_12, %add3A_11, %dma_wait3A] : memref<2x10240x144xf32, #tpu.memory_space<hbm>> -> memref<1x64x144xf32, #tpu.memory_space<hbm>>
        %dma_wait3A_22 = tpu.memref_squeeze %dma_wait3A_21 : memref<1x64x144xf32, #tpu.memory_space<hbm>> -> memref<64x144xf32, #tpu.memory_space<hbm>>
        %dma_wait3A_23 = arith.constant 0 : i32
        %dma_wait3A_24 = tpu.memref_slice %arg2[%run_scoped3A_12, %add3A_11, %dma_wait3A_23] : memref<2x10240x144xf32, #tpu.memory_space<hbm>> -> memref<1x64x144xf32, #tpu.memory_space<hbm>>
        %dma_wait3A_25 = tpu.memref_squeeze %dma_wait3A_24 : memref<1x64x144xf32, #tpu.memory_space<hbm>> -> memref<64x144xf32, #tpu.memory_space<hbm>>
        tpu.wait_dma2 semaphore(%run_scoped3A_15 : memref<!tpu.dma_semaphore, #tpu.memory_space<semaphore_mem>>) src(%dma_wait3A_25 : memref<64x144xf32, #tpu.memory_space<hbm>>) dst(%arg5 : memref<64x144xf32, #tpu.memory_space<vmem>>)
        tpu.yield
      }) : () -> ()
      %parallel_loop3A = arith.constant 0 : i32
      %parallel_loop3A_13 = arith.constant 64 : i32
      %parallel_loop3A_14 = arith.constant 1 : i32
      scf.for %parallel_loop3A_15 = %parallel_loop3A to %parallel_loop3A_13 step %parallel_loop3A_14  : i32 {
        %parallel_loop3A_16 = arith.index_cast %parallel_loop3A_15 : i32 to index
        %parallel_loop3A_17 = arith.constant 128 : index
        %parallel_loop3A_18 = tpu.vector_load %arg4[%parallel_loop3A_16, %parallel_loop3A_17] {strides = array<i32>} : memref<64x144xf32, #tpu.memory_space<vmem>>, vector<1x16xf32>,
        %parallel_loop3A_19 = vector.shape_cast %parallel_loop3A_18 : vector<1x16xf32> to vector<16xf32>
        %parallel_loop3A_20 = arith.index_cast %parallel_loop3A_15 : i32 to index
        %parallel_loop3A_21 = arith.constant 128 : index
        %parallel_loop3A_22 = tpu.vector_load %arg5[%parallel_loop3A_20, %parallel_loop3A_21] {strides = array<i32>} : memref<64x144xf32, #tpu.memory_space<vmem>>, vector<1x16xf32>,
        %parallel_loop3A_23 = vector.shape_cast %parallel_loop3A_22 : vector<1x16xf32> to vector<16xf32>
        %parallel_loop3A_24 = arith.addf %parallel_loop3A_19, %parallel_loop3A_23 : vector<16xf32>
        %parallel_loop3A_25 = arith.index_cast %parallel_loop3A_15 : i32 to index
        %parallel_loop3A_26 = arith.constant 0 : index
        %parallel_loop3A_27 = tpu.vector_load %arg4[%parallel_loop3A_25, %parallel_loop3A_26] {strides = array<i32>} : memref<64x144xf32, #tpu.memory_space<vmem>>, vector<1x16xf32>,
        %parallel_loop3A_28 = vector.shape_cast %parallel_loop3A_27 : vector<1x16xf32> to vector<16xf32>
        %parallel_loop3A_29 = arith.index_cast %parallel_loop3A_15 : i32 to index
        %parallel_loop3A_30 = arith.constant 0 : index
        %parallel_loop3A_31 = tpu.vector_load %arg5[%parallel_loop3A_29, %parallel_loop3A_30] {strides = array<i32>} : memref<64x144xf32, #tpu.memory_space<vmem>>, vector<1x16xf32>,
        %parallel_loop3A_32 = vector.shape_cast %parallel_loop3A_31 : vector<1x16xf32> to vector<16xf32>
        %parallel_loop3A_33 = arith.addf %parallel_loop3A_28, %parallel_loop3A_32 : vector<16xf32>
        %parallel_loop3A_34 = arith.constant 0 : i32
        %parallel_loop3A_35 = vector.broadcast %parallel_loop3A_34 : i32 to vector<16x1xi32>
        %parallel_loop3A_36 = vector.shape_cast %parallel_loop3A_35 : vector<16x1xi32> to vector<16xi32>
        %parallel_loop3A_37 = tpu.dynamic_gather %parallel_loop3A_24[%parallel_loop3A_36] in [0] : vector<16xf32>, vector<16xi32> -> vector<16xf32>
        %parallel_loop3A_38 = arith.divf %parallel_loop3A_33, %parallel_loop3A_37 : vector<16xf32>
        %parallel_loop3A_39 = arith.index_cast %parallel_loop3A_15 : i32 to index
        %parallel_loop3A_40 = arith.constant 0 : index
        %parallel_loop3A_41 = tpu.vector_load %arg6[%parallel_loop3A_39, %parallel_loop3A_40] {strides = array<i32>} : memref<64x128xf32, #tpu.memory_space<vmem>>, vector<1x16xf32>,
        %parallel_loop3A_42 = vector.shape_cast %parallel_loop3A_41 : vector<1x16xf32> to vector<16xf32>
        %parallel_loop3A_43 = vector.shape_cast %parallel_loop3A_38 : vector<16xf32> to vector<1x16xf32>
        tpu.vector_store %arg6[%parallel_loop3A_39, %parallel_loop3A_40], %parallel_loop3A_43 {strides = array<i32>} : memref<64x128xf32, #tpu.memory_space<vmem>>, vector<1x16xf32>,
        %parallel_loop3A_44 = arith.index_cast %parallel_loop3A_15 : i32 to index
        %parallel_loop3A_45 = arith.constant 16 : index
        %parallel_loop3A_46 = tpu.vector_load %arg4[%parallel_loop3A_44, %parallel_loop3A_45] {strides = array<i32>} : memref<64x144xf32, #tpu.memory_space<vmem>>, vector<1x16xf32>,
        %parallel_loop3A_47 = vector.shape_cast %parallel_loop3A_46 : vector<1x16xf32> to vector<16xf32>
        %parallel_loop3A_48 = arith.index_cast %parallel_loop3A_15 : i32 to index
        %parallel_loop3A_49 = arith.constant 16 : index
        %parallel_loop3A_50 = tpu.vector_load %arg5[%parallel_loop3A_48, %parallel_loop3A_49] {strides = array<i32>} : memref<64x144xf32, #tpu.memory_space<vmem>>, vector<1x16xf32>,
        %parallel_loop3A_51 = vector.shape_cast %parallel_loop3A_50 : vector<1x16xf32> to vector<16xf32>
        %parallel_loop3A_52 = arith.addf %parallel_loop3A_47, %parallel_loop3A_51 : vector<16xf32>
        %parallel_loop3A_53 = arith.constant 1 : i32
        %parallel_loop3A_54 = vector.broadcast %parallel_loop3A_53 : i32 to vector<16x1xi32>
        %parallel_loop3A_55 = vector.shape_cast %parallel_loop3A_54 : vector<16x1xi32> to vector<16xi32>
        %parallel_loop3A_56 = tpu.dynamic_gather %parallel_loop3A_24[%parallel_loop3A_55] in [0] : vector<16xf32>, vector<16xi32> -> vector<16xf32>
        %parallel_loop3A_57 = arith.divf %parallel_loop3A_52, %parallel_loop3A_56 : vector<16xf32>
        %parallel_loop3A_58 = arith.index_cast %parallel_loop3A_15 : i32 to index
        %parallel_loop3A_59 = arith.constant 16 : index
        %parallel_loop3A_60 = tpu.vector_load %arg6[%parallel_loop3A_58, %parallel_loop3A_59] {strides = array<i32>} : memref<64x128xf32, #tpu.memory_space<vmem>>, vector<1x16xf32>,
        %parallel_loop3A_61 = vector.shape_cast %parallel_loop3A_60 : vector<1x16xf32> to vector<16xf32>
        %parallel_loop3A_62 = vector.shape_cast %parallel_loop3A_57 : vector<16xf32> to vector<1x16xf32>
        tpu.vector_store %arg6[%parallel_loop3A_58, %parallel_loop3A_59], %parallel_loop3A_62 {strides = array<i32>} : memref<64x128xf32, #tpu.memory_space<vmem>>, vector<1x16xf32>,
        %parallel_loop3A_63 = arith.index_cast %parallel_loop3A_15 : i32 to index
        %parallel_loop3A_64 = arith.constant 32 : index
        %parallel_loop3A_65 = tpu.vector_load %arg4[%parallel_loop3A_63, %parallel_loop3A_64] {strides = array<i32>} : memref<64x144xf32, #tpu.memory_space<vmem>>, vector<1x16xf32>,
        %parallel_loop3A_66 = vector.shape_cast %parallel_loop3A_65 : vector<1x16xf32> to vector<16xf32>
        %parallel_loop3A_67 = arith.index_cast %parallel_loop3A_15 : i32 to index
        %parallel_loop3A_68 = arith.constant 32 : index
        %parallel_loop3A_69 = tpu.vector_load %arg5[%parallel_loop3A_67, %parallel_loop3A_68] {strides = array<i32>} : memref<64x144xf32, #tpu.memory_space<vmem>>, vector<1x16xf32>,
        %parallel_loop3A_70 = vector.shape_cast %parallel_loop3A_69 : vector<1x16xf32> to vector<16xf32>
        %parallel_loop3A_71 = arith.addf %parallel_loop3A_66, %parallel_loop3A_70 : vector<16xf32>
        %parallel_loop3A_72 = arith.constant 2 : i32
        %parallel_loop3A_73 = vector.broadcast %parallel_loop3A_72 : i32 to vector<16x1xi32>
        %parallel_loop3A_74 = vector.shape_cast %parallel_loop3A_73 : vector<16x1xi32> to vector<16xi32>
        %parallel_loop3A_75 = tpu.dynamic_gather %parallel_loop3A_24[%parallel_loop3A_74] in [0] : vector<16xf32>, vector<16xi32> -> vector<16xf32>
        %parallel_loop3A_76 = arith.divf %parallel_loop3A_71, %parallel_loop3A_75 : vector<16xf32>
        %parallel_loop3A_77 = arith.index_cast %parallel_loop3A_15 : i32 to index
        %parallel_loop3A_78 = arith.constant 32 : index
        %parallel_loop3A_79 = tpu.vector_load %arg6[%parallel_loop3A_77, %parallel_loop3A_78] {strides = array<i32>} : memref<64x128xf32, #tpu.memory_space<vmem>>, vector<1x16xf32>,
        %parallel_loop3A_80 = vector.shape_cast %parallel_loop3A_79 : vector<1x16xf32> to vector<16xf32>
        %parallel_loop3A_81 = vector.shape_cast %parallel_loop3A_76 : vector<16xf32> to vector<1x16xf32>
        tpu.vector_store %arg6[%parallel_loop3A_77, %parallel_loop3A_78], %parallel_loop3A_81 {strides = array<i32>} : memref<64x128xf32, #tpu.memory_space<vmem>>, vector<1x16xf32>,
        %parallel_loop3A_82 = arith.index_cast %parallel_loop3A_15 : i32 to index
        %parallel_loop3A_83 = arith.constant 48 : index
        %parallel_loop3A_84 = tpu.vector_load %arg4[%parallel_loop3A_82, %parallel_loop3A_83] {strides = array<i32>} : memref<64x144xf32, #tpu.memory_space<vmem>>, vector<1x16xf32>,
        %parallel_loop3A_85 = vector.shape_cast %parallel_loop3A_84 : vector<1x16xf32> to vector<16xf32>
        %parallel_loop3A_86 = arith.index_cast %parallel_loop3A_15 : i32 to index
        %parallel_loop3A_87 = arith.constant 48 : index
        %parallel_loop3A_88 = tpu.vector_load %arg5[%parallel_loop3A_86, %parallel_loop3A_87] {strides = array<i32>} : memref<64x144xf32, #tpu.memory_space<vmem>>, vector<1x16xf32>,
        %parallel_loop3A_89 = vector.shape_cast %parallel_loop3A_88 : vector<1x16xf32> to vector<16xf32>
        %parallel_loop3A_90 = arith.addf %parallel_loop3A_85, %parallel_loop3A_89 : vector<16xf32>
        %parallel_loop3A_91 = arith.constant 3 : i32
        %parallel_loop3A_92 = vector.broadcast %parallel_loop3A_91 : i32 to vector<16x1xi32>
        %parallel_loop3A_93 = vector.shape_cast %parallel_loop3A_92 : vector<16x1xi32> to vector<16xi32>
        %parallel_loop3A_94 = tpu.dynamic_gather %parallel_loop3A_24[%parallel_loop3A_93] in [0] : vector<16xf32>, vector<16xi32> -> vector<16xf32>
        %parallel_loop3A_95 = arith.divf %parallel_loop3A_90, %parallel_loop3A_94 : vector<16xf32>
        %parallel_loop3A_96 = arith.index_cast %parallel_loop3A_15 : i32 to index
        %parallel_loop3A_97 = arith.constant 48 : index
        %parallel_loop3A_98 = tpu.vector_load %arg6[%parallel_loop3A_96, %parallel_loop3A_97] {strides = array<i32>} : memref<64x128xf32, #tpu.memory_space<vmem>>, vector<1x16xf32>,
        %parallel_loop3A_99 = vector.shape_cast %parallel_loop3A_98 : vector<1x16xf32> to vector<16xf32>
        %parallel_loop3A_100 = vector.shape_cast %parallel_loop3A_95 : vector<16xf32> to vector<1x16xf32>
        tpu.vector_store %arg6[%parallel_loop3A_96, %parallel_loop3A_97], %parallel_loop3A_100 {strides = array<i32>} : memref<64x128xf32, #tpu.memory_space<vmem>>, vector<1x16xf32>,
        %parallel_loop3A_101 = arith.index_cast %parallel_loop3A_15 : i32 to index
        %parallel_loop3A_102 = arith.constant 64 : index
        %parallel_loop3A_103 = tpu.vector_load %arg4[%parallel_loop3A_101, %parallel_loop3A_102] {strides = array<i32>} : memref<64x144xf32, #tpu.memory_space<vmem>>, vector<1x16xf32>,
        %parallel_loop3A_104 = vector.shape_cast %parallel_loop3A_103 : vector<1x16xf32> to vector<16xf32>
        %parallel_loop3A_105 = arith.index_cast %parallel_loop3A_15 : i32 to index
        %parallel_loop3A_106 = arith.constant 64 : index
        %parallel_loop3A_107 = tpu.vector_load %arg5[%parallel_loop3A_105, %parallel_loop3A_106] {strides = array<i32>} : memref<64x144xf32, #tpu.memory_space<vmem>>, vector<1x16xf32>,
        %parallel_loop3A_108 = vector.shape_cast %parallel_loop3A_107 : vector<1x16xf32> to vector<16xf32>
        %parallel_loop3A_109 = arith.addf %parallel_loop3A_104, %parallel_loop3A_108 : vector<16xf32>
        %parallel_loop3A_110 = arith.constant 4 : i32
        %parallel_loop3A_111 = vector.broadcast %parallel_loop3A_110 : i32 to vector<16x1xi32>
        %parallel_loop3A_112 = vector.shape_cast %parallel_loop3A_111 : vector<16x1xi32> to vector<16xi32>
        %parallel_loop3A_113 = tpu.dynamic_gather %parallel_loop3A_24[%parallel_loop3A_112] in [0] : vector<16xf32>, vector<16xi32> -> vector<16xf32>
        %parallel_loop3A_114 = arith.divf %parallel_loop3A_109, %parallel_loop3A_113 : vector<16xf32>
        %parallel_loop3A_115 = arith.index_cast %parallel_loop3A_15 : i32 to index
        %parallel_loop3A_116 = arith.constant 64 : index
        %parallel_loop3A_117 = tpu.vector_load %arg6[%parallel_loop3A_115, %parallel_loop3A_116] {strides = array<i32>} : memref<64x128xf32, #tpu.memory_space<vmem>>, vector<1x16xf32>,
        %parallel_loop3A_118 = vector.shape_cast %parallel_loop3A_117 : vector<1x16xf32> to vector<16xf32>
        %parallel_loop3A_119 = vector.shape_cast %parallel_loop3A_114 : vector<16xf32> to vector<1x16xf32>
        tpu.vector_store %arg6[%parallel_loop3A_115, %parallel_loop3A_116], %parallel_loop3A_119 {strides = array<i32>} : memref<64x128xf32, #tpu.memory_space<vmem>>, vector<1x16xf32>,
        %parallel_loop3A_120 = arith.index_cast %parallel_loop3A_15 : i32 to index
        %parallel_loop3A_121 = arith.constant 80 : index
        %parallel_loop3A_122 = tpu.vector_load %arg4[%parallel_loop3A_120, %parallel_loop3A_121] {strides = array<i32>} : memref<64x144xf32, #tpu.memory_space<vmem>>, vector<1x16xf32>,
        %parallel_loop3A_123 = vector.shape_cast %parallel_loop3A_122 : vector<1x16xf32> to vector<16xf32>
        %parallel_loop3A_124 = arith.index_cast %parallel_loop3A_15 : i32 to index
        %parallel_loop3A_125 = arith.constant 80 : index
        %parallel_loop3A_126 = tpu.vector_load %arg5[%parallel_loop3A_124, %parallel_loop3A_125] {strides = array<i32>} : memref<64x144xf32, #tpu.memory_space<vmem>>, vector<1x16xf32>,
        %parallel_loop3A_127 = vector.shape_cast %parallel_loop3A_126 : vector<1x16xf32> to vector<16xf32>
        %parallel_loop3A_128 = arith.addf %parallel_loop3A_123, %parallel_loop3A_127 : vector<16xf32>
        %parallel_loop3A_129 = arith.constant 5 : i32
        %parallel_loop3A_130 = vector.broadcast %parallel_loop3A_129 : i32 to vector<16x1xi32>
        %parallel_loop3A_131 = vector.shape_cast %parallel_loop3A_130 : vector<16x1xi32> to vector<16xi32>
        %parallel_loop3A_132 = tpu.dynamic_gather %parallel_loop3A_24[%parallel_loop3A_131] in [0] : vector<16xf32>, vector<16xi32> -> vector<16xf32>
        %parallel_loop3A_133 = arith.divf %parallel_loop3A_128, %parallel_loop3A_132 : vector<16xf32>
        %parallel_loop3A_134 = arith.index_cast %parallel_loop3A_15 : i32 to index
        %parallel_loop3A_135 = arith.constant 80 : index
        %parallel_loop3A_136 = tpu.vector_load %arg6[%parallel_loop3A_134, %parallel_loop3A_135] {strides = array<i32>} : memref<64x128xf32, #tpu.memory_space<vmem>>, vector<1x16xf32>,
        %parallel_loop3A_137 = vector.shape_cast %parallel_loop3A_136 : vector<1x16xf32> to vector<16xf32>
        %parallel_loop3A_138 = vector.shape_cast %parallel_loop3A_133 : vector<16xf32> to vector<1x16xf32>
        tpu.vector_store %arg6[%parallel_loop3A_134, %parallel_loop3A_135], %parallel_loop3A_138 {strides = array<i32>} : memref<64x128xf32, #tpu.memory_space<vmem>>, vector<1x16xf32>,
        %parallel_loop3A_139 = arith.index_cast %parallel_loop3A_15 : i32 to index
        %parallel_loop3A_140 = arith.constant 96 : index
        %parallel_loop3A_141 = tpu.vector_load %arg4[%parallel_loop3A_139, %parallel_loop3A_140] {strides = array<i32>} : memref<64x144xf32, #tpu.memory_space<vmem>>, vector<1x16xf32>,
        %parallel_loop3A_142 = vector.shape_cast %parallel_loop3A_141 : vector<1x16xf32> to vector<16xf32>
        %parallel_loop3A_143 = arith.index_cast %parallel_loop3A_15 : i32 to index
        %parallel_loop3A_144 = arith.constant 96 : index
        %parallel_loop3A_145 = tpu.vector_load %arg5[%parallel_loop3A_143, %parallel_loop3A_144] {strides = array<i32>} : memref<64x144xf32, #tpu.memory_space<vmem>>, vector<1x16xf32>,
        %parallel_loop3A_146 = vector.shape_cast %parallel_loop3A_145 : vector<1x16xf32> to vector<16xf32>
        %parallel_loop3A_147 = arith.addf %parallel_loop3A_142, %parallel_loop3A_146 : vector<16xf32>
        %parallel_loop3A_148 = arith.constant 6 : i32
        %parallel_loop3A_149 = vector.broadcast %parallel_loop3A_148 : i32 to vector<16x1xi32>
        %parallel_loop3A_150 = vector.shape_cast %parallel_loop3A_149 : vector<16x1xi32> to vector<16xi32>
        %parallel_loop3A_151 = tpu.dynamic_gather %parallel_loop3A_24[%parallel_loop3A_150] in [0] : vector<16xf32>, vector<16xi32> -> vector<16xf32>
        %parallel_loop3A_152 = arith.divf %parallel_loop3A_147, %parallel_loop3A_151 : vector<16xf32>
        %parallel_loop3A_153 = arith.index_cast %parallel_loop3A_15 : i32 to index
        %parallel_loop3A_154 = arith.constant 96 : index
        %parallel_loop3A_155 = tpu.vector_load %arg6[%parallel_loop3A_153, %parallel_loop3A_154] {strides = array<i32>} : memref<64x128xf32, #tpu.memory_space<vmem>>, vector<1x16xf32>,
        %parallel_loop3A_156 = vector.shape_cast %parallel_loop3A_155 : vector<1x16xf32> to vector<16xf32>
        %parallel_loop3A_157 = vector.shape_cast %parallel_loop3A_152 : vector<16xf32> to vector<1x16xf32>
        tpu.vector_store %arg6[%parallel_loop3A_153, %parallel_loop3A_154], %parallel_loop3A_157 {strides = array<i32>} : memref<64x128xf32, #tpu.memory_space<vmem>>, vector<1x16xf32>,
        %parallel_loop3A_158 = arith.index_cast %parallel_loop3A_15 : i32 to index
        %parallel_loop3A_159 = arith.constant 112 : index
        %parallel_loop3A_160 = tpu.vector_load %arg4[%parallel_loop3A_158, %parallel_loop3A_159] {strides = array<i32>} : memref<64x144xf32, #tpu.memory_space<vmem>>, vector<1x16xf32>,
        %parallel_loop3A_161 = vector.shape_cast %parallel_loop3A_160 : vector<1x16xf32> to vector<16xf32>
        %parallel_loop3A_162 = arith.index_cast %parallel_loop3A_15 : i32 to index
        %parallel_loop3A_163 = arith.constant 112 : index
        %parallel_loop3A_164 = tpu.vector_load %arg5[%parallel_loop3A_162, %parallel_loop3A_163] {strides = array<i32>} : memref<64x144xf32, #tpu.memory_space<vmem>>, vector<1x16xf32>,
        %parallel_loop3A_165 = vector.shape_cast %parallel_loop3A_164 : vector<1x16xf32> to vector<16xf32>
        %parallel_loop3A_166 = arith.addf %parallel_loop3A_161, %parallel_loop3A_165 : vector<16xf32>
        %parallel_loop3A_167 = arith.constant 7 : i32
        %parallel_loop3A_168 = vector.broadcast %parallel_loop3A_167 : i32 to vector<16x1xi32>
        %parallel_loop3A_169 = vector.shape_cast %parallel_loop3A_168 : vector<16x1xi32> to vector<16xi32>
        %parallel_loop3A_170 = tpu.dynamic_gather %parallel_loop3A_24[%parallel_loop3A_169] in [0] : vector<16xf32>, vector<16xi32> -> vector<16xf32>
        %parallel_loop3A_171 = arith.divf %parallel_loop3A_166, %parallel_loop3A_170 : vector<16xf32>
        %parallel_loop3A_172 = arith.index_cast %parallel_loop3A_15 : i32 to index
        %parallel_loop3A_173 = arith.constant 112 : index
        %parallel_loop3A_174 = tpu.vector_load %arg6[%parallel_loop3A_172, %parallel_loop3A_173] {strides = array<i32>} : memref<64x128xf32, #tpu.memory_space<vmem>>, vector<1x16xf32>,
        %parallel_loop3A_175 = vector.shape_cast %parallel_loop3A_174 : vector<1x16xf32> to vector<16xf32>
        %parallel_loop3A_176 = vector.shape_cast %parallel_loop3A_171 : vector<16xf32> to vector<1x16xf32>
        tpu.vector_store %arg6[%parallel_loop3A_172, %parallel_loop3A_173], %parallel_loop3A_176 {strides = array<i32>} : memref<64x128xf32, #tpu.memory_space<vmem>>, vector<1x16xf32>,
      } {sc.loop_unroll_factor = 4 : i64, sc.parallel_access}
      "tpu.region"() ({
        %run_scoped3A_15 = tpu.sem_alloc : memref<!tpu.dma_semaphore, #tpu.memory_space<semaphore_mem>>
        %dma_start3A = arith.constant 0 : i32
        %dma_start3A_16 = tpu.memref_slice %arg3[%add3A_11, %dma_start3A] : memref<10240x128xf32, #tpu.memory_space<hbm>> -> memref<64x128xf32, #tpu.memory_space<hbm>>
        %dma_start3A_17 = arith.constant 0 : i32
        %dma_start3A_18 = tpu.memref_slice %arg3[%add3A_11, %dma_start3A_17] : memref<10240x128xf32, #tpu.memory_space<hbm>> -> memref<64x128xf32, #tpu.memory_space<hbm>>
        tpu.enqueue_dma source(%arg6 : memref<64x128xf32, #tpu.memory_space<vmem>>) target(%dma_start3A_18 : memref<64x128xf32, #tpu.memory_space<hbm>>) target_semaphore(%run_scoped3A_15 : memref<!tpu.dma_semaphore, #tpu.memory_space<semaphore_mem>>)
        %dma_wait3A = arith.constant 0 : i32
        %dma_wait3A_19 = tpu.memref_slice %arg3[%add3A_11, %dma_wait3A] : memref<10240x128xf32, #tpu.memory_space<hbm>> -> memref<64x128xf32, #tpu.memory_space<hbm>>
        %dma_wait3A_20 = arith.constant 0 : i32
        %dma_wait3A_21 = tpu.memref_slice %arg3[%add3A_11, %dma_wait3A_20] : memref<10240x128xf32, #tpu.memory_space<hbm>> -> memref<64x128xf32, #tpu.memory_space<hbm>>
        tpu.wait_dma2 semaphore(%run_scoped3A_15 : memref<!tpu.dma_semaphore, #tpu.memory_space<semaphore_mem>>) src(%arg6 : memref<64x128xf32, #tpu.memory_space<vmem>>) dst(%dma_wait3A_21 : memref<64x128xf32, #tpu.memory_space<hbm>>)
        tpu.yield
      }) : () -> ()
    }
    %scan3A_7 = arith.constant 5 : i32
    return
  }
}

module attributes {stable_mosaic.version = 14 : i64} {
  func.func @body(%arg0: i32, %arg1: memref<1024x128xf32, #tpu.memory_space<vmem>>, %arg2: memref<128x144xf32, #tpu.memory_space<vmem>>, %arg3: memref<128x16xf32, #tpu.memory_space<vmem>>, %arg4: memref<1024x144xf32, #tpu.memory_space<vmem>>, %arg5: memref<1024x16xf32, #tpu.memory_space<vmem>>) attributes {dimension_semantics = [#tpu.dimension_semantics<arbitrary>], iteration_bounds = array<i64: 10>, scalar_prefetch = 0 : i64, scratch_operands = 0 : i64, tpu.core_type = #tpu.core_type<tc>, window_params = [{transform_indices = @transform_0, window_bounds = array<i64: 1024, 128>}, {pipeline_mode = #tpu.pipeline_mode<synchronous>, transform_indices = @transform_1, window_bounds = array<i64: 128, 144>}, {pipeline_mode = #tpu.pipeline_mode<synchronous>, transform_indices = @transform_2, window_bounds = array<i64: 128, 16>}, {transform_indices = @transform_3, window_bounds = array<i64: 1024, 144>}, {transform_indices = @transform_4, window_bounds = array<i64: 1024, 16>}]} {
    %get3A = arith.constant 0 : index
    %get3A_0 = arith.constant 0 : index
    %get3A_1 = vector.load %arg1[%get3A, %get3A_0] : memref<1024x128xf32, #tpu.memory_space<vmem>>, vector<1024x128xf32>
    %get3A_2 = arith.constant 0 : index
    %get3A_3 = arith.constant 0 : index
    %get3A_4 = vector.load %arg2[%get3A_2, %get3A_3] : memref<128x144xf32, #tpu.memory_space<vmem>>, vector<128x144xf32>
    %dot_general3A = arith.constant dense<0.000000e+00> : vector<1024x144xf32>
    %dot_general3A_5 = tpu.matmul %get3A_1, %get3A_4, %dot_general3A {dimension_numbers = #tpu.dot_dimension_numbers<[1], [0], [0], [1], [0, 0, 1, 1], [], []>, transpose_lhs_hint = false} : vector<1024x128xf32>, vector<128x144xf32>, vector<1024x144xf32> -> vector<1024x144xf32>
    %swap3A = arith.constant 0 : index
    %swap3A_6 = arith.constant 0 : index
    %swap3A_7 = vector.load %arg4[%swap3A, %swap3A_6] : memref<1024x144xf32, #tpu.memory_space<vmem>>, vector<1024x144xf32>
    tpu.vector_store %arg4[%swap3A, %swap3A_6], %dot_general3A_5 {strides = array<i32>} : memref<1024x144xf32, #tpu.memory_space<vmem>>, vector<1024x144xf32>,
    %get3A_8 = arith.constant 0 : index
    %get3A_9 = arith.constant 0 : index
    %get3A_10 = vector.load %arg3[%get3A_8, %get3A_9] : memref<128x16xf32, #tpu.memory_space<vmem>>, vector<128x16xf32>
    %dot_general3A_11 = arith.constant dense<0.000000e+00> : vector<1024x16xf32>
    %dot_general3A_12 = tpu.matmul %get3A_1, %get3A_10, %dot_general3A_11 {dimension_numbers = #tpu.dot_dimension_numbers<[1], [0], [0], [1], [0, 0, 1, 1], [], []>, transpose_lhs_hint = false} : vector<1024x128xf32>, vector<128x16xf32>, vector<1024x16xf32> -> vector<1024x16xf32>
    %swap3A_13 = arith.constant 0 : index
    %swap3A_14 = arith.constant 0 : index
    %swap3A_15 = vector.load %arg5[%swap3A_13, %swap3A_14] : memref<1024x16xf32, #tpu.memory_space<vmem>>, vector<1024x16xf32>
    tpu.vector_store %arg5[%swap3A_13, %swap3A_14], %dot_general3A_12 {strides = array<i32>} : memref<1024x16xf32, #tpu.memory_space<vmem>>, vector<1024x16xf32>,
    return
  }
  func.func @transform_0(%arg0: i32) -> (i32, i32) {
    %c0_i32 = arith.constant 0 : i32
    %c0_i32_0 = arith.constant 0 : i32
    return %arg0, %c0_i32 : i32, i32
  }
  func.func @transform_1(%arg0: i32) -> (i32, i32) {
    %c0_i32 = arith.constant 0 : i32
    %c0_i32_0 = arith.constant 0 : i32
    %c0_i32_1 = arith.constant 0 : i32
    return %c0_i32, %c0_i32_0 : i32, i32
  }
  func.func @transform_2(%arg0: i32) -> (i32, i32) {
    %c0_i32 = arith.constant 0 : i32
    %c0_i32_0 = arith.constant 0 : i32
    %c0_i32_1 = arith.constant 0 : i32
    return %c0_i32, %c0_i32_0 : i32, i32
  }
  func.func @transform_3(%arg0: i32) -> (i32, i32) {
    %c0_i32 = arith.constant 0 : i32
    %c0_i32_0 = arith.constant 0 : i32
    return %arg0, %c0_i32 : i32, i32
  }
  func.func @transform_4(%arg0: i32) -> (i32, i32) {
    %c0_i32 = arith.constant 0 : i32
    %c0_i32_0 = arith.constant 0 : i32
    return %arg0, %c0_i32 : i32, i32
  }
}

</mosaic_0001>

<sc_bundles>
// kernel: kernel.5.cloned.1.call-start
scs
__scs_entry_jumppad:
0x0: {  	(pc) =	sbr.rel $0x88, $3  }
0x1: {  	(tag) =	ssettag $0x0;
	lr =	simm.s32 $0x1  }
0x2: {  	[smem:$0x3F9C] =	sst lr;
	_ =	strace $0xD0000000  }
0x3: {  	_ = 	snop  }
0x4: {  	_ = 	snop  }
0x5: {  	_ = 	snop  }
0x6: {  	_ = 	snop  }
0x7: {  	_ = 	snop  }
__scs_overlays_trampoline_lowered:
0x8: {  	[smem:$0x3FAB] =	sst s0  }
0x9: {  	[smem:$0x3FAC] =	sst s1  }
0xa: {  	[smem:$0x3FAD] =	sst s2  }
0xb: {  	[smem:$0x3FAE] =	sst s3  }
0xc: {  	[smem:$0x3FAF] =	sst s4  }
0xd: {  	[smem:$0x3FB0] =	sst s5  }
0xe: {  	[smem:$0x3FB1] =	sst s6  }
0xf: {  	[smem:$0x3FB2] =	sst s7  }
0x10: {  	[smem:$0x3FB3] =	sst s8  }
0x11: {  	[smem:$0x3FB4] =	sst s9;
	s0 =	simm.s32 @!p0 $0x0  }
0x12: {  	s1 =	sld [smem:$0x3F9A];
	s0 =	simm.s32 @p0 $0x1  }
0x13: {  	[smem:$0x3FB5] =	sst s0;
	s0 =	simm.s32 @!p1 $0x0  }
0x14: {  	s2 =	sld [smem:$0x3F99];
	s0 =	simm.s32 @p1 $0x1  }
0x15: {  	[smem:$0x3FB6] =	sst s0;
	s0 =	simm.s32 @!p2 $0x0  }
0x16: {  	s3 =	sld [smem:$0x3FDB];
	s0 =	simm.s32 @p2 $0x1  }
0x17: {  	s4 =	simm.s32 $0x1BF5;
	[smem:$0x3FB8] =	sst s0  }
0x18: {  	s0 =	sld [smem:$0x3F9B];
	_ =	swait.ge [sflag:s4], $0x0  }
0x19: {  	s7 =	sld [smem:$0x3F9C]  }
0x1a: {  	s8 =	sadd.s32 $0xFFFFE003, lr  }
0x1b: {  	s9 =	sadd.s32 $0xFFFFFEF7, lr;
	s5 =	simm.s32 $0xFFFFFFFF;
	p2 =	slt.u32 s8, $0xFFFFF086  }
0x1c: {  	p1 =	slt.u32 s9, $0xF7A;
	s5 =	simm.s32 @!p2 $0x0  }
0x1d: {  	s5 =	simm.s32 @p1 $0x1;
	p0 =	seq.s32 s7, s2  }
0x1e: {  	s7 =	smul.u32 @!p0 $0xF7A, s2;
	p2 =	seq.s32 @!p0 s5, $0x0  }
0x1f: {  	s9 =	smul.u32 $0xF7A, s1;
	s8 =	simm.s32 @!p0 $0x1BF5;
	p2 =	por !p2, p0  }
0x20: {  	[sflag:s8] =	ssyncset.s32 @!p0 $0xFFFFF086;
	s6 =	sadd.s32 @!p0 s3, s7;
	s7 =	simm.s32 @!p0 $0x108  }
0x21: {  	s3 =	sadd.s32 s3, s9;
	s6 =	sadd.s32 @!p0 $0x88, s6;
	s7 =	simm.s32 @p2 $0x1082  }
0x22: {  	[simem:s7], [sflag:s8] =	dma.local @!p0 [hbm:s6], $0xF7A  }
0x23: {  	s9 =	sor.u32 $0xD0000000, s2;
	s6 =	simm.s32 $0x108;
	_ =	swait.ge @!p0 [sflag:s8], $0x0  }
0x24: {  	s3 =	sadd.s32 $0x88, s3;
	s6 =	simm.s32 @!p1 $0x1082;
	[sflag:s4] =	ssyncset.s32 $0xFFFFF086  }
0x25: {  	[simem:s6], [sflag:s4] =	dma.local [hbm:s3], $0xF7A  }
0x26: {  	[smem:$0x3F9C] =	sst s1;
	(tag) =	ssettag s2;
	_ =	strace s9  }
0x27: {  	s1 =	sld [smem:$0x3FAC]  }
0x28: {  	s2 =	sld [smem:$0x3FAD]  }
0x29: {  	s4 =	sld [smem:$0x3FAF]  }
0x2a: {  	p0 =	seq.s32 s5, $0x0;
	s5 =	sld [smem:$0x3FB0]  }
0x2b: {  	s6 =	sld [smem:$0x3FB1]  }
0x2c: {  	s7 =	sld [smem:$0x3FB2]  }
0x2d: {  	s3 =	simm.s32 $0x108;
	s8 =	sld [smem:$0x3FB3]  }
0x2e: {  	s3 =	simm.s32 @!p0 $0x1082;
	s9 =	sld [smem:$0x3FB4]  }
0x2f: {  	lr =	sadd.s32 s0, s3;
	s0 =	sld [smem:$0x3FAB]  }
0x30: {  	s3 =	sld [smem:$0x3FAE]  }
0x31: {  	[smem:$0x3FB7] =	sst s10  }
0x32: {  	s10 =	sld [smem:$0x3FB5];
	_ =	sdelay $0x3  }
0x33: {  	p0 =	seq.s32 s10, $0x1;
	s10 =	sld [smem:$0x3FB7];
	_ =	sdelay $0x3  }
0x34: {  	[smem:$0x3FB7] =	sst s10  }
0x35: {  	s10 =	sld [smem:$0x3FB6];
	_ =	sdelay $0x3  }
0x36: {  	p1 =	seq.s32 s10, $0x1;
	s10 =	sld [smem:$0x3FB7];
	_ =	sdelay $0x3  }
0x37: {  	[smem:$0x3FB7] =	sst s10  }
0x38: {  	s10 =	sld [smem:$0x3FB8]  }
0x39: {  	_ = 	snop;
	(pc) =	sbr.ind lr, $3  }
0x3a: {  	_ = 	snop  }
0x3b: {  	_ = 	snop  }
0x3c: {  	p2 =	seq.s32 s10, $0x1;
	s10 =	sld [smem:$0x3FB7]  }
0x3d: {  	_ =	shalt  }
0x3e: {  	_ =	shalt  }
0x3f: {  	_ =	shalt  }
0x40: {  	_ =	shalt  }
0x41: {  	_ =	shalt  }
0x42: {  	_ =	shalt  }
0x43: {  	_ =	shalt  }
0x44: {  	_ =	shalt  }
0x45: {  	_ =	shalt  }
0x46: {  	_ =	shalt  }
0x47: {  	_ =	shalt  }
0x48: {  	_ =	shalt  }
0x49: {  	_ =	shalt  }
0x4a: {  	_ =	shalt  }
0x4b: {  	_ =	shalt  }
0x4c: {  	_ =	shalt  }
0x4d: {  	_ =	shalt  }
0x4e: {  	_ =	shalt  }
0x4f: {  	_ =	shalt  }
0x50: {  	_ =	shalt  }
0x51: {  	_ =	shalt  }
0x52: {  	_ =	shalt  }
0x53: {  	_ =	shalt  }
0x54: {  	_ =	shalt  }
0x55: {  	_ =	shalt  }
0x56: {  	_ =	shalt  }
0x57: {  	_ =	shalt  }
0x58: {  	_ =	shalt  }
0x59: {  	_ =	shalt  }
0x5a: {  	_ =	shalt  }
0x5b: {  	_ =	shalt  }
0x5c: {  	_ =	shalt  }
0x5d: {  	_ =	shalt  }
0x5e: {  	_ =	shalt  }
0x5f: {  	_ =	shalt  }
0x60: {  	_ =	shalt  }
0x61: {  	_ =	shalt  }
0x62: {  	_ =	shalt  }
0x63: {  	_ =	shalt  }
0x64: {  	_ =	shalt  }
0x65: {  	_ =	shalt  }
0x66: {  	_ =	shalt  }
0x67: {  	_ =	shalt  }
0x68: {  	_ =	shalt  }
0x69: {  	_ =	shalt  }
0x6a: {  	_ =	shalt  }
0x6b: {  	_ =	shalt  }
0x6c: {  	_ =	shalt  }
0x6d: {  	_ =	shalt  }
0x6e: {  	_ =	shalt  }
0x6f: {  	_ =	shalt  }
0x70: {  	_ =	shalt  }
0x71: {  	_ =	shalt  }
0x72: {  	_ =	shalt  }
0x73: {  	_ =	shalt  }
0x74: {  	_ =	shalt  }
0x75: {  	_ =	shalt  }
0x76: {  	_ =	shalt  }
0x77: {  	_ =	shalt  }
0x78: {  	_ =	shalt  }
0x79: {  	_ =	shalt  }
0x7a: {  	_ =	shalt  }
0x7b: {  	_ =	shalt  }
0x7c: {  	_ =	shalt  }
0x7d: {  	_ =	shalt  }
0x7e: {  	_ =	shalt  }
0x7f: {  	_ =	shalt  }
0x80: {  	_ =	shalt  }
0x81: {  	_ =	shalt  }
0x82: {  	_ =	shalt  }
0x83: {  	_ =	shalt  }
0x84: {  	_ =	shalt  }
0x85: {  	_ =	shalt  }
0x86: {  	_ =	shalt  }
0x87: {  	_ =	shalt  }
.Lfunc_end0:
.L_simem_size_0:
called_computation_lowered:
.L_overlay_start_0:
0x88: {  	s2 =	sld [smem:$0x3FD9]  }
0x89: {  	s3 =	sld [smem:$0x3FFE];
	_ =	sdelay $0x1  }
0x8a: {  	s1 =	srdreg.scid  }
0x8b: {  	s0 =	sand.u32 $0x1, s1  }
0x8c: {  	s17 =	sshll.u32 s0, $0xA;
	s2 =	sadd.s32 s3, s2  }
0x8d: {  	s2 =	sadd.s32 s2, s17  }
0x8e: {  	[smem:$0x3FC3] =	sst s2  }
0x8f: {  	_ = 	snop  }
0x90: {  	s2 =	sld [smem:$0x3FD0];
	(tm) =	ssettm $0x1  }
0x91: {  	s18 =	sld [smem:$0x3FFB];
	_ =	sdelay $0x3  }
0x92: {  	_ =	strace s18  }
0x93: {  	s3 =	sld [smem:$0x3FFC];
	_ =	sdelay $0x3  }
0x94: {  	_ =	strace s3  }
0x95: {  	s3 =	sld [smem:$0x3FFD];
	_ =	sdelay $0x3  }
0x96: {  	_ =	strace s3  }
0x97: {  	_ =	strace $0x8FFFFFFF  }
0x98: {  	s19 =	sld [smem:$0x3FDB];
	_ =	sdelay $0x1  }
0x99: {  	s4 =	simm.s32 $_scs_section_size  }
0x9a: {  	s5 =	simm.s32 $_size__tile_overlayer_lowered;
	s6 =	simm.s32 $_tile_overlayer_lowered  }
0x9b: {  	s22 =	simm.s32 $0x1BFF;
	s21 =	sshll.u32 s6, $0x1;
	s3 =	sadd.s32 s4, s19  }
0x9c: {  	s7 =	simm.s32 $0x0;
	s20 =	sshll.u32 s5, $0x1;
	s5 =	sadd.s32 s21, s3  }
0x9d: {  	[timem:s7], [sflag:s22] =	dma.local [hbm:s5], s20  }
0x9e: {  	_ =	swait.ge [sflag:s22], s20  }
0x9f: {  	s4 =	ssub.s32 $0x0, s20;
	[sflag:s22] =	ssyncset.done $0x0  }
0xa0: {  	[sflag:s22] =	ssyncadd.s32 s4;
	_ =	sdelay $0x1  }
0xa1: {  	s23 =	simm.s32 $0x1B8B  }
0xa2: {  	_ =	swait.ge [sflag:s23], $0x1  }
0xa3: {  	[sflag:s23] =	ssyncset.done $0x0  }
0xa4: {  	s25 =	simm.s32 $0x1B8E;
	s24 =	sld [smem:$0x3FFE];
	[sflag:s23] =	ssyncadd.s32 $0xFFFFFFFF  }
0xa5: {  	s26 =	simm.s32 $execute0_lowered;
	[smem:$0x3FD2] =	sst s25  }
0xa6: {  	s5 =	sshll.u32 s26, $0x1;
	_ =	strace $0x80000046;
	[dreg:$0x1] =	wrdreg $0xFFFFFFFF  }
0xa7: {  	s28 =	simm.s32 $_size_execute0_lowered;
	s3 =	sadd.s32 s3, s5;
	[dreg:$0x0] =	wrdreg $0x0  }
0xa8: {  	s5 =	sshll.u32 s28, $0x1;
	[dreg:$0x2] =	wrdreg s3  }
0xa9: {  	[dreg:$0x3] =	wrdreg s5  }
0xaa: {  	[dreg:$0x4] =	wrdreg $0xC0  }
0xab: {  	_ =	task [dreg:s7], $0x5FFFF  }
0xac: {  	[dreg:$0x1] =	wrdreg $0xFFFFFFFF  }
0xad: {  	[dreg:$0x0] =	wrdreg $0x60  }
0xae: {  	[dreg:$0x2] =	wrdreg s24  }
0xaf: {  	[dreg:$0x3] =	wrdreg s2  }
0xb0: {  	[dreg:$0x4] =	wrdreg $0x91400  }
0xb1: {  	[dreg:$0x5] =	wrdreg $0x9  }
0xb2: {  	_ =	task.clear_ibuf [dreg:s7], $0x6FFFF;
	_ =	strace $0x90000046  }
0xb3: {  	s29 =	simm.s32 $0x9;
	_ =	strace $0x80000048  }
0xb4: {  	_ =	swait.ge [sflag:s29], $0x1  }
0xb5: {  	[sflag:s29] =	ssyncadd.s32 $0xFFFFFFFF  }
0xb6: {  	_ =	strace $0x90000048  }
0xb7: {  	_ =	sfence  }
0xb8: {  	s30 =	sld [smem:$0x0];
	_ =	sdelay $0x2  }
0xb9: {  	s31 =	sshll.u32 s1, $0xD;
	s1 =	sshrl.u32 s1, $0x2  }
0xba: {  	s3 =	sand.u32 $0x4000, s31;
	s1 =	sadd.s32 s1, s30  }
0xbb: {  	s0 =	sor.u32 s3, s0;
	s1 =	sshll.u32 s1, $0x11  }
0xbc: {  	s0 =	sor.u32 s1, s0  }
0xbd: {  	s0 =	sadd.s32 $0x8F2B, s0  }
0xbe: {  	[sflag:s0] =	ssyncadd.remote.s32 $0x1  }
0xbf: {  	_ =	sfence.sel $0xFFFF  }
0xc0: {  	[dreg:$0x0] =	wrdreg $0xFFFFFFFF;
	(pc) =	sbr.abs _section_cstart, $3  }
0xc1: {  	[dreg:$0x1] =	wrdreg $0xFFFFFFFF  }
0xc2: {  	_ =	task.clear_ibuf [dreg:s7], $0x2FFFF;
	_ =	strace $0x9FFFFFFF  }
0xc3: {  	(tm) =	ssettm $0x7FFFFFFF  }
tec
execute0_lowered:
.L_overlay_start_1:
0x0: {  	(tag) =	ssettag $0x1  }
0x1: {  	s0 =	rddreg [dreg:$0x0]  }
0x2: {  	s3 =	rddreg [dreg:$0x2]  }
0x3: {  	s1 =	srdreg.scid;
	s10 =	stileid.u32  }
0x4: {  	s4 =	simm.s32 $0x0;
	s14 =	simm.s32 $0x7;
	s15 =	simm.s32 $0x2A0  }
0x5: {  	s16 =	simm.s32 $0x70;
	s17 =	simm.s32 $0x540;
	s18 =	simm.s32 $0x8340  }
0x6: {  	s19 =	simm.s32 $0x4440;
	s20 =	simm.s32 $0x310;
	s21 =	simm.s32 $0x8A40  }
0x7: {  	s22 =	simm.s32 $0x1;
	s23 =	simm.s32 $0x3;
	s24 =	simm.s32 $0x5  }
0x8: {  	s28 =	simm.s32 $0x2;
	s29 =	simm.s32 $0x4;
	s30 =	simm.s32 $0x6  }
0x9: {  	s12 =	simm.s32 $0x4D0;
	s1 =	sand.u32 $0x1, s1;
	s2 =	smul.u32 $0x16800, s10  }
0xa: {  	[smem:$0x7FF] =	sst s4;
	s5 =	sadd.s32 $0x400, s0;
	s6 =	sadd.s32 $0x2D400, s0  }
0xb: {  	s11 =	sadd.s32 $0x3C200, s0;
	s26 =	sshll.u32 s10, $0x6;
	s7 =	smul.u32 $0x168000, s1  }
0xc: {  	_ =	strace $0x80000047;
	s9 =	ssub.s32 $0x2, s1;
	[dreg:$0x4] =	wrdreg s11  }
0xd: {  	s1 =	sshll.u32 s1, $0x4;
	s11 =	simm.s32 $0x230;
	s25 =	sshrl.u32 s9, $0x1  }
0xe: {  	s1 =	sor.u32 s10, s1;
	s8 =	sadd.s32 s2, s7;
	s7 =	sadd.s32 $0x32400, s0  }
0xf: {  	s2 =	sadd.s32 s2, s3;
	s10 =	smul.u32 $0x2760, s1;
	s8 =	sshrl.u32 s8, $0x3  }
0x10: {  	s1 =	simm.s32 $0x1C0;
	s13 =	sshrl.u32 s2, $0x3;
	s0 =	sadd.s32 s8, s0  }
0x11: {  	s8 =	ssub.s32 s9, s25;
	s9 =	sor.u32 $0x1C07, s26;
	[dreg:$0x8] =	wrdreg s13  }
0x12: {  	v6 =	vimm.s32 $0x0;
	v7 =	vimm.s32 $0x1;
	s26 =	simm.s32 $0x380;
	s0 =	sadd.s32 $0x3F000, s0;
	[dreg:$0x5] =	wrdreg s9  }
0x13: {  	v42 =	vimm.s32 $0x2;
	v44 =	vimm.s32 $0x3;
	v45 =	vimm.s32 $0x4;
	s25 =	simm.s32 $0x0;
	s31 =	smax.u32 s8, $0x1;
	[dreg:$0x6] =	wrdreg s0  }
0x14: {  	v32 =	vimm.s32 $0x5;
	v52 =	vimm.s32 $0x6;
	v10 =	vimm.s32 $0x7;
	s8 =	simm.s32 $0x460;
	[dreg:$0x7] =	wrdreg s31;
	s0 =	simm.s32 $0x3F0  }
.LBB2_1:
0x15: {  	[dreg:$0x9] =	wrdreg s25  }
0x16: {  	s2 =	rddreg [dreg:$0x4]  }
0x17: {  	[spmem:s13], [sflag:s9] =	dma.local [hbm:s2], $0x2D00  }
0x18: {  	_ =	swait.ge [sflag:s14], $0x2D00  }
0x19: {  	[sflag:s14] =	ssyncset.done $0x0  }
0x1a: {  	[sflag:s14] =	ssyncadd.s32 $0xFFFFD300  }
0x1b: {  	s13 =	simm.s32 $0x0;
	[bflag:$0x0] =	sbarrier.arrive $0xFFFF  }
.LBB2_2:
0x1c: {  	s2 =	smul.u32 $0x2A0, s13;
	_ =	sdelay $0x1  }
0x1d: {  	s2 =	sadd.s32 s10, s2  }
0x1e: {  	s2 =	sshrl.u32 s2, $0x3  }
0x1f: {  	s9 =	sadd.s32 s7, s2  }
0x20: {  	[tilespmem:s4], [sflag:$0x7] =	stream.linear.gather [hbm4b:s9+s4], $0x2A0, $0x38;
	[tilespmem:$0x1F940] =	vst v63  }
0x21: {  	_ =	swait.ge [sflag:s14], $0x2A0  }
0x22: {  	[sflag:s14] =	ssyncset.done $0x0  }
0x23: {  	[sflag:s14] =	ssyncadd.s32 $0xFFFFFD60  }
0x24: {  	s25 =	rddreg [dreg:$0x1]  }
0x25: {  	s2 =	sadd.s32 s25, s2  }
0x26: {  	[tilespmem:s15], [sflag:$0x7] =	stream.linear.gather [hbm4b:s2+s4], $0x2A0, $0x38;
	[tilespmem:$0x1F940] =	vst v63  }
0x27: {  	_ =	swait.ge [sflag:s14], $0x2A0  }
0x28: {  	[sflag:s14] =	ssyncset.done $0x0  }
0x29: {  	[sflag:s14] =	ssyncadd.s32 $0xFFFFFD60  }
0x2a: {  	[tilespmem:s17], [sflag:$0x1] =	stream.indirect.gather [hbm4b:s5+s16], $0x90, s4, s16, $0xb8;
	[tilespmem:$0x1F940] =	vst v63  }
0x2b: {  	_ = 	snop  }
0x2c: {  	[tilespmem:s18], [sflag:$0x3] =	stream.indirect.gather [hbm4b:s6+s16], $0x10, s15, s16, $0xb8;
	[tilespmem:$0x1F940] =	vst v63  }
0x2d: {  	_ = 	snop  }
0x2e: {  	[tilespmem:s19], [sflag:$0x2] =	stream.indirect.gather [hbm4b:s5+s16], $0x90, s16, s16, $0xb8;
	[tilespmem:$0x1F940] =	vst v63  }
0x2f: {  	_ = 	snop  }
0x30: {  	[tilespmem:s21], [sflag:$0x4] =	stream.indirect.gather [hbm4b:s6+s16], $0x10, s20, s16, $0xb8;
	[tilespmem:$0x1F940] =	vst v63  }
0x31: {  	_ =	swait.ge [sflag:s22], $0x3F00  }
0x32: {  	[sflag:s22] =	ssyncset.done $0x0  }
0x33: {  	[sflag:s22] =	ssyncadd.s32 $0xFFFFC100  }
0x34: {  	_ =	swait.ge [sflag:s23], $0x700  }
0x35: {  	[sflag:s23] =	ssyncset.done $0x0  }
0x36: {  	s9 =	simm.s32 $0x660;
	[sflag:s23] =	ssyncadd.s32 $0xFFFFF900  }
0x37: {  	s2 =	simm.s32 $0x8360;
	v0 =	vld [tilespmem:s9+$0x110]  }
0x38: {  	v1 =	vld [tilespmem:s2+$0x10];
	_ =	sdelay $0x1  }
0x39: {  	v3 =	vld [tilespmem:s9+$0xFFFFFFF0]  }
0x3a: {  	v4 =	vld [tilespmem:s2+$0xFFFFFFF0]  }
0x3b: {  	v2 =	vld [tilespmem:s2+$0xFFFFFFE0]  }
0x3c: {  	v5 =	vld [tilespmem:s9+$0x80];
	v0 =	vadd.f32 v1, v0  }
0x3d: {  	v8 =	vld [tilespmem:s2+$0x0]  }
0x3e: {  	v1 =	vld [tilespmem:s9+$0xFFFFFF60];
	v9 =	vmul.f32 $2.000000030e-01, v0  }
0x3f: {  	v12 =	vld [tilespmem:s9+$0xFFFFFEE0];
	v3 =	vadd.f32 v4, v3  }
0x40: {  	v13 =	vld [tilespmem:s9+$0xFFFFFEF0];
	v0 =	vmax.f32 v0, v9  }
0x41: {  	v14 =	vld [tilespmem:s9+$0xFFFFFF00];
	v4 =	vmul.f32 $2.000000030e-01, v3;
	v0 =	vmul.f32 $1.442695020e+00, v0  }
0x42: {  	v15 =	vld [tilespmem:s9+$0xFFFFFF10];
	v5 =	vadd.f32 v8, v5  }
0x43: {  	v16 =	vld [tilespmem:s9+$0xFFFFFF20];
	v1 =	vadd.f32 v2, v1;
	v2 =	vmax.f32 v3, v4;
	(erf) = vpow2.f32 v0  }
0x44: {  	v17 =	vld [tilespmem:s9+$0xFFFFFF30];
	v2 =	vmul.f32 $1.442695020e+00, v2  }
0x45: {  	v18 =	vld [tilespmem:s9+$0xFFFFFF40];
	v3 =	vmul.f32 $2.000000030e-01, v5  }
0x46: {  	v19 =	vld [tilespmem:s9+$0xFFFFFF50];
	v0 =	vmul.f32 $2.000000030e-01, v1;
	(erf) = vpow2.f32 v2  }
0x47: {  	v20 =	vld [tilespmem:s9+$0xFFFFFF70];
	v3 =	vmax.f32 v5, v3  }
0x48: {  	v21 =	vld [tilespmem:s9+$0xFFFFFF80];
	v0 =	vmax.f32 v1, v0;
	v1 =	vmul.f32 $1.442695020e+00, v3  }
0x49: {  	v22 =	vld [tilespmem:s9+$0xFFFFFF90]  }
0x4a: {  	v23 =	vld [tilespmem:s9+$0xFFFFFFA0];
	(erf) = vpow2.f32 v1  }
0x4b: {  	v24 =	vld [tilespmem:s9+$0xFFFFFFB0]  }
0x4c: {  	v25 =	vld [tilespmem:s9+$0xFFFFFFC0];
	v0 =	vmul.f32 $1.442695020e+00, v0;
	v1 =	vpop (erf)  }
0x4d: {  	v27 =	vld [tilespmem:s9+$0xFFFFFFD0];
	v30 =	vmin.f32 v1, $1.000000000e+01  }
0x4e: {  	v26 =	vld [tilespmem:s9+$0xFFFFFFE0];
	(erf) = vpow2.f32 v0;
	v9 =	vperm.xlane v30, v6  }
0x4f: {  	v28 =	vld [tilespmem:s9+$0x0];
	v2 =	vpop (erf);
	v1 =	vperm.xlane v30, v10;
	v11 =	vperm.xlane v30, v7  }
0x50: {  	v0 =	vld [tilespmem:s9+$0x100];
	v8 =	vperm.xlane v30, v42;
	v41 =	vmin.f32 v2, $1.000000000e+01;
	v10 =	vperm.xlane v30, v44  }
0x51: {  	v29 =	vld [tilespmem:s9+$0x10];
	v48 =	vperm.xlane v41, v6;
	v46 =	vperm.xlane v41, v7  }
0x52: {  	v31 =	vld [tilespmem:s9+$0x20];
	v50 =	vperm.xlane v41, v42;
	v47 =	vperm.xlane v41, v44  }
0x53: {  	v37 =	vimm.s32 $0x7;
	v38 =	vld [tilespmem:s9+$0x30];
	v51 =	vperm.xlane v41, v45;
	v49 =	vperm.xlane v41, v32;
	v35 =	vpop (erf)  }
0x54: {  	v36 =	vld [tilespmem:s9+$0x40];
	v61 =	vperm.xlane v41, v52;
	v60 =	vperm.xlane v41, v37;
	v43 =	vmin.f32 v35, $1.000000000e+01  }
0x55: {  	v40 =	vld [tilespmem:s9+$0x50];
	v1 =	vmul.f32 v1, v0;
	v59 =	vperm.xlane v43, v6  }
0x56: {  	v33 =	vld [tilespmem:s9+$0x60];
	v58 =	vperm.xlane v43, v7;
	v57 =	vperm.xlane v43, v42  }
0x57: {  	v53 =	vimm.s32 $0x5;
	v34 =	vld [tilespmem:s9+$0xA0];
	v0 =	vpop (erf);
	v56 =	vperm.xlane v43, v44;
	v55 =	vperm.xlane v43, v45  }
0x58: {  	[tilespmem:s9+$0xFFFFFFF0] =	vst v41;
	v41 =	vld [tilespmem:s9+$0xE0];
	v39 =	vmin.f32 v0, $1.000000000e+01;
	v54 =	vperm.xlane v43, v53;
	v53 =	vperm.xlane v43, v52  }
0x59: {  	v35 =	vld [tilespmem:s9+$0xB0];
	v4 =	vperm.xlane v39, v6;
	v0 =	vperm.xlane v39, v7  }
0x5a: {  	v5 =	vperm.xlane v39, v42;
	v63 =	vperm.xlane v39, v32;
	v32 =	vld [tilespmem:s9+$0x90]  }
0x5b: {  	[tilespmem:s9+$0x100] =	vst v1;
	v1 =	vperm.xlane v39, v44;
	v62 =	vperm.xlane v39, v37;
	v37 =	vld [tilespmem:s9+$0xC0]  }
0x5c: {  	v3 =	vperm.xlane v39, v45;
	v2 =	vperm.xlane v39, v52;
	[tilespmem:s9+$0xFFFFFF60] =	vst v39;
	v39 =	vld [tilespmem:s9+$0xD0];
	v6 =	vimm.s32 $0x7  }
0x5d: {  	[tilespmem:s9+$0x110] =	vst v30;
	v42 =	vld [tilespmem:s9+$0x70];
	v7 =	vimm.s32 $0x5;
	v52 =	vperm.xlane v43, v6;
	v6 =	vimm.s32 $0x4  }
0x5e: {  	s31 =	simm.s32 $0x8A0;
	s25 =	simm.s32 $0x0;
	[tilespmem:s9+$0x80] =	vst v43;
	v44 =	vperm.xlane v30, v7;
	v43 =	vld [tilespmem:s9+$0xF0];
	v45 =	vperm.xlane v30, v6  }
.LBB2_3:
0x5f: {  	_ =	sdelay $0x2  }
0x60: {  	v6 =	vld [tilespmem:s31+$0x110];
	v7 =	vimm.s32 $0x6;
	s2 =	sadd.s32 $0x40, s2;
	v4 =	vmul.f32 v4, v12  }
0x61: {  	v30 =	vperm.xlane v30, v7;
	v7 =	vld [tilespmem:s2+$0xFFFFFFE0];
	v0 =	vmul.f32 v0, v13  }
0x62: {  	v12 =	vld [tilespmem:s2+$0x10];
	v5 =	vmul.f32 v5, v14;
	[tilespmem:s9+$0xFFFFFEE0] =	vst v4  }
0x63: {  	v1 =	vmul.f32 v1, v15;
	v14 =	vld [tilespmem:s2+$0xFFFFFFF0];
	[tilespmem:s9+$0xFFFFFEF0] =	vst v0  }
0x64: {  	v3 =	vmul.f32 v3, v16;
	v16 =	vld [tilespmem:s31+$0x80];
	[tilespmem:s9+$0xFFFFFF00] =	vst v5  }
0x65: {  	v2 =	vmul.f32 v2, v18;
	v18 =	vld [tilespmem:s2+$0x0];
	[tilespmem:s9+$0xFFFFFF10] =	vst v1  }
0x66: {  	v15 =	vmul.f32 v48, v20;
	v4 =	vld [tilespmem:s31+$0xFFFFFFF0];
	v0 =	vmul.f32 v63, v17;
	[tilespmem:s9+$0xFFFFFF20] =	vst v3  }
0x67: {  	v20 =	vld [tilespmem:s31+$0xFFFFFF60];
	v5 =	vmul.f32 v62, v19;
	v1 =	vmul.f32 v46, v21;
	[tilespmem:s9+$0xFFFFFF40] =	vst v2  }
0x68: {  	v17 =	vmul.f32 v50, v22;
	v3 =	vmul.f32 v47, v23;
	[tilespmem:s9+$0xFFFFFF70] =	vst v15;
	v6 =	vadd.f32 v12, v6  }
0x69: {  	v19 =	vmul.f32 v51, v24;
	v21 =	vmul.f32 v61, v27;
	v13 =	vld [tilespmem:s31+$0xFFFFFEF0];
	[tilespmem:s9+$0xFFFFFF30] =	vst v0  }
0x6a: {  	v2 =	vmul.f32 v60, v26;
	[tilespmem:s9+$0xFFFFFF50] =	vst v5;
	v12 =	vld [tilespmem:s31+$0xFFFFFEE0];
	v22 =	vmul.f32 $2.000000030e-01, v6  }
0x6b: {  	v24 =	vmul.f32 v58, v29;
	v26 =	vmul.f32 v56, v38;
	[tilespmem:s9+$0xFFFFFF80] =	vst v1;
	v15 =	vld [tilespmem:s31+$0xFFFFFF10];
	v4 =	vadd.f32 v14, v4  }
0x6c: {  	v29 =	vmul.f32 v52, v42;
	[tilespmem:s9+$0xFFFFFF90] =	vst v17;
	v23 =	vadd.f32 v18, v16;
	v16 =	vld [tilespmem:s31+$0xFFFFFF20];
	v6 =	vmax.f32 v6, v22  }
0x6d: {  	[tilespmem:s9+$0xFFFFFFA0] =	vst v3;
	v17 =	vld [tilespmem:s31+$0xFFFFFF30];
	v22 =	vmul.f32 $2.000000030e-01, v4;
	v6 =	vmul.f32 $1.442695020e+00, v6  }
0x6e: {  	v56 =	vmul.f32 v30, v43;
	v0 =	vmul.f32 v49, v25;
	[tilespmem:s9+$0xFFFFFFB0] =	vst v19;
	v18 =	vld [tilespmem:s31+$0xFFFFFF40]  }
0x6f: {  	[tilespmem:s9+$0xFFFFFFD0] =	vst v21;
	v1 =	vadd.f32 v7, v20;
	v19 =	vld [tilespmem:s31+$0xFFFFFF50];
	v4 =	vmax.f32 v4, v22;
	(erf) = vpow2.f32 v6  }
0x70: {  	[tilespmem:s9+$0xFFFFFFE0] =	vst v2;
	v21 =	vld [tilespmem:s31+$0xFFFFFF80];
	v20 =	vmul.f32 $2.000000030e-01, v23;
	v4 =	vmul.f32 $1.442695020e+00, v4  }
0x71: {  	v25 =	vmul.f32 v57, v31;
	[tilespmem:s9+$0xFFFFFFC0] =	vst v0;
	v14 =	vld [tilespmem:s31+$0xFFFFFF00];
	v3 =	vmul.f32 $2.000000030e-01, v1  }
0x72: {  	v5 =	vmul.f32 v59, v28;
	[tilespmem:s9+$0x10] =	vst v24;
	v24 =	vld [tilespmem:s31+$0xFFFFFFB0];
	v6 =	vmax.f32 v23, v20;
	(erf) = vpow2.f32 v4  }
0x73: {  	v28 =	vmul.f32 v54, v40;
	[tilespmem:s9+$0x20] =	vst v25;
	v25 =	vld [tilespmem:s31+$0xFFFFFFC0];
	v1 =	vmax.f32 v1, v3;
	v3 =	vmul.f32 $1.442695020e+00, v6  }
0x74: {  	v2 =	vmul.f32 v9, v32;
	[tilespmem:s9+$0x30] =	vst v26;
	v27 =	vld [tilespmem:s31+$0xFFFFFFD0];
	v1 =	vmul.f32 $1.442695020e+00, v1  }
0x75: {  	v7 =	vmul.f32 v55, v36;
	[tilespmem:s9+$0x0] =	vst v5;
	v26 =	vld [tilespmem:s31+$0xFFFFFFE0];
	(erf) = vpow2.f32 v3  }
0x76: {  	v32 =	vmul.f32 v44, v41;
	[tilespmem:s9+$0x50] =	vst v28;
	v28 =	vld [tilespmem:s31+$0x0];
	(erf) = vpow2.f32 v1  }
0x77: {  	v57 =	vimm.s32 $0x0;
	v41 =	vimm.s32 $0x7;
	v0 =	vmul.f32 v53, v33;
	[tilespmem:s9+$0x40] =	vst v7;
	v4 =	vld [tilespmem:s31+$0x100]  }
0x78: {  	v44 =	vimm.s32 $0x1;
	[tilespmem:s9+$0x70] =	vst v29;
	v5 =	vmul.f32 v10, v37;
	v29 =	vld [tilespmem:s31+$0x10];
	v1 =	vmul.f32 v8, v35;
	v8 =	vpop (erf)  }
0x79: {  	[tilespmem:s9+$0x60] =	vst v0;
	v31 =	vld [tilespmem:s31+$0x20];
	v6 =	vmul.f32 v45, v39;
	v3 =	vmul.f32 v11, v34;
	v30 =	vmin.f32 v8, $1.000000000e+01  }
0x7a: {  	v38 =	vld [tilespmem:s31+$0x30];
	[tilespmem:$0x1FFF0] =	vst v12;
	v45 =	vimm.s32 $0x2;
	v12 =	vperm.xlane v30, v57;
	v7 =	vperm.xlane v30, v41  }
0x7b: {  	v52 =	vimm.s32 $0x3;
	v36 =	vld [tilespmem:s31+$0x40];
	v11 =	vperm.xlane v30, v44;
	v9 =	vperm.xlane v30, v45;
	v0 =	vpop (erf)  }
0x7c: {  	[tilespmem:s9+$0x90] =	vst v2;
	v40 =	vld [tilespmem:s31+$0x50];
	v10 =	vperm.xlane v30, v52;
	v58 =	vmin.f32 v0, $1.000000000e+01;
	v4 =	vmul.f32 v7, v4  }
0x7d: {  	v43 =	vimm.s32 $0x5;
	[tilespmem:s9+$0xC0] =	vst v5;
	v33 =	vld [tilespmem:s31+$0x60];
	v48 =	vperm.xlane v58, v57;
	v46 =	vperm.xlane v58, v44  }
0x7e: {  	v42 =	vld [tilespmem:s31+$0x70];
	[tilespmem:s9+$0xA0] =	vst v3;
	v8 =	vimm.s32 $0x4;
	v2 =	vpop (erf);
	v50 =	vperm.xlane v58, v45;
	v47 =	vperm.xlane v58, v52  }
0x7f: {  	v22 =	vld [tilespmem:s31+$0xFFFFFF90];
	[tilespmem:s9+$0xB0] =	vst v1;
	v7 =	vmin.f32 v2, $1.000000000e+01;
	v0 =	vpop (erf);
	v51 =	vperm.xlane v58, v8;
	v49 =	vperm.xlane v58, v43  }
0x80: {  	v20 =	vld [tilespmem:s31+$0xFFFFFF70];
	v60 =	vperm.xlane v58, v41;
	v59 =	vmin.f32 v0, $1.000000000e+01;
	v55 =	vperm.xlane v7, v8;
	[tilespmem:s31+$0x100] =	vst v4  }
0x81: {  	v23 =	vld [tilespmem:s31+$0xFFFFFFA0];
	v54 =	vperm.xlane v7, v43;
	v4 =	vperm.xlane v59, v57;
	[tilespmem:s9+$0xD0] =	vst v6  }
0x82: {  	v0 =	vperm.xlane v59, v44;
	v5 =	vperm.xlane v59, v45;
	[tilespmem:s9+$0xE0] =	vst v32;
	v32 =	vld [tilespmem:s31+$0x90]  }
0x83: {  	s25 =	sadd.s32 $0x4, s25;
	v1 =	vperm.xlane v59, v52;
	v3 =	vperm.xlane v59, v8;
	v34 =	vld [tilespmem:s31+$0xA0]  }
0x84: {  	p0 =	slt.u32 s25, $0x6C;
	v63 =	vperm.xlane v59, v43;
	v62 =	vperm.xlane v59, v41;
	[tilespmem:s9+$0xF0] =	vst v56;
	v35 =	vld [tilespmem:s31+$0xB0]  }
.Ltmp0:
0x85: {  	v6 =	vimm.s32 $0x6;
	v56 =	vperm.xlane v7, v52;
	v52 =	vperm.xlane v7, v41;
	v37 =	vld [tilespmem:s31+$0xC0];
	(pc) =	sbr.rel @p0 .LBB2_3-.Ltmp0, $4  }
0x86: {  	[tilespmem:s31+$0xFFFFFFF0] =	vst v58;
	v2 =	vperm.xlane v59, v6;
	v61 =	vperm.xlane v58, v6;
	v39 =	vld [tilespmem:s31+$0xD0]  }
0x87: {  	[tilespmem:s31+$0xFFFFFF60] =	vst v59;
	v59 =	vperm.xlane v7, v57;
	v58 =	vperm.xlane v7, v44;
	v41 =	vld [tilespmem:s31+$0xE0]  }
0x88: {  	s9 =	smov.u32 s31;
	v6 =	vimm.s32 $0x6;
	v57 =	vperm.xlane v7, v45;
	[tilespmem:s31+$0x110] =	vst v30;
	v45 =	vperm.xlane v30, v8;
	v8 =	vmovc v9;
	v9 =	vmovc v12;
	v12 =	vld [tilespmem:$0x1FFF0]  }
0x89: {  	[tilespmem:s31+$0x80] =	vst v7;
	v44 =	vperm.xlane v30, v43;
	s31 =	sadd.s32 $0x240, s31;
	v53 =	vperm.xlane v7, v6;
	v43 =	vld [tilespmem:s9+$0xF0]  }
0x8a: {  	v0 =	vmul.f32 v0, v13  }
0x8b: {  	v5 =	vmul.f32 v5, v14  }
0x8c: {  	v1 =	vmul.f32 v1, v15;
	[tilespmem:s9+$0xFFFFFEF0] =	vst v0  }
0x8d: {  	v0 =	vmul.f32 v3, v16;
	[tilespmem:s9+$0xFFFFFF00] =	vst v5  }
0x8e: {  	v3 =	vmul.f32 v63, v17;
	[tilespmem:s9+$0xFFFFFF10] =	vst v1  }
0x8f: {  	v1 =	vmul.f32 v2, v18;
	[tilespmem:s9+$0xFFFFFF20] =	vst v0  }
0x90: {  	v2 =	vmul.f32 v48, v20;
	[tilespmem:s9+$0xFFFFFF30] =	vst v3  }
0x91: {  	v4 =	vmul.f32 v4, v12;
	[tilespmem:s9+$0xFFFFFF40] =	vst v1  }
0x92: {  	v0 =	vmul.f32 v62, v19;
	[tilespmem:s9+$0xFFFFFF70] =	vst v2  }
0x93: {  	v1 =	vmul.f32 v46, v21;
	[tilespmem:s9+$0xFFFFFEE0] =	vst v4  }
0x94: {  	v2 =	vmul.f32 v47, v23;
	[tilespmem:s9+$0xFFFFFF50] =	vst v0  }
0x95: {  	v3 =	vmul.f32 v45, v39;
	[tilespmem:s9+$0xFFFFFF80] =	vst v1  }
0x96: {  	v0 =	vmul.f32 v50, v22;
	[tilespmem:s9+$0xFFFFFFA0] =	vst v2  }
0x97: {  	v1 =	vmul.f32 v51, v24;
	[tilespmem:s9+$0xD0] =	vst v3  }
0x98: {  	v2 =	vmul.f32 v61, v27;
	[tilespmem:s9+$0xFFFFFF90] =	vst v0  }
0x99: {  	v0 =	vmul.f32 v49, v25;
	[tilespmem:s9+$0xFFFFFFB0] =	vst v1  }
0x9a: {  	v1 =	vmul.f32 v60, v26;
	[tilespmem:s9+$0xFFFFFFD0] =	vst v2  }
0x9b: {  	v2 =	vmul.f32 v58, v29;
	[tilespmem:s9+$0xFFFFFFC0] =	vst v0  }
0x9c: {  	v0 =	vmul.f32 v59, v28;
	[tilespmem:s9+$0xFFFFFFE0] =	vst v1  }
0x9d: {  	v1 =	vmul.f32 v57, v31;
	[tilespmem:s9+$0x10] =	vst v2  }
0x9e: {  	v2 =	vmul.f32 v55, v36;
	[tilespmem:s9+$0x0] =	vst v0  }
0x9f: {  	v0 =	vmul.f32 v56, v38;
	[tilespmem:s9+$0x20] =	vst v1  }
0xa0: {  	v1 =	vmul.f32 v54, v40;
	[tilespmem:s9+$0x40] =	vst v2  }
0xa1: {  	v2 =	vmul.f32 v52, v42;
	[tilespmem:s9+$0x30] =	vst v0  }
0xa2: {  	v0 =	vmul.f32 v53, v33;
	[tilespmem:s9+$0x50] =	vst v1  }
0xa3: {  	v1 =	vmul.f32 v9, v32;
	[tilespmem:s9+$0x70] =	vst v2  }
0xa4: {  	[tilespmem:s9+$0x60] =	vst v0;
	v0 =	vmul.f32 v11, v34  }
0xa5: {  	v52 =	vimm.s32 $0x6;
	v2 =	vmul.f32 v8, v35;
	[tilespmem:s9+$0x90] =	vst v1  }
0xa6: {  	v1 =	vmul.f32 v10, v37;
	[tilespmem:s9+$0xA0] =	vst v0;
	v0 =	vperm.xlane v30, v52  }
0xa7: {  	[tilespmem:s9+$0xB0] =	vst v2;
	v2 =	vmul.f32 v44, v41  }
0xa8: {  	[tilespmem:s9+$0xC0] =	vst v1;
	v0 =	vmul.f32 v0, v43  }
0xa9: {  	[tilespmem:s9+$0xE0] =	vst v2  }
0xaa: {  	[tilespmem:s9+$0xF0] =	vst v0  }
0xab: {  	[spmem:s3] =	stream.indirect.scatter.add.f32 [tilespmem:s17], [sflag:$0x5], $0x90, s15, s16, $0xb8;
	[tilespmem:$0x1F940] =	vst v63  }
0xac: {  	_ =	swait.ge [sflag:s24], $0x3F00  }
0xad: {  	[sflag:s24] =	ssyncset.done $0x0  }
0xae: {  	s2 =	simm.s32 $0xE0;
	[sflag:s24] =	ssyncadd.s32 $0xFFFFC100  }
0xaf: {  	[tilespmem:s17], [sflag:$0x1] =	stream.indirect.gather [hbm4b:s5+s16], $0x90, s2, s16, $0xb8;
	[tilespmem:$0x1F940] =	vst v63  }
0xb0: {  	_ = 	snop  }
0xb1: {  	[tilespmem:s18], [sflag:$0x3] =	stream.indirect.gather [hbm4b:s6+s16], $0x10, s26, s16, $0xb8;
	[tilespmem:$0x1F940] =	vst v63  }
0xb2: {  	_ =	swait.ge [sflag:s28], $0x3F00  }
0xb3: {  	[sflag:s28] =	ssyncset.done $0x0  }
0xb4: {  	[sflag:s28] =	ssyncadd.s32 $0xFFFFC100  }
0xb5: {  	_ =	swait.ge [sflag:s29], $0x700  }
0xb6: {  	[sflag:s29] =	ssyncset.done $0x0  }
0xb7: {  	s9 =	simm.s32 $0x4670;
	[sflag:s29] =	ssyncadd.s32 $0xFFFFF900  }
0xb8: {  	s2 =	simm.s32 $0x8A70;
	v0 =	vld [tilespmem:s9+$0x0]  }
0xb9: {  	v1 =	vld [tilespmem:s2+$0x0];
	_ =	sdelay $0x2  }
0xba: {  	v2 =	vld [tilespmem:s2+$0xFFFFFFD0]  }
0xbb: {  	v3 =	vld [tilespmem:s9+$0xFFFFFEE0]  }
0xbc: {  	v4 =	vld [tilespmem:s2+$0xFFFFFFE0];
	v0 =	vadd.f32 v1, v0  }
0xbd: {  	v5 =	vld [tilespmem:s9+$0xFFFFFF70]  }
0xbe: {  	v6 =	vld [tilespmem:s2+$0xFFFFFFF0];
	v7 =	vmul.f32 $2.000000030e-01, v0  }
0xbf: {  	v1 =	vld [tilespmem:s9+$0xFFFFFE50]  }
0xc0: {  	v0 =	vmax.f32 v0, v7  }
0xc1: {  	v12 =	vld [tilespmem:s9+$0xFFFFFDD0];
	v3 =	vadd.f32 v4, v3;
	v0 =	vmul.f32 $1.442695020e+00, v0  }
0xc2: {  	v13 =	vld [tilespmem:s9+$0xFFFFFDE0]  }
0xc3: {  	v14 =	vld [tilespmem:s9+$0xFFFFFDF0];
	v5 =	vadd.f32 v6, v5;
	v4 =	vmul.f32 $2.000000030e-01, v3;
	(erf) = vpow2.f32 v0  }
0xc4: {  	v15 =	vld [tilespmem:s9+$0xFFFFFE00];
	v1 =	vadd.f32 v2, v1  }
0xc5: {  	v16 =	vld [tilespmem:s9+$0xFFFFFE10];
	v2 =	vmax.f32 v3, v4;
	v3 =	vmul.f32 $2.000000030e-01, v5  }
0xc6: {  	v17 =	vld [tilespmem:s9+$0xFFFFFE20];
	v0 =	vmul.f32 $2.000000030e-01, v1  }
0xc7: {  	v18 =	vld [tilespmem:s9+$0xFFFFFE30];
	v2 =	vmul.f32 $1.442695020e+00, v2;
	v3 =	vmax.f32 v5, v3  }
0xc8: {  	v19 =	vld [tilespmem:s9+$0xFFFFFE40];
	v0 =	vmax.f32 v1, v0;
	v1 =	vmul.f32 $1.442695020e+00, v3  }
0xc9: {  	v20 =	vld [tilespmem:s9+$0xFFFFFE60];
	(erf) = vpow2.f32 v2  }
0xca: {  	v21 =	vld [tilespmem:s9+$0xFFFFFE70]  }
0xcb: {  	v22 =	vld [tilespmem:s9+$0xFFFFFE80]  }
0xcc: {  	v23 =	vld [tilespmem:s9+$0xFFFFFE90];
	(erf) = vpow2.f32 v1;
	v1 =	vpop (erf)  }
0xcd: {  	v54 =	vimm.s32 $0x2;
	v24 =	vld [tilespmem:s9+$0xFFFFFEA0];
	v0 =	vmul.f32 $1.442695020e+00, v0;
	v30 =	vmin.f32 v1, $1.000000000e+01  }
0xce: {  	v25 =	vld [tilespmem:s9+$0xFFFFFEB0];
	v2 =	vperm.xlane v30, v54  }
0xcf: {  	(erf) = vpow2.f32 v0;
	v0 =	vld [tilespmem:s9+$0xFFFFFFF0]  }
0xd0: {  	v59 =	vimm.s32 $0x0;
	v42 =	vimm.s32 $0x1;
	v27 =	vld [tilespmem:s9+$0xFFFFFEC0]  }
0xd1: {  	v8 =	vimm.s32 $0x3;
	v41 =	vimm.s32 $0x7;
	v26 =	vld [tilespmem:s9+$0xFFFFFED0];
	v9 =	vperm.xlane v30, v59  }
0xd2: {  	v43 =	vimm.s32 $0x5;
	v28 =	vld [tilespmem:s9+$0xFFFFFEF0];
	v1 =	vperm.xlane v30, v41;
	v11 =	vperm.xlane v30, v42;
	[tilespmem:$0x1FFE0] =	vst v2;
	v2 =	vpop (erf)  }
0xd3: {  	v10 =	vperm.xlane v30, v8;
	v44 =	vperm.xlane v30, v43;
	v29 =	vld [tilespmem:s9+$0xFFFFFF00];
	v6 =	vmin.f32 v2, $1.000000000e+01  }
0xd4: {  	v1 =	vmul.f32 v1, v0;
	v31 =	vld [tilespmem:s9+$0xFFFFFF10];
	v48 =	vperm.xlane v6, v59  }
0xd5: {  	v45 =	vimm.s32 $0x4;
	v38 =	vld [tilespmem:s9+$0xFFFFFF20];
	v46 =	vperm.xlane v6, v42;
	v50 =	vperm.xlane v6, v54  }
0xd6: {  	v36 =	vld [tilespmem:s9+$0xFFFFFF30];
	v7 =	vpop (erf);
	v47 =	vperm.xlane v6, v8;
	v51 =	vperm.xlane v6, v45  }
0xd7: {  	v40 =	vld [tilespmem:s9+$0xFFFFFF40];
	v49 =	vperm.xlane v6, v43;
	v7 =	vmin.f32 v7, $1.000000000e+01;
	v61 =	vperm.xlane v6, v52  }
0xd8: {  	v33 =	vld [tilespmem:s9+$0xFFFFFF50];
	v0 =	vpop (erf);
	v60 =	vperm.xlane v6, v41;
	v58 =	vperm.xlane v7, v42  }
0xd9: {  	v32 =	vld [tilespmem:s9+$0xFFFFFF80];
	v55 =	vmin.f32 v0, $1.000000000e+01;
	v57 =	vperm.xlane v7, v54;
	v56 =	vperm.xlane v7, v8  }
0xda: {  	v34 =	vld [tilespmem:s9+$0xFFFFFF90];
	v53 =	vperm.xlane v7, v52;
	v4 =	vperm.xlane v55, v59  }
0xdb: {  	v35 =	vld [tilespmem:s9+$0xFFFFFFA0];
	v0 =	vperm.xlane v55, v42;
	v5 =	vperm.xlane v55, v54  }
0xdc: {  	v37 =	vld [tilespmem:s9+$0xFFFFFFB0];
	[tilespmem:s9+$0xFFFFFFF0] =	vst v1;
	v1 =	vperm.xlane v55, v8;
	v3 =	vperm.xlane v55, v45  }
0xdd: {  	v39 =	vld [tilespmem:s9+$0xFFFFFFC0];
	[tilespmem:s9+$0x0] =	vst v30;
	v63 =	vperm.xlane v55, v43;
	v2 =	vperm.xlane v55, v52  }
0xde: {  	[tilespmem:s9+$0xFFFFFEE0] =	vst v6;
	v62 =	vperm.xlane v55, v41;
	v59 =	vperm.xlane v7, v59;
	v42 =	vld [tilespmem:s9+$0xFFFFFF60]  }
0xdf: {  	[tilespmem:s9+$0xFFFFFE50] =	vst v55;
	v55 =	vperm.xlane v7, v45;
	v52 =	vperm.xlane v7, v41;
	v41 =	vld [tilespmem:s9+$0xFFFFFFD0]  }
0xe0: {  	s25 =	simm.s32 $0x0;
	s31 =	simm.s32 $0x48B0;
	[tilespmem:s9+$0xFFFFFF70] =	vst v7;
	v54 =	vperm.xlane v7, v43;
	v45 =	vperm.xlane v30, v45;
	v43 =	vld [tilespmem:s9+$0xFFFFFFE0]  }
.LBB2_5:
0xe1: {  	v6 =	vld [tilespmem:s31+$0x0];
	v7 =	vimm.s32 $0x6;
	s2 =	sadd.s32 $0x40, s2;
	v4 =	vmul.f32 v4, v12  }
0xe2: {  	v7 =	vperm.xlane v30, v7;
	v30 =	vld [tilespmem:s2+$0xFFFFFFD0];
	v0 =	vmul.f32 v0, v13  }
0xe3: {  	v12 =	vld [tilespmem:s2+$0x0];
	v5 =	vmul.f32 v5, v14;
	[tilespmem:s9+$0xFFFFFDD0] =	vst v4  }
0xe4: {  	v1 =	vmul.f32 v1, v15;
	v14 =	vld [tilespmem:s2+$0xFFFFFFE0];
	[tilespmem:s9+$0xFFFFFDE0] =	vst v0  }
0xe5: {  	v3 =	vmul.f32 v3, v16;
	v16 =	vld [tilespmem:s31+$0xFFFFFF70];
	[tilespmem:s9+$0xFFFFFDF0] =	vst v5  }
0xe6: {  	v2 =	vmul.f32 v2, v18;
	v18 =	vld [tilespmem:s2+$0xFFFFFFF0];
	[tilespmem:s9+$0xFFFFFE00] =	vst v1  }
0xe7: {  	v15 =	vmul.f32 v48, v20;
	v4 =	vld [tilespmem:s31+$0xFFFFFEE0];
	[tilespmem:s9+$0xFFFFFE10] =	vst v3  }
0xe8: {  	v20 =	vld [tilespmem:s31+$0xFFFFFE50];
	v0 =	vmul.f32 v63, v17;
	[tilespmem:s9+$0xFFFFFE30] =	vst v2  }
0xe9: {  	v5 =	vmul.f32 v62, v19;
	v1 =	vmul.f32 v46, v21;
	[tilespmem:s9+$0xFFFFFE60] =	vst v15;
	v6 =	vadd.f32 v12, v6  }
0xea: {  	v17 =	vmul.f32 v50, v22;
	v3 =	vmul.f32 v47, v23;
	v13 =	vld [tilespmem:s31+$0xFFFFFDE0];
	[tilespmem:s9+$0xFFFFFE20] =	vst v0  }
0xeb: {  	v19 =	vmul.f32 v51, v24;
	[tilespmem:s9+$0xFFFFFE40] =	vst v5;
	v12 =	vld [tilespmem:s31+$0xFFFFFDD0];
	v22 =	vmul.f32 $2.000000030e-01, v6  }
0xec: {  	v21 =	vmul.f32 v61, v27;
	v2 =	vmul.f32 v60, v26;
	[tilespmem:s9+$0xFFFFFE70] =	vst v1;
	v15 =	vld [tilespmem:s31+$0xFFFFFE00];
	v4 =	vadd.f32 v14, v4  }
0xed: {  	v24 =	vmul.f32 v58, v29;
	[tilespmem:s9+$0xFFFFFE80] =	vst v17;
	v23 =	vadd.f32 v18, v16;
	v16 =	vld [tilespmem:s31+$0xFFFFFE10];
	v6 =	vmax.f32 v6, v22  }
0xee: {  	[tilespmem:s9+$0xFFFFFE90] =	vst v3;
	v1 =	vadd.f32 v30, v20;
	v17 =	vld [tilespmem:s31+$0xFFFFFE20];
	v22 =	vmul.f32 $2.000000030e-01, v4;
	v6 =	vmul.f32 $1.442695020e+00, v6  }
0xef: {  	v0 =	vmul.f32 v49, v25;
	[tilespmem:s9+$0xFFFFFEA0] =	vst v19;
	v18 =	vld [tilespmem:s31+$0xFFFFFE30];
	v20 =	vmul.f32 $2.000000030e-01, v23  }
0xf0: {  	[tilespmem:s9+$0xFFFFFEC0] =	vst v21;
	v19 =	vld [tilespmem:s31+$0xFFFFFE40];
	v3 =	vmul.f32 $2.000000030e-01, v1;
	v4 =	vmax.f32 v4, v22;
	(erf) = vpow2.f32 v6  }
0xf1: {  	v26 =	vmul.f32 v56, v38;
	[tilespmem:s9+$0xFFFFFED0] =	vst v2;
	v21 =	vld [tilespmem:s31+$0xFFFFFE70];
	v4 =	vmul.f32 $1.442695020e+00, v4;
	v6 =	vmax.f32 v23, v20  }
0xf2: {  	v25 =	vmul.f32 v57, v31;
	[tilespmem:s9+$0xFFFFFEB0] =	vst v0;
	v14 =	vld [tilespmem:s31+$0xFFFFFDF0];
	v1 =	vmax.f32 v1, v3;
	v3 =	vmul.f32 $1.442695020e+00, v6  }
0xf3: {  	[tilespmem:s9+$0xFFFFFF00] =	vst v24;
	v24 =	vld [tilespmem:s31+$0xFFFFFEA0];
	v1 =	vmul.f32 $1.442695020e+00, v1;
	(erf) = vpow2.f32 v4  }
0xf4: {  	v27 =	vmul.f32 v55, v36;
	[tilespmem:s9+$0xFFFFFF10] =	vst v25;
	v25 =	vld [tilespmem:s31+$0xFFFFFEB0];
	(erf) = vpow2.f32 v3  }
0xf5: {  	v29 =	vmul.f32 v52, v42;
	[tilespmem:s9+$0xFFFFFF20] =	vst v26;
	(erf) = vpow2.f32 v1;
	v1 =	vld [tilespmem:$0x1FFE0]  }
0xf6: {  	v7 =	vmul.f32 v7, v43;
	v5 =	vmul.f32 v59, v28;
	[tilespmem:s9+$0xFFFFFF30] =	vst v27;
	v27 =	vld [tilespmem:s31+$0xFFFFFEC0]  }
0xf7: {  	v43 =	vimm.s32 $0x7;
	v56 =	vmul.f32 v44, v41;
	v28 =	vmul.f32 v54, v40;
	[tilespmem:s9+$0xFFFFFF60] =	vst v29;
	v26 =	vld [tilespmem:s31+$0xFFFFFED0]  }
0xf8: {  	v2 =	vmul.f32 v9, v32;
	v57 =	vimm.s32 $0x0;
	v0 =	vmul.f32 v53, v33;
	[tilespmem:s9+$0xFFFFFEF0] =	vst v5;
	v4 =	vld [tilespmem:s31+$0xFFFFFFF0]  }
0xf9: {  	v5 =	vmul.f32 v10, v37;
	[tilespmem:s9+$0xFFFFFF40] =	vst v28;
	v28 =	vld [tilespmem:s31+$0xFFFFFEF0];
	v6 =	vmul.f32 v45, v39;
	v39 =	vimm.s32 $0x1;
	v8 =	vpop (erf)  }
0xfa: {  	v29 =	vld [tilespmem:s31+$0xFFFFFF00];
	[tilespmem:s9+$0xFFFFFF50] =	vst v0;
	v3 =	vmul.f32 v11, v34;
	v1 =	vmul.f32 v1, v35;
	v30 =	vmin.f32 v8, $1.000000000e+01  }
0xfb: {  	v38 =	vld [tilespmem:s31+$0xFFFFFF20];
	v45 =	vimm.s32 $0x2;
	v9 =	vperm.xlane v30, v57;
	v31 =	vperm.xlane v30, v43  }
0xfc: {  	v52 =	vimm.s32 $0x3;
	v36 =	vld [tilespmem:s31+$0xFFFFFF30];
	v11 =	vperm.xlane v30, v39;
	v8 =	vperm.xlane v30, v45;
	v0 =	vpop (erf)  }
0xfd: {  	[tilespmem:s9+$0xFFFFFF80] =	vst v2;
	v40 =	vld [tilespmem:s31+$0xFFFFFF40];
	v10 =	vperm.xlane v30, v52;
	v58 =	vmin.f32 v0, $1.000000000e+01;
	v4 =	vmul.f32 v31, v4  }
0xfe: {  	v44 =	vimm.s32 $0x5;
	[tilespmem:s9+$0xFFFFFFB0] =	vst v5;
	v33 =	vld [tilespmem:s31+$0xFFFFFF50];
	v2 =	vpop (erf);
	v48 =	vperm.xlane v58, v57;
	v46 =	vperm.xlane v58, v39  }
0xff: {  	v42 =	vld [tilespmem:s31+$0xFFFFFF60];
	[tilespmem:s9+$0xFFFFFF90] =	vst v3;
	v50 =	vperm.xlane v58, v45;
	v47 =	vperm.xlane v58, v52;
	v41 =	vmin.f32 v2, $1.000000000e+01  }
0x100: {  	v22 =	vld [tilespmem:s31+$0xFFFFFE80];
	[tilespmem:$0x1FFE0] =	vst v8;
	v0 =	vpop (erf);
	v8 =	vimm.s32 $0x4;
	v49 =	vperm.xlane v58, v44;
	v60 =	vperm.xlane v58, v43  }
0x101: {  	v20 =	vld [tilespmem:s31+$0xFFFFFE60];
	[tilespmem:s9+$0xFFFFFFA0] =	vst v1;
	v59 =	vmin.f32 v0, $1.000000000e+01;
	v51 =	vperm.xlane v58, v8;
	v55 =	vperm.xlane v41, v8  }
0x102: {  	v23 =	vld [tilespmem:s31+$0xFFFFFE90];
	v54 =	vperm.xlane v41, v44;
	[tilespmem:s31+$0xFFFFFFF0] =	vst v4;
	v4 =	vperm.xlane v59, v57  }
0x103: {  	v32 =	vld [tilespmem:s31+$0xFFFFFF80];
	[tilespmem:s31+$0xFFFFFEE0] =	vst v58;
	v0 =	vperm.xlane v59, v39;
	v5 =	vperm.xlane v59, v45  }
0x104: {  	s25 =	sadd.s32 $0x4, s25;
	v31 =	vld [tilespmem:s31+$0xFFFFFF10];
	v1 =	vperm.xlane v59, v52;
	v3 =	vperm.xlane v59, v8;
	[tilespmem:s9+$0xFFFFFFC0] =	vst v6  }
0x105: {  	p0 =	slt.u32 s25, $0x6C;
	v63 =	vperm.xlane v59, v44;
	v62 =	vperm.xlane v59, v43;
	[tilespmem:s9+$0xFFFFFFD0] =	vst v56;
	v34 =	vld [tilespmem:s31+$0xFFFFFF90]  }
.Ltmp1:
0x106: {  	v6 =	vimm.s32 $0x6;
	[tilespmem:s9+$0xFFFFFFE0] =	vst v7;
	v56 =	vperm.xlane v41, v52;
	v52 =	vperm.xlane v41, v43;
	v35 =	vld [tilespmem:s31+$0xFFFFFFA0];
	(pc) =	sbr.rel @p0 .LBB2_5-.Ltmp1, $4  }
0x107: {  	[tilespmem:s31+$0xFFFFFF70] =	vst v41;
	v2 =	vperm.xlane v59, v6;
	v61 =	vperm.xlane v58, v6;
	v37 =	vld [tilespmem:s31+$0xFFFFFFB0]  }
0x108: {  	[tilespmem:s31+$0xFFFFFE50] =	vst v59;
	v6 =	vimm.s32 $0x6;
	v59 =	vperm.xlane v41, v57;
	v58 =	vperm.xlane v41, v39;
	v39 =	vld [tilespmem:s31+$0xFFFFFFC0]  }
0x109: {  	s9 =	smov.u32 s31;
	v57 =	vperm.xlane v41, v45;
	[tilespmem:s31+$0x0] =	vst v30;
	v53 =	vperm.xlane v41, v6;
	v41 =	vld [tilespmem:s31+$0xFFFFFFD0]  }
0x10a: {  	v44 =	vperm.xlane v30, v44;
	v45 =	vperm.xlane v30, v8;
	v43 =	vld [tilespmem:s9+$0xFFFFFFE0];
	s31 =	sadd.s32 $0x240, s31  }
0x10b: {  	v4 =	vmul.f32 v4, v12  }
0x10c: {  	v0 =	vmul.f32 v0, v13  }
0x10d: {  	v5 =	vmul.f32 v5, v14;
	[tilespmem:s9+$0xFFFFFDD0] =	vst v4  }
0x10e: {  	v1 =	vmul.f32 v1, v15;
	[tilespmem:s9+$0xFFFFFDE0] =	vst v0  }
0x10f: {  	v0 =	vmul.f32 v3, v16;
	[tilespmem:s9+$0xFFFFFDF0] =	vst v5  }
0x110: {  	v3 =	vmul.f32 v63, v17;
	[tilespmem:s9+$0xFFFFFE00] =	vst v1  }
0x111: {  	v1 =	vmul.f32 v2, v18;
	[tilespmem:s9+$0xFFFFFE10] =	vst v0  }
0x112: {  	v2 =	vmul.f32 v48, v20;
	[tilespmem:s9+$0xFFFFFE20] =	vst v3  }
0x113: {  	v0 =	vmul.f32 v62, v19;
	[tilespmem:s9+$0xFFFFFE30] =	vst v1  }
0x114: {  	v1 =	vmul.f32 v46, v21;
	[tilespmem:s9+$0xFFFFFE60] =	vst v2  }
0x115: {  	v2 =	vmul.f32 v47, v23;
	[tilespmem:s9+$0xFFFFFE40] =	vst v0  }
0x116: {  	v0 =	vmul.f32 v50, v22;
	[tilespmem:s9+$0xFFFFFE70] =	vst v1  }
0x117: {  	v1 =	vmul.f32 v51, v24;
	[tilespmem:s9+$0xFFFFFE90] =	vst v2  }
0x118: {  	v2 =	vmul.f32 v61, v27;
	[tilespmem:s9+$0xFFFFFE80] =	vst v0  }
0x119: {  	v0 =	vmul.f32 v49, v25;
	[tilespmem:s9+$0xFFFFFEA0] =	vst v1  }
0x11a: {  	v1 =	vmul.f32 v60, v26;
	[tilespmem:s9+$0xFFFFFEC0] =	vst v2  }
0x11b: {  	v2 =	vmul.f32 v58, v29;
	[tilespmem:s9+$0xFFFFFEB0] =	vst v0  }
0x11c: {  	v0 =	vmul.f32 v59, v28;
	[tilespmem:s9+$0xFFFFFED0] =	vst v1  }
0x11d: {  	v1 =	vmul.f32 v57, v31;
	[tilespmem:s9+$0xFFFFFF00] =	vst v2  }
0x11e: {  	v2 =	vmul.f32 v55, v36;
	[tilespmem:s9+$0xFFFFFEF0] =	vst v0  }
0x11f: {  	v0 =	vmul.f32 v56, v38;
	[tilespmem:s9+$0xFFFFFF10] =	vst v1  }
0x120: {  	v1 =	vmul.f32 v54, v40;
	[tilespmem:s9+$0xFFFFFF30] =	vst v2  }
0x121: {  	v2 =	vmul.f32 v52, v42;
	[tilespmem:s9+$0xFFFFFF20] =	vst v0  }
0x122: {  	v0 =	vmul.f32 v53, v33;
	[tilespmem:s9+$0xFFFFFF40] =	vst v1  }
0x123: {  	[tilespmem:s9+$0xFFFFFF60] =	vst v2  }
0x124: {  	[tilespmem:s9+$0xFFFFFF50] =	vst v0  }
0x125: {  	v2 =	vld [tilespmem:$0x1FFE0]  }
0x126: {  	v1 =	vmul.f32 v9, v32  }
0x127: {  	v0 =	vmul.f32 v11, v34  }
0x128: {  	v3 =	vmul.f32 v45, v39;
	v52 =	vimm.s32 $0x6;
	[tilespmem:s9+$0xFFFFFF80] =	vst v1  }
0x129: {  	v1 =	vmul.f32 v10, v37;
	[tilespmem:s9+$0xFFFFFF90] =	vst v0;
	v0 =	vperm.xlane v30, v52  }
0x12a: {  	[tilespmem:s9+$0xFFFFFFC0] =	vst v3;
	v2 =	vmul.f32 v2, v35  }
0x12b: {  	[tilespmem:s9+$0xFFFFFFB0] =	vst v1;
	v0 =	vmul.f32 v0, v43  }
0x12c: {  	[tilespmem:s9+$0xFFFFFFA0] =	vst v2;
	v2 =	vmul.f32 v44, v41  }
0x12d: {  	[tilespmem:s9+$0xFFFFFFE0] =	vst v0  }
0x12e: {  	[tilespmem:s9+$0xFFFFFFD0] =	vst v2  }
0x12f: {  	[spmem:s3] =	stream.indirect.scatter.add.f32 [tilespmem:s19], [sflag:$0x6], $0x90, s20, s16, $0xb8;
	[tilespmem:$0x1F940] =	vst v63  }
0x130: {  	_ =	swait.ge [sflag:s30], $0x3F00  }
0x131: {  	[sflag:s30] =	ssyncset.done $0x0  }
0x132: {  	s2 =	simm.s32 $0x150;
	[sflag:s30] =	ssyncadd.s32 $0xFFFFC100  }
0x133: {  	[tilespmem:s19], [sflag:$0x2] =	stream.indirect.gather [hbm4b:s5+s16], $0x90, s2, s16, $0xb8;
	[tilespmem:$0x1F940] =	vst v63  }
0x134: {  	_ = 	snop  }
0x135: {  	[tilespmem:s21], [sflag:$0x4] =	stream.indirect.gather [hbm4b:s6+s16], $0x10, s0, s16, $0xb8;
	[tilespmem:$0x1F940] =	vst v63  }
0x136: {  	_ =	swait.ge [sflag:s22], $0x3F00  }
0x137: {  	[sflag:s22] =	ssyncset.done $0x0  }
0x138: {  	[sflag:s22] =	ssyncadd.s32 $0xFFFFC100  }
0x139: {  	_ =	swait.ge [sflag:s23], $0x700  }
0x13a: {  	[sflag:s23] =	ssyncset.done $0x0  }
0x13b: {  	s9 =	simm.s32 $0x660;
	[sflag:s23] =	ssyncadd.s32 $0xFFFFF900  }
0x13c: {  	s2 =	simm.s32 $0x8360;
	v0 =	vld [tilespmem:s9+$0x110]  }
0x13d: {  	v1 =	vld [tilespmem:s2+$0x10];
	_ =	sdelay $0x2  }
0x13e: {  	v2 =	vld [tilespmem:s2+$0xFFFFFFE0]  }
0x13f: {  	v3 =	vld [tilespmem:s9+$0xFFFFFFF0]  }
0x140: {  	v4 =	vld [tilespmem:s2+$0xFFFFFFF0];
	v0 =	vadd.f32 v1, v0  }
0x141: {  	v5 =	vld [tilespmem:s9+$0x80]  }
0x142: {  	v6 =	vld [tilespmem:s2+$0x0];
	v7 =	vmul.f32 $2.000000030e-01, v0  }
0x143: {  	v1 =	vld [tilespmem:s9+$0xFFFFFF60]  }
0x144: {  	v0 =	vmax.f32 v0, v7  }
0x145: {  	v12 =	vld [tilespmem:s9+$0xFFFFFEE0];
	v3 =	vadd.f32 v4, v3;
	v0 =	vmul.f32 $1.442695020e+00, v0  }
0x146: {  	v13 =	vld [tilespmem:s9+$0xFFFFFEF0]  }
0x147: {  	v14 =	vld [tilespmem:s9+$0xFFFFFF00];
	v5 =	vadd.f32 v6, v5;
	v4 =	vmul.f32 $2.000000030e-01, v3;
	(erf) = vpow2.f32 v0  }
0x148: {  	v15 =	vld [tilespmem:s9+$0xFFFFFF10];
	v1 =	vadd.f32 v2, v1  }
0x149: {  	v16 =	vld [tilespmem:s9+$0xFFFFFF20];
	v2 =	vmax.f32 v3, v4;
	v3 =	vmul.f32 $2.000000030e-01, v5  }
0x14a: {  	v17 =	vld [tilespmem:s9+$0xFFFFFF30];
	v0 =	vmul.f32 $2.000000030e-01, v1  }
0x14b: {  	v18 =	vld [tilespmem:s9+$0xFFFFFF40];
	v2 =	vmul.f32 $1.442695020e+00, v2;
	v3 =	vmax.f32 v5, v3  }
0x14c: {  	v19 =	vld [tilespmem:s9+$0xFFFFFF50];
	v0 =	vmax.f32 v1, v0;
	v1 =	vmul.f32 $1.442695020e+00, v3  }
0x14d: {  	v20 =	vld [tilespmem:s9+$0xFFFFFF70];
	(erf) = vpow2.f32 v2  }
0x14e: {  	v21 =	vld [tilespmem:s9+$0xFFFFFF80]  }
0x14f: {  	v22 =	vld [tilespmem:s9+$0xFFFFFF90]  }
0x150: {  	v23 =	vld [tilespmem:s9+$0xFFFFFFA0];
	(erf) = vpow2.f32 v1;
	v1 =	vpop (erf)  }
0x151: {  	v54 =	vimm.s32 $0x2;
	v24 =	vld [tilespmem:s9+$0xFFFFFFB0];
	v0 =	vmul.f32 $1.442695020e+00, v0;
	v30 =	vmin.f32 v1, $1.000000000e+01  }
0x152: {  	v25 =	vld [tilespmem:s9+$0xFFFFFFC0];
	v2 =	vperm.xlane v30, v54  }
0x153: {  	(erf) = vpow2.f32 v0;
	v0 =	vld [tilespmem:s9+$0x100]  }
0x154: {  	v8 =	vimm.s32 $0x3;
	v59 =	vimm.s32 $0x0;
	v27 =	vld [tilespmem:s9+$0xFFFFFFD0]  }
0x155: {  	v42 =	vimm.s32 $0x1;
	v41 =	vimm.s32 $0x7;
	v26 =	vld [tilespmem:s9+$0xFFFFFFE0];
	v9 =	vperm.xlane v30, v59  }
0x156: {  	v43 =	vimm.s32 $0x5;
	v28 =	vld [tilespmem:s9+$0x0];
	v1 =	vperm.xlane v30, v41;
	v11 =	vperm.xlane v30, v42;
	[tilespmem:$0x1FFD0] =	vst v2;
	v2 =	vpop (erf)  }
0x157: {  	v10 =	vperm.xlane v30, v8;
	v44 =	vperm.xlane v30, v43;
	v29 =	vld [tilespmem:s9+$0x10];
	v6 =	vmin.f32 v2, $1.000000000e+01  }
0x158: {  	v1 =	vmul.f32 v1, v0;
	v31 =	vld [tilespmem:s9+$0x20];
	v48 =	vperm.xlane v6, v59  }
0x159: {  	v45 =	vimm.s32 $0x4;
	v38 =	vld [tilespmem:s9+$0x30];
	v46 =	vperm.xlane v6, v42;
	v50 =	vperm.xlane v6, v54  }
0x15a: {  	v36 =	vld [tilespmem:s9+$0x40];
	v7 =	vpop (erf);
	v47 =	vperm.xlane v6, v8;
	v51 =	vperm.xlane v6, v45  }
0x15b: {  	v40 =	vld [tilespmem:s9+$0x50];
	v49 =	vperm.xlane v6, v43;
	v7 =	vmin.f32 v7, $1.000000000e+01;
	v61 =	vperm.xlane v6, v52  }
0x15c: {  	v33 =	vld [tilespmem:s9+$0x60];
	v0 =	vpop (erf);
	v60 =	vperm.xlane v6, v41;
	v58 =	vperm.xlane v7, v42  }
0x15d: {  	v32 =	vld [tilespmem:s9+$0x90];
	v55 =	vmin.f32 v0, $1.000000000e+01;
	v57 =	vperm.xlane v7, v54;
	v56 =	vperm.xlane v7, v8  }
0x15e: {  	v34 =	vld [tilespmem:s9+$0xA0];
	v53 =	vperm.xlane v7, v52;
	v4 =	vperm.xlane v55, v59  }
0x15f: {  	v35 =	vld [tilespmem:s9+$0xB0];
	v0 =	vperm.xlane v55, v42;
	v5 =	vperm.xlane v55, v54  }
0x160: {  	v37 =	vld [tilespmem:s9+$0xC0];
	[tilespmem:s9+$0x100] =	vst v1;
	v1 =	vperm.xlane v55, v8;
	v3 =	vperm.xlane v55, v45  }
0x161: {  	v39 =	vld [tilespmem:s9+$0xD0];
	[tilespmem:s9+$0x110] =	vst v30;
	v63 =	vperm.xlane v55, v43;
	v2 =	vperm.xlane v55, v52  }
0x162: {  	[tilespmem:s9+$0xFFFFFFF0] =	vst v6;
	v62 =	vperm.xlane v55, v41;
	v59 =	vperm.xlane v7, v59;
	v42 =	vld [tilespmem:s9+$0x70]  }
0x163: {  	[tilespmem:s9+$0xFFFFFF60] =	vst v55;
	v55 =	vperm.xlane v7, v45;
	v52 =	vperm.xlane v7, v41;
	v41 =	vld [tilespmem:s9+$0xE0]  }
0x164: {  	s25 =	simm.s32 $0x0;
	s31 =	simm.s32 $0x8A0;
	[tilespmem:s9+$0x80] =	vst v7;
	v54 =	vperm.xlane v7, v43;
	v45 =	vperm.xlane v30, v45;
	v43 =	vld [tilespmem:s9+$0xF0]  }
.LBB2_7:
0x165: {  	v6 =	vld [tilespmem:s31+$0x110];
	v7 =	vimm.s32 $0x6;
	s2 =	sadd.s32 $0x40, s2;
	v4 =	vmul.f32 v4, v12  }
0x166: {  	v7 =	vperm.xlane v30, v7;
	v30 =	vld [tilespmem:s2+$0xFFFFFFE0];
	v0 =	vmul.f32 v0, v13  }
0x167: {  	v12 =	vld [tilespmem:s2+$0x10];
	v5 =	vmul.f32 v5, v14;
	[tilespmem:s9+$0xFFFFFEE0] =	vst v4  }
0x168: {  	v1 =	vmul.f32 v1, v15;
	v14 =	vld [tilespmem:s2+$0xFFFFFFF0];
	[tilespmem:s9+$0xFFFFFEF0] =	vst v0  }
0x169: {  	v3 =	vmul.f32 v3, v16;
	v16 =	vld [tilespmem:s31+$0x80];
	[tilespmem:s9+$0xFFFFFF00] =	vst v5  }
0x16a: {  	v2 =	vmul.f32 v2, v18;
	v18 =	vld [tilespmem:s2+$0x0];
	[tilespmem:s9+$0xFFFFFF10] =	vst v1  }
0x16b: {  	v15 =	vmul.f32 v48, v20;
	v4 =	vld [tilespmem:s31+$0xFFFFFFF0];
	[tilespmem:s9+$0xFFFFFF20] =	vst v3  }
0x16c: {  	v20 =	vld [tilespmem:s31+$0xFFFFFF60];
	v0 =	vmul.f32 v63, v17;
	[tilespmem:s9+$0xFFFFFF40] =	vst v2  }
0x16d: {  	v5 =	vmul.f32 v62, v19;
	v1 =	vmul.f32 v46, v21;
	[tilespmem:s9+$0xFFFFFF70] =	vst v15;
	v6 =	vadd.f32 v12, v6  }
0x16e: {  	v17 =	vmul.f32 v50, v22;
	v3 =	vmul.f32 v47, v23;
	v13 =	vld [tilespmem:s31+$0xFFFFFEF0];
	[tilespmem:s9+$0xFFFFFF30] =	vst v0  }
0x16f: {  	v19 =	vmul.f32 v51, v24;
	[tilespmem:s9+$0xFFFFFF50] =	vst v5;
	v12 =	vld [tilespmem:s31+$0xFFFFFEE0];
	v22 =	vmul.f32 $2.000000030e-01, v6  }
0x170: {  	v21 =	vmul.f32 v61, v27;
	v2 =	vmul.f32 v60, v26;
	[tilespmem:s9+$0xFFFFFF80] =	vst v1;
	v15 =	vld [tilespmem:s31+$0xFFFFFF10];
	v4 =	vadd.f32 v14, v4  }
0x171: {  	v24 =	vmul.f32 v58, v29;
	[tilespmem:s9+$0xFFFFFF90] =	vst v17;
	v23 =	vadd.f32 v18, v16;
	v16 =	vld [tilespmem:s31+$0xFFFFFF20];
	v6 =	vmax.f32 v6, v22  }
0x172: {  	[tilespmem:s9+$0xFFFFFFA0] =	vst v3;
	v1 =	vadd.f32 v30, v20;
	v17 =	vld [tilespmem:s31+$0xFFFFFF30];
	v22 =	vmul.f32 $2.000000030e-01, v4;
	v6 =	vmul.f32 $1.442695020e+00, v6  }
0x173: {  	v0 =	vmul.f32 v49, v25;
	[tilespmem:s9+$0xFFFFFFB0] =	vst v19;
	v18 =	vld [tilespmem:s31+$0xFFFFFF40];
	v20 =	vmul.f32 $2.000000030e-01, v23  }
0x174: {  	[tilespmem:s9+$0xFFFFFFD0] =	vst v21;
	v19 =	vld [tilespmem:s31+$0xFFFFFF50];
	v3 =	vmul.f32 $2.000000030e-01, v1;
	v4 =	vmax.f32 v4, v22;
	(erf) = vpow2.f32 v6  }
0x175: {  	v26 =	vmul.f32 v56, v38;
	[tilespmem:s9+$0xFFFFFFE0] =	vst v2;
	v21 =	vld [tilespmem:s31+$0xFFFFFF80];
	v4 =	vmul.f32 $1.442695020e+00, v4;
	v6 =	vmax.f32 v23, v20  }
0x176: {  	v25 =	vmul.f32 v57, v31;
	[tilespmem:s9+$0xFFFFFFC0] =	vst v0;
	v14 =	vld [tilespmem:s31+$0xFFFFFF00];
	v1 =	vmax.f32 v1, v3;
	v3 =	vmul.f32 $1.442695020e+00, v6  }
0x177: {  	[tilespmem:s9+$0x10] =	vst v24;
	v24 =	vld [tilespmem:s31+$0xFFFFFFB0];
	v1 =	vmul.f32 $1.442695020e+00, v1;
	(erf) = vpow2.f32 v4  }
0x178: {  	v27 =	vmul.f32 v55, v36;
	[tilespmem:s9+$0x20] =	vst v25;
	v25 =	vld [tilespmem:s31+$0xFFFFFFC0];
	(erf) = vpow2.f32 v3  }
0x179: {  	v29 =	vmul.f32 v52, v42;
	[tilespmem:s9+$0x30] =	vst v26;
	(erf) = vpow2.f32 v1;
	v1 =	vld [tilespmem:$0x1FFD0]  }
0x17a: {  	v7 =	vmul.f32 v7, v43;
	v5 =	vmul.f32 v59, v28;
	[tilespmem:s9+$0x40] =	vst v27;
	v27 =	vld [tilespmem:s31+$0xFFFFFFD0]  }
0x17b: {  	v43 =	vimm.s32 $0x7;
	v56 =	vmul.f32 v44, v41;
	v28 =	vmul.f32 v54, v40;
	[tilespmem:s9+$0x70] =	vst v29;
	v26 =	vld [tilespmem:s31+$0xFFFFFFE0]  }
0x17c: {  	v2 =	vmul.f32 v9, v32;
	v57 =	vimm.s32 $0x0;
	v0 =	vmul.f32 v53, v33;
	[tilespmem:s9+$0x0] =	vst v5;
	v4 =	vld [tilespmem:s31+$0x100]  }
0x17d: {  	v5 =	vmul.f32 v10, v37;
	[tilespmem:s9+$0x50] =	vst v28;
	v28 =	vld [tilespmem:s31+$0x0];
	v6 =	vmul.f32 v45, v39;
	v39 =	vimm.s32 $0x1;
	v8 =	vpop (erf)  }
0x17e: {  	v29 =	vld [tilespmem:s31+$0x10];
	[tilespmem:s9+$0x60] =	vst v0;
	v3 =	vmul.f32 v11, v34;
	v1 =	vmul.f32 v1, v35;
	v30 =	vmin.f32 v8, $1.000000000e+01  }
0x17f: {  	v38 =	vld [tilespmem:s31+$0x30];
	v45 =	vimm.s32 $0x2;
	v9 =	vperm.xlane v30, v57;
	v31 =	vperm.xlane v30, v43  }
0x180: {  	v52 =	vimm.s32 $0x3;
	v36 =	vld [tilespmem:s31+$0x40];
	v11 =	vperm.xlane v30, v39;
	v8 =	vperm.xlane v30, v45;
	v0 =	vpop (erf)  }
0x181: {  	[tilespmem:s9+$0x90] =	vst v2;
	v40 =	vld [tilespmem:s31+$0x50];
	v10 =	vperm.xlane v30, v52;
	v58 =	vmin.f32 v0, $1.000000000e+01;
	v4 =	vmul.f32 v31, v4  }
0x182: {  	v44 =	vimm.s32 $0x5;
	[tilespmem:s9+$0xC0] =	vst v5;
	v33 =	vld [tilespmem:s31+$0x60];
	v2 =	vpop (erf);
	v48 =	vperm.xlane v58, v57;
	v46 =	vperm.xlane v58, v39  }
0x183: {  	v42 =	vld [tilespmem:s31+$0x70];
	[tilespmem:s9+$0xA0] =	vst v3;
	v50 =	vperm.xlane v58, v45;
	v47 =	vperm.xlane v58, v52;
	v41 =	vmin.f32 v2, $1.000000000e+01  }
0x184: {  	v22 =	vld [tilespmem:s31+$0xFFFFFF90];
	[tilespmem:$0x1FFD0] =	vst v8;
	v0 =	vpop (erf);
	v8 =	vimm.s32 $0x4;
	v49 =	vperm.xlane v58, v44;
	v60 =	vperm.xlane v58, v43  }
0x185: {  	v20 =	vld [tilespmem:s31+$0xFFFFFF70];
	[tilespmem:s9+$0xB0] =	vst v1;
	v59 =	vmin.f32 v0, $1.000000000e+01;
	v51 =	vperm.xlane v58, v8;
	v55 =	vperm.xlane v41, v8  }
0x186: {  	v23 =	vld [tilespmem:s31+$0xFFFFFFA0];
	v54 =	vperm.xlane v41, v44;
	[tilespmem:s31+$0x100] =	vst v4;
	v4 =	vperm.xlane v59, v57  }
0x187: {  	v32 =	vld [tilespmem:s31+$0x90];
	[tilespmem:s31+$0xFFFFFFF0] =	vst v58;
	v0 =	vperm.xlane v59, v39;
	v5 =	vperm.xlane v59, v45  }
0x188: {  	s25 =	sadd.s32 $0x4, s25;
	v31 =	vld [tilespmem:s31+$0x20];
	v1 =	vperm.xlane v59, v52;
	v3 =	vperm.xlane v59, v8;
	[tilespmem:s9+$0xD0] =	vst v6  }
0x189: {  	p0 =	slt.u32 s25, $0x6C;
	v63 =	vperm.xlane v59, v44;
	v62 =	vperm.xlane v59, v43;
	[tilespmem:s9+$0xE0] =	vst v56;
	v34 =	vld [tilespmem:s31+$0xA0]  }
.Ltmp2:
0x18a: {  	v6 =	vimm.s32 $0x6;
	[tilespmem:s9+$0xF0] =	vst v7;
	v56 =	vperm.xlane v41, v52;
	v52 =	vperm.xlane v41, v43;
	v35 =	vld [tilespmem:s31+$0xB0];
	(pc) =	sbr.rel @p0 .LBB2_7-.Ltmp2, $4  }
0x18b: {  	[tilespmem:s31+$0x80] =	vst v41;
	v2 =	vperm.xlane v59, v6;
	v61 =	vperm.xlane v58, v6;
	v37 =	vld [tilespmem:s31+$0xC0]  }
0x18c: {  	[tilespmem:s31+$0xFFFFFF60] =	vst v59;
	v6 =	vimm.s32 $0x6;
	v59 =	vperm.xlane v41, v57;
	v58 =	vperm.xlane v41, v39;
	v39 =	vld [tilespmem:s31+$0xD0]  }
0x18d: {  	s9 =	smov.u32 s31;
	v57 =	vperm.xlane v41, v45;
	[tilespmem:s31+$0x110] =	vst v30;
	v53 =	vperm.xlane v41, v6;
	v41 =	vld [tilespmem:s31+$0xE0]  }
0x18e: {  	v44 =	vperm.xlane v30, v44;
	v45 =	vperm.xlane v30, v8;
	v43 =	vld [tilespmem:s9+$0xF0];
	s31 =	sadd.s32 $0x240, s31  }
0x18f: {  	v4 =	vmul.f32 v4, v12  }
0x190: {  	v0 =	vmul.f32 v0, v13  }
0x191: {  	v5 =	vmul.f32 v5, v14;
	[tilespmem:s9+$0xFFFFFEE0] =	vst v4  }
0x192: {  	v1 =	vmul.f32 v1, v15;
	[tilespmem:s9+$0xFFFFFEF0] =	vst v0  }
0x193: {  	v0 =	vmul.f32 v3, v16;
	[tilespmem:s9+$0xFFFFFF00] =	vst v5  }
0x194: {  	v3 =	vmul.f32 v63, v17;
	[tilespmem:s9+$0xFFFFFF10] =	vst v1  }
0x195: {  	v1 =	vmul.f32 v2, v18;
	[tilespmem:s9+$0xFFFFFF20] =	vst v0  }
0x196: {  	v2 =	vmul.f32 v48, v20;
	[tilespmem:s9+$0xFFFFFF30] =	vst v3  }
0x197: {  	v0 =	vmul.f32 v62, v19;
	[tilespmem:s9+$0xFFFFFF40] =	vst v1  }
0x198: {  	v1 =	vmul.f32 v46, v21;
	[tilespmem:s9+$0xFFFFFF70] =	vst v2  }
0x199: {  	v2 =	vmul.f32 v47, v23;
	[tilespmem:s9+$0xFFFFFF50] =	vst v0  }
0x19a: {  	v0 =	vmul.f32 v50, v22;
	[tilespmem:s9+$0xFFFFFF80] =	vst v1  }
0x19b: {  	v1 =	vmul.f32 v51, v24;
	[tilespmem:s9+$0xFFFFFFA0] =	vst v2  }
0x19c: {  	v2 =	vmul.f32 v61, v27;
	[tilespmem:s9+$0xFFFFFF90] =	vst v0  }
0x19d: {  	v0 =	vmul.f32 v49, v25;
	[tilespmem:s9+$0xFFFFFFB0] =	vst v1  }
0x19e: {  	v1 =	vmul.f32 v60, v26;
	[tilespmem:s9+$0xFFFFFFD0] =	vst v2  }
0x19f: {  	v2 =	vmul.f32 v58, v29;
	[tilespmem:s9+$0xFFFFFFC0] =	vst v0  }
0x1a0: {  	v0 =	vmul.f32 v59, v28;
	[tilespmem:s9+$0xFFFFFFE0] =	vst v1  }
0x1a1: {  	v1 =	vmul.f32 v57, v31;
	[tilespmem:s9+$0x10] =	vst v2  }
0x1a2: {  	v2 =	vmul.f32 v55, v36;
	[tilespmem:s9+$0x0] =	vst v0  }
0x1a3: {  	v0 =	vmul.f32 v56, v38;
	[tilespmem:s9+$0x20] =	vst v1  }
0x1a4: {  	v1 =	vmul.f32 v54, v40;
	[tilespmem:s9+$0x40] =	vst v2  }
0x1a5: {  	v2 =	vmul.f32 v52, v42;
	[tilespmem:s9+$0x30] =	vst v0  }
0x1a6: {  	v0 =	vmul.f32 v53, v33;
	[tilespmem:s9+$0x50] =	vst v1  }
0x1a7: {  	[tilespmem:s9+$0x70] =	vst v2  }
0x1a8: {  	[tilespmem:s9+$0x60] =	vst v0  }
0x1a9: {  	v2 =	vld [tilespmem:$0x1FFD0]  }
0x1aa: {  	v1 =	vmul.f32 v9, v32  }
0x1ab: {  	v0 =	vmul.f32 v11, v34  }
0x1ac: {  	v3 =	vmul.f32 v45, v39;
	v52 =	vimm.s32 $0x6;
	[tilespmem:s9+$0x90] =	vst v1  }
0x1ad: {  	v1 =	vmul.f32 v10, v37;
	[tilespmem:s9+$0xA0] =	vst v0;
	v0 =	vperm.xlane v30, v52  }
0x1ae: {  	[tilespmem:s9+$0xD0] =	vst v3;
	v2 =	vmul.f32 v2, v35  }
0x1af: {  	[tilespmem:s9+$0xC0] =	vst v1;
	v0 =	vmul.f32 v0, v43  }
0x1b0: {  	[tilespmem:s9+$0xB0] =	vst v2;
	v2 =	vmul.f32 v44, v41  }
0x1b1: {  	[tilespmem:s9+$0xF0] =	vst v0  }
0x1b2: {  	[tilespmem:s9+$0xE0] =	vst v2  }
0x1b3: {  	[spmem:s3] =	stream.indirect.scatter.add.f32 [tilespmem:s17], [sflag:$0x5], $0x90, s26, s16, $0xb8;
	[tilespmem:$0x1F940] =	vst v63  }
0x1b4: {  	_ =	swait.ge [sflag:s24], $0x3F00  }
0x1b5: {  	[sflag:s24] =	ssyncset.done $0x0  }
0x1b6: {  	[sflag:s24] =	ssyncadd.s32 $0xFFFFC100  }
0x1b7: {  	[tilespmem:s17], [sflag:$0x1] =	stream.indirect.gather [hbm4b:s5+s16], $0x90, s1, s16, $0xb8;
	[tilespmem:$0x1F940] =	vst v63  }
0x1b8: {  	_ = 	snop  }
0x1b9: {  	[tilespmem:s18], [sflag:$0x3] =	stream.indirect.gather [hbm4b:s6+s16], $0x10, s8, s16, $0xb8;
	[tilespmem:$0x1F940] =	vst v63  }
0x1ba: {  	_ =	swait.ge [sflag:s28], $0x3F00  }
0x1bb: {  	[sflag:s28] =	ssyncset.done $0x0  }
0x1bc: {  	[sflag:s28] =	ssyncadd.s32 $0xFFFFC100  }
0x1bd: {  	_ =	swait.ge [sflag:s29], $0x700  }
0x1be: {  	[sflag:s29] =	ssyncset.done $0x0  }
0x1bf: {  	s9 =	simm.s32 $0x4670;
	[sflag:s29] =	ssyncadd.s32 $0xFFFFF900  }
0x1c0: {  	s2 =	simm.s32 $0x8A70;
	v0 =	vld [tilespmem:s9+$0x0]  }
0x1c1: {  	v1 =	vld [tilespmem:s2+$0x0];
	_ =	sdelay $0x2  }
0x1c2: {  	v2 =	vld [tilespmem:s2+$0xFFFFFFD0]  }
0x1c3: {  	v3 =	vld [tilespmem:s9+$0xFFFFFEE0]  }
0x1c4: {  	v4 =	vld [tilespmem:s2+$0xFFFFFFE0];
	v0 =	vadd.f32 v1, v0  }
0x1c5: {  	v5 =	vld [tilespmem:s9+$0xFFFFFF70]  }
0x1c6: {  	v6 =	vld [tilespmem:s2+$0xFFFFFFF0];
	v7 =	vmul.f32 $2.000000030e-01, v0  }
0x1c7: {  	v1 =	vld [tilespmem:s9+$0xFFFFFE50]  }
0x1c8: {  	v0 =	vmax.f32 v0, v7  }
0x1c9: {  	v12 =	vld [tilespmem:s9+$0xFFFFFDD0];
	v3 =	vadd.f32 v4, v3;
	v0 =	vmul.f32 $1.442695020e+00, v0  }
0x1ca: {  	v13 =	vld [tilespmem:s9+$0xFFFFFDE0]  }
0x1cb: {  	v14 =	vld [tilespmem:s9+$0xFFFFFDF0];
	v5 =	vadd.f32 v6, v5;
	v4 =	vmul.f32 $2.000000030e-01, v3;
	(erf) = vpow2.f32 v0  }
0x1cc: {  	v15 =	vld [tilespmem:s9+$0xFFFFFE00];
	v1 =	vadd.f32 v2, v1  }
0x1cd: {  	v16 =	vld [tilespmem:s9+$0xFFFFFE10];
	v2 =	vmax.f32 v3, v4;
	v3 =	vmul.f32 $2.000000030e-01, v5  }
0x1ce: {  	v17 =	vld [tilespmem:s9+$0xFFFFFE20];
	v0 =	vmul.f32 $2.000000030e-01, v1  }
0x1cf: {  	v18 =	vld [tilespmem:s9+$0xFFFFFE30];
	v2 =	vmul.f32 $1.442695020e+00, v2;
	v3 =	vmax.f32 v5, v3  }
0x1d0: {  	v19 =	vld [tilespmem:s9+$0xFFFFFE40];
	v0 =	vmax.f32 v1, v0;
	v1 =	vmul.f32 $1.442695020e+00, v3  }
0x1d1: {  	v20 =	vld [tilespmem:s9+$0xFFFFFE60];
	(erf) = vpow2.f32 v2  }
0x1d2: {  	v21 =	vld [tilespmem:s9+$0xFFFFFE70]  }
0x1d3: {  	v22 =	vld [tilespmem:s9+$0xFFFFFE80]  }
0x1d4: {  	v23 =	vld [tilespmem:s9+$0xFFFFFE90];
	(erf) = vpow2.f32 v1;
	v1 =	vpop (erf)  }
0x1d5: {  	v54 =	vimm.s32 $0x2;
	v24 =	vld [tilespmem:s9+$0xFFFFFEA0];
	v0 =	vmul.f32 $1.442695020e+00, v0;
	v30 =	vmin.f32 v1, $1.000000000e+01  }
0x1d6: {  	v25 =	vld [tilespmem:s9+$0xFFFFFEB0];
	v2 =	vperm.xlane v30, v54  }
0x1d7: {  	(erf) = vpow2.f32 v0;
	v0 =	vld [tilespmem:s9+$0xFFFFFFF0]  }
0x1d8: {  	v8 =	vimm.s32 $0x3;
	v59 =	vimm.s32 $0x0;
	v27 =	vld [tilespmem:s9+$0xFFFFFEC0]  }
0x1d9: {  	v42 =	vimm.s32 $0x1;
	v41 =	vimm.s32 $0x7;
	v26 =	vld [tilespmem:s9+$0xFFFFFED0];
	v9 =	vperm.xlane v30, v59  }
0x1da: {  	v43 =	vimm.s32 $0x5;
	v28 =	vld [tilespmem:s9+$0xFFFFFEF0];
	v1 =	vperm.xlane v30, v41;
	v11 =	vperm.xlane v30, v42;
	[tilespmem:$0x1FFC0] =	vst v2;
	v2 =	vpop (erf)  }
0x1db: {  	v10 =	vperm.xlane v30, v8;
	v44 =	vperm.xlane v30, v43;
	v29 =	vld [tilespmem:s9+$0xFFFFFF00];
	v6 =	vmin.f32 v2, $1.000000000e+01  }
0x1dc: {  	v1 =	vmul.f32 v1, v0;
	v31 =	vld [tilespmem:s9+$0xFFFFFF10];
	v48 =	vperm.xlane v6, v59  }
0x1dd: {  	v45 =	vimm.s32 $0x4;
	v38 =	vld [tilespmem:s9+$0xFFFFFF20];
	v46 =	vperm.xlane v6, v42;
	v50 =	vperm.xlane v6, v54  }
0x1de: {  	v36 =	vld [tilespmem:s9+$0xFFFFFF30];
	v7 =	vpop (erf);
	v47 =	vperm.xlane v6, v8;
	v51 =	vperm.xlane v6, v45  }
0x1df: {  	v40 =	vld [tilespmem:s9+$0xFFFFFF40];
	v49 =	vperm.xlane v6, v43;
	v7 =	vmin.f32 v7, $1.000000000e+01;
	v61 =	vperm.xlane v6, v52  }
0x1e0: {  	v33 =	vld [tilespmem:s9+$0xFFFFFF50];
	v0 =	vpop (erf);
	v60 =	vperm.xlane v6, v41;
	v58 =	vperm.xlane v7, v42  }
0x1e1: {  	v32 =	vld [tilespmem:s9+$0xFFFFFF80];
	v55 =	vmin.f32 v0, $1.000000000e+01;
	v57 =	vperm.xlane v7, v54;
	v56 =	vperm.xlane v7, v8  }
0x1e2: {  	v34 =	vld [tilespmem:s9+$0xFFFFFF90];
	v53 =	vperm.xlane v7, v52;
	v4 =	vperm.xlane v55, v59  }
0x1e3: {  	v35 =	vld [tilespmem:s9+$0xFFFFFFA0];
	v0 =	vperm.xlane v55, v42;
	v5 =	vperm.xlane v55, v54  }
0x1e4: {  	v37 =	vld [tilespmem:s9+$0xFFFFFFB0];
	[tilespmem:s9+$0xFFFFFFF0] =	vst v1;
	v1 =	vperm.xlane v55, v8;
	v3 =	vperm.xlane v55, v45  }
0x1e5: {  	v39 =	vld [tilespmem:s9+$0xFFFFFFC0];
	[tilespmem:s9+$0x0] =	vst v30;
	v63 =	vperm.xlane v55, v43;
	v2 =	vperm.xlane v55, v52  }
0x1e6: {  	[tilespmem:s9+$0xFFFFFEE0] =	vst v6;
	v62 =	vperm.xlane v55, v41;
	v59 =	vperm.xlane v7, v59;
	v42 =	vld [tilespmem:s9+$0xFFFFFF60]  }
0x1e7: {  	[tilespmem:s9+$0xFFFFFE50] =	vst v55;
	v55 =	vperm.xlane v7, v45;
	v52 =	vperm.xlane v7, v41;
	v41 =	vld [tilespmem:s9+$0xFFFFFFD0]  }
0x1e8: {  	s25 =	simm.s32 $0x0;
	s31 =	simm.s32 $0x48B0;
	[tilespmem:s9+$0xFFFFFF70] =	vst v7;
	v54 =	vperm.xlane v7, v43;
	v45 =	vperm.xlane v30, v45;
	v43 =	vld [tilespmem:s9+$0xFFFFFFE0]  }
.LBB2_9:
0x1e9: {  	v6 =	vld [tilespmem:s31+$0x0];
	v7 =	vimm.s32 $0x6;
	s2 =	sadd.s32 $0x40, s2;
	v4 =	vmul.f32 v4, v12  }
0x1ea: {  	v7 =	vperm.xlane v30, v7;
	v30 =	vld [tilespmem:s2+$0xFFFFFFD0];
	v0 =	vmul.f32 v0, v13  }
0x1eb: {  	v12 =	vld [tilespmem:s2+$0x0];
	v5 =	vmul.f32 v5, v14;
	[tilespmem:s9+$0xFFFFFDD0] =	vst v4  }
0x1ec: {  	v1 =	vmul.f32 v1, v15;
	v14 =	vld [tilespmem:s2+$0xFFFFFFE0];
	[tilespmem:s9+$0xFFFFFDE0] =	vst v0  }
0x1ed: {  	v3 =	vmul.f32 v3, v16;
	v16 =	vld [tilespmem:s31+$0xFFFFFF70];
	[tilespmem:s9+$0xFFFFFDF0] =	vst v5  }
0x1ee: {  	v2 =	vmul.f32 v2, v18;
	v18 =	vld [tilespmem:s2+$0xFFFFFFF0];
	[tilespmem:s9+$0xFFFFFE00] =	vst v1  }
0x1ef: {  	v15 =	vmul.f32 v48, v20;
	v4 =	vld [tilespmem:s31+$0xFFFFFEE0];
	[tilespmem:s9+$0xFFFFFE10] =	vst v3  }
0x1f0: {  	v20 =	vld [tilespmem:s31+$0xFFFFFE50];
	v0 =	vmul.f32 v63, v17;
	[tilespmem:s9+$0xFFFFFE30] =	vst v2  }
0x1f1: {  	v5 =	vmul.f32 v62, v19;
	v1 =	vmul.f32 v46, v21;
	[tilespmem:s9+$0xFFFFFE60] =	vst v15;
	v6 =	vadd.f32 v12, v6  }
0x1f2: {  	v17 =	vmul.f32 v50, v22;
	v3 =	vmul.f32 v47, v23;
	v13 =	vld [tilespmem:s31+$0xFFFFFDE0];
	[tilespmem:s9+$0xFFFFFE20] =	vst v0  }
0x1f3: {  	v19 =	vmul.f32 v51, v24;
	[tilespmem:s9+$0xFFFFFE40] =	vst v5;
	v12 =	vld [tilespmem:s31+$0xFFFFFDD0];
	v22 =	vmul.f32 $2.000000030e-01, v6  }
0x1f4: {  	v21 =	vmul.f32 v61, v27;
	v2 =	vmul.f32 v60, v26;
	[tilespmem:s9+$0xFFFFFE70] =	vst v1;
	v15 =	vld [tilespmem:s31+$0xFFFFFE00];
	v4 =	vadd.f32 v14, v4  }
0x1f5: {  	v24 =	vmul.f32 v58, v29;
	[tilespmem:s9+$0xFFFFFE80] =	vst v17;
	v23 =	vadd.f32 v18, v16;
	v16 =	vld [tilespmem:s31+$0xFFFFFE10];
	v6 =	vmax.f32 v6, v22  }
0x1f6: {  	[tilespmem:s9+$0xFFFFFE90] =	vst v3;
	v1 =	vadd.f32 v30, v20;
	v17 =	vld [tilespmem:s31+$0xFFFFFE20];
	v22 =	vmul.f32 $2.000000030e-01, v4;
	v6 =	vmul.f32 $1.442695020e+00, v6  }
0x1f7: {  	v0 =	vmul.f32 v49, v25;
	[tilespmem:s9+$0xFFFFFEA0] =	vst v19;
	v18 =	vld [tilespmem:s31+$0xFFFFFE30];
	v20 =	vmul.f32 $2.000000030e-01, v23  }
0x1f8: {  	[tilespmem:s9+$0xFFFFFEC0] =	vst v21;
	v19 =	vld [tilespmem:s31+$0xFFFFFE40];
	v3 =	vmul.f32 $2.000000030e-01, v1;
	v4 =	vmax.f32 v4, v22;
	(erf) = vpow2.f32 v6  }
0x1f9: {  	v26 =	vmul.f32 v56, v38;
	[tilespmem:s9+$0xFFFFFED0] =	vst v2;
	v21 =	vld [tilespmem:s31+$0xFFFFFE70];
	v4 =	vmul.f32 $1.442695020e+00, v4;
	v6 =	vmax.f32 v23, v20  }
0x1fa: {  	v25 =	vmul.f32 v57, v31;
	[tilespmem:s9+$0xFFFFFEB0] =	vst v0;
	v14 =	vld [tilespmem:s31+$0xFFFFFDF0];
	v1 =	vmax.f32 v1, v3;
	v3 =	vmul.f32 $1.442695020e+00, v6  }
0x1fb: {  	[tilespmem:s9+$0xFFFFFF00] =	vst v24;
	v24 =	vld [tilespmem:s31+$0xFFFFFEA0];
	v1 =	vmul.f32 $1.442695020e+00, v1;
	(erf) = vpow2.f32 v4  }
0x1fc: {  	v27 =	vmul.f32 v55, v36;
	[tilespmem:s9+$0xFFFFFF10] =	vst v25;
	v25 =	vld [tilespmem:s31+$0xFFFFFEB0];
	(erf) = vpow2.f32 v3  }
0x1fd: {  	v29 =	vmul.f32 v52, v42;
	[tilespmem:s9+$0xFFFFFF20] =	vst v26;
	(erf) = vpow2.f32 v1;
	v1 =	vld [tilespmem:$0x1FFC0]  }
0x1fe: {  	v7 =	vmul.f32 v7, v43;
	v5 =	vmul.f32 v59, v28;
	[tilespmem:s9+$0xFFFFFF30] =	vst v27;
	v27 =	vld [tilespmem:s31+$0xFFFFFEC0]  }
0x1ff: {  	v43 =	vimm.s32 $0x7;
	v56 =	vmul.f32 v44, v41;
	v28 =	vmul.f32 v54, v40;
	[tilespmem:s9+$0xFFFFFF60] =	vst v29;
	v26 =	vld [tilespmem:s31+$0xFFFFFED0]  }
0x200: {  	v2 =	vmul.f32 v9, v32;
	v57 =	vimm.s32 $0x0;
	v0 =	vmul.f32 v53, v33;
	[tilespmem:s9+$0xFFFFFEF0] =	vst v5;
	v4 =	vld [tilespmem:s31+$0xFFFFFFF0]  }
0x201: {  	v5 =	vmul.f32 v10, v37;
	[tilespmem:s9+$0xFFFFFF40] =	vst v28;
	v28 =	vld [tilespmem:s31+$0xFFFFFEF0];
	v6 =	vmul.f32 v45, v39;
	v39 =	vimm.s32 $0x1;
	v8 =	vpop (erf)  }
0x202: {  	v29 =	vld [tilespmem:s31+$0xFFFFFF00];
	[tilespmem:s9+$0xFFFFFF50] =	vst v0;
	v3 =	vmul.f32 v11, v34;
	v1 =	vmul.f32 v1, v35;
	v30 =	vmin.f32 v8, $1.000000000e+01  }
0x203: {  	v38 =	vld [tilespmem:s31+$0xFFFFFF20];
	v45 =	vimm.s32 $0x2;
	v9 =	vperm.xlane v30, v57;
	v31 =	vperm.xlane v30, v43  }
0x204: {  	v52 =	vimm.s32 $0x3;
	v36 =	vld [tilespmem:s31+$0xFFFFFF30];
	v11 =	vperm.xlane v30, v39;
	v8 =	vperm.xlane v30, v45;
	v0 =	vpop (erf)  }
0x205: {  	[tilespmem:s9+$0xFFFFFF80] =	vst v2;
	v40 =	vld [tilespmem:s31+$0xFFFFFF40];
	v10 =	vperm.xlane v30, v52;
	v58 =	vmin.f32 v0, $1.000000000e+01;
	v4 =	vmul.f32 v31, v4  }
0x206: {  	v44 =	vimm.s32 $0x5;
	[tilespmem:s9+$0xFFFFFFB0] =	vst v5;
	v33 =	vld [tilespmem:s31+$0xFFFFFF50];
	v2 =	vpop (erf);
	v48 =	vperm.xlane v58, v57;
	v46 =	vperm.xlane v58, v39  }
0x207: {  	v42 =	vld [tilespmem:s31+$0xFFFFFF60];
	[tilespmem:s9+$0xFFFFFF90] =	vst v3;
	v50 =	vperm.xlane v58, v45;
	v47 =	vperm.xlane v58, v52;
	v41 =	vmin.f32 v2, $1.000000000e+01  }
0x208: {  	v22 =	vld [tilespmem:s31+$0xFFFFFE80];
	[tilespmem:$0x1FFC0] =	vst v8;
	v0 =	vpop (erf);
	v8 =	vimm.s32 $0x4;
	v49 =	vperm.xlane v58, v44;
	v60 =	vperm.xlane v58, v43  }
0x209: {  	v20 =	vld [tilespmem:s31+$0xFFFFFE60];
	[tilespmem:s9+$0xFFFFFFA0] =	vst v1;
	v59 =	vmin.f32 v0, $1.000000000e+01;
	v51 =	vperm.xlane v58, v8;
	v55 =	vperm.xlane v41, v8  }
0x20a: {  	v23 =	vld [tilespmem:s31+$0xFFFFFE90];
	v54 =	vperm.xlane v41, v44;
	[tilespmem:s31+$0xFFFFFFF0] =	vst v4;
	v4 =	vperm.xlane v59, v57  }
0x20b: {  	v32 =	vld [tilespmem:s31+$0xFFFFFF80];
	[tilespmem:s31+$0xFFFFFEE0] =	vst v58;
	v0 =	vperm.xlane v59, v39;
	v5 =	vperm.xlane v59, v45  }
0x20c: {  	s25 =	sadd.s32 $0x4, s25;
	v31 =	vld [tilespmem:s31+$0xFFFFFF10];
	v1 =	vperm.xlane v59, v52;
	v3 =	vperm.xlane v59, v8;
	[tilespmem:s9+$0xFFFFFFC0] =	vst v6  }
0x20d: {  	p0 =	slt.u32 s25, $0x6C;
	v63 =	vperm.xlane v59, v44;
	v62 =	vperm.xlane v59, v43;
	[tilespmem:s9+$0xFFFFFFD0] =	vst v56;
	v34 =	vld [tilespmem:s31+$0xFFFFFF90]  }
.Ltmp3:
0x20e: {  	v6 =	vimm.s32 $0x6;
	[tilespmem:s9+$0xFFFFFFE0] =	vst v7;
	v56 =	vperm.xlane v41, v52;
	v52 =	vperm.xlane v41, v43;
	v35 =	vld [tilespmem:s31+$0xFFFFFFA0];
	(pc) =	sbr.rel @p0 .LBB2_9-.Ltmp3, $4  }
0x20f: {  	[tilespmem:s31+$0xFFFFFF70] =	vst v41;
	v2 =	vperm.xlane v59, v6;
	v61 =	vperm.xlane v58, v6;
	v37 =	vld [tilespmem:s31+$0xFFFFFFB0]  }
0x210: {  	[tilespmem:s31+$0xFFFFFE50] =	vst v59;
	v6 =	vimm.s32 $0x6;
	v59 =	vperm.xlane v41, v57;
	v58 =	vperm.xlane v41, v39;
	v39 =	vld [tilespmem:s31+$0xFFFFFFC0]  }
0x211: {  	s9 =	smov.u32 s31;
	v57 =	vperm.xlane v41, v45;
	[tilespmem:s31+$0x0] =	vst v30;
	v53 =	vperm.xlane v41, v6;
	v41 =	vld [tilespmem:s31+$0xFFFFFFD0]  }
0x212: {  	v44 =	vperm.xlane v30, v44;
	v45 =	vperm.xlane v30, v8;
	v43 =	vld [tilespmem:s9+$0xFFFFFFE0];
	s31 =	sadd.s32 $0x240, s31  }
0x213: {  	v4 =	vmul.f32 v4, v12  }
0x214: {  	v0 =	vmul.f32 v0, v13  }
0x215: {  	v5 =	vmul.f32 v5, v14;
	[tilespmem:s9+$0xFFFFFDD0] =	vst v4  }
0x216: {  	v1 =	vmul.f32 v1, v15;
	[tilespmem:s9+$0xFFFFFDE0] =	vst v0  }
0x217: {  	v0 =	vmul.f32 v3, v16;
	[tilespmem:s9+$0xFFFFFDF0] =	vst v5  }
0x218: {  	v3 =	vmul.f32 v63, v17;
	[tilespmem:s9+$0xFFFFFE00] =	vst v1  }
0x219: {  	v1 =	vmul.f32 v2, v18;
	[tilespmem:s9+$0xFFFFFE10] =	vst v0  }
0x21a: {  	v2 =	vmul.f32 v48, v20;
	[tilespmem:s9+$0xFFFFFE20] =	vst v3  }
0x21b: {  	v0 =	vmul.f32 v62, v19;
	[tilespmem:s9+$0xFFFFFE30] =	vst v1  }
0x21c: {  	v1 =	vmul.f32 v46, v21;
	[tilespmem:s9+$0xFFFFFE60] =	vst v2  }
0x21d: {  	v2 =	vmul.f32 v47, v23;
	[tilespmem:s9+$0xFFFFFE40] =	vst v0  }
0x21e: {  	v0 =	vmul.f32 v50, v22;
	[tilespmem:s9+$0xFFFFFE70] =	vst v1  }
0x21f: {  	v1 =	vmul.f32 v51, v24;
	[tilespmem:s9+$0xFFFFFE90] =	vst v2  }
0x220: {  	v2 =	vmul.f32 v61, v27;
	[tilespmem:s9+$0xFFFFFE80] =	vst v0  }
0x221: {  	v0 =	vmul.f32 v49, v25;
	[tilespmem:s9+$0xFFFFFEA0] =	vst v1  }
0x222: {  	v1 =	vmul.f32 v60, v26;
	[tilespmem:s9+$0xFFFFFEC0] =	vst v2  }
0x223: {  	v2 =	vmul.f32 v58, v29;
	[tilespmem:s9+$0xFFFFFEB0] =	vst v0  }
0x224: {  	v0 =	vmul.f32 v59, v28;
	[tilespmem:s9+$0xFFFFFED0] =	vst v1  }
0x225: {  	v1 =	vmul.f32 v57, v31;
	[tilespmem:s9+$0xFFFFFF00] =	vst v2  }
0x226: {  	v2 =	vmul.f32 v55, v36;
	[tilespmem:s9+$0xFFFFFEF0] =	vst v0  }
0x227: {  	v0 =	vmul.f32 v56, v38;
	[tilespmem:s9+$0xFFFFFF10] =	vst v1  }
0x228: {  	v1 =	vmul.f32 v54, v40;
	[tilespmem:s9+$0xFFFFFF30] =	vst v2  }
0x229: {  	v2 =	vmul.f32 v52, v42;
	[tilespmem:s9+$0xFFFFFF20] =	vst v0  }
0x22a: {  	v0 =	vmul.f32 v53, v33;
	[tilespmem:s9+$0xFFFFFF40] =	vst v1  }
0x22b: {  	[tilespmem:s9+$0xFFFFFF60] =	vst v2  }
0x22c: {  	[tilespmem:s9+$0xFFFFFF50] =	vst v0  }
0x22d: {  	v2 =	vld [tilespmem:$0x1FFC0]  }
0x22e: {  	v1 =	vmul.f32 v9, v32  }
0x22f: {  	v0 =	vmul.f32 v11, v34  }
0x230: {  	v3 =	vmul.f32 v45, v39;
	v52 =	vimm.s32 $0x6;
	[tilespmem:s9+$0xFFFFFF80] =	vst v1  }
0x231: {  	v1 =	vmul.f32 v10, v37;
	[tilespmem:s9+$0xFFFFFF90] =	vst v0;
	v0 =	vperm.xlane v30, v52  }
0x232: {  	[tilespmem:s9+$0xFFFFFFC0] =	vst v3;
	v2 =	vmul.f32 v2, v35  }
0x233: {  	[tilespmem:s9+$0xFFFFFFB0] =	vst v1;
	v0 =	vmul.f32 v0, v43  }
0x234: {  	[tilespmem:s9+$0xFFFFFFA0] =	vst v2;
	v2 =	vmul.f32 v44, v41  }
0x235: {  	[tilespmem:s9+$0xFFFFFFE0] =	vst v0  }
0x236: {  	[tilespmem:s9+$0xFFFFFFD0] =	vst v2  }
0x237: {  	[spmem:s3] =	stream.indirect.scatter.add.f32 [tilespmem:s19], [sflag:$0x6], $0x90, s0, s16, $0xb8;
	[tilespmem:$0x1F940] =	vst v63  }
0x238: {  	_ =	swait.ge [sflag:s30], $0x3F00  }
0x239: {  	[sflag:s30] =	ssyncset.done $0x0  }
0x23a: {  	[sflag:s30] =	ssyncadd.s32 $0xFFFFC100  }
0x23b: {  	[tilespmem:s19], [sflag:$0x2] =	stream.indirect.gather [hbm4b:s5+s16], $0x90, s11, s16, $0xb8;
	[tilespmem:$0x1F940] =	vst v63  }
0x23c: {  	_ = 	snop  }
0x23d: {  	[tilespmem:s21], [sflag:$0x4] =	stream.indirect.gather [hbm4b:s6+s16], $0x10, s12, s16, $0xb8;
	[tilespmem:$0x1F940] =	vst v63  }
0x23e: {  	_ =	swait.ge [sflag:s22], $0x3F00  }
0x23f: {  	[sflag:s22] =	ssyncset.done $0x0  }
0x240: {  	[sflag:s22] =	ssyncadd.s32 $0xFFFFC100  }
0x241: {  	_ =	swait.ge [sflag:s23], $0x700  }
0x242: {  	[sflag:s23] =	ssyncset.done $0x0  }
0x243: {  	s9 =	simm.s32 $0x660;
	[sflag:s23] =	ssyncadd.s32 $0xFFFFF900  }
0x244: {  	s2 =	simm.s32 $0x8360;
	v0 =	vld [tilespmem:s9+$0x110]  }
0x245: {  	v1 =	vld [tilespmem:s2+$0x10];
	_ =	sdelay $0x2  }
0x246: {  	v2 =	vld [tilespmem:s2+$0xFFFFFFE0]  }
0x247: {  	v3 =	vld [tilespmem:s9+$0xFFFFFFF0]  }
0x248: {  	v4 =	vld [tilespmem:s2+$0xFFFFFFF0];
	v0 =	vadd.f32 v1, v0  }
0x249: {  	v5 =	vld [tilespmem:s9+$0x80]  }
0x24a: {  	v6 =	vld [tilespmem:s2+$0x0];
	v7 =	vmul.f32 $2.000000030e-01, v0  }
0x24b: {  	v1 =	vld [tilespmem:s9+$0xFFFFFF60]  }
0x24c: {  	v0 =	vmax.f32 v0, v7  }
0x24d: {  	v12 =	vld [tilespmem:s9+$0xFFFFFEE0];
	v3 =	vadd.f32 v4, v3;
	v0 =	vmul.f32 $1.442695020e+00, v0  }
0x24e: {  	v13 =	vld [tilespmem:s9+$0xFFFFFEF0]  }
0x24f: {  	v14 =	vld [tilespmem:s9+$0xFFFFFF00];
	v5 =	vadd.f32 v6, v5;
	v4 =	vmul.f32 $2.000000030e-01, v3;
	(erf) = vpow2.f32 v0  }
0x250: {  	v15 =	vld [tilespmem:s9+$0xFFFFFF10];
	v1 =	vadd.f32 v2, v1  }
0x251: {  	v16 =	vld [tilespmem:s9+$0xFFFFFF20];
	v2 =	vmax.f32 v3, v4;
	v3 =	vmul.f32 $2.000000030e-01, v5  }
0x252: {  	v17 =	vld [tilespmem:s9+$0xFFFFFF30];
	v0 =	vmul.f32 $2.000000030e-01, v1  }
0x253: {  	v18 =	vld [tilespmem:s9+$0xFFFFFF40];
	v2 =	vmul.f32 $1.442695020e+00, v2;
	v3 =	vmax.f32 v5, v3  }
0x254: {  	v19 =	vld [tilespmem:s9+$0xFFFFFF50];
	v0 =	vmax.f32 v1, v0;
	v1 =	vmul.f32 $1.442695020e+00, v3  }
0x255: {  	v20 =	vld [tilespmem:s9+$0xFFFFFF70];
	(erf) = vpow2.f32 v2  }
0x256: {  	v21 =	vld [tilespmem:s9+$0xFFFFFF80]  }
0x257: {  	v22 =	vld [tilespmem:s9+$0xFFFFFF90]  }
0x258: {  	v23 =	vld [tilespmem:s9+$0xFFFFFFA0];
	(erf) = vpow2.f32 v1;
	v1 =	vpop (erf)  }
0x259: {  	v54 =	vimm.s32 $0x2;
	v24 =	vld [tilespmem:s9+$0xFFFFFFB0];
	v0 =	vmul.f32 $1.442695020e+00, v0;
	v30 =	vmin.f32 v1, $1.000000000e+01  }
0x25a: {  	v25 =	vld [tilespmem:s9+$0xFFFFFFC0];
	v2 =	vperm.xlane v30, v54  }
0x25b: {  	(erf) = vpow2.f32 v0;
	v0 =	vld [tilespmem:s9+$0x100]  }
0x25c: {  	v8 =	vimm.s32 $0x3;
	v59 =	vimm.s32 $0x0;
	v27 =	vld [tilespmem:s9+$0xFFFFFFD0]  }
0x25d: {  	v42 =	vimm.s32 $0x1;
	v41 =	vimm.s32 $0x7;
	v26 =	vld [tilespmem:s9+$0xFFFFFFE0];
	v9 =	vperm.xlane v30, v59  }
0x25e: {  	v43 =	vimm.s32 $0x5;
	v28 =	vld [tilespmem:s9+$0x0];
	v1 =	vperm.xlane v30, v41;
	v11 =	vperm.xlane v30, v42;
	[tilespmem:$0x1FFB0] =	vst v2;
	v2 =	vpop (erf)  }
0x25f: {  	v10 =	vperm.xlane v30, v8;
	v44 =	vperm.xlane v30, v43;
	v29 =	vld [tilespmem:s9+$0x10];
	v6 =	vmin.f32 v2, $1.000000000e+01  }
0x260: {  	v1 =	vmul.f32 v1, v0;
	v31 =	vld [tilespmem:s9+$0x20];
	v48 =	vperm.xlane v6, v59  }
0x261: {  	v45 =	vimm.s32 $0x4;
	v38 =	vld [tilespmem:s9+$0x30];
	v46 =	vperm.xlane v6, v42;
	v50 =	vperm.xlane v6, v54  }
0x262: {  	v36 =	vld [tilespmem:s9+$0x40];
	v7 =	vpop (erf);
	v47 =	vperm.xlane v6, v8;
	v51 =	vperm.xlane v6, v45  }
0x263: {  	v40 =	vld [tilespmem:s9+$0x50];
	v49 =	vperm.xlane v6, v43;
	v7 =	vmin.f32 v7, $1.000000000e+01;
	v61 =	vperm.xlane v6, v52  }
0x264: {  	v33 =	vld [tilespmem:s9+$0x60];
	v0 =	vpop (erf);
	v60 =	vperm.xlane v6, v41;
	v58 =	vperm.xlane v7, v42  }
0x265: {  	v32 =	vld [tilespmem:s9+$0x90];
	v55 =	vmin.f32 v0, $1.000000000e+01;
	v57 =	vperm.xlane v7, v54;
	v56 =	vperm.xlane v7, v8  }
0x266: {  	v34 =	vld [tilespmem:s9+$0xA0];
	v53 =	vperm.xlane v7, v52;
	v4 =	vperm.xlane v55, v59  }
0x267: {  	v35 =	vld [tilespmem:s9+$0xB0];
	v0 =	vperm.xlane v55, v42;
	v5 =	vperm.xlane v55, v54  }
0x268: {  	v37 =	vld [tilespmem:s9+$0xC0];
	[tilespmem:s9+$0x100] =	vst v1;
	v1 =	vperm.xlane v55, v8;
	v3 =	vperm.xlane v55, v45  }
0x269: {  	v39 =	vld [tilespmem:s9+$0xD0];
	[tilespmem:s9+$0x110] =	vst v30;
	v63 =	vperm.xlane v55, v43;
	v2 =	vperm.xlane v55, v52  }
0x26a: {  	[tilespmem:s9+$0xFFFFFFF0] =	vst v6;
	v62 =	vperm.xlane v55, v41;
	v59 =	vperm.xlane v7, v59;
	v42 =	vld [tilespmem:s9+$0x70]  }
0x26b: {  	[tilespmem:s9+$0xFFFFFF60] =	vst v55;
	v55 =	vperm.xlane v7, v45;
	v52 =	vperm.xlane v7, v41;
	v41 =	vld [tilespmem:s9+$0xE0]  }
0x26c: {  	s25 =	simm.s32 $0x0;
	s31 =	simm.s32 $0x8A0;
	[tilespmem:s9+$0x80] =	vst v7;
	v54 =	vperm.xlane v7, v43;
	v45 =	vperm.xlane v30, v45;
	v43 =	vld [tilespmem:s9+$0xF0]  }
.LBB2_11:
0x26d: {  	v6 =	vld [tilespmem:s31+$0x110];
	v7 =	vimm.s32 $0x6;
	s2 =	sadd.s32 $0x40, s2;
	v4 =	vmul.f32 v4, v12  }
0x26e: {  	v7 =	vperm.xlane v30, v7;
	v30 =	vld [tilespmem:s2+$0xFFFFFFE0];
	v0 =	vmul.f32 v0, v13  }
0x26f: {  	v12 =	vld [tilespmem:s2+$0x10];
	v5 =	vmul.f32 v5, v14;
	[tilespmem:s9+$0xFFFFFEE0] =	vst v4  }
0x270: {  	v1 =	vmul.f32 v1, v15;
	v14 =	vld [tilespmem:s2+$0xFFFFFFF0];
	[tilespmem:s9+$0xFFFFFEF0] =	vst v0  }
0x271: {  	v3 =	vmul.f32 v3, v16;
	v16 =	vld [tilespmem:s31+$0x80];
	[tilespmem:s9+$0xFFFFFF00] =	vst v5  }
0x272: {  	v2 =	vmul.f32 v2, v18;
	v18 =	vld [tilespmem:s2+$0x0];
	[tilespmem:s9+$0xFFFFFF10] =	vst v1  }
0x273: {  	v15 =	vmul.f32 v48, v20;
	v4 =	vld [tilespmem:s31+$0xFFFFFFF0];
	[tilespmem:s9+$0xFFFFFF20] =	vst v3  }
0x274: {  	v20 =	vld [tilespmem:s31+$0xFFFFFF60];
	v0 =	vmul.f32 v63, v17;
	[tilespmem:s9+$0xFFFFFF40] =	vst v2  }
0x275: {  	v5 =	vmul.f32 v62, v19;
	v1 =	vmul.f32 v46, v21;
	[tilespmem:s9+$0xFFFFFF70] =	vst v15;
	v6 =	vadd.f32 v12, v6  }
0x276: {  	v17 =	vmul.f32 v50, v22;
	v3 =	vmul.f32 v47, v23;
	v13 =	vld [tilespmem:s31+$0xFFFFFEF0];
	[tilespmem:s9+$0xFFFFFF30] =	vst v0  }
0x277: {  	v19 =	vmul.f32 v51, v24;
	[tilespmem:s9+$0xFFFFFF50] =	vst v5;
	v12 =	vld [tilespmem:s31+$0xFFFFFEE0];
	v22 =	vmul.f32 $2.000000030e-01, v6  }
0x278: {  	v21 =	vmul.f32 v61, v27;
	v2 =	vmul.f32 v60, v26;
	[tilespmem:s9+$0xFFFFFF80] =	vst v1;
	v15 =	vld [tilespmem:s31+$0xFFFFFF10];
	v4 =	vadd.f32 v14, v4  }
0x279: {  	v24 =	vmul.f32 v58, v29;
	[tilespmem:s9+$0xFFFFFF90] =	vst v17;
	v23 =	vadd.f32 v18, v16;
	v16 =	vld [tilespmem:s31+$0xFFFFFF20];
	v6 =	vmax.f32 v6, v22  }
0x27a: {  	[tilespmem:s9+$0xFFFFFFA0] =	vst v3;
	v1 =	vadd.f32 v30, v20;
	v17 =	vld [tilespmem:s31+$0xFFFFFF30];
	v22 =	vmul.f32 $2.000000030e-01, v4;
	v6 =	vmul.f32 $1.442695020e+00, v6  }
0x27b: {  	v0 =	vmul.f32 v49, v25;
	[tilespmem:s9+$0xFFFFFFB0] =	vst v19;
	v18 =	vld [tilespmem:s31+$0xFFFFFF40];
	v20 =	vmul.f32 $2.000000030e-01, v23  }
0x27c: {  	[tilespmem:s9+$0xFFFFFFD0] =	vst v21;
	v19 =	vld [tilespmem:s31+$0xFFFFFF50];
	v3 =	vmul.f32 $2.000000030e-01, v1;
	v4 =	vmax.f32 v4, v22;
	(erf) = vpow2.f32 v6  }
0x27d: {  	v26 =	vmul.f32 v56, v38;
	[tilespmem:s9+$0xFFFFFFE0] =	vst v2;
	v21 =	vld [tilespmem:s31+$0xFFFFFF80];
	v4 =	vmul.f32 $1.442695020e+00, v4;
	v6 =	vmax.f32 v23, v20  }
0x27e: {  	v25 =	vmul.f32 v57, v31;
	[tilespmem:s9+$0xFFFFFFC0] =	vst v0;
	v14 =	vld [tilespmem:s31+$0xFFFFFF00];
	v1 =	vmax.f32 v1, v3;
	v3 =	vmul.f32 $1.442695020e+00, v6  }
0x27f: {  	[tilespmem:s9+$0x10] =	vst v24;
	v24 =	vld [tilespmem:s31+$0xFFFFFFB0];
	v1 =	vmul.f32 $1.442695020e+00, v1;
	(erf) = vpow2.f32 v4  }
0x280: {  	v27 =	vmul.f32 v55, v36;
	[tilespmem:s9+$0x20] =	vst v25;
	v25 =	vld [tilespmem:s31+$0xFFFFFFC0];
	(erf) = vpow2.f32 v3  }
0x281: {  	v29 =	vmul.f32 v52, v42;
	[tilespmem:s9+$0x30] =	vst v26;
	(erf) = vpow2.f32 v1;
	v1 =	vld [tilespmem:$0x1FFB0]  }
0x282: {  	v7 =	vmul.f32 v7, v43;
	v5 =	vmul.f32 v59, v28;
	[tilespmem:s9+$0x40] =	vst v27;
	v27 =	vld [tilespmem:s31+$0xFFFFFFD0]  }
0x283: {  	v43 =	vimm.s32 $0x7;
	v56 =	vmul.f32 v44, v41;
	v28 =	vmul.f32 v54, v40;
	[tilespmem:s9+$0x70] =	vst v29;
	v26 =	vld [tilespmem:s31+$0xFFFFFFE0]  }
0x284: {  	v2 =	vmul.f32 v9, v32;
	v57 =	vimm.s32 $0x0;
	v0 =	vmul.f32 v53, v33;
	[tilespmem:s9+$0x0] =	vst v5;
	v4 =	vld [tilespmem:s31+$0x100]  }
0x285: {  	v5 =	vmul.f32 v10, v37;
	[tilespmem:s9+$0x50] =	vst v28;
	v28 =	vld [tilespmem:s31+$0x0];
	v6 =	vmul.f32 v45, v39;
	v39 =	vimm.s32 $0x1;
	v8 =	vpop (erf)  }
0x286: {  	v29 =	vld [tilespmem:s31+$0x10];
	[tilespmem:s9+$0x60] =	vst v0;
	v3 =	vmul.f32 v11, v34;
	v1 =	vmul.f32 v1, v35;
	v30 =	vmin.f32 v8, $1.000000000e+01  }
0x287: {  	v38 =	vld [tilespmem:s31+$0x30];
	v45 =	vimm.s32 $0x2;
	v9 =	vperm.xlane v30, v57;
	v31 =	vperm.xlane v30, v43  }
0x288: {  	v52 =	vimm.s32 $0x3;
	v36 =	vld [tilespmem:s31+$0x40];
	v11 =	vperm.xlane v30, v39;
	v8 =	vperm.xlane v30, v45;
	v0 =	vpop (erf)  }
0x289: {  	[tilespmem:s9+$0x90] =	vst v2;
	v40 =	vld [tilespmem:s31+$0x50];
	v10 =	vperm.xlane v30, v52;
	v58 =	vmin.f32 v0, $1.000000000e+01;
	v4 =	vmul.f32 v31, v4  }
0x28a: {  	v44 =	vimm.s32 $0x5;
	[tilespmem:s9+$0xC0] =	vst v5;
	v33 =	vld [tilespmem:s31+$0x60];
	v2 =	vpop (erf);
	v48 =	vperm.xlane v58, v57;
	v46 =	vperm.xlane v58, v39  }
0x28b: {  	v42 =	vld [tilespmem:s31+$0x70];
	[tilespmem:s9+$0xA0] =	vst v3;
	v50 =	vperm.xlane v58, v45;
	v47 =	vperm.xlane v58, v52;
	v41 =	vmin.f32 v2, $1.000000000e+01  }
0x28c: {  	v22 =	vld [tilespmem:s31+$0xFFFFFF90];
	[tilespmem:$0x1FFB0] =	vst v8;
	v0 =	vpop (erf);
	v8 =	vimm.s32 $0x4;
	v49 =	vperm.xlane v58, v44;
	v60 =	vperm.xlane v58, v43  }
0x28d: {  	v20 =	vld [tilespmem:s31+$0xFFFFFF70];
	[tilespmem:s9+$0xB0] =	vst v1;
	v59 =	vmin.f32 v0, $1.000000000e+01;
	v51 =	vperm.xlane v58, v8;
	v55 =	vperm.xlane v41, v8  }
0x28e: {  	v23 =	vld [tilespmem:s31+$0xFFFFFFA0];
	v54 =	vperm.xlane v41, v44;
	[tilespmem:s31+$0x100] =	vst v4;
	v4 =	vperm.xlane v59, v57  }
0x28f: {  	v32 =	vld [tilespmem:s31+$0x90];
	[tilespmem:s31+$0xFFFFFFF0] =	vst v58;
	v0 =	vperm.xlane v59, v39;
	v5 =	vperm.xlane v59, v45  }
0x290: {  	s25 =	sadd.s32 $0x4, s25;
	v31 =	vld [tilespmem:s31+$0x20];
	v1 =	vperm.xlane v59, v52;
	v3 =	vperm.xlane v59, v8;
	[tilespmem:s9+$0xD0] =	vst v6  }
0x291: {  	p0 =	slt.u32 s25, $0x6C;
	v63 =	vperm.xlane v59, v44;
	v62 =	vperm.xlane v59, v43;
	[tilespmem:s9+$0xE0] =	vst v56;
	v34 =	vld [tilespmem:s31+$0xA0]  }
.Ltmp4:
0x292: {  	v6 =	vimm.s32 $0x6;
	[tilespmem:s9+$0xF0] =	vst v7;
	v56 =	vperm.xlane v41, v52;
	v52 =	vperm.xlane v41, v43;
	v35 =	vld [tilespmem:s31+$0xB0];
	(pc) =	sbr.rel @p0 .LBB2_11-.Ltmp4, $4  }
0x293: {  	[tilespmem:s31+$0x80] =	vst v41;
	v2 =	vperm.xlane v59, v6;
	v61 =	vperm.xlane v58, v6;
	v37 =	vld [tilespmem:s31+$0xC0]  }
0x294: {  	[tilespmem:s31+$0xFFFFFF60] =	vst v59;
	v6 =	vimm.s32 $0x6;
	v59 =	vperm.xlane v41, v57;
	v58 =	vperm.xlane v41, v39;
	v39 =	vld [tilespmem:s31+$0xD0]  }
0x295: {  	s9 =	smov.u32 s31;
	v57 =	vperm.xlane v41, v45;
	[tilespmem:s31+$0x110] =	vst v30;
	v53 =	vperm.xlane v41, v6;
	v41 =	vld [tilespmem:s31+$0xE0]  }
0x296: {  	v44 =	vperm.xlane v30, v44;
	v45 =	vperm.xlane v30, v8;
	v43 =	vld [tilespmem:s9+$0xF0];
	s31 =	sadd.s32 $0x240, s31  }
0x297: {  	v4 =	vmul.f32 v4, v12  }
0x298: {  	v0 =	vmul.f32 v0, v13  }
0x299: {  	v5 =	vmul.f32 v5, v14;
	[tilespmem:s9+$0xFFFFFEE0] =	vst v4  }
0x29a: {  	v1 =	vmul.f32 v1, v15;
	[tilespmem:s9+$0xFFFFFEF0] =	vst v0  }
0x29b: {  	v0 =	vmul.f32 v3, v16;
	[tilespmem:s9+$0xFFFFFF00] =	vst v5  }
0x29c: {  	v3 =	vmul.f32 v63, v17;
	[tilespmem:s9+$0xFFFFFF10] =	vst v1  }
0x29d: {  	v1 =	vmul.f32 v2, v18;
	[tilespmem:s9+$0xFFFFFF20] =	vst v0  }
0x29e: {  	v2 =	vmul.f32 v48, v20;
	[tilespmem:s9+$0xFFFFFF30] =	vst v3  }
0x29f: {  	v0 =	vmul.f32 v62, v19;
	[tilespmem:s9+$0xFFFFFF40] =	vst v1  }
0x2a0: {  	v1 =	vmul.f32 v46, v21;
	[tilespmem:s9+$0xFFFFFF70] =	vst v2  }
0x2a1: {  	v2 =	vmul.f32 v47, v23;
	[tilespmem:s9+$0xFFFFFF50] =	vst v0  }
0x2a2: {  	v0 =	vmul.f32 v50, v22;
	[tilespmem:s9+$0xFFFFFF80] =	vst v1  }
0x2a3: {  	v1 =	vmul.f32 v51, v24;
	[tilespmem:s9+$0xFFFFFFA0] =	vst v2  }
0x2a4: {  	v2 =	vmul.f32 v61, v27;
	[tilespmem:s9+$0xFFFFFF90] =	vst v0  }
0x2a5: {  	v0 =	vmul.f32 v49, v25;
	[tilespmem:s9+$0xFFFFFFB0] =	vst v1  }
0x2a6: {  	v1 =	vmul.f32 v60, v26;
	[tilespmem:s9+$0xFFFFFFD0] =	vst v2  }
0x2a7: {  	v2 =	vmul.f32 v58, v29;
	[tilespmem:s9+$0xFFFFFFC0] =	vst v0  }
0x2a8: {  	v0 =	vmul.f32 v59, v28;
	[tilespmem:s9+$0xFFFFFFE0] =	vst v1  }
0x2a9: {  	v1 =	vmul.f32 v57, v31;
	[tilespmem:s9+$0x10] =	vst v2  }
0x2aa: {  	v2 =	vmul.f32 v55, v36;
	[tilespmem:s9+$0x0] =	vst v0  }
0x2ab: {  	v0 =	vmul.f32 v56, v38;
	[tilespmem:s9+$0x20] =	vst v1  }
0x2ac: {  	v1 =	vmul.f32 v54, v40;
	[tilespmem:s9+$0x40] =	vst v2  }
0x2ad: {  	v2 =	vmul.f32 v52, v42;
	[tilespmem:s9+$0x30] =	vst v0  }
0x2ae: {  	v0 =	vmul.f32 v53, v33;
	[tilespmem:s9+$0x50] =	vst v1  }
0x2af: {  	[tilespmem:s9+$0x70] =	vst v2  }
0x2b0: {  	[tilespmem:s9+$0x60] =	vst v0  }
0x2b1: {  	v2 =	vld [tilespmem:$0x1FFB0]  }
0x2b2: {  	v1 =	vmul.f32 v9, v32  }
0x2b3: {  	v0 =	vmul.f32 v11, v34  }
0x2b4: {  	v3 =	vmul.f32 v45, v39;
	v52 =	vimm.s32 $0x6;
	[tilespmem:s9+$0x90] =	vst v1  }
0x2b5: {  	v1 =	vmul.f32 v10, v37;
	[tilespmem:s9+$0xA0] =	vst v0;
	v0 =	vperm.xlane v30, v52  }
0x2b6: {  	[tilespmem:s9+$0xD0] =	vst v3;
	v2 =	vmul.f32 v2, v35  }
0x2b7: {  	[tilespmem:s9+$0xC0] =	vst v1;
	v0 =	vmul.f32 v0, v43  }
0x2b8: {  	[tilespmem:s9+$0xB0] =	vst v2;
	v2 =	vmul.f32 v44, v41  }
0x2b9: {  	[tilespmem:s9+$0xF0] =	vst v0  }
0x2ba: {  	[tilespmem:s9+$0xE0] =	vst v2  }
0x2bb: {  	[spmem:s3] =	stream.indirect.scatter.add.f32 [tilespmem:s17], [sflag:$0x5], $0x90, s8, s16, $0xb8;
	[tilespmem:$0x1F940] =	vst v63  }
0x2bc: {  	_ =	swait.ge [sflag:s28], $0x3F00  }
0x2bd: {  	[sflag:s28] =	ssyncset.done $0x0  }
0x2be: {  	[sflag:s28] =	ssyncadd.s32 $0xFFFFC100  }
0x2bf: {  	_ =	swait.ge [sflag:s29], $0x700  }
0x2c0: {  	[sflag:s29] =	ssyncset.done $0x0  }
0x2c1: {  	s9 =	simm.s32 $0x4670;
	[sflag:s29] =	ssyncadd.s32 $0xFFFFF900  }
0x2c2: {  	s2 =	simm.s32 $0x8A70;
	v0 =	vld [tilespmem:s9+$0x0]  }
0x2c3: {  	v1 =	vld [tilespmem:s2+$0x0];
	_ =	sdelay $0x2  }
0x2c4: {  	v2 =	vld [tilespmem:s2+$0xFFFFFFD0]  }
0x2c5: {  	v3 =	vld [tilespmem:s9+$0xFFFFFEE0]  }
0x2c6: {  	v4 =	vld [tilespmem:s2+$0xFFFFFFE0];
	v0 =	vadd.f32 v1, v0  }
0x2c7: {  	v5 =	vld [tilespmem:s9+$0xFFFFFF70]  }
0x2c8: {  	v6 =	vld [tilespmem:s2+$0xFFFFFFF0];
	v7 =	vmul.f32 $2.000000030e-01, v0  }
0x2c9: {  	v1 =	vld [tilespmem:s9+$0xFFFFFE50]  }
0x2ca: {  	v0 =	vmax.f32 v0, v7  }
0x2cb: {  	v12 =	vld [tilespmem:s9+$0xFFFFFDD0];
	v3 =	vadd.f32 v4, v3;
	v0 =	vmul.f32 $1.442695020e+00, v0  }
0x2cc: {  	v13 =	vld [tilespmem:s9+$0xFFFFFDE0]  }
0x2cd: {  	v14 =	vld [tilespmem:s9+$0xFFFFFDF0];
	v5 =	vadd.f32 v6, v5;
	v4 =	vmul.f32 $2.000000030e-01, v3;
	(erf) = vpow2.f32 v0  }
0x2ce: {  	v15 =	vld [tilespmem:s9+$0xFFFFFE00];
	v1 =	vadd.f32 v2, v1  }
0x2cf: {  	v16 =	vld [tilespmem:s9+$0xFFFFFE10];
	v2 =	vmax.f32 v3, v4;
	v3 =	vmul.f32 $2.000000030e-01, v5  }
0x2d0: {  	v17 =	vld [tilespmem:s9+$0xFFFFFE20];
	v0 =	vmul.f32 $2.000000030e-01, v1  }
0x2d1: {  	v18 =	vld [tilespmem:s9+$0xFFFFFE30];
	v2 =	vmul.f32 $1.442695020e+00, v2;
	v3 =	vmax.f32 v5, v3  }
0x2d2: {  	v19 =	vld [tilespmem:s9+$0xFFFFFE40];
	v0 =	vmax.f32 v1, v0;
	v1 =	vmul.f32 $1.442695020e+00, v3  }
0x2d3: {  	v20 =	vld [tilespmem:s9+$0xFFFFFE60];
	(erf) = vpow2.f32 v2  }
0x2d4: {  	v21 =	vld [tilespmem:s9+$0xFFFFFE70]  }
0x2d5: {  	v22 =	vld [tilespmem:s9+$0xFFFFFE80]  }
0x2d6: {  	v23 =	vld [tilespmem:s9+$0xFFFFFE90];
	(erf) = vpow2.f32 v1;
	v1 =	vpop (erf)  }
0x2d7: {  	v54 =	vimm.s32 $0x2;
	v24 =	vld [tilespmem:s9+$0xFFFFFEA0];
	v0 =	vmul.f32 $1.442695020e+00, v0;
	v30 =	vmin.f32 v1, $1.000000000e+01  }
0x2d8: {  	v25 =	vld [tilespmem:s9+$0xFFFFFEB0];
	v2 =	vperm.xlane v30, v54  }
0x2d9: {  	(erf) = vpow2.f32 v0;
	v0 =	vld [tilespmem:s9+$0xFFFFFFF0]  }
0x2da: {  	v8 =	vimm.s32 $0x3;
	v59 =	vimm.s32 $0x0;
	v27 =	vld [tilespmem:s9+$0xFFFFFEC0]  }
0x2db: {  	v42 =	vimm.s32 $0x1;
	v41 =	vimm.s32 $0x7;
	v26 =	vld [tilespmem:s9+$0xFFFFFED0];
	v9 =	vperm.xlane v30, v59  }
0x2dc: {  	v43 =	vimm.s32 $0x5;
	v28 =	vld [tilespmem:s9+$0xFFFFFEF0];
	v1 =	vperm.xlane v30, v41;
	v11 =	vperm.xlane v30, v42;
	[tilespmem:$0x1FFA0] =	vst v2;
	v2 =	vpop (erf)  }
0x2dd: {  	v10 =	vperm.xlane v30, v8;
	v44 =	vperm.xlane v30, v43;
	v29 =	vld [tilespmem:s9+$0xFFFFFF00];
	v6 =	vmin.f32 v2, $1.000000000e+01  }
0x2de: {  	v1 =	vmul.f32 v1, v0;
	v31 =	vld [tilespmem:s9+$0xFFFFFF10];
	v48 =	vperm.xlane v6, v59  }
0x2df: {  	v45 =	vimm.s32 $0x4;
	v38 =	vld [tilespmem:s9+$0xFFFFFF20];
	v46 =	vperm.xlane v6, v42;
	v50 =	vperm.xlane v6, v54  }
0x2e0: {  	v36 =	vld [tilespmem:s9+$0xFFFFFF30];
	v7 =	vpop (erf);
	v47 =	vperm.xlane v6, v8;
	v51 =	vperm.xlane v6, v45  }
0x2e1: {  	v40 =	vld [tilespmem:s9+$0xFFFFFF40];
	v49 =	vperm.xlane v6, v43;
	v7 =	vmin.f32 v7, $1.000000000e+01;
	v61 =	vperm.xlane v6, v52  }
0x2e2: {  	v33 =	vld [tilespmem:s9+$0xFFFFFF50];
	v0 =	vpop (erf);
	v60 =	vperm.xlane v6, v41;
	v58 =	vperm.xlane v7, v42  }
0x2e3: {  	v32 =	vld [tilespmem:s9+$0xFFFFFF80];
	v55 =	vmin.f32 v0, $1.000000000e+01;
	v57 =	vperm.xlane v7, v54;
	v56 =	vperm.xlane v7, v8  }
0x2e4: {  	v34 =	vld [tilespmem:s9+$0xFFFFFF90];
	v53 =	vperm.xlane v7, v52;
	v4 =	vperm.xlane v55, v59  }
0x2e5: {  	v35 =	vld [tilespmem:s9+$0xFFFFFFA0];
	v0 =	vperm.xlane v55, v42;
	v5 =	vperm.xlane v55, v54  }
0x2e6: {  	v37 =	vld [tilespmem:s9+$0xFFFFFFB0];
	[tilespmem:s9+$0xFFFFFFF0] =	vst v1;
	v1 =	vperm.xlane v55, v8;
	v3 =	vperm.xlane v55, v45  }
0x2e7: {  	v39 =	vld [tilespmem:s9+$0xFFFFFFC0];
	[tilespmem:s9+$0x0] =	vst v30;
	v63 =	vperm.xlane v55, v43;
	v2 =	vperm.xlane v55, v52  }
0x2e8: {  	[tilespmem:s9+$0xFFFFFEE0] =	vst v6;
	v62 =	vperm.xlane v55, v41;
	v59 =	vperm.xlane v7, v59;
	v42 =	vld [tilespmem:s9+$0xFFFFFF60]  }
0x2e9: {  	[tilespmem:s9+$0xFFFFFE50] =	vst v55;
	v55 =	vperm.xlane v7, v45;
	v52 =	vperm.xlane v7, v41;
	v41 =	vld [tilespmem:s9+$0xFFFFFFD0]  }
0x2ea: {  	s25 =	simm.s32 $0x0;
	s31 =	simm.s32 $0x48B0;
	[tilespmem:s9+$0xFFFFFF70] =	vst v7;
	v54 =	vperm.xlane v7, v43;
	v45 =	vperm.xlane v30, v45;
	v43 =	vld [tilespmem:s9+$0xFFFFFFE0]  }
.LBB2_13:
0x2eb: {  	v6 =	vld [tilespmem:s31+$0x0];
	v7 =	vimm.s32 $0x6;
	s2 =	sadd.s32 $0x40, s2;
	v4 =	vmul.f32 v4, v12  }
0x2ec: {  	v7 =	vperm.xlane v30, v7;
	v30 =	vld [tilespmem:s2+$0xFFFFFFD0];
	v0 =	vmul.f32 v0, v13  }
0x2ed: {  	v12 =	vld [tilespmem:s2+$0x0];
	v5 =	vmul.f32 v5, v14;
	[tilespmem:s9+$0xFFFFFDD0] =	vst v4  }
0x2ee: {  	v1 =	vmul.f32 v1, v15;
	v14 =	vld [tilespmem:s2+$0xFFFFFFE0];
	[tilespmem:s9+$0xFFFFFDE0] =	vst v0  }
0x2ef: {  	v3 =	vmul.f32 v3, v16;
	v16 =	vld [tilespmem:s31+$0xFFFFFF70];
	[tilespmem:s9+$0xFFFFFDF0] =	vst v5  }
0x2f0: {  	v2 =	vmul.f32 v2, v18;
	v18 =	vld [tilespmem:s2+$0xFFFFFFF0];
	[tilespmem:s9+$0xFFFFFE00] =	vst v1  }
0x2f1: {  	v15 =	vmul.f32 v48, v20;
	v4 =	vld [tilespmem:s31+$0xFFFFFEE0];
	[tilespmem:s9+$0xFFFFFE10] =	vst v3  }
0x2f2: {  	v20 =	vld [tilespmem:s31+$0xFFFFFE50];
	v0 =	vmul.f32 v63, v17;
	[tilespmem:s9+$0xFFFFFE30] =	vst v2  }
0x2f3: {  	v5 =	vmul.f32 v62, v19;
	v1 =	vmul.f32 v46, v21;
	[tilespmem:s9+$0xFFFFFE60] =	vst v15;
	v6 =	vadd.f32 v12, v6  }
0x2f4: {  	v17 =	vmul.f32 v50, v22;
	v3 =	vmul.f32 v47, v23;
	v13 =	vld [tilespmem:s31+$0xFFFFFDE0];
	[tilespmem:s9+$0xFFFFFE20] =	vst v0  }
0x2f5: {  	v19 =	vmul.f32 v51, v24;
	[tilespmem:s9+$0xFFFFFE40] =	vst v5;
	v12 =	vld [tilespmem:s31+$0xFFFFFDD0];
	v22 =	vmul.f32 $2.000000030e-01, v6  }
0x2f6: {  	v21 =	vmul.f32 v61, v27;
	v2 =	vmul.f32 v60, v26;
	[tilespmem:s9+$0xFFFFFE70] =	vst v1;
	v15 =	vld [tilespmem:s31+$0xFFFFFE00];
	v4 =	vadd.f32 v14, v4  }
0x2f7: {  	v24 =	vmul.f32 v58, v29;
	[tilespmem:s9+$0xFFFFFE80] =	vst v17;
	v23 =	vadd.f32 v18, v16;
	v16 =	vld [tilespmem:s31+$0xFFFFFE10];
	v6 =	vmax.f32 v6, v22  }
0x2f8: {  	[tilespmem:s9+$0xFFFFFE90] =	vst v3;
	v1 =	vadd.f32 v30, v20;
	v17 =	vld [tilespmem:s31+$0xFFFFFE20];
	v22 =	vmul.f32 $2.000000030e-01, v4;
	v6 =	vmul.f32 $1.442695020e+00, v6  }
0x2f9: {  	v0 =	vmul.f32 v49, v25;
	[tilespmem:s9+$0xFFFFFEA0] =	vst v19;
	v18 =	vld [tilespmem:s31+$0xFFFFFE30];
	v20 =	vmul.f32 $2.000000030e-01, v23  }
0x2fa: {  	[tilespmem:s9+$0xFFFFFEC0] =	vst v21;
	v19 =	vld [tilespmem:s31+$0xFFFFFE40];
	v3 =	vmul.f32 $2.000000030e-01, v1;
	v4 =	vmax.f32 v4, v22;
	(erf) = vpow2.f32 v6  }
0x2fb: {  	v26 =	vmul.f32 v56, v38;
	[tilespmem:s9+$0xFFFFFED0] =	vst v2;
	v21 =	vld [tilespmem:s31+$0xFFFFFE70];
	v4 =	vmul.f32 $1.442695020e+00, v4;
	v6 =	vmax.f32 v23, v20  }
0x2fc: {  	v25 =	vmul.f32 v57, v31;
	[tilespmem:s9+$0xFFFFFEB0] =	vst v0;
	v14 =	vld [tilespmem:s31+$0xFFFFFDF0];
	v1 =	vmax.f32 v1, v3;
	v3 =	vmul.f32 $1.442695020e+00, v6  }
0x2fd: {  	[tilespmem:s9+$0xFFFFFF00] =	vst v24;
	v24 =	vld [tilespmem:s31+$0xFFFFFEA0];
	v1 =	vmul.f32 $1.442695020e+00, v1;
	(erf) = vpow2.f32 v4  }
0x2fe: {  	v27 =	vmul.f32 v55, v36;
	[tilespmem:s9+$0xFFFFFF10] =	vst v25;
	v25 =	vld [tilespmem:s31+$0xFFFFFEB0];
	(erf) = vpow2.f32 v3  }
0x2ff: {  	v29 =	vmul.f32 v52, v42;
	[tilespmem:s9+$0xFFFFFF20] =	vst v26;
	(erf) = vpow2.f32 v1;
	v1 =	vld [tilespmem:$0x1FFA0]  }
0x300: {  	v7 =	vmul.f32 v7, v43;
	v5 =	vmul.f32 v59, v28;
	[tilespmem:s9+$0xFFFFFF30] =	vst v27;
	v27 =	vld [tilespmem:s31+$0xFFFFFEC0]  }
0x301: {  	v43 =	vimm.s32 $0x7;
	v56 =	vmul.f32 v44, v41;
	v28 =	vmul.f32 v54, v40;
	[tilespmem:s9+$0xFFFFFF60] =	vst v29;
	v26 =	vld [tilespmem:s31+$0xFFFFFED0]  }
0x302: {  	v2 =	vmul.f32 v9, v32;
	v57 =	vimm.s32 $0x0;
	v0 =	vmul.f32 v53, v33;
	[tilespmem:s9+$0xFFFFFEF0] =	vst v5;
	v4 =	vld [tilespmem:s31+$0xFFFFFFF0]  }
0x303: {  	v5 =	vmul.f32 v10, v37;
	[tilespmem:s9+$0xFFFFFF40] =	vst v28;
	v28 =	vld [tilespmem:s31+$0xFFFFFEF0];
	v6 =	vmul.f32 v45, v39;
	v39 =	vimm.s32 $0x1;
	v8 =	vpop (erf)  }
0x304: {  	v29 =	vld [tilespmem:s31+$0xFFFFFF00];
	[tilespmem:s9+$0xFFFFFF50] =	vst v0;
	v3 =	vmul.f32 v11, v34;
	v1 =	vmul.f32 v1, v35;
	v30 =	vmin.f32 v8, $1.000000000e+01  }
0x305: {  	v38 =	vld [tilespmem:s31+$0xFFFFFF20];
	v45 =	vimm.s32 $0x2;
	v9 =	vperm.xlane v30, v57;
	v31 =	vperm.xlane v30, v43  }
0x306: {  	v52 =	vimm.s32 $0x3;
	v36 =	vld [tilespmem:s31+$0xFFFFFF30];
	v11 =	vperm.xlane v30, v39;
	v8 =	vperm.xlane v30, v45;
	v0 =	vpop (erf)  }
0x307: {  	[tilespmem:s9+$0xFFFFFF80] =	vst v2;
	v40 =	vld [tilespmem:s31+$0xFFFFFF40];
	v10 =	vperm.xlane v30, v52;
	v58 =	vmin.f32 v0, $1.000000000e+01;
	v4 =	vmul.f32 v31, v4  }
0x308: {  	v44 =	vimm.s32 $0x5;
	[tilespmem:s9+$0xFFFFFFB0] =	vst v5;
	v33 =	vld [tilespmem:s31+$0xFFFFFF50];
	v2 =	vpop (erf);
	v48 =	vperm.xlane v58, v57;
	v46 =	vperm.xlane v58, v39  }
0x309: {  	v42 =	vld [tilespmem:s31+$0xFFFFFF60];
	[tilespmem:s9+$0xFFFFFF90] =	vst v3;
	v50 =	vperm.xlane v58, v45;
	v47 =	vperm.xlane v58, v52;
	v41 =	vmin.f32 v2, $1.000000000e+01  }
0x30a: {  	v22 =	vld [tilespmem:s31+$0xFFFFFE80];
	[tilespmem:$0x1FFA0] =	vst v8;
	v0 =	vpop (erf);
	v8 =	vimm.s32 $0x4;
	v49 =	vperm.xlane v58, v44;
	v60 =	vperm.xlane v58, v43  }
0x30b: {  	v20 =	vld [tilespmem:s31+$0xFFFFFE60];
	[tilespmem:s9+$0xFFFFFFA0] =	vst v1;
	v59 =	vmin.f32 v0, $1.000000000e+01;
	v51 =	vperm.xlane v58, v8;
	v55 =	vperm.xlane v41, v8  }
0x30c: {  	v23 =	vld [tilespmem:s31+$0xFFFFFE90];
	v54 =	vperm.xlane v41, v44;
	[tilespmem:s31+$0xFFFFFFF0] =	vst v4;
	v4 =	vperm.xlane v59, v57  }
0x30d: {  	v32 =	vld [tilespmem:s31+$0xFFFFFF80];
	[tilespmem:s31+$0xFFFFFEE0] =	vst v58;
	v0 =	vperm.xlane v59, v39;
	v5 =	vperm.xlane v59, v45  }
0x30e: {  	s25 =	sadd.s32 $0x4, s25;
	v31 =	vld [tilespmem:s31+$0xFFFFFF10];
	v1 =	vperm.xlane v59, v52;
	v3 =	vperm.xlane v59, v8;
	[tilespmem:s9+$0xFFFFFFC0] =	vst v6  }
0x30f: {  	p0 =	slt.u32 s25, $0x6C;
	v63 =	vperm.xlane v59, v44;
	v62 =	vperm.xlane v59, v43;
	[tilespmem:s9+$0xFFFFFFD0] =	vst v56;
	v34 =	vld [tilespmem:s31+$0xFFFFFF90]  }
.Ltmp5:
0x310: {  	v6 =	vimm.s32 $0x6;
	[tilespmem:s9+$0xFFFFFFE0] =	vst v7;
	v56 =	vperm.xlane v41, v52;
	v52 =	vperm.xlane v41, v43;
	v35 =	vld [tilespmem:s31+$0xFFFFFFA0];
	(pc) =	sbr.rel @p0 .LBB2_13-.Ltmp5, $4  }
0x311: {  	[tilespmem:s31+$0xFFFFFF70] =	vst v41;
	v2 =	vperm.xlane v59, v6;
	v61 =	vperm.xlane v58, v6;
	v37 =	vld [tilespmem:s31+$0xFFFFFFB0]  }
0x312: {  	[tilespmem:s31+$0xFFFFFE50] =	vst v59;
	v7 =	vimm.s32 $0x6;
	v59 =	vperm.xlane v41, v57;
	v58 =	vperm.xlane v41, v39;
	v39 =	vld [tilespmem:s31+$0xFFFFFFC0]  }
0x313: {  	s9 =	smov.u32 s31;
	v57 =	vperm.xlane v41, v45;
	[tilespmem:s31+$0x0] =	vst v30;
	v53 =	vperm.xlane v41, v7;
	v41 =	vld [tilespmem:s31+$0xFFFFFFD0]  }
0x314: {  	v44 =	vperm.xlane v30, v44;
	v6 =	vimm.s32 $0x6;
	v45 =	vperm.xlane v30, v8;
	s31 =	sadd.s32 $0x240, s31;
	v43 =	vld [tilespmem:s9+$0xFFFFFFE0]  }
0x315: {  	v4 =	vmul.f32 v4, v12  }
0x316: {  	v0 =	vmul.f32 v0, v13  }
0x317: {  	v5 =	vmul.f32 v5, v14;
	[tilespmem:s9+$0xFFFFFDD0] =	vst v4  }
0x318: {  	v1 =	vmul.f32 v1, v15;
	[tilespmem:s9+$0xFFFFFDE0] =	vst v0  }
0x319: {  	v16 =	vmul.f32 v3, v16;
	[tilespmem:s9+$0xFFFFFDF0] =	vst v5  }
0x31a: {  	v17 =	vmul.f32 v63, v17;
	[tilespmem:s9+$0xFFFFFE00] =	vst v1  }
0x31b: {  	v18 =	vmul.f32 v2, v18;
	[tilespmem:s9+$0xFFFFFE10] =	vst v16  }
0x31c: {  	v19 =	vmul.f32 v62, v19;
	[tilespmem:s9+$0xFFFFFE20] =	vst v17  }
0x31d: {  	v20 =	vmul.f32 v48, v20;
	[tilespmem:s9+$0xFFFFFE30] =	vst v18  }
0x31e: {  	v21 =	vmul.f32 v46, v21;
	[tilespmem:s9+$0xFFFFFE40] =	vst v19  }
0x31f: {  	v22 =	vmul.f32 v50, v22;
	[tilespmem:s9+$0xFFFFFE60] =	vst v20  }
0x320: {  	v23 =	vmul.f32 v47, v23;
	[tilespmem:s9+$0xFFFFFE70] =	vst v21  }
0x321: {  	v24 =	vmul.f32 v51, v24;
	[tilespmem:s9+$0xFFFFFE80] =	vst v22  }
0x322: {  	v25 =	vmul.f32 v49, v25;
	[tilespmem:s9+$0xFFFFFE90] =	vst v23  }
0x323: {  	v27 =	vmul.f32 v61, v27;
	[tilespmem:s9+$0xFFFFFEA0] =	vst v24  }
0x324: {  	v46 =	vmul.f32 v60, v26;
	[tilespmem:s9+$0xFFFFFEB0] =	vst v25  }
0x325: {  	v47 =	vmul.f32 v59, v28;
	[tilespmem:s9+$0xFFFFFEC0] =	vst v27  }
0x326: {  	v48 =	vmul.f32 v58, v29;
	[tilespmem:s9+$0xFFFFFED0] =	vst v46  }
0x327: {  	v49 =	vmul.f32 v57, v31;
	[tilespmem:s9+$0xFFFFFEF0] =	vst v47  }
0x328: {  	v50 =	vmul.f32 v56, v38;
	[tilespmem:s9+$0xFFFFFF00] =	vst v48  }
0x329: {  	v51 =	vmul.f32 v55, v36;
	[tilespmem:s9+$0xFFFFFF10] =	vst v49  }
0x32a: {  	v55 =	vmul.f32 v54, v40;
	[tilespmem:s9+$0xFFFFFF20] =	vst v50  }
0x32b: {  	v56 =	vmul.f32 v53, v33;
	[tilespmem:s9+$0xFFFFFF30] =	vst v51  }
0x32c: {  	v57 =	vmul.f32 v52, v42;
	[tilespmem:s9+$0xFFFFFF40] =	vst v55  }
0x32d: {  	[tilespmem:s9+$0xFFFFFF50] =	vst v56  }
0x32e: {  	v58 =	vmul.f32 v9, v32;
	[tilespmem:s9+$0xFFFFFF60] =	vst v57  }
0x32f: {  	v59 =	vmul.f32 v11, v34;
	v2 =	vld [tilespmem:$0x1FFA0]  }
0x330: {  	v60 =	vmul.f32 v10, v37;
	[tilespmem:s9+$0xFFFFFF80] =	vst v58  }
0x331: {  	v61 =	vperm.xlane v30, v6;
	v62 =	vmul.f32 v45, v39;
	[tilespmem:s9+$0xFFFFFF90] =	vst v59  }
0x332: {  	v63 =	vmul.f32 v44, v41;
	[tilespmem:s9+$0xFFFFFFB0] =	vst v60  }
0x333: {  	v0 =	vmul.f32 v61, v43;
	[tilespmem:s9+$0xFFFFFFC0] =	vst v62  }
0x334: {  	[tilespmem:s9+$0xFFFFFFD0] =	vst v63;
	v2 =	vmul.f32 v2, v35  }
0x335: {  	[tilespmem:s9+$0xFFFFFFE0] =	vst v0  }
0x336: {  	s13 =	sadd.s32 $0x1, s13;
	[tilespmem:s9+$0xFFFFFFA0] =	vst v2  }
0x337: {  	[spmem:s3] =	stream.indirect.scatter.add.f32 [tilespmem:s19], [sflag:$0x6], $0x90, s12, s16, $0xb8;
	[tilespmem:$0x1F940] =	vst v63  }
0x338: {  	p0 =	sne.s32 s13, $0xF;
	_ =	swait.ge [sflag:s24], $0x3F00  }
.Ltmp6:
0x339: {  	[sflag:s24] =	ssyncset.done $0x0;
	(pc) =	sbr.rel @p0 .LBB2_2-.Ltmp6, $4  }
0x33a: {  	[sflag:s24] =	ssyncadd.s32 $0xFFFFC100  }
0x33b: {  	v6 =	vimm.s32 $0x0;
	v7 =	vimm.s32 $0x1;
	_ =	swait.ge [sflag:s30], $0x3F00  }
0x33c: {  	v42 =	vimm.s32 $0x2;
	v32 =	vimm.s32 $0x5;
	v52 =	vimm.s32 $0x6;
	[sflag:s30] =	ssyncset.done $0x0  }
0x33d: {  	v10 =	vimm.s32 $0x7;
	v45 =	vimm.s32 $0x4;
	v44 =	vimm.s32 $0x3;
	[sflag:s30] =	ssyncadd.s32 $0xFFFFC100  }
0x33e: {  	[bflag:$0x0] =	sbarrier.arrive $0xFFFF  }
0x33f: {  	s9 =	rddreg [dreg:$0x5]  }
0x340: {  	s2 =	rddreg [dreg:$0x6]  }
0x341: {  	s13 =	rddreg [dreg:$0x8]  }
0x342: {  	[hbm:s2], [sflag:s9] =	dma.local [spmem:s13], $0x2D00  }
0x343: {  	_ =	swait.ge [sflag:s14], $0x2D00  }
0x344: {  	s25 =	rddreg [dreg:$0x9]  }
0x345: {  	s31 =	rddreg [dreg:$0x7];
	s25 =	sadd.s32 $0x1, s25  }
0x346: {  	p0 =	sne.s32 s25, s31  }
.Ltmp7:
0x347: {  	_ = 	snop;
	(pc) =	sbr.rel @p0 .LBB2_1-.Ltmp7, $3  }
0x348: {  	_ =	sdelay $0x1  }
0x349: {  	[sflag:s14] =	ssyncset.done $0x0  }
0x34a: {  	[sflag:s14] =	ssyncadd.s32 $0xFFFFD300  }
0x34b: {  	_ =	sfence.sel $0x180000  }
0x34c: {  	[bflag:$0x0] =	sbarrier.arrive $0xFFFF  }
0x34d: {  	_ =	strace $0x90000047  }
0x34e: {  	s0 =	stileid.u32;
	[bflag:$0x2] =	sbarrier.arrive $0xFFFF  }
0x34f: {  	p0 =	sne.s32 s0, $0x0;
	s0 =	rddreg [dreg:$0x3]  }
0x350: {  	s0 =	sadd.s32 @!p0 $0x100000, s0  }
0x351: {  	[sflag:s0] =	ssyncadd.tile.s32 @!p0 $0x1;
	_ =	shalt  }
.Lfunc_end2:
_tile_overlayer_lowered:
.L_overlay_start_2:
0x352: {  	(tag) =	ssettag $0x2  }
0x353: {  	s0 =	rddreg [dreg:$0x0];
	s2 =	stileid.u32  }
0x354: {  	s1 =	rddreg [dreg:$0x1];
	p0 =	sne.s32 s2, $0x0  }
0x355: {  	s3 =	rddreg [dreg:$0x2];
	[bflag:$0x3] =	sbarrier.arrive $0xFFFF;
	s2 =	simm.s32 @!p0 $0x1C07  }
0x356: {  	[timem:s3], [sflag:s2] =	dma.local @!p0 [hbm:s0], s1  }
0x357: {  	s0 =	simm.s32 @!p0 $0x7  }
0x358: {  	_ =	swait.ge @!p0 [sflag:s0], s1  }
0x359: {  	s1 =	ssub.s32 @!p0 $0x0, s1;
	[sflag:s0] =	ssyncset.done @!p0 $0x0  }
0x35a: {  	[sflag:s0] =	ssyncadd.s32 @!p0 s1  }
0x35b: {  	[bflag:$0x3] =	sbarrier.arrive $0xFFFF  }
0x35c: {  	_ =	shalt  }

// kernel: kernel.8.cloned.1.call-start
scs
__scs_entry_jumppad:
0x0: {  	(pc) =	sbr.rel $0x88, $3  }
0x1: {  	(tag) =	ssettag $0x0;
	lr =	simm.s32 $0x1  }
0x2: {  	[smem:$0x3F9C] =	sst lr;
	_ =	strace $0xD0000000  }
0x3: {  	_ = 	snop  }
0x4: {  	_ = 	snop  }
0x5: {  	_ = 	snop  }
0x6: {  	_ = 	snop  }
0x7: {  	_ = 	snop  }
__scs_overlays_trampoline_lowered:
0x8: {  	[smem:$0x3FAB] =	sst s0  }
0x9: {  	[smem:$0x3FAC] =	sst s1  }
0xa: {  	[smem:$0x3FAD] =	sst s2  }
0xb: {  	[smem:$0x3FAE] =	sst s3  }
0xc: {  	[smem:$0x3FAF] =	sst s4  }
0xd: {  	[smem:$0x3FB0] =	sst s5  }
0xe: {  	[smem:$0x3FB1] =	sst s6  }
0xf: {  	[smem:$0x3FB2] =	sst s7  }
0x10: {  	[smem:$0x3FB3] =	sst s8  }
0x11: {  	[smem:$0x3FB4] =	sst s9;
	s0 =	simm.s32 @!p0 $0x0  }
0x12: {  	s1 =	sld [smem:$0x3F9A];
	s0 =	simm.s32 @p0 $0x1  }
0x13: {  	[smem:$0x3FB5] =	sst s0;
	s0 =	simm.s32 @!p1 $0x0  }
0x14: {  	s2 =	sld [smem:$0x3F99];
	s0 =	simm.s32 @p1 $0x1  }
0x15: {  	[smem:$0x3FB6] =	sst s0;
	s0 =	simm.s32 @!p2 $0x0  }
0x16: {  	s3 =	sld [smem:$0x3FDB];
	s0 =	simm.s32 @p2 $0x1  }
0x17: {  	s4 =	simm.s32 $0x1BF5;
	[smem:$0x3FB8] =	sst s0  }
0x18: {  	s0 =	sld [smem:$0x3F9B];
	_ =	swait.ge [sflag:s4], $0x0  }
0x19: {  	s7 =	sld [smem:$0x3F9C]  }
0x1a: {  	s8 =	sadd.s32 $0xFFFFE003, lr  }
0x1b: {  	s9 =	sadd.s32 $0xFFFFFEF7, lr;
	s5 =	simm.s32 $0xFFFFFFFF;
	p2 =	slt.u32 s8, $0xFFFFF086  }
0x1c: {  	p1 =	slt.u32 s9, $0xF7A;
	s5 =	simm.s32 @!p2 $0x0  }
0x1d: {  	s5 =	simm.s32 @p1 $0x1;
	p0 =	seq.s32 s7, s2  }
0x1e: {  	s7 =	smul.u32 @!p0 $0xF7A, s2;
	p2 =	seq.s32 @!p0 s5, $0x0  }
0x1f: {  	s9 =	smul.u32 $0xF7A, s1;
	s8 =	simm.s32 @!p0 $0x1BF5;
	p2 =	por !p2, p0  }
0x20: {  	[sflag:s8] =	ssyncset.s32 @!p0 $0xFFFFF086;
	s6 =	sadd.s32 @!p0 s3, s7;
	s7 =	simm.s32 @!p0 $0x108  }
0x21: {  	s3 =	sadd.s32 s3, s9;
	s6 =	sadd.s32 @!p0 $0x88, s6;
	s7 =	simm.s32 @p2 $0x1082  }
0x22: {  	[simem:s7], [sflag:s8] =	dma.local @!p0 [hbm:s6], $0xF7A  }
0x23: {  	s9 =	sor.u32 $0xD0000000, s2;
	s6 =	simm.s32 $0x108;
	_ =	swait.ge @!p0 [sflag:s8], $0x0  }
0x24: {  	s3 =	sadd.s32 $0x88, s3;
	s6 =	simm.s32 @!p1 $0x1082;
	[sflag:s4] =	ssyncset.s32 $0xFFFFF086  }
0x25: {  	[simem:s6], [sflag:s4] =	dma.local [hbm:s3], $0xF7A  }
0x26: {  	[smem:$0x3F9C] =	sst s1;
	(tag) =	ssettag s2;
	_ =	strace s9  }
0x27: {  	s1 =	sld [smem:$0x3FAC]  }
0x28: {  	s2 =	sld [smem:$0x3FAD]  }
0x29: {  	s4 =	sld [smem:$0x3FAF]  }
0x2a: {  	p0 =	seq.s32 s5, $0x0;
	s5 =	sld [smem:$0x3FB0]  }
0x2b: {  	s6 =	sld [smem:$0x3FB1]  }
0x2c: {  	s7 =	sld [smem:$0x3FB2]  }
0x2d: {  	s3 =	simm.s32 $0x108;
	s8 =	sld [smem:$0x3FB3]  }
0x2e: {  	s3 =	simm.s32 @!p0 $0x1082;
	s9 =	sld [smem:$0x3FB4]  }
0x2f: {  	lr =	sadd.s32 s0, s3;
	s0 =	sld [smem:$0x3FAB]  }
0x30: {  	s3 =	sld [smem:$0x3FAE]  }
0x31: {  	[smem:$0x3FB7] =	sst s10  }
0x32: {  	s10 =	sld [smem:$0x3FB5];
	_ =	sdelay $0x3  }
0x33: {  	p0 =	seq.s32 s10, $0x1;
	s10 =	sld [smem:$0x3FB7];
	_ =	sdelay $0x3  }
0x34: {  	[smem:$0x3FB7] =	sst s10  }
0x35: {  	s10 =	sld [smem:$0x3FB6];
	_ =	sdelay $0x3  }
0x36: {  	p1 =	seq.s32 s10, $0x1;
	s10 =	sld [smem:$0x3FB7];
	_ =	sdelay $0x3  }
0x37: {  	[smem:$0x3FB7] =	sst s10  }
0x38: {  	s10 =	sld [smem:$0x3FB8]  }
0x39: {  	_ = 	snop;
	(pc) =	sbr.ind lr, $3  }
0x3a: {  	_ = 	snop  }
0x3b: {  	_ = 	snop  }
0x3c: {  	p2 =	seq.s32 s10, $0x1;
	s10 =	sld [smem:$0x3FB7]  }
0x3d: {  	_ =	shalt  }
0x3e: {  	_ =	shalt  }
0x3f: {  	_ =	shalt  }
0x40: {  	_ =	shalt  }
0x41: {  	_ =	shalt  }
0x42: {  	_ =	shalt  }
0x43: {  	_ =	shalt  }
0x44: {  	_ =	shalt  }
0x45: {  	_ =	shalt  }
0x46: {  	_ =	shalt  }
0x47: {  	_ =	shalt  }
0x48: {  	_ =	shalt  }
0x49: {  	_ =	shalt  }
0x4a: {  	_ =	shalt  }
0x4b: {  	_ =	shalt  }
0x4c: {  	_ =	shalt  }
0x4d: {  	_ =	shalt  }
0x4e: {  	_ =	shalt  }
0x4f: {  	_ =	shalt  }
0x50: {  	_ =	shalt  }
0x51: {  	_ =	shalt  }
0x52: {  	_ =	shalt  }
0x53: {  	_ =	shalt  }
0x54: {  	_ =	shalt  }
0x55: {  	_ =	shalt  }
0x56: {  	_ =	shalt  }
0x57: {  	_ =	shalt  }
0x58: {  	_ =	shalt  }
0x59: {  	_ =	shalt  }
0x5a: {  	_ =	shalt  }
0x5b: {  	_ =	shalt  }
0x5c: {  	_ =	shalt  }
0x5d: {  	_ =	shalt  }
0x5e: {  	_ =	shalt  }
0x5f: {  	_ =	shalt  }
0x60: {  	_ =	shalt  }
0x61: {  	_ =	shalt  }
0x62: {  	_ =	shalt  }
0x63: {  	_ =	shalt  }
0x64: {  	_ =	shalt  }
0x65: {  	_ =	shalt  }
0x66: {  	_ =	shalt  }
0x67: {  	_ =	shalt  }
0x68: {  	_ =	shalt  }
0x69: {  	_ =	shalt  }
0x6a: {  	_ =	shalt  }
0x6b: {  	_ =	shalt  }
0x6c: {  	_ =	shalt  }
0x6d: {  	_ =	shalt  }
0x6e: {  	_ =	shalt  }
0x6f: {  	_ =	shalt  }
0x70: {  	_ =	shalt  }
0x71: {  	_ =	shalt  }
0x72: {  	_ =	shalt  }
0x73: {  	_ =	shalt  }
0x74: {  	_ =	shalt  }
0x75: {  	_ =	shalt  }
0x76: {  	_ =	shalt  }
0x77: {  	_ =	shalt  }
0x78: {  	_ =	shalt  }
0x79: {  	_ =	shalt  }
0x7a: {  	_ =	shalt  }
0x7b: {  	_ =	shalt  }
0x7c: {  	_ =	shalt  }
0x7d: {  	_ =	shalt  }
0x7e: {  	_ =	shalt  }
0x7f: {  	_ =	shalt  }
0x80: {  	_ =	shalt  }
0x81: {  	_ =	shalt  }
0x82: {  	_ =	shalt  }
0x83: {  	_ =	shalt  }
0x84: {  	_ =	shalt  }
0x85: {  	_ =	shalt  }
0x86: {  	_ =	shalt  }
0x87: {  	_ =	shalt  }
.Lfunc_end0:
.L_simem_size_0:
called_computation.1_lowered:
.L_overlay_start_0:
0x88: {  	s2 =	sld [smem:$0x3FD9]  }
0x89: {  	s3 =	sld [smem:$0x3FFE];
	_ =	sdelay $0x1  }
0x8a: {  	s1 =	srdreg.scid  }
0x8b: {  	s0 =	sand.u32 $0x1, s1  }
0x8c: {  	s16 =	sshll.u32 s0, $0xA;
	s2 =	sadd.s32 s3, s2  }
0x8d: {  	s2 =	sadd.s32 s2, s16  }
0x8e: {  	[smem:$0x3FC3] =	sst s2  }
0x8f: {  	_ = 	snop  }
0x90: {  	(tm) =	ssettm $0x1  }
0x91: {  	s17 =	sld [smem:$0x3FFB];
	_ =	sdelay $0x3  }
0x92: {  	_ =	strace s17  }
0x93: {  	s2 =	sld [smem:$0x3FFC];
	_ =	sdelay $0x3  }
0x94: {  	_ =	strace s2  }
0x95: {  	s2 =	sld [smem:$0x3FFD];
	_ =	sdelay $0x3  }
0x96: {  	_ =	strace s2  }
0x97: {  	_ =	strace $0x8FFFFFFF  }
0x98: {  	s18 =	sld [smem:$0x3FDB];
	_ =	sdelay $0x1  }
0x99: {  	s19 =	simm.s32 $_scs_section_size  }
0x9a: {  	s4 =	simm.s32 $_size__tile_overlayer_lowered;
	s5 =	simm.s32 $_tile_overlayer_lowered  }
0x9b: {  	s22 =	simm.s32 $0x1BFF;
	s21 =	sshll.u32 s5, $0x1;
	s2 =	sadd.s32 s19, s18  }
0x9c: {  	s6 =	simm.s32 $0x0;
	s20 =	sshll.u32 s4, $0x1;
	s4 =	sadd.s32 s21, s2  }
0x9d: {  	[timem:s6], [sflag:s22] =	dma.local [hbm:s4], s20  }
0x9e: {  	_ =	swait.ge [sflag:s22], s20  }
0x9f: {  	s3 =	ssub.s32 $0x0, s20;
	[sflag:s22] =	ssyncset.done $0x0  }
0xa0: {  	[sflag:s22] =	ssyncadd.s32 s3;
	_ =	sdelay $0x1  }
0xa1: {  	s23 =	simm.s32 $0x1B8B  }
0xa2: {  	_ =	swait.ge [sflag:s23], $0x1  }
0xa3: {  	[sflag:s23] =	ssyncset.done $0x0  }
0xa4: {  	s25 =	simm.s32 $0x1B8E;
	s24 =	sld [smem:$0x3FFE];
	[sflag:s23] =	ssyncadd.s32 $0xFFFFFFFF  }
0xa5: {  	s26 =	simm.s32 $execute0_lowered;
	[smem:$0x3FD2] =	sst s25  }
0xa6: {  	s4 =	sshll.u32 s26, $0x1;
	_ =	strace $0x80000049;
	[dreg:$0x1] =	wrdreg $0xFFFFFFFF  }
0xa7: {  	s28 =	simm.s32 $_size_execute0_lowered;
	s2 =	sadd.s32 s2, s4;
	[dreg:$0x0] =	wrdreg $0x0  }
0xa8: {  	s4 =	sshll.u32 s28, $0x1;
	[dreg:$0x2] =	wrdreg s2  }
0xa9: {  	[dreg:$0x3] =	wrdreg s4  }
0xaa: {  	[dreg:$0x4] =	wrdreg $0xC0  }
0xab: {  	_ =	task [dreg:s6], $0x5FFFF  }
0xac: {  	[dreg:$0x1] =	wrdreg $0xFFFFFFFF  }
0xad: {  	[dreg:$0x0] =	wrdreg $0x60  }
0xae: {  	[dreg:$0x2] =	wrdreg s24  }
0xaf: {  	[dreg:$0x3] =	wrdreg $0x9  }
0xb0: {  	_ =	task.clear_ibuf [dreg:s6], $0x4FFFF;
	_ =	strace $0x90000049  }
0xb1: {  	s29 =	simm.s32 $0x9;
	_ =	strace $0x8000004B  }
0xb2: {  	_ =	swait.ge [sflag:s29], $0x1  }
0xb3: {  	[sflag:s29] =	ssyncadd.s32 $0xFFFFFFFF  }
0xb4: {  	_ =	strace $0x9000004B  }
0xb5: {  	_ =	sfence  }
0xb6: {  	s30 =	sld [smem:$0x0];
	_ =	sdelay $0x2  }
0xb7: {  	s31 =	sshll.u32 s1, $0xD;
	s1 =	sshrl.u32 s1, $0x2  }
0xb8: {  	s3 =	sand.u32 $0x4000, s31;
	s1 =	sadd.s32 s1, s30  }
0xb9: {  	s0 =	sor.u32 s3, s0;
	s1 =	sshll.u32 s1, $0x11  }
0xba: {  	s0 =	sor.u32 s1, s0  }
0xbb: {  	s0 =	sadd.s32 $0x8F2B, s0  }
0xbc: {  	[sflag:s0] =	ssyncadd.remote.s32 $0x1  }
0xbd: {  	_ =	sfence.sel $0xFFFF  }
0xbe: {  	[dreg:$0x0] =	wrdreg $0xFFFFFFFF;
	(pc) =	sbr.abs _section_cstart, $3  }
0xbf: {  	[dreg:$0x1] =	wrdreg $0xFFFFFFFF  }
0xc0: {  	_ =	task.clear_ibuf [dreg:s6], $0x2FFFF;
	_ =	strace $0x9FFFFFFF  }
0xc1: {  	(tm) =	ssettm $0x7FFFFFFF  }
tec
execute0_lowered:
.L_overlay_start_1:
0x0: {  	(tag) =	ssettag $0x1  }
0x1: {  	s4 =	rddreg [dreg:$0x0]  }
0x2: {  	s0 =	rddreg [dreg:$0x1];
	s1 =	simm.s32 $0x0  }
0x3: {  	s2 =	srdreg.scid;
	s8 =	simm.s32 $0x2400;
	s9 =	simm.s32 $0x4800  }
0x4: {  	s10 =	simm.s32 $0x0;
	[smem:$0x7FF] =	sst s1;
	s5 =	sand.u32 $0x1, s2  }
0x5: {  	s3 =	sadd.s32 $0x3F000, s4;
	s2 =	stileid.u32;
	s6 =	ssub.s32 $0x2, s5  }
0x6: {  	v0 =	vimm.s32 $0x0;
	v1 =	vimm.s32 $0x1;
	s4 =	sadd.s32 $0x400, s4;
	s5 =	sshll.u32 s5, $0x4;
	s7 =	sshrl.u32 s6, $0x1  }
0x7: {  	v2 =	vimm.s32 $0x2;
	v3 =	vimm.s32 $0x3;
	v4 =	vimm.s32 $0x4;
	_ =	strace $0x8000004A;
	s5 =	sor.u32 s2, s5;
	s6 =	ssub.s32 s6, s7  }
0x8: {  	v5 =	vimm.s32 $0x5;
	v6 =	vimm.s32 $0x6;
	v7 =	vimm.s32 $0x7;
	s5 =	smul.u32 $0x140, s5;
	s7 =	simm.s32 $0x1;
	s6 =	smax.u32 s6, $0x1  }
.LBB2_1:
0x9: {  	s11 =	simm.s32 $0x0  }
.LBB2_2:
0xa: {  	s12 =	sshll.u32 s11, $0x6  }
0xb: {  	s12 =	sadd.s32 s5, s12  }
0xc: {  	s13 =	smul.u32 $0x90, s12;
	_ =	sdelay $0x1  }
0xd: {  	s13 =	sshrl.u32 s13, $0x3  }
0xe: {  	s13 =	sadd.s32 s3, s13  }
0xf: {  	[tilespmem:s1], [sflag:$0x1] =	stream.linear.gather [hbm4b:s13+s1], $0x2400, $0x38;
	[tilespmem:$0x6800] =	vst v63  }
0x10: {  	_ =	swait.ge [sflag:s7], $0x2400  }
0x11: {  	[sflag:s7] =	ssyncset.done $0x0  }
0x12: {  	s13 =	sadd.s32 $0x2D000, s13;
	[sflag:s7] =	ssyncadd.s32 $0xFFFFDC00  }
0x13: {  	[tilespmem:s8], [sflag:$0x1] =	stream.linear.gather [hbm4b:s13+s1], $0x2400, $0x38;
	[tilespmem:$0x6800] =	vst v63  }
0x14: {  	_ =	swait.ge [sflag:s7], $0x2400  }
0x15: {  	[sflag:s7] =	ssyncset.done $0x0  }
0x16: {  	s14 =	simm.s32 $0x120;
	[sflag:s7] =	ssyncadd.s32 $0xFFFFDC00  }
0x17: {  	s13 =	simm.s32 $0x2520;
	v8 =	vld [tilespmem:s14+$0x110]  }
0x18: {  	v9 =	vld [tilespmem:s13+$0x110];
	_ =	sdelay $0x1  }
0x19: {  	v11 =	vld [tilespmem:s14+$0xFFFFFFF0]  }
0x1a: {  	v12 =	vld [tilespmem:s13+$0xFFFFFFF0]  }
0x1b: {  	v10 =	vld [tilespmem:s13+$0xFFFFFF60]  }
0x1c: {  	v15 =	vld [tilespmem:s14+$0xFFFFFF60];
	v13 =	vadd.f32 v9, v8  }
0x1d: {  	v8 =	vld [tilespmem:s14+$0x80]  }
0x1e: {  	v9 =	vld [tilespmem:s13+$0x80];
	v14 =	vperm.xlane v13, v0  }
0x1f: {  	v17 =	vadd.f32 v12, v11  }
0x20: {  	(erf) = vrcp.f32 v14  }
0x21: {  	v12 =	vperm.xlane v17, v0  }
0x22: {  	v11 =	vld [tilespmem:s14+$0x90];
	v14 =	vperm.xlane v17, v1  }
0x23: {  	v10 =	vadd.f32 v10, v15;
	v8 =	vadd.f32 v9, v8;
	v9 =	vld [tilespmem:s13+$0x90];
	(erf) = vrcp.f32 v12  }
0x24: {  	(erf) = vrcp.f32 v14  }
0x25: {  	v14 =	vperm.xlane v10, v0;
	v12 =	vperm.xlane v8, v0  }
0x26: {  	v15 =	vld [tilespmem:s14+$0xFFFFFF70];
	v16 =	vperm.xlane v10, v1;
	v18 =	vperm.xlane v8, v1  }
0x27: {  	v20 =	vperm.xlane v8, v3;
	(erf) = vrcp.f32 v12;
	v12 =	vld [tilespmem:s13+$0xFFFFFF70]  }
0x28: {  	v9 =	vadd.f32 v9, v11;
	(erf) = vrcp.f32 v14;
	v11 =	vperm.xlane v13, v1  }
0x29: {  	(erf) = vrcp.f32 v16;
	v16 =	vperm.xlane v17, v3;
	v14 =	vpop (erf)  }
0x2a: {  	(erf) = vrcp.f32 v18;
	v9 =	vmul.f32 v14, v9  }
0x2b: {  	s15 =	simm.s32 $0x4900;
	(erf) = vrcp.f32 v11;
	v14 =	vperm.xlane v10, v2  }
0x2c: {  	v19 =	vld [tilespmem:s14+$0xFFFFFEE0];
	v11 =	vperm.xlane v17, v2;
	[tilespmem:s15+$0x80] =	vst v9;
	v9 =	vadd.f32 v12, v15;
	v15 =	vperm.xlane v10, v3  }
0x2d: {  	v18 =	vpop (erf);
	v12 =	vperm.xlane v8, v2;
	(erf) = vrcp.f32 v14;
	v14 =	vld [tilespmem:s14+$0xA0]  }
0x2e: {  	(erf) = vrcp.f32 v11;
	v11 =	vld [tilespmem:s13+$0xA0];
	v9 =	vmul.f32 v18, v9  }
0x2f: {  	v21 =	vld [tilespmem:s14+$0x0];
	v18 =	vpop (erf);
	(erf) = vrcp.f32 v12  }
0x30: {  	v12 =	vld [tilespmem:s13+$0xFFFFFEE0];
	(erf) = vrcp.f32 v15;
	v15 =	vpop (erf);
	[tilespmem:s15+$0xFFFFFF80] =	vst v9;
	v9 =	vperm.xlane v17, v4  }
0x31: {  	v23 =	vld [tilespmem:s13+$0x0];
	v22 =	vperm.xlane v10, v4;
	(erf) = vrcp.f32 v16;
	v16 =	vpop (erf)  }
0x32: {  	(erf) = vrcp.f32 v20;
	v24 =	vld [tilespmem:s14+$0xFFFFFF80];
	v20 =	vpop (erf)  }
0x33: {  	v25 =	vperm.xlane v8, v4;
	v11 =	vadd.f32 v11, v14;
	(erf) = vrcp.f32 v22;
	v22 =	vld [tilespmem:s13+$0xFFFFFF80];
	v14 =	vpop (erf)  }
0x34: {  	v26 =	vperm.xlane v13, v2;
	(erf) = vrcp.f32 v9;
	v9 =	vpop (erf)  }
0x35: {  	(erf) = vrcp.f32 v25;
	v9 =	vmul.f32 v9, v11;
	v11 =	vadd.f32 v12, v19  }
0x36: {  	v19 =	vpop (erf);
	(erf) = vrcp.f32 v26;
	v12 =	vadd.f32 v23, v21  }
0x37: {  	v21 =	vpop (erf);
	[tilespmem:s15+$0x90] =	vst v9;
	v9 =	vmul.f32 v16, v11  }
0x38: {  	v25 =	vperm.xlane v8, v5;
	v23 =	vpop (erf);
	v12 =	vmul.f32 v15, v12;
	v16 =	vadd.f32 v22, v24;
	v11 =	vld [tilespmem:s14+$0xB0]  }
0x39: {  	v15 =	vperm.xlane v10, v5;
	v22 =	vpop (erf);
	v24 =	vld [tilespmem:s13+$0xB0];
	[tilespmem:s15+$0xFFFFFF00] =	vst v9;
	v9 =	vperm.xlane v17, v5  }
0x3a: {  	v26 =	vpop (erf);
	v18 =	vmul.f32 v18, v16;
	v16 =	vperm.xlane v10, v6;
	v27 =	vld [tilespmem:s14+$0xFFFFFEF0]  }
0x3b: {  	(erf) = vrcp.f32 v15;
	v28 =	vpop (erf);
	v15 =	vld [tilespmem:s13+$0xFFFFFEF0]  }
0x3c: {  	[tilespmem:s15+$0x0] =	vst v12;
	(erf) = vrcp.f32 v9;
	v29 =	vpop (erf)  }
0x3d: {  	v31 =	vld [tilespmem:s13+$0x10];
	v9 =	vperm.xlane v17, v6;
	(erf) = vrcp.f32 v25;
	v25 =	vpop (erf)  }
0x3e: {  	v12 =	vperm.xlane v8, v6;
	(erf) = vrcp.f32 v16;
	v11 =	vadd.f32 v24, v11;
	v16 =	vpop (erf);
	v24 =	vld [tilespmem:s14+$0x10]  }
0x3f: {  	(erf) = vrcp.f32 v9;
	v9 =	vperm.xlane v13, v3;
	v30 =	vpop (erf)  }
0x40: {  	[tilespmem:s15+$0xFFFFFF90] =	vst v18;
	(erf) = vrcp.f32 v12;
	v11 =	vmul.f32 v30, v11;
	v12 =	vadd.f32 v15, v27  }
0x41: {  	v18 =	vld [tilespmem:s14+$0xFFFFFF90];
	(erf) = vrcp.f32 v9  }
0x42: {  	v9 =	vld [tilespmem:s13+$0xFFFFFF90];
	[tilespmem:s15+$0xA0] =	vst v11;
	v11 =	vmul.f32 v20, v12  }
0x43: {  	v27 =	vld [tilespmem:s14+$0xC0];
	v20 =	vadd.f32 v31, v24  }
0x44: {  	v15 =	vpop (erf);
	v30 =	vld [tilespmem:s13+$0xC0]  }
0x45: {  	[tilespmem:s15+$0xFFFFFF10] =	vst v11;
	v12 =	vpop (erf);
	v20 =	vmul.f32 v14, v20  }
0x46: {  	v10 =	vperm.xlane v10, v7;
	v31 =	vld [tilespmem:s14+$0xFFFFFF00];
	v11 =	vpop (erf)  }
0x47: {  	v17 =	vperm.xlane v17, v7;
	v32 =	vld [tilespmem:s13+$0xFFFFFF00];
	v9 =	vadd.f32 v9, v18;
	v14 =	vpop (erf)  }
0x48: {  	v8 =	vperm.xlane v8, v7;
	(erf) = vrcp.f32 v10;
	[tilespmem:s15+$0x10] =	vst v20;
	v24 =	vpop (erf)  }
0x49: {  	(erf) = vrcp.f32 v17;
	v9 =	vmul.f32 v21, v9;
	v10 =	vadd.f32 v30, v27;
	v18 =	vld [tilespmem:s14+$0x20];
	v20 =	vpop (erf)  }
0x4a: {  	v17 =	vperm.xlane v13, v4;
	(erf) = vrcp.f32 v8;
	v8 =	vld [tilespmem:s13+$0x20];
	v21 =	vpop (erf)  }
0x4b: {  	[tilespmem:s15+$0xFFFFFFA0] =	vst v9;
	v9 =	vmul.f32 v21, v10  }
0x4c: {  	(erf) = vrcp.f32 v17;
	v10 =	vadd.f32 v32, v31;
	v27 =	vld [tilespmem:s14+$0xFFFFFFA0]  }
0x4d: {  	v17 =	vld [tilespmem:s13+$0xFFFFFFA0];
	[tilespmem:s15+$0xB0] =	vst v9  }
0x4e: {  	v9 =	vmul.f32 v19, v10;
	v10 =	vld [tilespmem:s14+$0xD0]  }
0x4f: {  	v8 =	vadd.f32 v8, v18;
	v19 =	vld [tilespmem:s13+$0xD0]  }
0x50: {  	[tilespmem:s15+$0xFFFFFF20] =	vst v9  }
0x51: {  	v23 =	vmul.f32 v23, v8;
	v18 =	vld [tilespmem:s14+$0xFFFFFF10]  }
0x52: {  	v21 =	vpop (erf);
	v30 =	vld [tilespmem:s13+$0xFFFFFF10]  }
0x53: {  	v17 =	vadd.f32 v17, v27;
	v9 =	vpop (erf)  }
0x54: {  	v8 =	vpop (erf);
	v10 =	vadd.f32 v19, v10  }
0x55: {  	s16 =	simm.s32 $0x360;
	[tilespmem:s15+$0x20] =	vst v23;
	v17 =	vmul.f32 v26, v17;
	v19 =	vperm.xlane v13, v5;
	v23 =	vpop (erf)  }
0x56: {  	s17 =	simm.s32 $0x2760;
	v34 =	vld [tilespmem:s16+$0xFFFFFFF0];
	v10 =	vmul.f32 v23, v10  }
0x57: {  	v31 =	vld [tilespmem:s17+$0x110];
	[tilespmem:s15+$0xFFFFFFB0] =	vst v17;
	v17 =	vadd.f32 v30, v18;
	(erf) = vrcp.f32 v19  }
0x58: {  	v26 =	vld [tilespmem:s14+$0x30];
	[tilespmem:s15+$0xC0] =	vst v10  }
0x59: {  	v10 =	vmul.f32 v22, v17;
	v17 =	vld [tilespmem:s14+$0xE0]  }
0x5a: {  	v22 =	vld [tilespmem:s13+$0xE0]  }
0x5b: {  	v18 =	vld [tilespmem:s13+$0x30]  }
0x5c: {  	v19 =	vld [tilespmem:s14+$0xFFFFFFB0]  }
0x5d: {  	v23 =	vld [tilespmem:s13+$0xFFFFFFB0]  }
0x5e: {  	[tilespmem:s15+$0xFFFFFF30] =	vst v10;
	v10 =	vld [tilespmem:s16+$0x110]  }
0x5f: {  	v55 =	vld [tilespmem:s17+$0xFFFFFFF0];
	v17 =	vadd.f32 v22, v17  }
0x60: {  	v54 =	vperm.xlane v13, v6;
	v27 =	vld [tilespmem:s14+$0xFFFFFF20];
	v33 =	vpop (erf)  }
0x61: {  	v30 =	vld [tilespmem:s13+$0xFFFFFF20];
	v18 =	vadd.f32 v18, v26;
	v17 =	vmul.f32 v33, v17  }
0x62: {  	(erf) = vrcp.f32 v54;
	v26 =	vld [tilespmem:s16+$0x80]  }
0x63: {  	v19 =	vadd.f32 v23, v19;
	v23 =	vld [tilespmem:s17+$0x80];
	v10 =	vadd.f32 v31, v10;
	[tilespmem:s15+$0xD0] =	vst v17;
	v17 =	vmul.f32 v28, v18  }
0x64: {  	v31 =	vld [tilespmem:s14+$0xF0]  }
0x65: {  	v28 =	vperm.xlane v10, v0;
	v18 =	vld [tilespmem:s13+$0xF0];
	[tilespmem:s15+$0x30] =	vst v17;
	v17 =	vadd.f32 v55, v34  }
0x66: {  	v19 =	vmul.f32 v25, v19;
	v22 =	vld [tilespmem:s17+$0xFFFFFF60]  }
0x67: {  	v27 =	vadd.f32 v30, v27;
	v30 =	vld [tilespmem:s16+$0xFFFFFF60];
	(erf) = vrcp.f32 v28;
	v25 =	vperm.xlane v17, v0;
	_ =	sdelay $0x1  }
0x68: {  	v35 =	vld [tilespmem:s16+$0x90];
	v27 =	vmul.f32 v29, v27  }
0x69: {  	[tilespmem:s15+$0xFFFFFFC0] =	vst v19;
	v19 =	vld [tilespmem:s17+$0x90];
	v28 =	vadd.f32 v23, v26;
	v23 =	vperm.xlane v13, v7;
	v31 =	vadd.f32 v18, v31  }
0x6a: {  	v29 =	vperm.xlane v17, v1;
	(erf) = vrcp.f32 v25;
	v25 =	vpop (erf)  }
0x6b: {  	v13 =	vadd.f32 v22, v30;
	v22 =	vmul.f32 v25, v31;
	v25 =	vperm.xlane v28, v0;
	_ =	sdelay $0x1  }
0x6c: {  	v58 =	vperm.xlane v10, v1;
	v26 =	vld [tilespmem:s16+$0xFFFFFF70];
	(erf) = vrcp.f32 v29  }
0x6d: {  	v19 =	vadd.f32 v19, v35;
	v29 =	vperm.xlane v13, v0;
	(erf) = vrcp.f32 v23;
	v23 =	vld [tilespmem:s17+$0xFFFFFF70]  }
0x6e: {  	v37 =	vld [tilespmem:s17+$0xFFFFFEE0];
	v30 =	vperm.xlane v13, v1;
	(erf) = vrcp.f32 v25;
	v25 =	vpop (erf)  }
0x6f: {  	v56 =	vld [tilespmem:s14+$0x40];
	(erf) = vrcp.f32 v29;
	v19 =	vmul.f32 v25, v19  }
0x70: {  	v34 =	vperm.xlane v17, v2;
	v36 =	vperm.xlane v28, v1;
	[tilespmem:s15+$0xE0] =	vst v22;
	v22 =	vld [tilespmem:s17+$0x0]  }
0x71: {  	v60 =	vperm.xlane v17, v3;
	v29 =	vld [tilespmem:s16+$0x0];
	(erf) = vrcp.f32 v30  }
0x72: {  	s18 =	simm.s32 $0x4B00;
	v38 =	vperm.xlane v13, v2;
	v31 =	vld [tilespmem:s16+$0xFFFFFEE0];
	v23 =	vadd.f32 v23, v26;
	(erf) = vrcp.f32 v36  }
0x73: {  	v57 =	vld [tilespmem:s13+$0x40];
	v30 =	vperm.xlane v28, v2;
	(erf) = vrcp.f32 v58;
	[tilespmem:s18+$0x80] =	vst v19;
	v19 =	vpop (erf)  }
0x74: {  	(erf) = vrcp.f32 v38;
	v62 =	vld [tilespmem:s17+$0xA0];
	v19 =	vmul.f32 v19, v23  }
0x75: {  	[tilespmem:s15+$0xFFFFFF40] =	vst v27;
	v59 =	vperm.xlane v13, v3;
	(erf) = vrcp.f32 v34;
	v23 =	vld [tilespmem:s16+$0xA0];
	v61 =	vpop (erf)  }
0x76: {  	v22 =	vadd.f32 v22, v29;
	v29 =	vperm.xlane v28, v3;
	(erf) = vrcp.f32 v30;
	v30 =	vld [tilespmem:s14+$0xFFFFFF30];
	v27 =	vpop (erf);
	[tilespmem:s18+$0xFFFFFF80] =	vst v19  }
0x77: {  	(erf) = vrcp.f32 v59;
	v19 =	vadd.f32 v37, v31;
	v31 =	vperm.xlane v13, v4;
	v44 =	vpop (erf);
	v63 =	vld [tilespmem:s16+$0xFFFFFF80]  }
0x78: {  	(erf) = vrcp.f32 v60;
	v45 =	vld [tilespmem:s17+$0xFFFFFF80];
	v22 =	vmul.f32 v44, v22;
	v46 =	vpop (erf)  }
0x79: {  	(erf) = vrcp.f32 v29;
	v29 =	vld [tilespmem:s13+$0xFFFFFF30];
	v19 =	vmul.f32 v46, v19  }
0x7a: {  	v48 =	vperm.xlane v10, v2;
	v47 =	vperm.xlane v17, v4;
	v32 =	vadd.f32 v57, v56;
	v39 =	vpop (erf);
	[tilespmem:s18+$0x0] =	vst v22  }
0x7b: {  	v40 =	vld [tilespmem:s13+$0xFFFFFFC0];
	(erf) = vrcp.f32 v31;
	v22 =	vperm.xlane v28, v4;
	v23 =	vadd.f32 v62, v23;
	v31 =	vpop (erf);
	[tilespmem:s18+$0xFFFFFF00] =	vst v19  }
0x7c: {  	v16 =	vmul.f32 v16, v32;
	(erf) = vrcp.f32 v47;
	v49 =	vpop (erf);
	v50 =	vld [tilespmem:s16+$0xFFFFFEF0]  }
0x7d: {  	(erf) = vrcp.f32 v22;
	v22 =	vld [tilespmem:s17+$0xFFFFFEF0];
	v23 =	vmul.f32 v49, v23;
	v35 =	vadd.f32 v45, v63  }
0x7e: {  	[tilespmem:s15+$0x40] =	vst v16;
	v19 =	vld [tilespmem:s16+$0x10];
	v51 =	vpop (erf);
	(erf) = vrcp.f32 v48;
	v16 =	vadd.f32 v29, v30;
	v29 =	vperm.xlane v17, v5  }
0x7f: {  	v53 =	vld [tilespmem:s17+$0x10];
	v52 =	vpop (erf);
	[tilespmem:s18+$0x90] =	vst v23;
	v23 =	vperm.xlane v13, v5;
	v35 =	vmul.f32 v61, v35  }
0x80: {  	v38 =	vpop (erf);
	v54 =	vld [tilespmem:s16+$0xB0]  }
0x81: {  	v30 =	vperm.xlane v28, v5;
	v41 =	vpop (erf);
	v42 =	vld [tilespmem:s17+$0xB0];
	(erf) = vrcp.f32 v23;
	[tilespmem:s18+$0xFFFFFF90] =	vst v35  }
0x82: {  	v45 =	vpop (erf);
	v22 =	vadd.f32 v22, v50;
	(erf) = vrcp.f32 v29;
	v55 =	vld [tilespmem:s16+$0xFFFFFF90]  }
0x83: {  	v15 =	vmul.f32 v15, v16;
	v29 =	vpop (erf);
	(erf) = vrcp.f32 v30;
	v30 =	vld [tilespmem:s17+$0xFFFFFF90]  }
0x84: {  	v18 =	vld [tilespmem:s14+$0xFFFFFFC0];
	v44 =	vperm.xlane v13, v6;
	v19 =	vadd.f32 v53, v19;
	v23 =	vpop (erf);
	v57 =	vmul.f32 v39, v22  }
0x85: {  	v43 =	vld [tilespmem:s14+$0x50];
	v58 =	vperm.xlane v28, v6;
	v16 =	vperm.xlane v17, v6;
	[tilespmem:s15+$0xFFFFFF50] =	vst v15;
	v46 =	vpop (erf)  }
0x86: {  	v56 =	vld [tilespmem:s13+$0x50];
	v15 =	vmul.f32 v31, v19;
	(erf) = vrcp.f32 v44;
	v19 =	vadd.f32 v42, v54;
	v22 =	vpop (erf);
	[tilespmem:s18+$0xFFFFFF10] =	vst v57  }
0x87: {  	(erf) = vrcp.f32 v16;
	v16 =	vperm.xlane v10, v3;
	v59 =	vpop (erf);
	v61 =	vld [tilespmem:s16+$0xFFFFFF00]  }
0x88: {  	[tilespmem:s18+$0x10] =	vst v15;
	(erf) = vrcp.f32 v58;
	v62 =	vld [tilespmem:s17+$0xFFFFFF00];
	v19 =	vmul.f32 v59, v19;
	v15 =	vadd.f32 v30, v55  }
0x89: {  	v18 =	vadd.f32 v40, v18;
	(erf) = vrcp.f32 v16  }
0x8a: {  	v44 =	vld [tilespmem:s17+$0x20];
	[tilespmem:s18+$0xA0] =	vst v19;
	v19 =	vmul.f32 v52, v15  }
0x8b: {  	v12 =	vmul.f32 v12, v18;
	v43 =	vadd.f32 v56, v43;
	v30 =	vld [tilespmem:s16+$0xC0]  }
0x8c: {  	v63 =	vld [tilespmem:s17+$0xC0];
	v15 =	vpop (erf)  }
0x8d: {  	[tilespmem:s15+$0xFFFFFFD0] =	vst v12;
	v12 =	vperm.xlane v13, v7;
	v33 =	vmul.f32 v11, v43;
	v16 =	vld [tilespmem:s16+$0x20];
	v36 =	vadd.f32 v62, v61;
	v18 =	vpop (erf)  }
0x8e: {  	v26 =	vld [tilespmem:s13+$0x100];
	v28 =	vperm.xlane v28, v7;
	v17 =	vperm.xlane v17, v7;
	[tilespmem:s18+$0xFFFFFFA0] =	vst v19;
	v19 =	vpop (erf)  }
0x8f: {  	v31 =	vld [tilespmem:s14+$0xFFFFFF40];
	(erf) = vrcp.f32 v12;
	v34 =	vmul.f32 v51, v36;
	v13 =	vpop (erf)  }
0x90: {  	v60 =	vld [tilespmem:s13+$0xFFFFFF40];
	(erf) = vrcp.f32 v17;
	v17 =	vperm.xlane v10, v4;
	v11 =	vpop (erf)  }
0x91: {  	v47 =	vld [tilespmem:s16+$0xFFFFFFA0];
	v30 =	vadd.f32 v63, v30;
	[tilespmem:s18+$0xFFFFFF20] =	vst v34;
	(erf) = vrcp.f32 v28;
	v12 =	vpop (erf)  }
0x92: {  	v16 =	vadd.f32 v44, v16;
	(erf) = vrcp.f32 v17;
	v17 =	vld [tilespmem:s17+$0xFFFFFF10];
	v51 =	vpop (erf)  }
0x93: {  	v28 =	vmul.f32 v51, v30;
	v30 =	vld [tilespmem:s16+$0xFFFFFF10]  }
0x94: {  	v48 =	vld [tilespmem:s17+$0xFFFFFFA0];
	v16 =	vmul.f32 v38, v16  }
0x95: {  	v25 =	vld [tilespmem:s14+$0x100]  }
0x96: {  	v49 =	vld [tilespmem:s14+$0xFFFFFFD0];
	[tilespmem:s18+$0x20] =	vst v16  }
0x97: {  	v56 =	vld [tilespmem:s16+$0x30]  }
0x98: {  	v17 =	vadd.f32 v17, v30;
	v30 =	vld [tilespmem:s17+$0x30]  }
0x99: {  	v50 =	vld [tilespmem:s13+$0xFFFFFFD0];
	v31 =	vadd.f32 v60, v31;
	v53 =	vadd.f32 v48, v47;
	[tilespmem:s18+$0xB0] =	vst v28  }
0x9a: {  	v54 =	vld [tilespmem:s16+$0xD0]  }
0x9b: {  	[tilespmem:s15+$0x50] =	vst v33;
	v16 =	vmul.f32 v14, v31;
	v33 =	vmul.f32 v45, v53;
	v55 =	vld [tilespmem:s17+$0xD0]  }
0x9c: {  	v52 =	vld [tilespmem:s14+$0x60]  }
0x9d: {  	v25 =	vadd.f32 v26, v25;
	v28 =	vld [tilespmem:s13+$0x60];
	[tilespmem:s18+$0xFFFFFFB0] =	vst v33;
	v30 =	vadd.f32 v30, v56  }
0x9e: {  	v14 =	vpop (erf);
	v31 =	vld [tilespmem:s16+$0xFFFFFFB0];
	v57 =	vmul.f32 v41, v17  }
0x9f: {  	v32 =	vadd.f32 v50, v49;
	[tilespmem:s15+$0xFFFFFF60] =	vst v16;
	v58 =	vld [tilespmem:s17+$0xFFFFFFB0];
	v16 =	vpop (erf);
	v29 =	vmul.f32 v29, v30;
	v30 =	vmul.f32 v27, v25  }
0xa0: {  	v59 =	vld [tilespmem:s14+$0xFFFFFF50];
	v35 =	vadd.f32 v55, v54;
	v17 =	vpop (erf);
	[tilespmem:s18+$0xFFFFFF30] =	vst v57  }
0xa1: {  	v24 =	vmul.f32 v24, v32;
	v61 =	vld [tilespmem:s13+$0xFFFFFF50];
	v60 =	vpop (erf);
	[tilespmem:s15+$0xF0] =	vst v30;
	v30 =	vperm.xlane v10, v5  }
0xa2: {  	v62 =	vld [tilespmem:s16+$0xFFFFFF20];
	v32 =	vmul.f32 v60, v35  }
0xa3: {  	[tilespmem:s15+$0xFFFFFFE0] =	vst v24;
	v28 =	vadd.f32 v28, v52;
	v26 =	vld [tilespmem:s17+$0xFFFFFF20];
	(erf) = vrcp.f32 v30  }
0xa4: {  	v24 =	vld [tilespmem:s14+$0xFFFFFFE0];
	v31 =	vadd.f32 v58, v31;
	[tilespmem:s18+$0xC0] =	vst v32  }
0xa5: {  	v20 =	vmul.f32 v20, v28;
	v25 =	vld [tilespmem:s16+$0xE0]  }
0xa6: {  	v63 =	vadd.f32 v61, v59;
	v31 =	vmul.f32 v46, v31;
	[tilespmem:s18+$0x30] =	vst v29;
	v27 =	vld [tilespmem:s17+$0xE0]  }
0xa7: {  	[tilespmem:s15+$0x60] =	vst v20;
	v28 =	vld [tilespmem:s16+$0x40]  }
0xa8: {  	s21 =	simm.s32 $0x4;
	v20 =	vmul.f32 v21, v63;
	[tilespmem:s18+$0xFFFFFFC0] =	vst v31;
	v29 =	vld [tilespmem:s17+$0x40];
	v30 =	vadd.f32 v26, v62  }
0xa9: {  	s22 =	simm.s32 $0x5A0;
	s20 =	simm.s32 $0x2760;
	s19 =	simm.s32 $0x4B00;
	v26 =	vld [tilespmem:s16+$0xFFFFFFC0]  }
.LBB2_3:
0xaa: {  	v21 =	vld [tilespmem:s22+$0x110];
	v23 =	vmul.f32 v23, v30;
	s17 =	sadd.s32 $0x240, s17;
	[tilespmem:s15+$0xFFFFFF70] =	vst v20  }
0xab: {  	v20 =	vld [tilespmem:s17+$0x110];
	v25 =	vadd.f32 v27, v25  }
0xac: {  	v27 =	vld [tilespmem:s17+$0xFFFFFF60];
	[tilespmem:s18+$0xFFFFFF40] =	vst v23;
	v23 =	vperm.xlane v10, v6;
	v30 =	vpop (erf)  }
0xad: {  	v31 =	vld [tilespmem:s22+$0xFFFFFFF0];
	v28 =	vadd.f32 v29, v28;
	v25 =	vmul.f32 v30, v25  }
0xae: {  	v29 =	vld [tilespmem:s17+$0xFFFFFFF0];
	(erf) = vrcp.f32 v23  }
0xaf: {  	v23 =	vld [tilespmem:s22+$0x80];
	v22 =	vmul.f32 v22, v28;
	[tilespmem:s18+$0xD0] =	vst v25  }
0xb0: {  	v28 =	vadd.f32 v20, v21;
	v21 =	vld [tilespmem:s16+$0xF0]  }
0xb1: {  	[tilespmem:s18+$0x40] =	vst v22;
	v22 =	vld [tilespmem:s20+$0xF0]  }
0xb2: {  	s21 =	sadd.s32 $0x4, s21;
	v25 =	vld [tilespmem:s17+$0x80];
	v30 =	vperm.xlane v28, v0  }
0xb3: {  	p0 =	slt.u32 s21, $0x3C;
	v32 =	vld [tilespmem:s22+$0xFFFFFF60];
	v20 =	vadd.f32 v29, v31  }
0xb4: {  	v29 =	vld [tilespmem:s22+$0xFFFFFEE0];
	(erf) = vrcp.f32 v30  }
0xb5: {  	v30 =	vld [tilespmem:s17+$0xFFFFFEE0];
	v31 =	vperm.xlane v20, v0;
	v33 =	vperm.xlane v20, v1  }
0xb6: {  	v34 =	vperm.xlane v20, v2;
	v35 =	vperm.xlane v20, v3;
	v36 =	vld [tilespmem:s22+$0x90];
	v22 =	vadd.f32 v22, v21  }
0xb7: {  	v21 =	vadd.f32 v25, v23;
	v23 =	vld [tilespmem:s17+$0x90];
	(erf) = vrcp.f32 v31;
	v31 =	vperm.xlane v10, v7;
	v10 =	vpop (erf)  }
0xb8: {  	v25 =	vadd.f32 v27, v32;
	v27 =	vld [tilespmem:s22+$0xFFFFFF70];
	(erf) = vrcp.f32 v33;
	v22 =	vmul.f32 v10, v22;
	v10 =	vmovc v28  }
0xb9: {  	v28 =	vld [tilespmem:s17+$0xFFFFFF70];
	v32 =	vperm.xlane v21, v0;
	(erf) = vrcp.f32 v31  }
0xba: {  	v29 =	vadd.f32 v30, v29;
	v30 =	vperm.xlane v25, v0;
	v39 =	vperm.xlane v25, v1;
	v33 =	vld [tilespmem:s22+$0x0];
	[tilespmem:s18+$0xE0] =	vst v22  }
0xbb: {  	v22 =	vperm.xlane v21, v1;
	(erf) = vrcp.f32 v32;
	v32 =	vld [tilespmem:s16+$0x100]  }
0xbc: {  	v37 =	vperm.xlane v25, v2;
	v23 =	vadd.f32 v23, v36;
	(erf) = vrcp.f32 v30;
	v30 =	vld [tilespmem:s20+$0x100]  }
0xbd: {  	v38 =	vperm.xlane v10, v1;
	v36 =	vld [tilespmem:s17+$0x0];
	(erf) = vrcp.f32 v39;
	v31 =	vpop (erf)  }
0xbe: {  	v27 =	vadd.f32 v28, v27;
	v28 =	vmul.f32 v31, v23;
	(erf) = vrcp.f32 v22;
	v22 =	vld [tilespmem:s16+$0xFFFFFF30]  }
0xbf: {  	v40 =	vperm.xlane v21, v2;
	s18 =	sadd.s32 $0x200, s18;
	(erf) = vrcp.f32 v38;
	v31 =	vld [tilespmem:s20+$0xFFFFFF30]  }
0xc0: {  	v38 =	vperm.xlane v25, v3;
	[tilespmem:s18+$0x80] =	vst v28;
	(erf) = vrcp.f32 v37;
	v23 =	vpop (erf);
	v37 =	vld [tilespmem:s20+$0xFFFFFFC0]  }
0xc1: {  	v23 =	vmul.f32 v23, v27;
	v27 =	vld [tilespmem:s22+$0xA0];
	v39 =	vpop (erf);
	(erf) = vrcp.f32 v34;
	v30 =	vadd.f32 v30, v32  }
0xc2: {  	v32 =	vadd.f32 v36, v33;
	v33 =	vperm.xlane v21, v3;
	v34 =	vld [tilespmem:s17+$0xA0];
	(erf) = vrcp.f32 v40;
	v28 =	vpop (erf)  }
0xc3: {  	[tilespmem:s18+$0xFFFFFF80] =	vst v23;
	(erf) = vrcp.f32 v38;
	v23 =	vld [tilespmem:s16+$0x50];
	v28 =	vmul.f32 v28, v30  }
0xc4: {  	v38 =	vperm.xlane v25, v4;
	v36 =	vld [tilespmem:s22+$0xFFFFFF80];
	(erf) = vrcp.f32 v35;
	v35 =	vpop (erf);
	v22 =	vadd.f32 v31, v22  }
0xc5: {  	v31 =	vld [tilespmem:s17+$0xFFFFFF80];
	v32 =	vmul.f32 v35, v32;
	v35 =	vpop (erf);
	(erf) = vrcp.f32 v33;
	v33 =	vadd.f32 v37, v26;
	[tilespmem:s19+$0xF0] =	vst v28  }
0xc6: {  	v40 =	vperm.xlane v20, v4;
	v26 =	vmul.f32 v35, v29;
	v29 =	vpop (erf);
	v35 =	vld [tilespmem:s20+$0x50]  }
0xc7: {  	[tilespmem:s18+$0x0] =	vst v32;
	v32 =	vperm.xlane v21, v4;
	v27 =	vadd.f32 v34, v27;
	(erf) = vrcp.f32 v38;
	v30 =	vpop (erf);
	v34 =	vld [tilespmem:s13+$0xFFFFFFE0]  }
0xc8: {  	[tilespmem:s18+$0xFFFFFF00] =	vst v26;
	v37 =	vld [tilespmem:s22+$0x10];
	v26 =	vperm.xlane v10, v2;
	(erf) = vrcp.f32 v40;
	v28 =	vpop (erf)  }
0xc9: {  	v38 =	vld [tilespmem:s22+$0xFFFFFEF0];
	v27 =	vmul.f32 v28, v27;
	v28 =	vpop (erf);
	(erf) = vrcp.f32 v32  }
0xca: {  	v45 =	vperm.xlane v25, v5;
	v32 =	vld [tilespmem:s17+$0xFFFFFEF0];
	v31 =	vadd.f32 v31, v36;
	v36 =	vpop (erf);
	(erf) = vrcp.f32 v26  }
0xcb: {  	v41 =	vperm.xlane v20, v5;
	v43 =	vperm.xlane v21, v5;
	v42 =	vld [tilespmem:s17+$0x10];
	[tilespmem:s18+$0x90] =	vst v27;
	v44 =	vpop (erf);
	v27 =	vadd.f32 v35, v23  }
0xcc: {  	v23 =	vmul.f32 v39, v31;
	v31 =	vld [tilespmem:s22+$0xB0];
	v26 =	vpop (erf);
	(erf) = vrcp.f32 v45;
	v34 =	vadd.f32 v34, v24  }
0xcd: {  	v35 =	vperm.xlane v25, v6;
	v39 =	vld [tilespmem:s17+$0xB0];
	v40 =	vpop (erf);
	(erf) = vrcp.f32 v41  }
0xce: {  	v41 =	vperm.xlane v20, v6;
	[tilespmem:s18+$0xFFFFFF90] =	vst v23;
	v24 =	vpop (erf);
	(erf) = vrcp.f32 v43;
	v43 =	vld [tilespmem:s14+$0x70];
	s14 =	smov.u32 s16;
	s16 =	smov.u32 s22  }
0xcf: {  	v15 =	vmul.f32 v15, v22;
	v45 =	vperm.xlane v21, v6;
	v32 =	vadd.f32 v32, v38;
	v38 =	vld [tilespmem:s22+$0xFFFFFF90]  }
0xd0: {  	v18 =	vmul.f32 v18, v33;
	v19 =	vmul.f32 v19, v27;
	v46 =	vld [tilespmem:s17+$0xFFFFFF90];
	v37 =	vadd.f32 v42, v37;
	v23 =	vpop (erf)  }
0xd1: {  	v33 =	vmul.f32 v29, v32;
	(erf) = vrcp.f32 v35;
	v27 =	vpop (erf);
	[tilespmem:s19+$0xFFFFFF50] =	vst v15;
	v32 =	vld [tilespmem:s13+$0x70];
	s13 =	smov.u32 s20;
	s20 =	smov.u32 s17  }
0xd2: {  	v42 =	vmul.f32 v30, v37;
	v30 =	vadd.f32 v39, v31;
	(erf) = vrcp.f32 v41;
	v22 =	vpop (erf);
	v31 =	vld [tilespmem:s14+$0xFFFFFF40];
	[tilespmem:s19+$0xFFFFFFD0] =	vst v18  }
0xd3: {  	v39 =	vperm.xlane v10, v3;
	[tilespmem:s18+$0xFFFFFF10] =	vst v33;
	(erf) = vrcp.f32 v45;
	v29 =	vpop (erf);
	v33 =	vld [tilespmem:s13+$0xFFFFFF40]  }
0xd4: {  	v25 =	vperm.xlane v25, v7;
	v35 =	vld [tilespmem:s22+$0xFFFFFF00];
	[tilespmem:s18+$0x10] =	vst v42;
	v29 =	vmul.f32 v29, v30  }
0xd5: {  	v20 =	vperm.xlane v20, v7;
	v30 =	vld [tilespmem:s17+$0xFFFFFF00];
	v37 =	vadd.f32 v46, v38;
	v15 =	vpop (erf);
	(erf) = vrcp.f32 v39;
	[tilespmem:s19+$0x50] =	vst v19  }
0xd6: {  	v21 =	vperm.xlane v21, v7;
	v38 =	vld [tilespmem:s22+$0x20];
	[tilespmem:s18+$0xA0] =	vst v29;
	(erf) = vrcp.f32 v25;
	v18 =	vpop (erf);
	v25 =	vadd.f32 v32, v43  }
0xd7: {  	v29 =	vmul.f32 v36, v37;
	v32 =	vld [tilespmem:s22+$0xC0];
	(erf) = vrcp.f32 v20;
	v19 =	vpop (erf)  }
0xd8: {  	v20 =	vld [tilespmem:s17+$0xC0];
	(erf) = vrcp.f32 v21;
	v21 =	vadd.f32 v33, v31;
	v33 =	vmul.f32 v9, v34;
	v9 =	vmovc v16  }
0xd9: {  	v34 =	vmul.f32 v8, v25;
	v8 =	vmov v17;
	[tilespmem:s18+$0xFFFFFFA0] =	vst v29;
	v16 =	vld [tilespmem:s17+$0x20]  }
0xda: {  	v17 =	vadd.f32 v30, v35;
	v29 =	vld [tilespmem:s22+$0xFFFFFFA0];
	v21 =	vmul.f32 v13, v21;
	v13 =	vpop (erf);
	[tilespmem:s15+$0xFFFFFFF0] =	vst v33  }
0xdb: {  	v30 =	vld [tilespmem:s17+$0xFFFFFFA0];
	v31 =	vpop (erf);
	[tilespmem:s15+$0x70] =	vst v34;
	s15 =	smov.u32 s19;
	s19 =	smov.u32 s18  }
0xdc: {  	v17 =	vmul.f32 v28, v17;
	v25 =	vpop (erf);
	[tilespmem:s15+$0xFFFFFF60] =	vst v21;
	v21 =	vld [tilespmem:s14+$0xFFFFFFD0]  }
0xdd: {  	v20 =	vadd.f32 v20, v32;
	v28 =	vld [tilespmem:s13+$0xFFFFFFD0]  }
0xde: {  	v37 =	vperm.xlane v10, v4;
	[tilespmem:s18+$0xFFFFFF20] =	vst v17;
	v36 =	vadd.f32 v16, v38;
	v32 =	vpop (erf);
	v33 =	vld [tilespmem:s14+$0x60]  }
0xdf: {  	v34 =	vld [tilespmem:s22+$0xFFFFFF10];
	v20 =	vmul.f32 v32, v20;
	v32 =	vpop (erf)  }
0xe0: {  	v35 =	vld [tilespmem:s17+$0xFFFFFF10];
	v29 =	vadd.f32 v30, v29;
	v30 =	vmul.f32 v44, v36;
	v16 =	vpop (erf);
	(erf) = vrcp.f32 v37  }
0xe1: {  	[tilespmem:s18+$0xB0] =	vst v20;
	v17 =	vpop (erf);
	v20 =	vld [tilespmem:s13+$0x60]  }
0xe2: {  	v29 =	vmul.f32 v40, v29;
	[tilespmem:s18+$0x20] =	vst v30;
	v30 =	vld [tilespmem:s22+$0xD0];
	v21 =	vadd.f32 v28, v21  }
0xe3: {  	v28 =	vld [tilespmem:s17+$0xD0]  }
0xe4: {  	[tilespmem:s18+$0xFFFFFFB0] =	vst v29;
	v29 =	vld [tilespmem:s22+$0x30];
	v21 =	vmul.f32 v11, v21;
	v11 =	vmov v31  }
0xe5: {  	v31 =	vadd.f32 v35, v34;
	v34 =	vld [tilespmem:s17+$0x30]  }
0xe6: {  	v35 =	vld [tilespmem:s22+$0xFFFFFFB0];
	[tilespmem:s15+$0xFFFFFFE0] =	vst v21;
	v20 =	vadd.f32 v20, v33  }
0xe7: {  	v21 =	vmul.f32 v26, v31;
	v26 =	vld [tilespmem:s17+$0xFFFFFFB0]  }
0xe8: {  	v28 =	vadd.f32 v28, v30;
	v30 =	vld [tilespmem:s14+$0xFFFFFF50];
	v20 =	vmul.f32 v12, v20;
	v12 =	vmov v25  }
0xe9: {  	[tilespmem:s18+$0xFFFFFF30] =	vst v21;
	v21 =	vperm.xlane v10, v5;
	v25 =	vpop (erf);
	v31 =	vld [tilespmem:s13+$0xFFFFFF50]  }
0xea: {  	v33 =	vld [tilespmem:s22+$0xFFFFFF20];
	v29 =	vadd.f32 v34, v29;
	v25 =	vmul.f32 v25, v28;
	[tilespmem:s15+$0x60] =	vst v20  }
0xeb: {  	v20 =	vld [tilespmem:s17+$0xFFFFFF20];
	(erf) = vrcp.f32 v21  }
0xec: {  	v21 =	vadd.f32 v26, v35;
	v26 =	vmul.f32 v24, v29;
	[tilespmem:s18+$0xC0] =	vst v25;
	v24 =	vld [tilespmem:s14+$0xFFFFFFE0]  }
.Ltmp0:
0xed: {  	v25 =	vld [tilespmem:s22+$0xE0];
	(pc) =	sbr.rel @p0 .LBB2_3-.Ltmp0, $4  }
0xee: {  	v21 =	vmul.f32 v27, v21;
	[tilespmem:s18+$0x30] =	vst v26;
	v27 =	vld [tilespmem:s17+$0xE0];
	v26 =	vadd.f32 v31, v30  }
0xef: {  	v28 =	vld [tilespmem:s22+$0x40]  }
0xf0: {  	v30 =	vadd.f32 v20, v33;
	[tilespmem:s18+$0xFFFFFFC0] =	vst v21;
	v29 =	vld [tilespmem:s17+$0x40];
	v20 =	vmul.f32 v14, v26;
	v14 =	vmov v32  }
0xf1: {  	s22 =	sadd.s32 $0x240, s22;
	v26 =	vld [tilespmem:s16+$0xFFFFFFC0]  }
0xf2: {  	_ =	sdelay $0x2  }
0xf3: {  	v21 =	vmul.f32 v23, v30;
	v58 =	vadd.f32 v29, v28;
	_ =	sdelay $0x1  }
0xf4: {  	v63 =	vld [tilespmem:s20+$0xFFFFFFC0];
	[tilespmem:s18+$0xFFFFFF40] =	vst v21;
	v21 =	vmul.f32 v22, v58  }
0xf5: {  	v59 =	vld [tilespmem:s16+$0xFFFFFF30]  }
0xf6: {  	v60 =	vld [tilespmem:s20+$0xFFFFFF30];
	[tilespmem:s18+$0x40] =	vst v21  }
0xf7: {  	v25 =	vadd.f32 v27, v25;
	v32 =	vld [tilespmem:s16+$0x50]  }
0xf8: {  	v61 =	vperm.xlane v10, v6;
	v62 =	vpop (erf);
	v33 =	vld [tilespmem:s20+$0x50]  }
0xf9: {  	v25 =	vmul.f32 v62, v25;
	v21 =	vadd.f32 v63, v26  }
0xfa: {  	(erf) = vrcp.f32 v61  }
0xfb: {  	[tilespmem:s18+$0xD0] =	vst v25;
	v22 =	vadd.f32 v60, v59;
	v18 =	vmul.f32 v18, v21  }
0xfc: {  	v34 =	vld [tilespmem:s16+$0xF0]  }
0xfd: {  	v35 =	vld [tilespmem:s20+$0xF0];
	v15 =	vmul.f32 v15, v22;
	[tilespmem:s19+$0xFFFFFFD0] =	vst v18;
	v36 =	vadd.f32 v33, v32  }
0xfe: {  	v40 =	vld [tilespmem:s16+$0xFFFFFFD0]  }
0xff: {  	[tilespmem:s19+$0xFFFFFF50] =	vst v15;
	v41 =	vld [tilespmem:s20+$0xFFFFFFD0];
	v19 =	vmul.f32 v19, v36  }
0x100: {  	v15 =	vld [tilespmem:s16+$0xFFFFFF40]  }
0x101: {  	v38 =	vld [tilespmem:s20+$0xFFFFFF40];
	[tilespmem:s19+$0x50] =	vst v19  }
0x102: {  	v37 =	vadd.f32 v35, v34;
	v42 =	vld [tilespmem:s16+$0x60]  }
0x103: {  	v39 =	vpop (erf);
	v43 =	vld [tilespmem:s20+$0x60]  }
0x104: {  	v47 =	vld [tilespmem:s13+$0xFFFFFFE0];
	v21 =	vmul.f32 v39, v37;
	v48 =	vadd.f32 v41, v40  }
0x105: {  	v49 =	vld [tilespmem:s14+$0x70]  }
0x106: {  	v44 =	vperm.xlane v10, v7;
	v50 =	vld [tilespmem:s13+$0x70];
	[tilespmem:s18+$0xE0] =	vst v21;
	v15 =	vadd.f32 v38, v15;
	v11 =	vmul.f32 v11, v48  }
0x107: {  	v45 =	vld [tilespmem:s16+$0x100]  }
0x108: {  	(erf) = vrcp.f32 v44;
	v46 =	vld [tilespmem:s20+$0x100];
	v13 =	vmul.f32 v13, v15;
	[tilespmem:s19+$0xFFFFFFE0] =	vst v11;
	v51 =	vadd.f32 v43, v42  }
0x109: {  	v55 =	vld [tilespmem:s16+$0xFFFFFFE0]  }
0x10a: {  	[tilespmem:s19+$0xFFFFFF60] =	vst v13;
	v56 =	vld [tilespmem:s20+$0xFFFFFFE0];
	v53 =	vmul.f32 v12, v51  }
0x10b: {  	v52 =	vld [tilespmem:s16+$0xFFFFFF50]  }
0x10c: {  	v54 =	vld [tilespmem:s20+$0xFFFFFF50];
	[tilespmem:s19+$0x60] =	vst v53  }
0x10d: {  	v57 =	vld [tilespmem:s16+$0x70]  }
0x10e: {  	v10 =	vadd.f32 v47, v24;
	v58 =	vld [tilespmem:s20+$0x70]  }
0x10f: {  	v19 =	vadd.f32 v50, v49  }
0x110: {  	v9 =	vmul.f32 v9, v10;
	v18 =	vadd.f32 v46, v45  }
0x111: {  	[tilespmem:s15+$0xFFFFFF70] =	vst v20;
	v8 =	vmul.f32 v8, v19;
	v59 =	vpop (erf);
	v11 =	vadd.f32 v56, v55  }
0x112: {  	[tilespmem:s15+$0xFFFFFFF0] =	vst v9;
	v18 =	vmul.f32 v59, v18;
	v60 =	vadd.f32 v54, v52  }
0x113: {  	[tilespmem:s15+$0x70] =	vst v8;
	v8 =	vmul.f32 v16, v11;
	v62 =	vadd.f32 v58, v57  }
0x114: {  	[tilespmem:s19+$0xF0] =	vst v18;
	v61 =	vmul.f32 v14, v60  }
0x115: {  	s11 =	sadd.s32 $0x1, s11;
	[tilespmem:s19+$0xFFFFFFF0] =	vst v8;
	v63 =	vmul.f32 v17, v62  }
0x116: {  	s12 =	sshll.u32 s12, $0x4;
	p0 =	sne.s32 s11, $0x5;
	[tilespmem:s19+$0xFFFFFF70] =	vst v61  }
.Ltmp1:
0x117: {  	s12 =	sadd.s32 s4, s12;
	[tilespmem:s19+$0x70] =	vst v63;
	(pc) =	sbr.rel @p0 .LBB2_2-.Ltmp1, $4  }
0x118: {  	[hbm4b:s12+s1] =	stream.linear.scatter [tilespmem:s9], [sflag:$0x1], $0x2000, $0x38;
	[tilespmem:$0x6800] =	vst v63  }
0x119: {  	_ =	swait.ge [sflag:s7], $0x2000  }
0x11a: {  	[sflag:s7] =	ssyncset.done $0x0  }
0x11b: {  	[sflag:s7] =	ssyncadd.s32 $0xFFFFE000  }
0x11c: {  	s10 =	sadd.s32 $0x1, s10  }
0x11d: {  	p0 =	sne.s32 s10, s6  }
.Ltmp2:
0x11e: {  	_ = 	snop;
	(pc) =	sbr.rel @p0 .LBB2_1-.Ltmp2, $1  }
0x11f: {  	_ =	sdelay $0x3  }
0x120: {  	_ =	sfence.sel $0x180000  }
0x121: {  	[bflag:$0x0] =	sbarrier.arrive $0xFFFF  }
0x122: {  	p0 =	sne.s32 s2, $0x0;
	_ =	strace $0x9000004A  }
0x123: {  	s0 =	sadd.s32 @!p0 $0x100000, s0;
	[bflag:$0x2] =	sbarrier.arrive $0xFFFF  }
0x124: {  	[sflag:s0] =	ssyncadd.tile.s32 @!p0 $0x1;
	_ =	shalt  }
.Lfunc_end2:
_tile_overlayer_lowered:
.L_overlay_start_2:
0x125: {  	(tag) =	ssettag $0x2  }
0x126: {  	s0 =	rddreg [dreg:$0x0];
	s2 =	stileid.u32  }
0x127: {  	s1 =	rddreg [dreg:$0x1];
	p0 =	sne.s32 s2, $0x0  }
0x128: {  	s3 =	rddreg [dreg:$0x2];
	[bflag:$0x3] =	sbarrier.arrive $0xFFFF;
	s2 =	simm.s32 @!p0 $0x1C01  }
0x129: {  	[timem:s3], [sflag:s2] =	dma.local @!p0 [hbm:s0], s1  }
0x12a: {  	s0 =	simm.s32 @!p0 $0x1  }
0x12b: {  	_ =	swait.ge @!p0 [sflag:s0], s1  }
0x12c: {  	s1 =	ssub.s32 @!p0 $0x0, s1;
	[sflag:s0] =	ssyncset.done @!p0 $0x0  }
0x12d: {  	[sflag:s0] =	ssyncadd.s32 @!p0 s1  }
0x12e: {  	[bflag:$0x3] =	sbarrier.arrive $0xFFFF  }
0x12f: {  	_ =	shalt  }

</sc_bundles>
